<compile_context>
chip_gen: v7x
topology: tpu7x:2x2x1
jax: 0.10.2.dev20260603
libtpu: 0.0.44.dev20260713+nightly
codegen_flags: <defaults>
</compile_context>

<pallas_src>
import functools

import numpy as np

import jax
import jax.numpy as jnp
from jax import lax
from jax.experimental import pallas as pl
from jax.experimental.pallas import tpu as pltpu
from jax.experimental.pallas import tpu_sc as plsc

N = 10000
E = 320000
D = 128
EDIM = 16

NC = 2
NS = 16
NW = NC * NS
L = 16

CH = 128
NCHUNK = E // CH
KMAX = 80
NCHUNK_P = KMAX * NW
E_PAD = NCHUNK_P * CH
PADE = E_PAD - E

NPT = 624
ZROWS = 208
NZ = NPT // ZROWS
TBASE = NS * NPT
OTAIL = N - TBASE

SPAN = E_PAD // NW

_mesh = lambda: plsc.VectorSubcoreMesh(
    core_axis_name="c", subcore_axis_name="s", num_cores=NC, num_subcores=NS)


def _widx():
    c = lax.axis_index("c")
    s = lax.axis_index("s")
    return c, s, s * NC + c


_PERM = (np.arange(KMAX)[None, :] * NW + np.arange(NW)[:, None]).reshape(-1)


@functools.partial(
    pl.kernel,
    out_type=jax.ShapeDtypeStruct((NC * N, D), jnp.float32),
    mesh=_mesh(),
    scratch_types=[
        pltpu.VMEM((2, 2, CH), jnp.int32),
        pltpu.VMEM((2, CH, D), jnp.float32),
        pltpu.VMEM_SHARED((N, D), jnp.float32),
        pltpu.SemaphoreType.DMA,
        pltpu.SemaphoreType.DMA,
        pltpu.SemaphoreType.DMA,
        pltpu.SemaphoreType.DMA,
    ],
)
def _sc_segsum_rows(table, srcp, dstp, zh,
                    sh_out, idx, rows, acc_s, sg0, sg1, si0, si1):
    c, s, wid = _widx()
    for z in range(NZ):
        pltpu.sync_copy(zh, acc_s.at[pl.ds(s * NPT + z * ZROWS, ZROWS)])

    @pl.when(s == NS - 1)
    def _():
        pltpu.sync_copy(zh.at[pl.ds(0, OTAIL)], acc_s.at[pl.ds(TBASE, OTAIL)])

    plsc.subcore_barrier()

    def step(k, carry):
        row = k * NW + wid

        @pl.when(row < NCHUNK)
        def _():
            pltpu.sync_copy(srcp.at[row], idx.at[0, 0])
            pltpu.sync_copy(dstp.at[row], idx.at[0, 1])
            pltpu.async_copy(table.at[idx.at[0, 0]], rows.at[0], sg0).wait()
            pltpu.sync_copy(rows.at[0], acc_s.at[idx.at[0, 1]], add=True)

        return carry

    lax.fori_loop(0, KMAX, step, 0)
    plsc.subcore_barrier()
    base = c * N + s * NPT
    pltpu.sync_copy(acc_s.at[pl.ds(s * NPT, NPT)], sh_out.at[pl.ds(base, NPT)])

    @pl.when(s == NS - 1)
    def _():
        tb = c * N + TBASE
        pltpu.sync_copy(acc_s.at[pl.ds(TBASE, OTAIL)], sh_out.at[pl.ds(tb, OTAIL)])


@functools.partial(
    pl.kernel,
    out_type=jax.ShapeDtypeStruct((NC * N, D), jnp.float32),
    mesh=_mesh(),
    scratch_types=[
        pltpu.VMEM((KMAX, CH), jnp.int32),
        pltpu.VMEM((CH, EDIM), jnp.float32),
        pltpu.VMEM((CH, D), jnp.float32),
        pltpu.VMEM_SHARED((N, D), jnp.float32),
    ],
)
def _sc_ef_cnt(dstp, ef, tmpl, zh,
               ec_out, dst_i, efv, buf, acc):
    c, s, wid = _widx()
    for z in range(NZ):
        pltpu.sync_copy(zh, acc.at[pl.ds(s * NPT + z * ZROWS, ZROWS)])

    @pl.when(s == NS - 1)
    def _():
        pltpu.sync_copy(zh.at[pl.ds(0, OTAIL)], acc.at[pl.ds(TBASE, OTAIL)])

    pltpu.sync_copy(tmpl, buf)
    plsc.subcore_barrier()

    pltpu.sync_copy(dstp.at[pl.ds(wid * KMAX, KMAX)], dst_i)

    def step(k, carry):
        row = k * NW + wid

        @pl.when(row < NCHUNK)
        def _():
            pltpu.sync_copy(ef.at[pl.ds(row * CH, CH)], efv)
            for j in range(CH):
                buf[j, pl.ds(0, EDIM)] = efv[j]
            pltpu.sync_copy(buf, acc.at[dst_i.at[k]], add=True)

        return carry

    lax.fori_loop(0, KMAX, step, 0)
    plsc.subcore_barrier()
    base = c * N + s * NPT
    pltpu.sync_copy(acc.at[pl.ds(s * NPT, NPT)], ec_out.at[pl.ds(base, NPT)])

    @pl.when(s == NS - 1)
    def _():
        tb = c * N + TBASE
        pltpu.sync_copy(acc.at[pl.ds(TBASE, OTAIL)], ec_out.at[pl.ds(tb, OTAIL)])


@functools.partial(
    pl.kernel,
    out_type=(
        jax.ShapeDtypeStruct((E_PAD,), jnp.float32),
        jax.ShapeDtypeStruct((E_PAD,), jnp.float32),
    ),
    mesh=_mesh(),
    compiler_params=pltpu.CompilerParams(needs_layout_passes=False),
    scratch_types=[
        pltpu.VMEM((N + L,), jnp.float32),
        pltpu.VMEM((N + L,), jnp.float32),
        pltpu.VMEM((N + L,), jnp.float32),
        pltpu.VMEM((N + L,), jnp.float32),
        pltpu.VMEM((SPAN,), jnp.int32),
        pltpu.VMEM((SPAN,), jnp.int32),
        pltpu.VMEM((SPAN,), jnp.float32),
        pltpu.VMEM((SPAN,), jnp.float32),
        pltpu.VMEM((SPAN,), jnp.float32),
        pltpu.VMEM((SPAN,), jnp.float32),
    ],
)
def _sc_edge_score(su0, su1, sv0, sv1, srcf, dstf, es0, es1,
                   o0, o1,
                   su0_v, su1_v, sv0_v, sv1_v, src_v, dst_v,
                   e0v, e1v, o0v, o1v):
    c, s, wid = _widx()
    pltpu.sync_copy(su0, su0_v.at[pl.ds(0, N)])
    pltpu.sync_copy(su1, su1_v.at[pl.ds(0, N)])
    pltpu.sync_copy(sv0, sv0_v.at[pl.ds(0, N)])
    pltpu.sync_copy(sv1, sv1_v.at[pl.ds(0, N)])
    base = wid * SPAN
    pltpu.sync_copy(srcf.at[pl.ds(base, SPAN)], src_v)
    pltpu.sync_copy(dstf.at[pl.ds(base, SPAN)], dst_v)
    pltpu.sync_copy(es0.at[pl.ds(base, SPAN)], e0v)
    pltpu.sync_copy(es1.at[pl.ds(base, SPAN)], e1v)

    def step(i, carry):
        sl = pl.ds(i * L, L)
        si = src_v[sl]
        di = dst_v[sl]
        o0v[sl] = (plsc.load_gather(su0_v, [si])
                   + plsc.load_gather(sv0_v, [di]) + e0v[sl])
        o1v[sl] = (plsc.load_gather(su1_v, [si])
                   + plsc.load_gather(sv1_v, [di]) + e1v[sl])
        return carry

    lax.fori_loop(0, SPAN // L, step, 0)
    pltpu.sync_copy(o0v, o0.at[pl.ds(base, SPAN)])
    pltpu.sync_copy(o1v, o1.at[pl.ds(base, SPAN)])


_BN = 400
_GN = N // _BN


def _layer_body(x, p0, p1, e0, e1, wmh, wme, bm, wat, wab, ba, wuv,
                h_out, suv_out):
    f32 = jnp.float32
    sh = p0[...] + p1[...]
    ec = e0[...] + e1[...]
    se = ec[:, :EDIM]
    cnt = ec[:, EDIM:EDIM + 1]
    agg = (jnp.dot(sh, wmh[...], preferred_element_type=f32)
           + jnp.dot(se, wme[...], preferred_element_type=f32)
           + cnt * bm[...])
    h_neigh = agg / jnp.maximum(cnt, 1.0)
    h = jnp.maximum(
        jnp.dot(x[...], wat[...], preferred_element_type=f32)
        + jnp.dot(h_neigh, wab[...], preferred_element_type=f32)
        + ba[...], 0.0)
    h_out[...] = h
    suv_out[...] = jnp.dot(h, wuv[...], preferred_element_type=f32)


def _layer_tc(x, p0, p1, e0, e1, wmh, wme, bm, wat, wab, ba, wuv):
    row = lambda i: (i, 0)
    fix = lambda i: (0, 0)
    return pl.pallas_call(
        _layer_body,
        grid=(_GN,),
        in_specs=[
            pl.BlockSpec((_BN, D), row),
            pl.BlockSpec((_BN, D), row),
            pl.BlockSpec((_BN, D), row),
            pl.BlockSpec((_BN, D), row),
            pl.BlockSpec((_BN, D), row),
            pl.BlockSpec((D, D), fix),
            pl.BlockSpec((EDIM, D), fix),
            pl.BlockSpec((1, D), fix),
            pl.BlockSpec((D, D), fix),
            pl.BlockSpec((D, D), fix),
            pl.BlockSpec((1, D), fix),
            pl.BlockSpec((D, 8), fix),
        ],
        out_specs=[
            pl.BlockSpec((_BN, D), row),
            pl.BlockSpec((_BN, 8), row),
        ],
        out_shape=[
            jax.ShapeDtypeStruct((N, D), jnp.float32),
            jax.ShapeDtypeStruct((N, 8), jnp.float32),
        ],
    )(x, p0, p1, e0, e1, wmh, wme, bm, wat, wab, ba, wuv)


_BE = 3200
_GE = E // _BE


def _edge_dense_body(ef, wemb, bemb, wpe, bp, es_out):
    f32 = jnp.float32
    ee = jnp.maximum(
        jnp.dot(ef[...], wemb[...], preferred_element_type=f32) + bemb[...], 0.0)
    es_out[...] = jnp.dot(ee, wpe[...], preferred_element_type=f32) + bp[...]


def _edge_dense_tc(ef, wemb, bemb, wpe, bp):
    row = lambda i: (i, 0)
    fix = lambda i: (0, 0)
    return pl.pallas_call(
        _edge_dense_body,
        grid=(_GE,),
        in_specs=[
            pl.BlockSpec((_BE, EDIM), row),
            pl.BlockSpec((EDIM, 32), fix),
            pl.BlockSpec((1, 32), fix),
            pl.BlockSpec((32, 8), fix),
            pl.BlockSpec((1, 8), fix),
        ],
        out_specs=pl.BlockSpec((_BE, 8), row),
        out_shape=jax.ShapeDtypeStruct((E, 8), jnp.float32),
    )(ef, wemb, bemb, wpe, bp)


def kernel(nfeats, efeats, W_msg1, b_msg1, W_app1, b_app1, W_msg2, b_msg2,
           W_app2, b_app2, W_emb, b_emb, W_pred, b_pred, edge_index):
    f32 = jnp.float32
    i32 = jnp.int32
    src_f = jnp.concatenate([edge_index[0], jnp.zeros((PADE,), i32)])
    dst_f = jnp.concatenate([edge_index[1], jnp.zeros((PADE,), i32)])
    srcp = src_f.reshape(NCHUNK_P, CH)
    dstp = dst_f.reshape(NCHUNK_P, CH)
    dstp_w = dstp[_PERM]
    ef_pad = jnp.concatenate([efeats, jnp.zeros((PADE, EDIM), f32)])
    zh = jnp.zeros((ZROWS, D), f32)
    tmpl = jnp.zeros((CH, D), f32).at[:, EDIM:2 * EDIM].set(1.0)

    wuv = jnp.concatenate(
        [W_pred[:D], W_pred[D:2 * D], jnp.zeros((D, 4), f32)], axis=1)
    wpe = jnp.concatenate([W_pred[2 * D:], jnp.zeros((32, 6), f32)], axis=1)
    bp = jnp.concatenate([b_pred, jnp.zeros((6,), f32)]).reshape(1, 8)

    sh_p = _sc_segsum_rows(nfeats, srcp, dstp, zh)
    ec_p = _sc_ef_cnt(dstp_w, ef_pad, tmpl, zh)

    h1, _ = _layer_tc(
        nfeats, sh_p[:N], sh_p[N:], ec_p[:N], ec_p[N:],
        W_msg1[:D], W_msg1[D:], b_msg1.reshape(1, D),
        W_app1[:D], W_app1[D:], b_app1.reshape(1, D), wuv)

    sh2_p = _sc_segsum_rows(h1, srcp, dstp, zh)
    _, suv = _layer_tc(
        h1, sh2_p[:N], sh2_p[N:], ec_p[:N], ec_p[N:],
        W_msg2[:D], W_msg2[D:], b_msg2.reshape(1, D),
        W_app2[:D], W_app2[D:], b_app2.reshape(1, D), wuv)

    es = _edge_dense_tc(efeats, W_emb, b_emb.reshape(1, 32), wpe, bp)
    es0 = jnp.concatenate([es[:, 0], jnp.zeros((PADE,), f32)])
    es1 = jnp.concatenate([es[:, 1], jnp.zeros((PADE,), f32)])

    o0, o1 = _sc_edge_score(
        suv[:, 0], suv[:, 1], suv[:, 2], suv[:, 3],
        src_f, dst_f, es0, es1)
    return jnp.stack([o0[:E], o1[:E]], axis=1)

# --- scband reference (transcript-rebuilt; emitter-appended) ---
"""Pipeline reference for scband-model-87041807221069 (READ-ONLY COPY).

The authoritative reference and input builder live on the scoring server;
editing this copy changes nothing except your own understanding.
"""

import jax, jax.numpy as jnp
import numpy as np

N = 10000
E = 320000
D_IN = 128
HID = 128
D_OUT = 128
EDIM = 16
EMBEDIM = 32
NCLS = 2

def _glorot(key, shape):
    lim = np.sqrt(6.0 / (shape[0] + shape[1]))
    return jax.random.uniform(key, shape, jnp.float32, -lim, lim)

def setup_inputs(seed: int = 0):
    key = jax.random.key(seed)
    ks = jax.random.split(key, 12)
    nfeats = jax.random.normal(ks[0], (N, D_IN), jnp.float32)
    efeats = jax.random.normal(ks[1], (E, EDIM), jnp.float32)
    edge_index = jax.random.randint(ks[2], (2, E), 0, N, dtype=jnp.int32)
    return {
        "nfeats": nfeats,
        "efeats": efeats,
        "W_msg1": _glorot(ks[3], (D_IN + EDIM, HID)), "b_msg1": jnp.zeros((HID,), jnp.float32),
        "W_app1": _glorot(ks[4], (D_IN + HID, HID)), "b_app1": jnp.zeros((HID,), jnp.float32),
        "W_msg2": _glorot(ks[5], (HID + EDIM, D_OUT)), "b_msg2": jnp.zeros((D_OUT,), jnp.float32),
        "W_app2": _glorot(ks[6], (HID + D_OUT, D_OUT)), "b_app2": jnp.zeros((D_OUT,), jnp.float32),
        "W_emb": _glorot(ks[7], (EDIM, EMBEDIM)), "b_emb": jnp.zeros((EMBEDIM,), jnp.float32),
        "W_pred": _glorot(ks[8], (2 * D_OUT + EMBEDIM, NCLS)), "b_pred": jnp.zeros((NCLS,), jnp.float32),
        "edge_index": edge_index,
    }

def _sage_layer(h, efeats, src, dst, Wm, bm, Wa, ba):
    # message: W_msg(cat(src_h, e_h)); reduce: mean over incoming edges
    m = jnp.concatenate([h[src], efeats], axis=1) @ Wm + bm
    agg = jax.ops.segment_sum(m, dst, num_segments=N)
    cnt = jax.ops.segment_sum(jnp.ones((m.shape[0], 1), m.dtype), dst, num_segments=N)
    h_neigh = agg / jnp.maximum(cnt, 1.0)
    return jax.nn.relu(jnp.concatenate([h, h_neigh], axis=1) @ Wa + ba)

def reference(nfeats, efeats, W_msg1, b_msg1, W_app1, b_app1, W_msg2, b_msg2, W_app2, b_app2, W_emb, b_emb, W_pred, b_pred, edge_index):
    src = edge_index[0]
    dst = edge_index[1]
    # SAGE: two E-GraphSAGE layers (dropout is identity in eval mode)
    h = _sage_layer(nfeats, efeats, src, dst, W_msg1, b_msg1, W_app1, b_app1)
    h = _sage_layer(h, efeats, src, dst, W_msg2, b_msg2, W_app2, b_app2)
    # MLPPredictorEmbed: per-edge score from (h_u, h_v, edge embedding), bin=True -> 2 classes
    e_emb = jax.nn.relu(efeats @ W_emb + b_emb)
    score = jnp.concatenate([h[src], h[dst], e_emb], axis=1) @ W_pred + b_pred
    return score

if __name__ == "__main__":
    import jax
    _d = setup_inputs()
    print(jax.jit(kernel)(*tuple(_d.values())))

</pallas_src>

<mosaic_0001>
#map = affine_map<(d0, d1) -> (0, 0)>
module attributes {stable_mosaic.version = 14 : i64} {
  func.func @_sc_ef_cnt(%arg0: i32, %arg1: i32, %arg2: memref<2560x128xi32, #tpu.memory_space<hbm>>, %arg3: memref<327680x16xf32, #tpu.memory_space<hbm>>, %arg4: memref<128x128xf32, #tpu.memory_space<hbm>>, %arg5: memref<208x128xf32, #tpu.memory_space<hbm>>, %arg6: memref<20000x128xf32, #tpu.memory_space<hbm>>, %arg7: memref<80x128xi32, #tpu.memory_space<vmem>>, %arg8: memref<128x16xf32, #tpu.memory_space<vmem>>, %arg9: memref<128x128xf32, #tpu.memory_space<vmem>>, %arg10: memref<10000x128xf32, #tpu.memory_space<vmem_shared>>) attributes {dimension_semantics = [#tpu.dimension_semantics<core_parallel>, #tpu.dimension_semantics<subcore_parallel>], iteration_bounds = array<i64: 2, 16>, scalar_prefetch = 0 : i64, scratch_operands = 4 : i64, tpu.core_type = #tpu.core_type<sc_vector_subcore>, window_params = [{transform_indices = #map}, {transform_indices = #map}, {transform_indices = #map}, {transform_indices = #map}, {transform_indices = #map}]} {
    %mul3A = arith.constant 2 : i32
    %mul3A_0 = arith.muli %arg1, %mul3A : i32
    %add3A = arith.addi %mul3A_0, %arg0 : i32
    %mul3A_1 = arith.constant 624 : i32
    %mul3A_2 = arith.muli %arg1, %mul3A_1 : i32
    %add3A_3 = arith.constant 0 : i32
    %add3A_4 = arith.addi %mul3A_2, %add3A_3 : i32
    "tpu.region"() ({
      %run_scoped3A = tpu.sem_alloc : memref<!tpu.dma_semaphore, #tpu.memory_space<semaphore_mem>>
      %dma_start3A = arith.constant 0 : i32
      %dma_start3A_35 = tpu.memref_slice %arg10[%add3A_4, %dma_start3A] : memref<10000x128xf32, #tpu.memory_space<vmem_shared>> -> memref<208x128xf32, #tpu.memory_space<vmem_shared>>
      tpu.enqueue_dma source(%arg5 : memref<208x128xf32, #tpu.memory_space<hbm>>) target(%dma_start3A_35 : memref<208x128xf32, #tpu.memory_space<vmem_shared>>) target_semaphore(%run_scoped3A : memref<!tpu.dma_semaphore, #tpu.memory_space<semaphore_mem>>)
      %dma_wait3A = arith.constant 0 : i32
      %dma_wait3A_36 = tpu.memref_slice %arg10[%add3A_4, %dma_wait3A] : memref<10000x128xf32, #tpu.memory_space<vmem_shared>> -> memref<208x128xf32, #tpu.memory_space<vmem_shared>>
      tpu.wait_dma2 semaphore(%run_scoped3A : memref<!tpu.dma_semaphore, #tpu.memory_space<semaphore_mem>>) src(%arg5 : memref<208x128xf32, #tpu.memory_space<hbm>>) dst(%dma_wait3A_36 : memref<208x128xf32, #tpu.memory_space<vmem_shared>>)
      tpu.yield
    }) : () -> ()
    %mul3A_5 = arith.constant 624 : i32
    %mul3A_6 = arith.muli %arg1, %mul3A_5 : i32
    %add3A_7 = arith.constant 208 : i32
    %add3A_8 = arith.addi %mul3A_6, %add3A_7 : i32
    "tpu.region"() ({
      %run_scoped3A = tpu.sem_alloc : memref<!tpu.dma_semaphore, #tpu.memory_space<semaphore_mem>>
      %dma_start3A = arith.constant 0 : i32
      %dma_start3A_35 = tpu.memref_slice %arg10[%add3A_8, %dma_start3A] : memref<10000x128xf32, #tpu.memory_space<vmem_shared>> -> memref<208x128xf32, #tpu.memory_space<vmem_shared>>
      tpu.enqueue_dma source(%arg5 : memref<208x128xf32, #tpu.memory_space<hbm>>) target(%dma_start3A_35 : memref<208x128xf32, #tpu.memory_space<vmem_shared>>) target_semaphore(%run_scoped3A : memref<!tpu.dma_semaphore, #tpu.memory_space<semaphore_mem>>)
      %dma_wait3A = arith.constant 0 : i32
      %dma_wait3A_36 = tpu.memref_slice %arg10[%add3A_8, %dma_wait3A] : memref<10000x128xf32, #tpu.memory_space<vmem_shared>> -> memref<208x128xf32, #tpu.memory_space<vmem_shared>>
      tpu.wait_dma2 semaphore(%run_scoped3A : memref<!tpu.dma_semaphore, #tpu.memory_space<semaphore_mem>>) src(%arg5 : memref<208x128xf32, #tpu.memory_space<hbm>>) dst(%dma_wait3A_36 : memref<208x128xf32, #tpu.memory_space<vmem_shared>>)
      tpu.yield
    }) : () -> ()
    %mul3A_9 = arith.constant 624 : i32
    %mul3A_10 = arith.muli %arg1, %mul3A_9 : i32
    %add3A_11 = arith.constant 416 : i32
    %add3A_12 = arith.addi %mul3A_10, %add3A_11 : i32
    "tpu.region"() ({
      %run_scoped3A = tpu.sem_alloc : memref<!tpu.dma_semaphore, #tpu.memory_space<semaphore_mem>>
      %dma_start3A = arith.constant 0 : i32
      %dma_start3A_35 = tpu.memref_slice %arg10[%add3A_12, %dma_start3A] : memref<10000x128xf32, #tpu.memory_space<vmem_shared>> -> memref<208x128xf32, #tpu.memory_space<vmem_shared>>
      tpu.enqueue_dma source(%arg5 : memref<208x128xf32, #tpu.memory_space<hbm>>) target(%dma_start3A_35 : memref<208x128xf32, #tpu.memory_space<vmem_shared>>) target_semaphore(%run_scoped3A : memref<!tpu.dma_semaphore, #tpu.memory_space<semaphore_mem>>)
      %dma_wait3A = arith.constant 0 : i32
      %dma_wait3A_36 = tpu.memref_slice %arg10[%add3A_12, %dma_wait3A] : memref<10000x128xf32, #tpu.memory_space<vmem_shared>> -> memref<208x128xf32, #tpu.memory_space<vmem_shared>>
      tpu.wait_dma2 semaphore(%run_scoped3A : memref<!tpu.dma_semaphore, #tpu.memory_space<semaphore_mem>>) src(%arg5 : memref<208x128xf32, #tpu.memory_space<hbm>>) dst(%dma_wait3A_36 : memref<208x128xf32, #tpu.memory_space<vmem_shared>>)
      tpu.yield
    }) : () -> ()
    %eq3A = arith.constant 15 : i32
    %eq3A_13 = arith.cmpi eq, %arg1, %eq3A : i32
    %convert_element_type3A = arith.extui %eq3A_13 : i1 to i32
    %cond3A = arith.constant 0 : i32
    %cond3A_14 = arith.cmpi ne, %convert_element_type3A, %cond3A : i32
    scf.if %cond3A_14 {
      "tpu.region"() ({
        %run_scoped3A = tpu.sem_alloc : memref<!tpu.dma_semaphore, #tpu.memory_space<semaphore_mem>>
        %dma_start3A = arith.constant 9984 : i32
        %dma_start3A_35 = arith.constant 0 : i32
        %dma_start3A_36 = tpu.memref_slice %arg10[%dma_start3A, %dma_start3A_35] : memref<10000x128xf32, #tpu.memory_space<vmem_shared>> -> memref<16x128xf32, #tpu.memory_space<vmem_shared>>
        %dma_start3A_37 = arith.constant 0 : i32
        %dma_start3A_38 = arith.constant 0 : i32
        %dma_start3A_39 = tpu.memref_slice %arg5[%dma_start3A_37, %dma_start3A_38] : memref<208x128xf32, #tpu.memory_space<hbm>> -> memref<16x128xf32, #tpu.memory_space<hbm>>
        tpu.enqueue_dma source(%dma_start3A_39 : memref<16x128xf32, #tpu.memory_space<hbm>>) target(%dma_start3A_36 : memref<16x128xf32, #tpu.memory_space<vmem_shared>>) target_semaphore(%run_scoped3A : memref<!tpu.dma_semaphore, #tpu.memory_space<semaphore_mem>>)
        %dma_wait3A = arith.constant 9984 : i32
        %dma_wait3A_40 = arith.constant 0 : i32
        %dma_wait3A_41 = tpu.memref_slice %arg10[%dma_wait3A, %dma_wait3A_40] : memref<10000x128xf32, #tpu.memory_space<vmem_shared>> -> memref<16x128xf32, #tpu.memory_space<vmem_shared>>
        %dma_wait3A_42 = arith.constant 0 : i32
        %dma_wait3A_43 = arith.constant 0 : i32
        %dma_wait3A_44 = tpu.memref_slice %arg5[%dma_wait3A_42, %dma_wait3A_43] : memref<208x128xf32, #tpu.memory_space<hbm>> -> memref<16x128xf32, #tpu.memory_space<hbm>>
        tpu.wait_dma2 semaphore(%run_scoped3A : memref<!tpu.dma_semaphore, #tpu.memory_space<semaphore_mem>>) src(%dma_wait3A_44 : memref<16x128xf32, #tpu.memory_space<hbm>>) dst(%dma_wait3A_41 : memref<16x128xf32, #tpu.memory_space<vmem_shared>>)
        tpu.yield
      }) : () -> ()
    } else {
    }
    "tpu.region"() ({
      %run_scoped3A = tpu.sem_alloc : memref<!tpu.dma_semaphore, #tpu.memory_space<semaphore_mem>>
      tpu.enqueue_dma source(%arg4 : memref<128x128xf32, #tpu.memory_space<hbm>>) target(%arg9 : memref<128x128xf32, #tpu.memory_space<vmem>>) target_semaphore(%run_scoped3A : memref<!tpu.dma_semaphore, #tpu.memory_space<semaphore_mem>>)
      tpu.wait_dma2 semaphore(%run_scoped3A : memref<!tpu.dma_semaphore, #tpu.memory_space<semaphore_mem>>) src(%arg4 : memref<128x128xf32, #tpu.memory_space<hbm>>) dst(%arg9 : memref<128x128xf32, #tpu.memory_space<vmem>>)
      tpu.yield
    }) : () -> ()
    %barrier3A = arith.constant 0 : index
    tpu.barrier barrier_id(%barrier3A)
    %mul3A_15 = arith.constant 80 : i32
    %mul3A_16 = arith.muli %add3A, %mul3A_15 : i32
    "tpu.region"() ({
      %run_scoped3A = tpu.sem_alloc : memref<!tpu.dma_semaphore, #tpu.memory_space<semaphore_mem>>
      %dma_start3A = arith.constant 0 : i32
      %dma_start3A_35 = tpu.memref_slice %arg2[%mul3A_16, %dma_start3A] : memref<2560x128xi32, #tpu.memory_space<hbm>> -> memref<80x128xi32, #tpu.memory_space<hbm>>
      %dma_start3A_36 = arith.constant 0 : i32
      %dma_start3A_37 = tpu.memref_slice %arg2[%mul3A_16, %dma_start3A_36] : memref<2560x128xi32, #tpu.memory_space<hbm>> -> memref<80x128xi32, #tpu.memory_space<hbm>>
      tpu.enqueue_dma source(%dma_start3A_37 : memref<80x128xi32, #tpu.memory_space<hbm>>) target(%arg7 : memref<80x128xi32, #tpu.memory_space<vmem>>) target_semaphore(%run_scoped3A : memref<!tpu.dma_semaphore, #tpu.memory_space<semaphore_mem>>)
      %dma_wait3A = arith.constant 0 : i32
      %dma_wait3A_38 = tpu.memref_slice %arg2[%mul3A_16, %dma_wait3A] : memref<2560x128xi32, #tpu.memory_space<hbm>> -> memref<80x128xi32, #tpu.memory_space<hbm>>
      %dma_wait3A_39 = arith.constant 0 : i32
      %dma_wait3A_40 = tpu.memref_slice %arg2[%mul3A_16, %dma_wait3A_39] : memref<2560x128xi32, #tpu.memory_space<hbm>> -> memref<80x128xi32, #tpu.memory_space<hbm>>
      tpu.wait_dma2 semaphore(%run_scoped3A : memref<!tpu.dma_semaphore, #tpu.memory_space<semaphore_mem>>) src(%dma_wait3A_40 : memref<80x128xi32, #tpu.memory_space<hbm>>) dst(%arg7 : memref<80x128xi32, #tpu.memory_space<vmem>>)
      tpu.yield
    }) : () -> ()
    %scan3A = arith.constant 0 : i32
    %scan3A_17 = arith.constant 0 : i32
    %scan3A_18 = arith.constant 80 : i32
    %scan3A_19 = arith.addi %scan3A_17, %scan3A_18 : i32
    %scan3A_20 = arith.constant 1 : i32
    scf.for %scan3A_35 = %scan3A_17 to %scan3A_19 step %scan3A_20  : i32 {
      %mul3A_36 = arith.constant 32 : i32
      %mul3A_37 = arith.muli %scan3A_35, %mul3A_36 : i32
      %add3A_38 = arith.addi %mul3A_37, %add3A : i32
      %lt3A = arith.constant 2500 : i32
      %lt3A_39 = arith.cmpi slt, %add3A_38, %lt3A : i32
      %convert_element_type3A_40 = arith.extui %lt3A_39 : i1 to i32
      %cond3A_41 = arith.constant 0 : i32
      %cond3A_42 = arith.cmpi ne, %convert_element_type3A_40, %cond3A_41 : i32
      scf.if %cond3A_42 {
        %mul3A_43 = arith.constant 128 : i32
        %mul3A_44 = arith.muli %add3A_38, %mul3A_43 : i32
        "tpu.region"() ({
          %run_scoped3A = tpu.sem_alloc : memref<!tpu.dma_semaphore, #tpu.memory_space<semaphore_mem>>
          %dma_start3A = arith.constant 0 : i32
          %dma_start3A_1451 = tpu.memref_slice %arg3[%mul3A_44, %dma_start3A] : memref<327680x16xf32, #tpu.memory_space<hbm>> -> memref<128x16xf32, #tpu.memory_space<hbm>>
          %dma_start3A_1452 = arith.constant 0 : i32
          %dma_start3A_1453 = tpu.memref_slice %arg3[%mul3A_44, %dma_start3A_1452] : memref<327680x16xf32, #tpu.memory_space<hbm>> -> memref<128x16xf32, #tpu.memory_space<hbm>>
          tpu.enqueue_dma source(%dma_start3A_1453 : memref<128x16xf32, #tpu.memory_space<hbm>>) target(%arg8 : memref<128x16xf32, #tpu.memory_space<vmem>>) target_semaphore(%run_scoped3A : memref<!tpu.dma_semaphore, #tpu.memory_space<semaphore_mem>>)
          %dma_wait3A = arith.constant 0 : i32
          %dma_wait3A_1454 = tpu.memref_slice %arg3[%mul3A_44, %dma_wait3A] : memref<327680x16xf32, #tpu.memory_space<hbm>> -> memref<128x16xf32, #tpu.memory_space<hbm>>
          %dma_wait3A_1455 = arith.constant 0 : i32
          %dma_wait3A_1456 = tpu.memref_slice %arg3[%mul3A_44, %dma_wait3A_1455] : memref<327680x16xf32, #tpu.memory_space<hbm>> -> memref<128x16xf32, #tpu.memory_space<hbm>>
          tpu.wait_dma2 semaphore(%run_scoped3A : memref<!tpu.dma_semaphore, #tpu.memory_space<semaphore_mem>>) src(%dma_wait3A_1456 : memref<128x16xf32, #tpu.memory_space<hbm>>) dst(%arg8 : memref<128x16xf32, #tpu.memory_space<vmem>>)
          tpu.yield
        }) : () -> ()
        %get3A = arith.constant 0 : i32
        %get3A_45 = arith.index_cast %get3A : i32 to index
        %get3A_46 = arith.constant 0 : index
        %get3A_47 = tpu.vector_load %arg8[%get3A_45, %get3A_46] {strides = array<i32>} : memref<128x16xf32, #tpu.memory_space<vmem>>, vector<1x16xf32>,
        %get3A_48 = vector.shape_cast %get3A_47 : vector<1x16xf32> to vector<16xf32>
        %swap3A = arith.constant 0 : i32
        %swap3A_49 = arith.index_cast %swap3A : i32 to index
        %swap3A_50 = arith.constant 0 : index
        %swap3A_51 = tpu.vector_load %arg9[%swap3A_49, %swap3A_50] {strides = array<i32>} : memref<128x128xf32, #tpu.memory_space<vmem>>, vector<1x16xf32>,
        %swap3A_52 = vector.shape_cast %swap3A_51 : vector<1x16xf32> to vector<16xf32>
        %swap3A_53 = vector.shape_cast %get3A_48 : vector<16xf32> to vector<1x16xf32>
        tpu.vector_store %arg9[%swap3A_49, %swap3A_50], %swap3A_53 {strides = array<i32>} : memref<128x128xf32, #tpu.memory_space<vmem>>, vector<1x16xf32>,
        %get3A_54 = arith.constant 1 : i32
        %get3A_55 = arith.index_cast %get3A_54 : i32 to index
        %get3A_56 = arith.constant 0 : index
        %get3A_57 = tpu.vector_load %arg8[%get3A_55, %get3A_56] {strides = array<i32>} : memref<128x16xf32, #tpu.memory_space<vmem>>, vector<1x16xf32>,
        %get3A_58 = vector.shape_cast %get3A_57 : vector<1x16xf32> to vector<16xf32>
        %swap3A_59 = arith.constant 1 : i32
        %swap3A_60 = arith.index_cast %swap3A_59 : i32 to index
        %swap3A_61 = arith.constant 0 : index
        %swap3A_62 = tpu.vector_load %arg9[%swap3A_60, %swap3A_61] {strides = array<i32>} : memref<128x128xf32, #tpu.memory_space<vmem>>, vector<1x16xf32>,
        %swap3A_63 = vector.shape_cast %swap3A_62 : vector<1x16xf32> to vector<16xf32>
        %swap3A_64 = vector.shape_cast %get3A_58 : vector<16xf32> to vector<1x16xf32>
        tpu.vector_store %arg9[%swap3A_60, %swap3A_61], %swap3A_64 {strides = array<i32>} : memref<128x128xf32, #tpu.memory_space<vmem>>, vector<1x16xf32>,
        %get3A_65 = arith.constant 2 : i32
        %get3A_66 = arith.index_cast %get3A_65 : i32 to index
        %get3A_67 = arith.constant 0 : index
        %get3A_68 = tpu.vector_load %arg8[%get3A_66, %get3A_67] {strides = array<i32>} : memref<128x16xf32, #tpu.memory_space<vmem>>, vector<1x16xf32>,
        %get3A_69 = vector.shape_cast %get3A_68 : vector<1x16xf32> to vector<16xf32>
        %swap3A_70 = arith.constant 2 : i32
        %swap3A_71 = arith.index_cast %swap3A_70 : i32 to index
        %swap3A_72 = arith.constant 0 : index
        %swap3A_73 = tpu.vector_load %arg9[%swap3A_71, %swap3A_72] {strides = array<i32>} : memref<128x128xf32, #tpu.memory_space<vmem>>, vector<1x16xf32>,
        %swap3A_74 = vector.shape_cast %swap3A_73 : vector<1x16xf32> to vector<16xf32>
        %swap3A_75 = vector.shape_cast %get3A_69 : vector<16xf32> to vector<1x16xf32>
        tpu.vector_store %arg9[%swap3A_71, %swap3A_72], %swap3A_75 {strides = array<i32>} : memref<128x128xf32, #tpu.memory_space<vmem>>, vector<1x16xf32>,
        %get3A_76 = arith.constant 3 : i32
        %get3A_77 = arith.index_cast %get3A_76 : i32 to index
        %get3A_78 = arith.constant 0 : index
        %get3A_79 = tpu.vector_load %arg8[%get3A_77, %get3A_78] {strides = array<i32>} : memref<128x16xf32, #tpu.memory_space<vmem>>, vector<1x16xf32>,
        %get3A_80 = vector.shape_cast %get3A_79 : vector<1x16xf32> to vector<16xf32>
        %swap3A_81 = arith.constant 3 : i32
        %swap3A_82 = arith.index_cast %swap3A_81 : i32 to index
        %swap3A_83 = arith.constant 0 : index
        %swap3A_84 = tpu.vector_load %arg9[%swap3A_82, %swap3A_83] {strides = array<i32>} : memref<128x128xf32, #tpu.memory_space<vmem>>, vector<1x16xf32>,
        %swap3A_85 = vector.shape_cast %swap3A_84 : vector<1x16xf32> to vector<16xf32>
        %swap3A_86 = vector.shape_cast %get3A_80 : vector<16xf32> to vector<1x16xf32>
        tpu.vector_store %arg9[%swap3A_82, %swap3A_83], %swap3A_86 {strides = array<i32>} : memref<128x128xf32, #tpu.memory_space<vmem>>, vector<1x16xf32>,
        %get3A_87 = arith.constant 4 : i32
        %get3A_88 = arith.index_cast %get3A_87 : i32 to index
        %get3A_89 = arith.constant 0 : index
        %get3A_90 = tpu.vector_load %arg8[%get3A_88, %get3A_89] {strides = array<i32>} : memref<128x16xf32, #tpu.memory_space<vmem>>, vector<1x16xf32>,
        %get3A_91 = vector.shape_cast %get3A_90 : vector<1x16xf32> to vector<16xf32>
        %swap3A_92 = arith.constant 4 : i32
        %swap3A_93 = arith.index_cast %swap3A_92 : i32 to index
        %swap3A_94 = arith.constant 0 : index
        %swap3A_95 = tpu.vector_load %arg9[%swap3A_93, %swap3A_94] {strides = array<i32>} : memref<128x128xf32, #tpu.memory_space<vmem>>, vector<1x16xf32>,
        %swap3A_96 = vector.shape_cast %swap3A_95 : vector<1x16xf32> to vector<16xf32>
        %swap3A_97 = vector.shape_cast %get3A_91 : vector<16xf32> to vector<1x16xf32>
        tpu.vector_store %arg9[%swap3A_93, %swap3A_94], %swap3A_97 {strides = array<i32>} : memref<128x128xf32, #tpu.memory_space<vmem>>, vector<1x16xf32>,
        %get3A_98 = arith.constant 5 : i32
        %get3A_99 = arith.index_cast %get3A_98 : i32 to index
        %get3A_100 = arith.constant 0 : index
        %get3A_101 = tpu.vector_load %arg8[%get3A_99, %get3A_100] {strides = array<i32>} : memref<128x16xf32, #tpu.memory_space<vmem>>, vector<1x16xf32>,
        %get3A_102 = vector.shape_cast %get3A_101 : vector<1x16xf32> to vector<16xf32>
        %swap3A_103 = arith.constant 5 : i32
        %swap3A_104 = arith.index_cast %swap3A_103 : i32 to index
        %swap3A_105 = arith.constant 0 : index
        %swap3A_106 = tpu.vector_load %arg9[%swap3A_104, %swap3A_105] {strides = array<i32>} : memref<128x128xf32, #tpu.memory_space<vmem>>, vector<1x16xf32>,
        %swap3A_107 = vector.shape_cast %swap3A_106 : vector<1x16xf32> to vector<16xf32>
        %swap3A_108 = vector.shape_cast %get3A_102 : vector<16xf32> to vector<1x16xf32>
        tpu.vector_store %arg9[%swap3A_104, %swap3A_105], %swap3A_108 {strides = array<i32>} : memref<128x128xf32, #tpu.memory_space<vmem>>, vector<1x16xf32>,
        %get3A_109 = arith.constant 6 : i32
        %get3A_110 = arith.index_cast %get3A_109 : i32 to index
        %get3A_111 = arith.constant 0 : index
        %get3A_112 = tpu.vector_load %arg8[%get3A_110, %get3A_111] {strides = array<i32>} : memref<128x16xf32, #tpu.memory_space<vmem>>, vector<1x16xf32>,
        %get3A_113 = vector.shape_cast %get3A_112 : vector<1x16xf32> to vector<16xf32>
        %swap3A_114 = arith.constant 6 : i32
        %swap3A_115 = arith.index_cast %swap3A_114 : i32 to index
        %swap3A_116 = arith.constant 0 : index
        %swap3A_117 = tpu.vector_load %arg9[%swap3A_115, %swap3A_116] {strides = array<i32>} : memref<128x128xf32, #tpu.memory_space<vmem>>, vector<1x16xf32>,
        %swap3A_118 = vector.shape_cast %swap3A_117 : vector<1x16xf32> to vector<16xf32>
        %swap3A_119 = vector.shape_cast %get3A_113 : vector<16xf32> to vector<1x16xf32>
        tpu.vector_store %arg9[%swap3A_115, %swap3A_116], %swap3A_119 {strides = array<i32>} : memref<128x128xf32, #tpu.memory_space<vmem>>, vector<1x16xf32>,
        %get3A_120 = arith.constant 7 : i32
        %get3A_121 = arith.index_cast %get3A_120 : i32 to index
        %get3A_122 = arith.constant 0 : index
        %get3A_123 = tpu.vector_load %arg8[%get3A_121, %get3A_122] {strides = array<i32>} : memref<128x16xf32, #tpu.memory_space<vmem>>, vector<1x16xf32>,
        %get3A_124 = vector.shape_cast %get3A_123 : vector<1x16xf32> to vector<16xf32>
        %swap3A_125 = arith.constant 7 : i32
        %swap3A_126 = arith.index_cast %swap3A_125 : i32 to index
        %swap3A_127 = arith.constant 0 : index
        %swap3A_128 = tpu.vector_load %arg9[%swap3A_126, %swap3A_127] {strides = array<i32>} : memref<128x128xf32, #tpu.memory_space<vmem>>, vector<1x16xf32>,
        %swap3A_129 = vector.shape_cast %swap3A_128 : vector<1x16xf32> to vector<16xf32>
        %swap3A_130 = vector.shape_cast %get3A_124 : vector<16xf32> to vector<1x16xf32>
        tpu.vector_store %arg9[%swap3A_126, %swap3A_127], %swap3A_130 {strides = array<i32>} : memref<128x128xf32, #tpu.memory_space<vmem>>, vector<1x16xf32>,
        %get3A_131 = arith.constant 8 : i32
        %get3A_132 = arith.index_cast %get3A_131 : i32 to index
        %get3A_133 = arith.constant 0 : index
        %get3A_134 = tpu.vector_load %arg8[%get3A_132, %get3A_133] {strides = array<i32>} : memref<128x16xf32, #tpu.memory_space<vmem>>, vector<1x16xf32>,
        %get3A_135 = vector.shape_cast %get3A_134 : vector<1x16xf32> to vector<16xf32>
        %swap3A_136 = arith.constant 8 : i32
        %swap3A_137 = arith.index_cast %swap3A_136 : i32 to index
        %swap3A_138 = arith.constant 0 : index
        %swap3A_139 = tpu.vector_load %arg9[%swap3A_137, %swap3A_138] {strides = array<i32>} : memref<128x128xf32, #tpu.memory_space<vmem>>, vector<1x16xf32>,
        %swap3A_140 = vector.shape_cast %swap3A_139 : vector<1x16xf32> to vector<16xf32>
        %swap3A_141 = vector.shape_cast %get3A_135 : vector<16xf32> to vector<1x16xf32>
        tpu.vector_store %arg9[%swap3A_137, %swap3A_138], %swap3A_141 {strides = array<i32>} : memref<128x128xf32, #tpu.memory_space<vmem>>, vector<1x16xf32>,
        %get3A_142 = arith.constant 9 : i32
        %get3A_143 = arith.index_cast %get3A_142 : i32 to index
        %get3A_144 = arith.constant 0 : index
        %get3A_145 = tpu.vector_load %arg8[%get3A_143, %get3A_144] {strides = array<i32>} : memref<128x16xf32, #tpu.memory_space<vmem>>, vector<1x16xf32>,
        %get3A_146 = vector.shape_cast %get3A_145 : vector<1x16xf32> to vector<16xf32>
        %swap3A_147 = arith.constant 9 : i32
        %swap3A_148 = arith.index_cast %swap3A_147 : i32 to index
        %swap3A_149 = arith.constant 0 : index
        %swap3A_150 = tpu.vector_load %arg9[%swap3A_148, %swap3A_149] {strides = array<i32>} : memref<128x128xf32, #tpu.memory_space<vmem>>, vector<1x16xf32>,
        %swap3A_151 = vector.shape_cast %swap3A_150 : vector<1x16xf32> to vector<16xf32>
        %swap3A_152 = vector.shape_cast %get3A_146 : vector<16xf32> to vector<1x16xf32>
        tpu.vector_store %arg9[%swap3A_148, %swap3A_149], %swap3A_152 {strides = array<i32>} : memref<128x128xf32, #tpu.memory_space<vmem>>, vector<1x16xf32>,
        %get3A_153 = arith.constant 10 : i32
        %get3A_154 = arith.index_cast %get3A_153 : i32 to index
        %get3A_155 = arith.constant 0 : index
        %get3A_156 = tpu.vector_load %arg8[%get3A_154, %get3A_155] {strides = array<i32>} : memref<128x16xf32, #tpu.memory_space<vmem>>, vector<1x16xf32>,
        %get3A_157 = vector.shape_cast %get3A_156 : vector<1x16xf32> to vector<16xf32>
        %swap3A_158 = arith.constant 10 : i32
        %swap3A_159 = arith.index_cast %swap3A_158 : i32 to index
        %swap3A_160 = arith.constant 0 : index
        %swap3A_161 = tpu.vector_load %arg9[%swap3A_159, %swap3A_160] {strides = array<i32>} : memref<128x128xf32, #tpu.memory_space<vmem>>, vector<1x16xf32>,
        %swap3A_162 = vector.shape_cast %swap3A_161 : vector<1x16xf32> to vector<16xf32>
        %swap3A_163 = vector.shape_cast %get3A_157 : vector<16xf32> to vector<1x16xf32>
        tpu.vector_store %arg9[%swap3A_159, %swap3A_160], %swap3A_163 {strides = array<i32>} : memref<128x128xf32, #tpu.memory_space<vmem>>, vector<1x16xf32>,
        %get3A_164 = arith.constant 11 : i32
        %get3A_165 = arith.index_cast %get3A_164 : i32 to index
        %get3A_166 = arith.constant 0 : index
        %get3A_167 = tpu.vector_load %arg8[%get3A_165, %get3A_166] {strides = array<i32>} : memref<128x16xf32, #tpu.memory_space<vmem>>, vector<1x16xf32>,
        %get3A_168 = vector.shape_cast %get3A_167 : vector<1x16xf32> to vector<16xf32>
        %swap3A_169 = arith.constant 11 : i32
        %swap3A_170 = arith.index_cast %swap3A_169 : i32 to index
        %swap3A_171 = arith.constant 0 : index
        %swap3A_172 = tpu.vector_load %arg9[%swap3A_170, %swap3A_171] {strides = array<i32>} : memref<128x128xf32, #tpu.memory_space<vmem>>, vector<1x16xf32>,
        %swap3A_173 = vector.shape_cast %swap3A_172 : vector<1x16xf32> to vector<16xf32>
        %swap3A_174 = vector.shape_cast %get3A_168 : vector<16xf32> to vector<1x16xf32>
        tpu.vector_store %arg9[%swap3A_170, %swap3A_171], %swap3A_174 {strides = array<i32>} : memref<128x128xf32, #tpu.memory_space<vmem>>, vector<1x16xf32>,
        %get3A_175 = arith.constant 12 : i32
        %get3A_176 = arith.index_cast %get3A_175 : i32 to index
        %get3A_177 = arith.constant 0 : index
        %get3A_178 = tpu.vector_load %arg8[%get3A_176, %get3A_177] {strides = array<i32>} : memref<128x16xf32, #tpu.memory_space<vmem>>, vector<1x16xf32>,
        %get3A_179 = vector.shape_cast %get3A_178 : vector<1x16xf32> to vector<16xf32>
        %swap3A_180 = arith.constant 12 : i32
        %swap3A_181 = arith.index_cast %swap3A_180 : i32 to index
        %swap3A_182 = arith.constant 0 : index
        %swap3A_183 = tpu.vector_load %arg9[%swap3A_181, %swap3A_182] {strides = array<i32>} : memref<128x128xf32, #tpu.memory_space<vmem>>, vector<1x16xf32>,
        %swap3A_184 = vector.shape_cast %swap3A_183 : vector<1x16xf32> to vector<16xf32>
        %swap3A_185 = vector.shape_cast %get3A_179 : vector<16xf32> to vector<1x16xf32>
        tpu.vector_store %arg9[%swap3A_181, %swap3A_182], %swap3A_185 {strides = array<i32>} : memref<128x128xf32, #tpu.memory_space<vmem>>, vector<1x16xf32>,
        %get3A_186 = arith.constant 13 : i32
        %get3A_187 = arith.index_cast %get3A_186 : i32 to index
        %get3A_188 = arith.constant 0 : index
        %get3A_189 = tpu.vector_load %arg8[%get3A_187, %get3A_188] {strides = array<i32>} : memref<128x16xf32, #tpu.memory_space<vmem>>, vector<1x16xf32>,
        %get3A_190 = vector.shape_cast %get3A_189 : vector<1x16xf32> to vector<16xf32>
        %swap3A_191 = arith.constant 13 : i32
        %swap3A_192 = arith.index_cast %swap3A_191 : i32 to index
        %swap3A_193 = arith.constant 0 : index
        %swap3A_194 = tpu.vector_load %arg9[%swap3A_192, %swap3A_193] {strides = array<i32>} : memref<128x128xf32, #tpu.memory_space<vmem>>, vector<1x16xf32>,
        %swap3A_195 = vector.shape_cast %swap3A_194 : vector<1x16xf32> to vector<16xf32>
        %swap3A_196 = vector.shape_cast %get3A_190 : vector<16xf32> to vector<1x16xf32>
        tpu.vector_store %arg9[%swap3A_192, %swap3A_193], %swap3A_196 {strides = array<i32>} : memref<128x128xf32, #tpu.memory_space<vmem>>, vector<1x16xf32>,
        %get3A_197 = arith.constant 14 : i32
        %get3A_198 = arith.index_cast %get3A_197 : i32 to index
        %get3A_199 = arith.constant 0 : index
        %get3A_200 = tpu.vector_load %arg8[%get3A_198, %get3A_199] {strides = array<i32>} : memref<128x16xf32, #tpu.memory_space<vmem>>, vector<1x16xf32>,
        %get3A_201 = vector.shape_cast %get3A_200 : vector<1x16xf32> to vector<16xf32>
        %swap3A_202 = arith.constant 14 : i32
        %swap3A_203 = arith.index_cast %swap3A_202 : i32 to index
        %swap3A_204 = arith.constant 0 : index
        %swap3A_205 = tpu.vector_load %arg9[%swap3A_203, %swap3A_204] {strides = array<i32>} : memref<128x128xf32, #tpu.memory_space<vmem>>, vector<1x16xf32>,
        %swap3A_206 = vector.shape_cast %swap3A_205 : vector<1x16xf32> to vector<16xf32>
        %swap3A_207 = vector.shape_cast %get3A_201 : vector<16xf32> to vector<1x16xf32>
        tpu.vector_store %arg9[%swap3A_203, %swap3A_204], %swap3A_207 {strides = array<i32>} : memref<128x128xf32, #tpu.memory_space<vmem>>, vector<1x16xf32>,
        %get3A_208 = arith.constant 15 : i32
        %get3A_209 = arith.index_cast %get3A_208 : i32 to index
        %get3A_210 = arith.constant 0 : index
        %get3A_211 = tpu.vector_load %arg8[%get3A_209, %get3A_210] {strides = array<i32>} : memref<128x16xf32, #tpu.memory_space<vmem>>, vector<1x16xf32>,
        %get3A_212 = vector.shape_cast %get3A_211 : vector<1x16xf32> to vector<16xf32>
        %swap3A_213 = arith.constant 15 : i32
        %swap3A_214 = arith.index_cast %swap3A_213 : i32 to index
        %swap3A_215 = arith.constant 0 : index
        %swap3A_216 = tpu.vector_load %arg9[%swap3A_214, %swap3A_215] {strides = array<i32>} : memref<128x128xf32, #tpu.memory_space<vmem>>, vector<1x16xf32>,
        %swap3A_217 = vector.shape_cast %swap3A_216 : vector<1x16xf32> to vector<16xf32>
        %swap3A_218 = vector.shape_cast %get3A_212 : vector<16xf32> to vector<1x16xf32>
        tpu.vector_store %arg9[%swap3A_214, %swap3A_215], %swap3A_218 {strides = array<i32>} : memref<128x128xf32, #tpu.memory_space<vmem>>, vector<1x16xf32>,
        %get3A_219 = arith.constant 16 : i32
        %get3A_220 = arith.index_cast %get3A_219 : i32 to index
        %get3A_221 = arith.constant 0 : index
        %get3A_222 = tpu.vector_load %arg8[%get3A_220, %get3A_221] {strides = array<i32>} : memref<128x16xf32, #tpu.memory_space<vmem>>, vector<1x16xf32>,
        %get3A_223 = vector.shape_cast %get3A_222 : vector<1x16xf32> to vector<16xf32>
        %swap3A_224 = arith.constant 16 : i32
        %swap3A_225 = arith.index_cast %swap3A_224 : i32 to index
        %swap3A_226 = arith.constant 0 : index
        %swap3A_227 = tpu.vector_load %arg9[%swap3A_225, %swap3A_226] {strides = array<i32>} : memref<128x128xf32, #tpu.memory_space<vmem>>, vector<1x16xf32>,
        %swap3A_228 = vector.shape_cast %swap3A_227 : vector<1x16xf32> to vector<16xf32>
        %swap3A_229 = vector.shape_cast %get3A_223 : vector<16xf32> to vector<1x16xf32>
        tpu.vector_store %arg9[%swap3A_225, %swap3A_226], %swap3A_229 {strides = array<i32>} : memref<128x128xf32, #tpu.memory_space<vmem>>, vector<1x16xf32>,
        %get3A_230 = arith.constant 17 : i32
        %get3A_231 = arith.index_cast %get3A_230 : i32 to index
        %get3A_232 = arith.constant 0 : index
        %get3A_233 = tpu.vector_load %arg8[%get3A_231, %get3A_232] {strides = array<i32>} : memref<128x16xf32, #tpu.memory_space<vmem>>, vector<1x16xf32>,
        %get3A_234 = vector.shape_cast %get3A_233 : vector<1x16xf32> to vector<16xf32>
        %swap3A_235 = arith.constant 17 : i32
        %swap3A_236 = arith.index_cast %swap3A_235 : i32 to index
        %swap3A_237 = arith.constant 0 : index
        %swap3A_238 = tpu.vector_load %arg9[%swap3A_236, %swap3A_237] {strides = array<i32>} : memref<128x128xf32, #tpu.memory_space<vmem>>, vector<1x16xf32>,
        %swap3A_239 = vector.shape_cast %swap3A_238 : vector<1x16xf32> to vector<16xf32>
        %swap3A_240 = vector.shape_cast %get3A_234 : vector<16xf32> to vector<1x16xf32>
        tpu.vector_store %arg9[%swap3A_236, %swap3A_237], %swap3A_240 {strides = array<i32>} : memref<128x128xf32, #tpu.memory_space<vmem>>, vector<1x16xf32>,
        %get3A_241 = arith.constant 18 : i32
        %get3A_242 = arith.index_cast %get3A_241 : i32 to index
        %get3A_243 = arith.constant 0 : index
        %get3A_244 = tpu.vector_load %arg8[%get3A_242, %get3A_243] {strides = array<i32>} : memref<128x16xf32, #tpu.memory_space<vmem>>, vector<1x16xf32>,
        %get3A_245 = vector.shape_cast %get3A_244 : vector<1x16xf32> to vector<16xf32>
        %swap3A_246 = arith.constant 18 : i32
        %swap3A_247 = arith.index_cast %swap3A_246 : i32 to index
        %swap3A_248 = arith.constant 0 : index
        %swap3A_249 = tpu.vector_load %arg9[%swap3A_247, %swap3A_248] {strides = array<i32>} : memref<128x128xf32, #tpu.memory_space<vmem>>, vector<1x16xf32>,
        %swap3A_250 = vector.shape_cast %swap3A_249 : vector<1x16xf32> to vector<16xf32>
        %swap3A_251 = vector.shape_cast %get3A_245 : vector<16xf32> to vector<1x16xf32>
        tpu.vector_store %arg9[%swap3A_247, %swap3A_248], %swap3A_251 {strides = array<i32>} : memref<128x128xf32, #tpu.memory_space<vmem>>, vector<1x16xf32>,
        %get3A_252 = arith.constant 19 : i32
        %get3A_253 = arith.index_cast %get3A_252 : i32 to index
        %get3A_254 = arith.constant 0 : index
        %get3A_255 = tpu.vector_load %arg8[%get3A_253, %get3A_254] {strides = array<i32>} : memref<128x16xf32, #tpu.memory_space<vmem>>, vector<1x16xf32>,
        %get3A_256 = vector.shape_cast %get3A_255 : vector<1x16xf32> to vector<16xf32>
        %swap3A_257 = arith.constant 19 : i32
        %swap3A_258 = arith.index_cast %swap3A_257 : i32 to index
        %swap3A_259 = arith.constant 0 : index
        %swap3A_260 = tpu.vector_load %arg9[%swap3A_258, %swap3A_259] {strides = array<i32>} : memref<128x128xf32, #tpu.memory_space<vmem>>, vector<1x16xf32>,
        %swap3A_261 = vector.shape_cast %swap3A_260 : vector<1x16xf32> to vector<16xf32>
        %swap3A_262 = vector.shape_cast %get3A_256 : vector<16xf32> to vector<1x16xf32>
        tpu.vector_store %arg9[%swap3A_258, %swap3A_259], %swap3A_262 {strides = array<i32>} : memref<128x128xf32, #tpu.memory_space<vmem>>, vector<1x16xf32>,
        %get3A_263 = arith.constant 20 : i32
        %get3A_264 = arith.index_cast %get3A_263 : i32 to index
        %get3A_265 = arith.constant 0 : index
        %get3A_266 = tpu.vector_load %arg8[%get3A_264, %get3A_265] {strides = array<i32>} : memref<128x16xf32, #tpu.memory_space<vmem>>, vector<1x16xf32>,
        %get3A_267 = vector.shape_cast %get3A_266 : vector<1x16xf32> to vector<16xf32>
        %swap3A_268 = arith.constant 20 : i32
        %swap3A_269 = arith.index_cast %swap3A_268 : i32 to index
        %swap3A_270 = arith.constant 0 : index
        %swap3A_271 = tpu.vector_load %arg9[%swap3A_269, %swap3A_270] {strides = array<i32>} : memref<128x128xf32, #tpu.memory_space<vmem>>, vector<1x16xf32>,
        %swap3A_272 = vector.shape_cast %swap3A_271 : vector<1x16xf32> to vector<16xf32>
        %swap3A_273 = vector.shape_cast %get3A_267 : vector<16xf32> to vector<1x16xf32>
        tpu.vector_store %arg9[%swap3A_269, %swap3A_270], %swap3A_273 {strides = array<i32>} : memref<128x128xf32, #tpu.memory_space<vmem>>, vector<1x16xf32>,
        %get3A_274 = arith.constant 21 : i32
        %get3A_275 = arith.index_cast %get3A_274 : i32 to index
        %get3A_276 = arith.constant 0 : index
        %get3A_277 = tpu.vector_load %arg8[%get3A_275, %get3A_276] {strides = array<i32>} : memref<128x16xf32, #tpu.memory_space<vmem>>, vector<1x16xf32>,
        %get3A_278 = vector.shape_cast %get3A_277 : vector<1x16xf32> to vector<16xf32>
        %swap3A_279 = arith.constant 21 : i32
        %swap3A_280 = arith.index_cast %swap3A_279 : i32 to index
        %swap3A_281 = arith.constant 0 : index
        %swap3A_282 = tpu.vector_load %arg9[%swap3A_280, %swap3A_281] {strides = array<i32>} : memref<128x128xf32, #tpu.memory_space<vmem>>, vector<1x16xf32>,
        %swap3A_283 = vector.shape_cast %swap3A_282 : vector<1x16xf32> to vector<16xf32>
        %swap3A_284 = vector.shape_cast %get3A_278 : vector<16xf32> to vector<1x16xf32>
        tpu.vector_store %arg9[%swap3A_280, %swap3A_281], %swap3A_284 {strides = array<i32>} : memref<128x128xf32, #tpu.memory_space<vmem>>, vector<1x16xf32>,
        %get3A_285 = arith.constant 22 : i32
        %get3A_286 = arith.index_cast %get3A_285 : i32 to index
        %get3A_287 = arith.constant 0 : index
        %get3A_288 = tpu.vector_load %arg8[%get3A_286, %get3A_287] {strides = array<i32>} : memref<128x16xf32, #tpu.memory_space<vmem>>, vector<1x16xf32>,
        %get3A_289 = vector.shape_cast %get3A_288 : vector<1x16xf32> to vector<16xf32>
        %swap3A_290 = arith.constant 22 : i32
        %swap3A_291 = arith.index_cast %swap3A_290 : i32 to index
        %swap3A_292 = arith.constant 0 : index
        %swap3A_293 = tpu.vector_load %arg9[%swap3A_291, %swap3A_292] {strides = array<i32>} : memref<128x128xf32, #tpu.memory_space<vmem>>, vector<1x16xf32>,
        %swap3A_294 = vector.shape_cast %swap3A_293 : vector<1x16xf32> to vector<16xf32>
        %swap3A_295 = vector.shape_cast %get3A_289 : vector<16xf32> to vector<1x16xf32>
        tpu.vector_store %arg9[%swap3A_291, %swap3A_292], %swap3A_295 {strides = array<i32>} : memref<128x128xf32, #tpu.memory_space<vmem>>, vector<1x16xf32>,
        %get3A_296 = arith.constant 23 : i32
        %get3A_297 = arith.index_cast %get3A_296 : i32 to index
        %get3A_298 = arith.constant 0 : index
        %get3A_299 = tpu.vector_load %arg8[%get3A_297, %get3A_298] {strides = array<i32>} : memref<128x16xf32, #tpu.memory_space<vmem>>, vector<1x16xf32>,
        %get3A_300 = vector.shape_cast %get3A_299 : vector<1x16xf32> to vector<16xf32>
        %swap3A_301 = arith.constant 23 : i32
        %swap3A_302 = arith.index_cast %swap3A_301 : i32 to index
        %swap3A_303 = arith.constant 0 : index
        %swap3A_304 = tpu.vector_load %arg9[%swap3A_302, %swap3A_303] {strides = array<i32>} : memref<128x128xf32, #tpu.memory_space<vmem>>, vector<1x16xf32>,
        %swap3A_305 = vector.shape_cast %swap3A_304 : vector<1x16xf32> to vector<16xf32>
        %swap3A_306 = vector.shape_cast %get3A_300 : vector<16xf32> to vector<1x16xf32>
        tpu.vector_store %arg9[%swap3A_302, %swap3A_303], %swap3A_306 {strides = array<i32>} : memref<128x128xf32, #tpu.memory_space<vmem>>, vector<1x16xf32>,
        %get3A_307 = arith.constant 24 : i32
        %get3A_308 = arith.index_cast %get3A_307 : i32 to index
        %get3A_309 = arith.constant 0 : index
        %get3A_310 = tpu.vector_load %arg8[%get3A_308, %get3A_309] {strides = array<i32>} : memref<128x16xf32, #tpu.memory_space<vmem>>, vector<1x16xf32>,
        %get3A_311 = vector.shape_cast %get3A_310 : vector<1x16xf32> to vector<16xf32>
        %swap3A_312 = arith.constant 24 : i32
        %swap3A_313 = arith.index_cast %swap3A_312 : i32 to index
        %swap3A_314 = arith.constant 0 : index
        %swap3A_315 = tpu.vector_load %arg9[%swap3A_313, %swap3A_314] {strides = array<i32>} : memref<128x128xf32, #tpu.memory_space<vmem>>, vector<1x16xf32>,
        %swap3A_316 = vector.shape_cast %swap3A_315 : vector<1x16xf32> to vector<16xf32>
        %swap3A_317 = vector.shape_cast %get3A_311 : vector<16xf32> to vector<1x16xf32>
        tpu.vector_store %arg9[%swap3A_313, %swap3A_314], %swap3A_317 {strides = array<i32>} : memref<128x128xf32, #tpu.memory_space<vmem>>, vector<1x16xf32>,
        %get3A_318 = arith.constant 25 : i32
        %get3A_319 = arith.index_cast %get3A_318 : i32 to index
        %get3A_320 = arith.constant 0 : index
        %get3A_321 = tpu.vector_load %arg8[%get3A_319, %get3A_320] {strides = array<i32>} : memref<128x16xf32, #tpu.memory_space<vmem>>, vector<1x16xf32>,
        %get3A_322 = vector.shape_cast %get3A_321 : vector<1x16xf32> to vector<16xf32>
        %swap3A_323 = arith.constant 25 : i32
        %swap3A_324 = arith.index_cast %swap3A_323 : i32 to index
        %swap3A_325 = arith.constant 0 : index
        %swap3A_326 = tpu.vector_load %arg9[%swap3A_324, %swap3A_325] {strides = array<i32>} : memref<128x128xf32, #tpu.memory_space<vmem>>, vector<1x16xf32>,
        %swap3A_327 = vector.shape_cast %swap3A_326 : vector<1x16xf32> to vector<16xf32>
        %swap3A_328 = vector.shape_cast %get3A_322 : vector<16xf32> to vector<1x16xf32>
        tpu.vector_store %arg9[%swap3A_324, %swap3A_325], %swap3A_328 {strides = array<i32>} : memref<128x128xf32, #tpu.memory_space<vmem>>, vector<1x16xf32>,
        %get3A_329 = arith.constant 26 : i32
        %get3A_330 = arith.index_cast %get3A_329 : i32 to index
        %get3A_331 = arith.constant 0 : index
        %get3A_332 = tpu.vector_load %arg8[%get3A_330, %get3A_331] {strides = array<i32>} : memref<128x16xf32, #tpu.memory_space<vmem>>, vector<1x16xf32>,
        %get3A_333 = vector.shape_cast %get3A_332 : vector<1x16xf32> to vector<16xf32>
        %swap3A_334 = arith.constant 26 : i32
        %swap3A_335 = arith.index_cast %swap3A_334 : i32 to index
        %swap3A_336 = arith.constant 0 : index
        %swap3A_337 = tpu.vector_load %arg9[%swap3A_335, %swap3A_336] {strides = array<i32>} : memref<128x128xf32, #tpu.memory_space<vmem>>, vector<1x16xf32>,
        %swap3A_338 = vector.shape_cast %swap3A_337 : vector<1x16xf32> to vector<16xf32>
        %swap3A_339 = vector.shape_cast %get3A_333 : vector<16xf32> to vector<1x16xf32>
        tpu.vector_store %arg9[%swap3A_335, %swap3A_336], %swap3A_339 {strides = array<i32>} : memref<128x128xf32, #tpu.memory_space<vmem>>, vector<1x16xf32>,
        %get3A_340 = arith.constant 27 : i32
        %get3A_341 = arith.index_cast %get3A_340 : i32 to index
        %get3A_342 = arith.constant 0 : index
        %get3A_343 = tpu.vector_load %arg8[%get3A_341, %get3A_342] {strides = array<i32>} : memref<128x16xf32, #tpu.memory_space<vmem>>, vector<1x16xf32>,
        %get3A_344 = vector.shape_cast %get3A_343 : vector<1x16xf32> to vector<16xf32>
        %swap3A_345 = arith.constant 27 : i32
        %swap3A_346 = arith.index_cast %swap3A_345 : i32 to index
        %swap3A_347 = arith.constant 0 : index
        %swap3A_348 = tpu.vector_load %arg9[%swap3A_346, %swap3A_347] {strides = array<i32>} : memref<128x128xf32, #tpu.memory_space<vmem>>, vector<1x16xf32>,
        %swap3A_349 = vector.shape_cast %swap3A_348 : vector<1x16xf32> to vector<16xf32>
        %swap3A_350 = vector.shape_cast %get3A_344 : vector<16xf32> to vector<1x16xf32>
        tpu.vector_store %arg9[%swap3A_346, %swap3A_347], %swap3A_350 {strides = array<i32>} : memref<128x128xf32, #tpu.memory_space<vmem>>, vector<1x16xf32>,
        %get3A_351 = arith.constant 28 : i32
        %get3A_352 = arith.index_cast %get3A_351 : i32 to index
        %get3A_353 = arith.constant 0 : index
        %get3A_354 = tpu.vector_load %arg8[%get3A_352, %get3A_353] {strides = array<i32>} : memref<128x16xf32, #tpu.memory_space<vmem>>, vector<1x16xf32>,
        %get3A_355 = vector.shape_cast %get3A_354 : vector<1x16xf32> to vector<16xf32>
        %swap3A_356 = arith.constant 28 : i32
        %swap3A_357 = arith.index_cast %swap3A_356 : i32 to index
        %swap3A_358 = arith.constant 0 : index
        %swap3A_359 = tpu.vector_load %arg9[%swap3A_357, %swap3A_358] {strides = array<i32>} : memref<128x128xf32, #tpu.memory_space<vmem>>, vector<1x16xf32>,
        %swap3A_360 = vector.shape_cast %swap3A_359 : vector<1x16xf32> to vector<16xf32>
        %swap3A_361 = vector.shape_cast %get3A_355 : vector<16xf32> to vector<1x16xf32>
        tpu.vector_store %arg9[%swap3A_357, %swap3A_358], %swap3A_361 {strides = array<i32>} : memref<128x128xf32, #tpu.memory_space<vmem>>, vector<1x16xf32>,
        %get3A_362 = arith.constant 29 : i32
        %get3A_363 = arith.index_cast %get3A_362 : i32 to index
        %get3A_364 = arith.constant 0 : index
        %get3A_365 = tpu.vector_load %arg8[%get3A_363, %get3A_364] {strides = array<i32>} : memref<128x16xf32, #tpu.memory_space<vmem>>, vector<1x16xf32>,
        %get3A_366 = vector.shape_cast %get3A_365 : vector<1x16xf32> to vector<16xf32>
        %swap3A_367 = arith.constant 29 : i32
        %swap3A_368 = arith.index_cast %swap3A_367 : i32 to index
        %swap3A_369 = arith.constant 0 : index
        %swap3A_370 = tpu.vector_load %arg9[%swap3A_368, %swap3A_369] {strides = array<i32>} : memref<128x128xf32, #tpu.memory_space<vmem>>, vector<1x16xf32>,
        %swap3A_371 = vector.shape_cast %swap3A_370 : vector<1x16xf32> to vector<16xf32>
        %swap3A_372 = vector.shape_cast %get3A_366 : vector<16xf32> to vector<1x16xf32>
        tpu.vector_store %arg9[%swap3A_368, %swap3A_369], %swap3A_372 {strides = array<i32>} : memref<128x128xf32, #tpu.memory_space<vmem>>, vector<1x16xf32>,
        %get3A_373 = arith.constant 30 : i32
        %get3A_374 = arith.index_cast %get3A_373 : i32 to index
        %get3A_375 = arith.constant 0 : index
        %get3A_376 = tpu.vector_load %arg8[%get3A_374, %get3A_375] {strides = array<i32>} : memref<128x16xf32, #tpu.memory_space<vmem>>, vector<1x16xf32>,
        %get3A_377 = vector.shape_cast %get3A_376 : vector<1x16xf32> to vector<16xf32>
        %swap3A_378 = arith.constant 30 : i32
        %swap3A_379 = arith.index_cast %swap3A_378 : i32 to index
        %swap3A_380 = arith.constant 0 : index
        %swap3A_381 = tpu.vector_load %arg9[%swap3A_379, %swap3A_380] {strides = array<i32>} : memref<128x128xf32, #tpu.memory_space<vmem>>, vector<1x16xf32>,
        %swap3A_382 = vector.shape_cast %swap3A_381 : vector<1x16xf32> to vector<16xf32>
        %swap3A_383 = vector.shape_cast %get3A_377 : vector<16xf32> to vector<1x16xf32>
        tpu.vector_store %arg9[%swap3A_379, %swap3A_380], %swap3A_383 {strides = array<i32>} : memref<128x128xf32, #tpu.memory_space<vmem>>, vector<1x16xf32>,
        %get3A_384 = arith.constant 31 : i32
        %get3A_385 = arith.index_cast %get3A_384 : i32 to index
        %get3A_386 = arith.constant 0 : index
        %get3A_387 = tpu.vector_load %arg8[%get3A_385, %get3A_386] {strides = array<i32>} : memref<128x16xf32, #tpu.memory_space<vmem>>, vector<1x16xf32>,
        %get3A_388 = vector.shape_cast %get3A_387 : vector<1x16xf32> to vector<16xf32>
        %swap3A_389 = arith.constant 31 : i32
        %swap3A_390 = arith.index_cast %swap3A_389 : i32 to index
        %swap3A_391 = arith.constant 0 : index
        %swap3A_392 = tpu.vector_load %arg9[%swap3A_390, %swap3A_391] {strides = array<i32>} : memref<128x128xf32, #tpu.memory_space<vmem>>, vector<1x16xf32>,
        %swap3A_393 = vector.shape_cast %swap3A_392 : vector<1x16xf32> to vector<16xf32>
        %swap3A_394 = vector.shape_cast %get3A_388 : vector<16xf32> to vector<1x16xf32>
        tpu.vector_store %arg9[%swap3A_390, %swap3A_391], %swap3A_394 {strides = array<i32>} : memref<128x128xf32, #tpu.memory_space<vmem>>, vector<1x16xf32>,
        %get3A_395 = arith.constant 32 : i32
        %get3A_396 = arith.index_cast %get3A_395 : i32 to index
        %get3A_397 = arith.constant 0 : index
        %get3A_398 = tpu.vector_load %arg8[%get3A_396, %get3A_397] {strides = array<i32>} : memref<128x16xf32, #tpu.memory_space<vmem>>, vector<1x16xf32>,
        %get3A_399 = vector.shape_cast %get3A_398 : vector<1x16xf32> to vector<16xf32>
        %swap3A_400 = arith.constant 32 : i32
        %swap3A_401 = arith.index_cast %swap3A_400 : i32 to index
        %swap3A_402 = arith.constant 0 : index
        %swap3A_403 = tpu.vector_load %arg9[%swap3A_401, %swap3A_402] {strides = array<i32>} : memref<128x128xf32, #tpu.memory_space<vmem>>, vector<1x16xf32>,
        %swap3A_404 = vector.shape_cast %swap3A_403 : vector<1x16xf32> to vector<16xf32>
        %swap3A_405 = vector.shape_cast %get3A_399 : vector<16xf32> to vector<1x16xf32>
        tpu.vector_store %arg9[%swap3A_401, %swap3A_402], %swap3A_405 {strides = array<i32>} : memref<128x128xf32, #tpu.memory_space<vmem>>, vector<1x16xf32>,
        %get3A_406 = arith.constant 33 : i32
        %get3A_407 = arith.index_cast %get3A_406 : i32 to index
        %get3A_408 = arith.constant 0 : index
        %get3A_409 = tpu.vector_load %arg8[%get3A_407, %get3A_408] {strides = array<i32>} : memref<128x16xf32, #tpu.memory_space<vmem>>, vector<1x16xf32>,
        %get3A_410 = vector.shape_cast %get3A_409 : vector<1x16xf32> to vector<16xf32>
        %swap3A_411 = arith.constant 33 : i32
        %swap3A_412 = arith.index_cast %swap3A_411 : i32 to index
        %swap3A_413 = arith.constant 0 : index
        %swap3A_414 = tpu.vector_load %arg9[%swap3A_412, %swap3A_413] {strides = array<i32>} : memref<128x128xf32, #tpu.memory_space<vmem>>, vector<1x16xf32>,
        %swap3A_415 = vector.shape_cast %swap3A_414 : vector<1x16xf32> to vector<16xf32>
        %swap3A_416 = vector.shape_cast %get3A_410 : vector<16xf32> to vector<1x16xf32>
        tpu.vector_store %arg9[%swap3A_412, %swap3A_413], %swap3A_416 {strides = array<i32>} : memref<128x128xf32, #tpu.memory_space<vmem>>, vector<1x16xf32>,
        %get3A_417 = arith.constant 34 : i32
        %get3A_418 = arith.index_cast %get3A_417 : i32 to index
        %get3A_419 = arith.constant 0 : index
        %get3A_420 = tpu.vector_load %arg8[%get3A_418, %get3A_419] {strides = array<i32>} : memref<128x16xf32, #tpu.memory_space<vmem>>, vector<1x16xf32>,
        %get3A_421 = vector.shape_cast %get3A_420 : vector<1x16xf32> to vector<16xf32>
        %swap3A_422 = arith.constant 34 : i32
        %swap3A_423 = arith.index_cast %swap3A_422 : i32 to index
        %swap3A_424 = arith.constant 0 : index
        %swap3A_425 = tpu.vector_load %arg9[%swap3A_423, %swap3A_424] {strides = array<i32>} : memref<128x128xf32, #tpu.memory_space<vmem>>, vector<1x16xf32>,
        %swap3A_426 = vector.shape_cast %swap3A_425 : vector<1x16xf32> to vector<16xf32>
        %swap3A_427 = vector.shape_cast %get3A_421 : vector<16xf32> to vector<1x16xf32>
        tpu.vector_store %arg9[%swap3A_423, %swap3A_424], %swap3A_427 {strides = array<i32>} : memref<128x128xf32, #tpu.memory_space<vmem>>, vector<1x16xf32>,
        %get3A_428 = arith.constant 35 : i32
        %get3A_429 = arith.index_cast %get3A_428 : i32 to index
        %get3A_430 = arith.constant 0 : index
        %get3A_431 = tpu.vector_load %arg8[%get3A_429, %get3A_430] {strides = array<i32>} : memref<128x16xf32, #tpu.memory_space<vmem>>, vector<1x16xf32>,
        %get3A_432 = vector.shape_cast %get3A_431 : vector<1x16xf32> to vector<16xf32>
        %swap3A_433 = arith.constant 35 : i32
        %swap3A_434 = arith.index_cast %swap3A_433 : i32 to index
        %swap3A_435 = arith.constant 0 : index
        %swap3A_436 = tpu.vector_load %arg9[%swap3A_434, %swap3A_435] {strides = array<i32>} : memref<128x128xf32, #tpu.memory_space<vmem>>, vector<1x16xf32>,
        %swap3A_437 = vector.shape_cast %swap3A_436 : vector<1x16xf32> to vector<16xf32>
        %swap3A_438 = vector.shape_cast %get3A_432 : vector<16xf32> to vector<1x16xf32>
        tpu.vector_store %arg9[%swap3A_434, %swap3A_435], %swap3A_438 {strides = array<i32>} : memref<128x128xf32, #tpu.memory_space<vmem>>, vector<1x16xf32>,
        %get3A_439 = arith.constant 36 : i32
        %get3A_440 = arith.index_cast %get3A_439 : i32 to index
        %get3A_441 = arith.constant 0 : index
        %get3A_442 = tpu.vector_load %arg8[%get3A_440, %get3A_441] {strides = array<i32>} : memref<128x16xf32, #tpu.memory_space<vmem>>, vector<1x16xf32>,
        %get3A_443 = vector.shape_cast %get3A_442 : vector<1x16xf32> to vector<16xf32>
        %swap3A_444 = arith.constant 36 : i32
        %swap3A_445 = arith.index_cast %swap3A_444 : i32 to index
        %swap3A_446 = arith.constant 0 : index
        %swap3A_447 = tpu.vector_load %arg9[%swap3A_445, %swap3A_446] {strides = array<i32>} : memref<128x128xf32, #tpu.memory_space<vmem>>, vector<1x16xf32>,
        %swap3A_448 = vector.shape_cast %swap3A_447 : vector<1x16xf32> to vector<16xf32>
        %swap3A_449 = vector.shape_cast %get3A_443 : vector<16xf32> to vector<1x16xf32>
        tpu.vector_store %arg9[%swap3A_445, %swap3A_446], %swap3A_449 {strides = array<i32>} : memref<128x128xf32, #tpu.memory_space<vmem>>, vector<1x16xf32>,
        %get3A_450 = arith.constant 37 : i32
        %get3A_451 = arith.index_cast %get3A_450 : i32 to index
        %get3A_452 = arith.constant 0 : index
        %get3A_453 = tpu.vector_load %arg8[%get3A_451, %get3A_452] {strides = array<i32>} : memref<128x16xf32, #tpu.memory_space<vmem>>, vector<1x16xf32>,
        %get3A_454 = vector.shape_cast %get3A_453 : vector<1x16xf32> to vector<16xf32>
        %swap3A_455 = arith.constant 37 : i32
        %swap3A_456 = arith.index_cast %swap3A_455 : i32 to index
        %swap3A_457 = arith.constant 0 : index
        %swap3A_458 = tpu.vector_load %arg9[%swap3A_456, %swap3A_457] {strides = array<i32>} : memref<128x128xf32, #tpu.memory_space<vmem>>, vector<1x16xf32>,
        %swap3A_459 = vector.shape_cast %swap3A_458 : vector<1x16xf32> to vector<16xf32>
        %swap3A_460 = vector.shape_cast %get3A_454 : vector<16xf32> to vector<1x16xf32>
        tpu.vector_store %arg9[%swap3A_456, %swap3A_457], %swap3A_460 {strides = array<i32>} : memref<128x128xf32, #tpu.memory_space<vmem>>, vector<1x16xf32>,
        %get3A_461 = arith.constant 38 : i32
        %get3A_462 = arith.index_cast %get3A_461 : i32 to index
        %get3A_463 = arith.constant 0 : index
        %get3A_464 = tpu.vector_load %arg8[%get3A_462, %get3A_463] {strides = array<i32>} : memref<128x16xf32, #tpu.memory_space<vmem>>, vector<1x16xf32>,
        %get3A_465 = vector.shape_cast %get3A_464 : vector<1x16xf32> to vector<16xf32>
        %swap3A_466 = arith.constant 38 : i32
        %swap3A_467 = arith.index_cast %swap3A_466 : i32 to index
        %swap3A_468 = arith.constant 0 : index
        %swap3A_469 = tpu.vector_load %arg9[%swap3A_467, %swap3A_468] {strides = array<i32>} : memref<128x128xf32, #tpu.memory_space<vmem>>, vector<1x16xf32>,
        %swap3A_470 = vector.shape_cast %swap3A_469 : vector<1x16xf32> to vector<16xf32>
        %swap3A_471 = vector.shape_cast %get3A_465 : vector<16xf32> to vector<1x16xf32>
        tpu.vector_store %arg9[%swap3A_467, %swap3A_468], %swap3A_471 {strides = array<i32>} : memref<128x128xf32, #tpu.memory_space<vmem>>, vector<1x16xf32>,
        %get3A_472 = arith.constant 39 : i32
        %get3A_473 = arith.index_cast %get3A_472 : i32 to index
        %get3A_474 = arith.constant 0 : index
        %get3A_475 = tpu.vector_load %arg8[%get3A_473, %get3A_474] {strides = array<i32>} : memref<128x16xf32, #tpu.memory_space<vmem>>, vector<1x16xf32>,
        %get3A_476 = vector.shape_cast %get3A_475 : vector<1x16xf32> to vector<16xf32>
        %swap3A_477 = arith.constant 39 : i32
        %swap3A_478 = arith.index_cast %swap3A_477 : i32 to index
        %swap3A_479 = arith.constant 0 : index
        %swap3A_480 = tpu.vector_load %arg9[%swap3A_478, %swap3A_479] {strides = array<i32>} : memref<128x128xf32, #tpu.memory_space<vmem>>, vector<1x16xf32>,
        %swap3A_481 = vector.shape_cast %swap3A_480 : vector<1x16xf32> to vector<16xf32>
        %swap3A_482 = vector.shape_cast %get3A_476 : vector<16xf32> to vector<1x16xf32>
        tpu.vector_store %arg9[%swap3A_478, %swap3A_479], %swap3A_482 {strides = array<i32>} : memref<128x128xf32, #tpu.memory_space<vmem>>, vector<1x16xf32>,
        %get3A_483 = arith.constant 40 : i32
        %get3A_484 = arith.index_cast %get3A_483 : i32 to index
        %get3A_485 = arith.constant 0 : index
        %get3A_486 = tpu.vector_load %arg8[%get3A_484, %get3A_485] {strides = array<i32>} : memref<128x16xf32, #tpu.memory_space<vmem>>, vector<1x16xf32>,
        %get3A_487 = vector.shape_cast %get3A_486 : vector<1x16xf32> to vector<16xf32>
        %swap3A_488 = arith.constant 40 : i32
        %swap3A_489 = arith.index_cast %swap3A_488 : i32 to index
        %swap3A_490 = arith.constant 0 : index
        %swap3A_491 = tpu.vector_load %arg9[%swap3A_489, %swap3A_490] {strides = array<i32>} : memref<128x128xf32, #tpu.memory_space<vmem>>, vector<1x16xf32>,
        %swap3A_492 = vector.shape_cast %swap3A_491 : vector<1x16xf32> to vector<16xf32>
        %swap3A_493 = vector.shape_cast %get3A_487 : vector<16xf32> to vector<1x16xf32>
        tpu.vector_store %arg9[%swap3A_489, %swap3A_490], %swap3A_493 {strides = array<i32>} : memref<128x128xf32, #tpu.memory_space<vmem>>, vector<1x16xf32>,
        %get3A_494 = arith.constant 41 : i32
        %get3A_495 = arith.index_cast %get3A_494 : i32 to index
        %get3A_496 = arith.constant 0 : index
        %get3A_497 = tpu.vector_load %arg8[%get3A_495, %get3A_496] {strides = array<i32>} : memref<128x16xf32, #tpu.memory_space<vmem>>, vector<1x16xf32>,
        %get3A_498 = vector.shape_cast %get3A_497 : vector<1x16xf32> to vector<16xf32>
        %swap3A_499 = arith.constant 41 : i32
        %swap3A_500 = arith.index_cast %swap3A_499 : i32 to index
        %swap3A_501 = arith.constant 0 : index
        %swap3A_502 = tpu.vector_load %arg9[%swap3A_500, %swap3A_501] {strides = array<i32>} : memref<128x128xf32, #tpu.memory_space<vmem>>, vector<1x16xf32>,
        %swap3A_503 = vector.shape_cast %swap3A_502 : vector<1x16xf32> to vector<16xf32>
        %swap3A_504 = vector.shape_cast %get3A_498 : vector<16xf32> to vector<1x16xf32>
        tpu.vector_store %arg9[%swap3A_500, %swap3A_501], %swap3A_504 {strides = array<i32>} : memref<128x128xf32, #tpu.memory_space<vmem>>, vector<1x16xf32>,
        %get3A_505 = arith.constant 42 : i32
        %get3A_506 = arith.index_cast %get3A_505 : i32 to index
        %get3A_507 = arith.constant 0 : index
        %get3A_508 = tpu.vector_load %arg8[%get3A_506, %get3A_507] {strides = array<i32>} : memref<128x16xf32, #tpu.memory_space<vmem>>, vector<1x16xf32>,
        %get3A_509 = vector.shape_cast %get3A_508 : vector<1x16xf32> to vector<16xf32>
        %swap3A_510 = arith.constant 42 : i32
        %swap3A_511 = arith.index_cast %swap3A_510 : i32 to index
        %swap3A_512 = arith.constant 0 : index
        %swap3A_513 = tpu.vector_load %arg9[%swap3A_511, %swap3A_512] {strides = array<i32>} : memref<128x128xf32, #tpu.memory_space<vmem>>, vector<1x16xf32>,
        %swap3A_514 = vector.shape_cast %swap3A_513 : vector<1x16xf32> to vector<16xf32>
        %swap3A_515 = vector.shape_cast %get3A_509 : vector<16xf32> to vector<1x16xf32>
        tpu.vector_store %arg9[%swap3A_511, %swap3A_512], %swap3A_515 {strides = array<i32>} : memref<128x128xf32, #tpu.memory_space<vmem>>, vector<1x16xf32>,
        %get3A_516 = arith.constant 43 : i32
        %get3A_517 = arith.index_cast %get3A_516 : i32 to index
        %get3A_518 = arith.constant 0 : index
        %get3A_519 = tpu.vector_load %arg8[%get3A_517, %get3A_518] {strides = array<i32>} : memref<128x16xf32, #tpu.memory_space<vmem>>, vector<1x16xf32>,
        %get3A_520 = vector.shape_cast %get3A_519 : vector<1x16xf32> to vector<16xf32>
        %swap3A_521 = arith.constant 43 : i32
        %swap3A_522 = arith.index_cast %swap3A_521 : i32 to index
        %swap3A_523 = arith.constant 0 : index
        %swap3A_524 = tpu.vector_load %arg9[%swap3A_522, %swap3A_523] {strides = array<i32>} : memref<128x128xf32, #tpu.memory_space<vmem>>, vector<1x16xf32>,
        %swap3A_525 = vector.shape_cast %swap3A_524 : vector<1x16xf32> to vector<16xf32>
        %swap3A_526 = vector.shape_cast %get3A_520 : vector<16xf32> to vector<1x16xf32>
        tpu.vector_store %arg9[%swap3A_522, %swap3A_523], %swap3A_526 {strides = array<i32>} : memref<128x128xf32, #tpu.memory_space<vmem>>, vector<1x16xf32>,
        %get3A_527 = arith.constant 44 : i32
        %get3A_528 = arith.index_cast %get3A_527 : i32 to index
        %get3A_529 = arith.constant 0 : index
        %get3A_530 = tpu.vector_load %arg8[%get3A_528, %get3A_529] {strides = array<i32>} : memref<128x16xf32, #tpu.memory_space<vmem>>, vector<1x16xf32>,
        %get3A_531 = vector.shape_cast %get3A_530 : vector<1x16xf32> to vector<16xf32>
        %swap3A_532 = arith.constant 44 : i32
        %swap3A_533 = arith.index_cast %swap3A_532 : i32 to index
        %swap3A_534 = arith.constant 0 : index
        %swap3A_535 = tpu.vector_load %arg9[%swap3A_533, %swap3A_534] {strides = array<i32>} : memref<128x128xf32, #tpu.memory_space<vmem>>, vector<1x16xf32>,
        %swap3A_536 = vector.shape_cast %swap3A_535 : vector<1x16xf32> to vector<16xf32>
        %swap3A_537 = vector.shape_cast %get3A_531 : vector<16xf32> to vector<1x16xf32>
        tpu.vector_store %arg9[%swap3A_533, %swap3A_534], %swap3A_537 {strides = array<i32>} : memref<128x128xf32, #tpu.memory_space<vmem>>, vector<1x16xf32>,
        %get3A_538 = arith.constant 45 : i32
        %get3A_539 = arith.index_cast %get3A_538 : i32 to index
        %get3A_540 = arith.constant 0 : index
        %get3A_541 = tpu.vector_load %arg8[%get3A_539, %get3A_540] {strides = array<i32>} : memref<128x16xf32, #tpu.memory_space<vmem>>, vector<1x16xf32>,
        %get3A_542 = vector.shape_cast %get3A_541 : vector<1x16xf32> to vector<16xf32>
        %swap3A_543 = arith.constant 45 : i32
        %swap3A_544 = arith.index_cast %swap3A_543 : i32 to index
        %swap3A_545 = arith.constant 0 : index
        %swap3A_546 = tpu.vector_load %arg9[%swap3A_544, %swap3A_545] {strides = array<i32>} : memref<128x128xf32, #tpu.memory_space<vmem>>, vector<1x16xf32>,
        %swap3A_547 = vector.shape_cast %swap3A_546 : vector<1x16xf32> to vector<16xf32>
        %swap3A_548 = vector.shape_cast %get3A_542 : vector<16xf32> to vector<1x16xf32>
        tpu.vector_store %arg9[%swap3A_544, %swap3A_545], %swap3A_548 {strides = array<i32>} : memref<128x128xf32, #tpu.memory_space<vmem>>, vector<1x16xf32>,
        %get3A_549 = arith.constant 46 : i32
        %get3A_550 = arith.index_cast %get3A_549 : i32 to index
        %get3A_551 = arith.constant 0 : index
        %get3A_552 = tpu.vector_load %arg8[%get3A_550, %get3A_551] {strides = array<i32>} : memref<128x16xf32, #tpu.memory_space<vmem>>, vector<1x16xf32>,
        %get3A_553 = vector.shape_cast %get3A_552 : vector<1x16xf32> to vector<16xf32>
        %swap3A_554 = arith.constant 46 : i32
        %swap3A_555 = arith.index_cast %swap3A_554 : i32 to index
        %swap3A_556 = arith.constant 0 : index
        %swap3A_557 = tpu.vector_load %arg9[%swap3A_555, %swap3A_556] {strides = array<i32>} : memref<128x128xf32, #tpu.memory_space<vmem>>, vector<1x16xf32>,
        %swap3A_558 = vector.shape_cast %swap3A_557 : vector<1x16xf32> to vector<16xf32>
        %swap3A_559 = vector.shape_cast %get3A_553 : vector<16xf32> to vector<1x16xf32>
        tpu.vector_store %arg9[%swap3A_555, %swap3A_556], %swap3A_559 {strides = array<i32>} : memref<128x128xf32, #tpu.memory_space<vmem>>, vector<1x16xf32>,
        %get3A_560 = arith.constant 47 : i32
        %get3A_561 = arith.index_cast %get3A_560 : i32 to index
        %get3A_562 = arith.constant 0 : index
        %get3A_563 = tpu.vector_load %arg8[%get3A_561, %get3A_562] {strides = array<i32>} : memref<128x16xf32, #tpu.memory_space<vmem>>, vector<1x16xf32>,
        %get3A_564 = vector.shape_cast %get3A_563 : vector<1x16xf32> to vector<16xf32>
        %swap3A_565 = arith.constant 47 : i32
        %swap3A_566 = arith.index_cast %swap3A_565 : i32 to index
        %swap3A_567 = arith.constant 0 : index
        %swap3A_568 = tpu.vector_load %arg9[%swap3A_566, %swap3A_567] {strides = array<i32>} : memref<128x128xf32, #tpu.memory_space<vmem>>, vector<1x16xf32>,
        %swap3A_569 = vector.shape_cast %swap3A_568 : vector<1x16xf32> to vector<16xf32>
        %swap3A_570 = vector.shape_cast %get3A_564 : vector<16xf32> to vector<1x16xf32>
        tpu.vector_store %arg9[%swap3A_566, %swap3A_567], %swap3A_570 {strides = array<i32>} : memref<128x128xf32, #tpu.memory_space<vmem>>, vector<1x16xf32>,
        %get3A_571 = arith.constant 48 : i32
        %get3A_572 = arith.index_cast %get3A_571 : i32 to index
        %get3A_573 = arith.constant 0 : index
        %get3A_574 = tpu.vector_load %arg8[%get3A_572, %get3A_573] {strides = array<i32>} : memref<128x16xf32, #tpu.memory_space<vmem>>, vector<1x16xf32>,
        %get3A_575 = vector.shape_cast %get3A_574 : vector<1x16xf32> to vector<16xf32>
        %swap3A_576 = arith.constant 48 : i32
        %swap3A_577 = arith.index_cast %swap3A_576 : i32 to index
        %swap3A_578 = arith.constant 0 : index
        %swap3A_579 = tpu.vector_load %arg9[%swap3A_577, %swap3A_578] {strides = array<i32>} : memref<128x128xf32, #tpu.memory_space<vmem>>, vector<1x16xf32>,
        %swap3A_580 = vector.shape_cast %swap3A_579 : vector<1x16xf32> to vector<16xf32>
        %swap3A_581 = vector.shape_cast %get3A_575 : vector<16xf32> to vector<1x16xf32>
        tpu.vector_store %arg9[%swap3A_577, %swap3A_578], %swap3A_581 {strides = array<i32>} : memref<128x128xf32, #tpu.memory_space<vmem>>, vector<1x16xf32>,
        %get3A_582 = arith.constant 49 : i32
        %get3A_583 = arith.index_cast %get3A_582 : i32 to index
        %get3A_584 = arith.constant 0 : index
        %get3A_585 = tpu.vector_load %arg8[%get3A_583, %get3A_584] {strides = array<i32>} : memref<128x16xf32, #tpu.memory_space<vmem>>, vector<1x16xf32>,
        %get3A_586 = vector.shape_cast %get3A_585 : vector<1x16xf32> to vector<16xf32>
        %swap3A_587 = arith.constant 49 : i32
        %swap3A_588 = arith.index_cast %swap3A_587 : i32 to index
        %swap3A_589 = arith.constant 0 : index
        %swap3A_590 = tpu.vector_load %arg9[%swap3A_588, %swap3A_589] {strides = array<i32>} : memref<128x128xf32, #tpu.memory_space<vmem>>, vector<1x16xf32>,
        %swap3A_591 = vector.shape_cast %swap3A_590 : vector<1x16xf32> to vector<16xf32>
        %swap3A_592 = vector.shape_cast %get3A_586 : vector<16xf32> to vector<1x16xf32>
        tpu.vector_store %arg9[%swap3A_588, %swap3A_589], %swap3A_592 {strides = array<i32>} : memref<128x128xf32, #tpu.memory_space<vmem>>, vector<1x16xf32>,
        %get3A_593 = arith.constant 50 : i32
        %get3A_594 = arith.index_cast %get3A_593 : i32 to index
        %get3A_595 = arith.constant 0 : index
        %get3A_596 = tpu.vector_load %arg8[%get3A_594, %get3A_595] {strides = array<i32>} : memref<128x16xf32, #tpu.memory_space<vmem>>, vector<1x16xf32>,
        %get3A_597 = vector.shape_cast %get3A_596 : vector<1x16xf32> to vector<16xf32>
        %swap3A_598 = arith.constant 50 : i32
        %swap3A_599 = arith.index_cast %swap3A_598 : i32 to index
        %swap3A_600 = arith.constant 0 : index
        %swap3A_601 = tpu.vector_load %arg9[%swap3A_599, %swap3A_600] {strides = array<i32>} : memref<128x128xf32, #tpu.memory_space<vmem>>, vector<1x16xf32>,
        %swap3A_602 = vector.shape_cast %swap3A_601 : vector<1x16xf32> to vector<16xf32>
        %swap3A_603 = vector.shape_cast %get3A_597 : vector<16xf32> to vector<1x16xf32>
        tpu.vector_store %arg9[%swap3A_599, %swap3A_600], %swap3A_603 {strides = array<i32>} : memref<128x128xf32, #tpu.memory_space<vmem>>, vector<1x16xf32>,
        %get3A_604 = arith.constant 51 : i32
        %get3A_605 = arith.index_cast %get3A_604 : i32 to index
        %get3A_606 = arith.constant 0 : index
        %get3A_607 = tpu.vector_load %arg8[%get3A_605, %get3A_606] {strides = array<i32>} : memref<128x16xf32, #tpu.memory_space<vmem>>, vector<1x16xf32>,
        %get3A_608 = vector.shape_cast %get3A_607 : vector<1x16xf32> to vector<16xf32>
        %swap3A_609 = arith.constant 51 : i32
        %swap3A_610 = arith.index_cast %swap3A_609 : i32 to index
        %swap3A_611 = arith.constant 0 : index
        %swap3A_612 = tpu.vector_load %arg9[%swap3A_610, %swap3A_611] {strides = array<i32>} : memref<128x128xf32, #tpu.memory_space<vmem>>, vector<1x16xf32>,
        %swap3A_613 = vector.shape_cast %swap3A_612 : vector<1x16xf32> to vector<16xf32>
        %swap3A_614 = vector.shape_cast %get3A_608 : vector<16xf32> to vector<1x16xf32>
        tpu.vector_store %arg9[%swap3A_610, %swap3A_611], %swap3A_614 {strides = array<i32>} : memref<128x128xf32, #tpu.memory_space<vmem>>, vector<1x16xf32>,
        %get3A_615 = arith.constant 52 : i32
        %get3A_616 = arith.index_cast %get3A_615 : i32 to index
        %get3A_617 = arith.constant 0 : index
        %get3A_618 = tpu.vector_load %arg8[%get3A_616, %get3A_617] {strides = array<i32>} : memref<128x16xf32, #tpu.memory_space<vmem>>, vector<1x16xf32>,
        %get3A_619 = vector.shape_cast %get3A_618 : vector<1x16xf32> to vector<16xf32>
        %swap3A_620 = arith.constant 52 : i32
        %swap3A_621 = arith.index_cast %swap3A_620 : i32 to index
        %swap3A_622 = arith.constant 0 : index
        %swap3A_623 = tpu.vector_load %arg9[%swap3A_621, %swap3A_622] {strides = array<i32>} : memref<128x128xf32, #tpu.memory_space<vmem>>, vector<1x16xf32>,
        %swap3A_624 = vector.shape_cast %swap3A_623 : vector<1x16xf32> to vector<16xf32>
        %swap3A_625 = vector.shape_cast %get3A_619 : vector<16xf32> to vector<1x16xf32>
        tpu.vector_store %arg9[%swap3A_621, %swap3A_622], %swap3A_625 {strides = array<i32>} : memref<128x128xf32, #tpu.memory_space<vmem>>, vector<1x16xf32>,
        %get3A_626 = arith.constant 53 : i32
        %get3A_627 = arith.index_cast %get3A_626 : i32 to index
        %get3A_628 = arith.constant 0 : index
        %get3A_629 = tpu.vector_load %arg8[%get3A_627, %get3A_628] {strides = array<i32>} : memref<128x16xf32, #tpu.memory_space<vmem>>, vector<1x16xf32>,
        %get3A_630 = vector.shape_cast %get3A_629 : vector<1x16xf32> to vector<16xf32>
        %swap3A_631 = arith.constant 53 : i32
        %swap3A_632 = arith.index_cast %swap3A_631 : i32 to index
        %swap3A_633 = arith.constant 0 : index
        %swap3A_634 = tpu.vector_load %arg9[%swap3A_632, %swap3A_633] {strides = array<i32>} : memref<128x128xf32, #tpu.memory_space<vmem>>, vector<1x16xf32>,
        %swap3A_635 = vector.shape_cast %swap3A_634 : vector<1x16xf32> to vector<16xf32>
        %swap3A_636 = vector.shape_cast %get3A_630 : vector<16xf32> to vector<1x16xf32>
        tpu.vector_store %arg9[%swap3A_632, %swap3A_633], %swap3A_636 {strides = array<i32>} : memref<128x128xf32, #tpu.memory_space<vmem>>, vector<1x16xf32>,
        %get3A_637 = arith.constant 54 : i32
        %get3A_638 = arith.index_cast %get3A_637 : i32 to index
        %get3A_639 = arith.constant 0 : index
        %get3A_640 = tpu.vector_load %arg8[%get3A_638, %get3A_639] {strides = array<i32>} : memref<128x16xf32, #tpu.memory_space<vmem>>, vector<1x16xf32>,
        %get3A_641 = vector.shape_cast %get3A_640 : vector<1x16xf32> to vector<16xf32>
        %swap3A_642 = arith.constant 54 : i32
        %swap3A_643 = arith.index_cast %swap3A_642 : i32 to index
        %swap3A_644 = arith.constant 0 : index
        %swap3A_645 = tpu.vector_load %arg9[%swap3A_643, %swap3A_644] {strides = array<i32>} : memref<128x128xf32, #tpu.memory_space<vmem>>, vector<1x16xf32>,
        %swap3A_646 = vector.shape_cast %swap3A_645 : vector<1x16xf32> to vector<16xf32>
        %swap3A_647 = vector.shape_cast %get3A_641 : vector<16xf32> to vector<1x16xf32>
        tpu.vector_store %arg9[%swap3A_643, %swap3A_644], %swap3A_647 {strides = array<i32>} : memref<128x128xf32, #tpu.memory_space<vmem>>, vector<1x16xf32>,
        %get3A_648 = arith.constant 55 : i32
        %get3A_649 = arith.index_cast %get3A_648 : i32 to index
        %get3A_650 = arith.constant 0 : index
        %get3A_651 = tpu.vector_load %arg8[%get3A_649, %get3A_650] {strides = array<i32>} : memref<128x16xf32, #tpu.memory_space<vmem>>, vector<1x16xf32>,
        %get3A_652 = vector.shape_cast %get3A_651 : vector<1x16xf32> to vector<16xf32>
        %swap3A_653 = arith.constant 55 : i32
        %swap3A_654 = arith.index_cast %swap3A_653 : i32 to index
        %swap3A_655 = arith.constant 0 : index
        %swap3A_656 = tpu.vector_load %arg9[%swap3A_654, %swap3A_655] {strides = array<i32>} : memref<128x128xf32, #tpu.memory_space<vmem>>, vector<1x16xf32>,
        %swap3A_657 = vector.shape_cast %swap3A_656 : vector<1x16xf32> to vector<16xf32>
        %swap3A_658 = vector.shape_cast %get3A_652 : vector<16xf32> to vector<1x16xf32>
        tpu.vector_store %arg9[%swap3A_654, %swap3A_655], %swap3A_658 {strides = array<i32>} : memref<128x128xf32, #tpu.memory_space<vmem>>, vector<1x16xf32>,
        %get3A_659 = arith.constant 56 : i32
        %get3A_660 = arith.index_cast %get3A_659 : i32 to index
        %get3A_661 = arith.constant 0 : index
        %get3A_662 = tpu.vector_load %arg8[%get3A_660, %get3A_661] {strides = array<i32>} : memref<128x16xf32, #tpu.memory_space<vmem>>, vector<1x16xf32>,
        %get3A_663 = vector.shape_cast %get3A_662 : vector<1x16xf32> to vector<16xf32>
        %swap3A_664 = arith.constant 56 : i32
        %swap3A_665 = arith.index_cast %swap3A_664 : i32 to index
        %swap3A_666 = arith.constant 0 : index
        %swap3A_667 = tpu.vector_load %arg9[%swap3A_665, %swap3A_666] {strides = array<i32>} : memref<128x128xf32, #tpu.memory_space<vmem>>, vector<1x16xf32>,
        %swap3A_668 = vector.shape_cast %swap3A_667 : vector<1x16xf32> to vector<16xf32>
        %swap3A_669 = vector.shape_cast %get3A_663 : vector<16xf32> to vector<1x16xf32>
        tpu.vector_store %arg9[%swap3A_665, %swap3A_666], %swap3A_669 {strides = array<i32>} : memref<128x128xf32, #tpu.memory_space<vmem>>, vector<1x16xf32>,
        %get3A_670 = arith.constant 57 : i32
        %get3A_671 = arith.index_cast %get3A_670 : i32 to index
        %get3A_672 = arith.constant 0 : index
        %get3A_673 = tpu.vector_load %arg8[%get3A_671, %get3A_672] {strides = array<i32>} : memref<128x16xf32, #tpu.memory_space<vmem>>, vector<1x16xf32>,
        %get3A_674 = vector.shape_cast %get3A_673 : vector<1x16xf32> to vector<16xf32>
        %swap3A_675 = arith.constant 57 : i32
        %swap3A_676 = arith.index_cast %swap3A_675 : i32 to index
        %swap3A_677 = arith.constant 0 : index
        %swap3A_678 = tpu.vector_load %arg9[%swap3A_676, %swap3A_677] {strides = array<i32>} : memref<128x128xf32, #tpu.memory_space<vmem>>, vector<1x16xf32>,
        %swap3A_679 = vector.shape_cast %swap3A_678 : vector<1x16xf32> to vector<16xf32>
        %swap3A_680 = vector.shape_cast %get3A_674 : vector<16xf32> to vector<1x16xf32>
        tpu.vector_store %arg9[%swap3A_676, %swap3A_677], %swap3A_680 {strides = array<i32>} : memref<128x128xf32, #tpu.memory_space<vmem>>, vector<1x16xf32>,
        %get3A_681 = arith.constant 58 : i32
        %get3A_682 = arith.index_cast %get3A_681 : i32 to index
        %get3A_683 = arith.constant 0 : index
        %get3A_684 = tpu.vector_load %arg8[%get3A_682, %get3A_683] {strides = array<i32>} : memref<128x16xf32, #tpu.memory_space<vmem>>, vector<1x16xf32>,
        %get3A_685 = vector.shape_cast %get3A_684 : vector<1x16xf32> to vector<16xf32>
        %swap3A_686 = arith.constant 58 : i32
        %swap3A_687 = arith.index_cast %swap3A_686 : i32 to index
        %swap3A_688 = arith.constant 0 : index
        %swap3A_689 = tpu.vector_load %arg9[%swap3A_687, %swap3A_688] {strides = array<i32>} : memref<128x128xf32, #tpu.memory_space<vmem>>, vector<1x16xf32>,
        %swap3A_690 = vector.shape_cast %swap3A_689 : vector<1x16xf32> to vector<16xf32>
        %swap3A_691 = vector.shape_cast %get3A_685 : vector<16xf32> to vector<1x16xf32>
        tpu.vector_store %arg9[%swap3A_687, %swap3A_688], %swap3A_691 {strides = array<i32>} : memref<128x128xf32, #tpu.memory_space<vmem>>, vector<1x16xf32>,
        %get3A_692 = arith.constant 59 : i32
        %get3A_693 = arith.index_cast %get3A_692 : i32 to index
        %get3A_694 = arith.constant 0 : index
        %get3A_695 = tpu.vector_load %arg8[%get3A_693, %get3A_694] {strides = array<i32>} : memref<128x16xf32, #tpu.memory_space<vmem>>, vector<1x16xf32>,
        %get3A_696 = vector.shape_cast %get3A_695 : vector<1x16xf32> to vector<16xf32>
        %swap3A_697 = arith.constant 59 : i32
        %swap3A_698 = arith.index_cast %swap3A_697 : i32 to index
        %swap3A_699 = arith.constant 0 : index
        %swap3A_700 = tpu.vector_load %arg9[%swap3A_698, %swap3A_699] {strides = array<i32>} : memref<128x128xf32, #tpu.memory_space<vmem>>, vector<1x16xf32>,
        %swap3A_701 = vector.shape_cast %swap3A_700 : vector<1x16xf32> to vector<16xf32>
        %swap3A_702 = vector.shape_cast %get3A_696 : vector<16xf32> to vector<1x16xf32>
        tpu.vector_store %arg9[%swap3A_698, %swap3A_699], %swap3A_702 {strides = array<i32>} : memref<128x128xf32, #tpu.memory_space<vmem>>, vector<1x16xf32>,
        %get3A_703 = arith.constant 60 : i32
        %get3A_704 = arith.index_cast %get3A_703 : i32 to index
        %get3A_705 = arith.constant 0 : index
        %get3A_706 = tpu.vector_load %arg8[%get3A_704, %get3A_705] {strides = array<i32>} : memref<128x16xf32, #tpu.memory_space<vmem>>, vector<1x16xf32>,
        %get3A_707 = vector.shape_cast %get3A_706 : vector<1x16xf32> to vector<16xf32>
        %swap3A_708 = arith.constant 60 : i32
        %swap3A_709 = arith.index_cast %swap3A_708 : i32 to index
        %swap3A_710 = arith.constant 0 : index
        %swap3A_711 = tpu.vector_load %arg9[%swap3A_709, %swap3A_710] {strides = array<i32>} : memref<128x128xf32, #tpu.memory_space<vmem>>, vector<1x16xf32>,
        %swap3A_712 = vector.shape_cast %swap3A_711 : vector<1x16xf32> to vector<16xf32>
        %swap3A_713 = vector.shape_cast %get3A_707 : vector<16xf32> to vector<1x16xf32>
        tpu.vector_store %arg9[%swap3A_709, %swap3A_710], %swap3A_713 {strides = array<i32>} : memref<128x128xf32, #tpu.memory_space<vmem>>, vector<1x16xf32>,
        %get3A_714 = arith.constant 61 : i32
        %get3A_715 = arith.index_cast %get3A_714 : i32 to index
        %get3A_716 = arith.constant 0 : index
        %get3A_717 = tpu.vector_load %arg8[%get3A_715, %get3A_716] {strides = array<i32>} : memref<128x16xf32, #tpu.memory_space<vmem>>, vector<1x16xf32>,
        %get3A_718 = vector.shape_cast %get3A_717 : vector<1x16xf32> to vector<16xf32>
        %swap3A_719 = arith.constant 61 : i32
        %swap3A_720 = arith.index_cast %swap3A_719 : i32 to index
        %swap3A_721 = arith.constant 0 : index
        %swap3A_722 = tpu.vector_load %arg9[%swap3A_720, %swap3A_721] {strides = array<i32>} : memref<128x128xf32, #tpu.memory_space<vmem>>, vector<1x16xf32>,
        %swap3A_723 = vector.shape_cast %swap3A_722 : vector<1x16xf32> to vector<16xf32>
        %swap3A_724 = vector.shape_cast %get3A_718 : vector<16xf32> to vector<1x16xf32>
        tpu.vector_store %arg9[%swap3A_720, %swap3A_721], %swap3A_724 {strides = array<i32>} : memref<128x128xf32, #tpu.memory_space<vmem>>, vector<1x16xf32>,
        %get3A_725 = arith.constant 62 : i32
        %get3A_726 = arith.index_cast %get3A_725 : i32 to index
        %get3A_727 = arith.constant 0 : index
        %get3A_728 = tpu.vector_load %arg8[%get3A_726, %get3A_727] {strides = array<i32>} : memref<128x16xf32, #tpu.memory_space<vmem>>, vector<1x16xf32>,
        %get3A_729 = vector.shape_cast %get3A_728 : vector<1x16xf32> to vector<16xf32>
        %swap3A_730 = arith.constant 62 : i32
        %swap3A_731 = arith.index_cast %swap3A_730 : i32 to index
        %swap3A_732 = arith.constant 0 : index
        %swap3A_733 = tpu.vector_load %arg9[%swap3A_731, %swap3A_732] {strides = array<i32>} : memref<128x128xf32, #tpu.memory_space<vmem>>, vector<1x16xf32>,
        %swap3A_734 = vector.shape_cast %swap3A_733 : vector<1x16xf32> to vector<16xf32>
        %swap3A_735 = vector.shape_cast %get3A_729 : vector<16xf32> to vector<1x16xf32>
        tpu.vector_store %arg9[%swap3A_731, %swap3A_732], %swap3A_735 {strides = array<i32>} : memref<128x128xf32, #tpu.memory_space<vmem>>, vector<1x16xf32>,
        %get3A_736 = arith.constant 63 : i32
        %get3A_737 = arith.index_cast %get3A_736 : i32 to index
        %get3A_738 = arith.constant 0 : index
        %get3A_739 = tpu.vector_load %arg8[%get3A_737, %get3A_738] {strides = array<i32>} : memref<128x16xf32, #tpu.memory_space<vmem>>, vector<1x16xf32>,
        %get3A_740 = vector.shape_cast %get3A_739 : vector<1x16xf32> to vector<16xf32>
        %swap3A_741 = arith.constant 63 : i32
        %swap3A_742 = arith.index_cast %swap3A_741 : i32 to index
        %swap3A_743 = arith.constant 0 : index
        %swap3A_744 = tpu.vector_load %arg9[%swap3A_742, %swap3A_743] {strides = array<i32>} : memref<128x128xf32, #tpu.memory_space<vmem>>, vector<1x16xf32>,
        %swap3A_745 = vector.shape_cast %swap3A_744 : vector<1x16xf32> to vector<16xf32>
        %swap3A_746 = vector.shape_cast %get3A_740 : vector<16xf32> to vector<1x16xf32>
        tpu.vector_store %arg9[%swap3A_742, %swap3A_743], %swap3A_746 {strides = array<i32>} : memref<128x128xf32, #tpu.memory_space<vmem>>, vector<1x16xf32>,
        %get3A_747 = arith.constant 64 : i32
        %get3A_748 = arith.index_cast %get3A_747 : i32 to index
        %get3A_749 = arith.constant 0 : index
        %get3A_750 = tpu.vector_load %arg8[%get3A_748, %get3A_749] {strides = array<i32>} : memref<128x16xf32, #tpu.memory_space<vmem>>, vector<1x16xf32>,
        %get3A_751 = vector.shape_cast %get3A_750 : vector<1x16xf32> to vector<16xf32>
        %swap3A_752 = arith.constant 64 : i32
        %swap3A_753 = arith.index_cast %swap3A_752 : i32 to index
        %swap3A_754 = arith.constant 0 : index
        %swap3A_755 = tpu.vector_load %arg9[%swap3A_753, %swap3A_754] {strides = array<i32>} : memref<128x128xf32, #tpu.memory_space<vmem>>, vector<1x16xf32>,
        %swap3A_756 = vector.shape_cast %swap3A_755 : vector<1x16xf32> to vector<16xf32>
        %swap3A_757 = vector.shape_cast %get3A_751 : vector<16xf32> to vector<1x16xf32>
        tpu.vector_store %arg9[%swap3A_753, %swap3A_754], %swap3A_757 {strides = array<i32>} : memref<128x128xf32, #tpu.memory_space<vmem>>, vector<1x16xf32>,
        %get3A_758 = arith.constant 65 : i32
        %get3A_759 = arith.index_cast %get3A_758 : i32 to index
        %get3A_760 = arith.constant 0 : index
        %get3A_761 = tpu.vector_load %arg8[%get3A_759, %get3A_760] {strides = array<i32>} : memref<128x16xf32, #tpu.memory_space<vmem>>, vector<1x16xf32>,
        %get3A_762 = vector.shape_cast %get3A_761 : vector<1x16xf32> to vector<16xf32>
        %swap3A_763 = arith.constant 65 : i32
        %swap3A_764 = arith.index_cast %swap3A_763 : i32 to index
        %swap3A_765 = arith.constant 0 : index
        %swap3A_766 = tpu.vector_load %arg9[%swap3A_764, %swap3A_765] {strides = array<i32>} : memref<128x128xf32, #tpu.memory_space<vmem>>, vector<1x16xf32>,
        %swap3A_767 = vector.shape_cast %swap3A_766 : vector<1x16xf32> to vector<16xf32>
        %swap3A_768 = vector.shape_cast %get3A_762 : vector<16xf32> to vector<1x16xf32>
        tpu.vector_store %arg9[%swap3A_764, %swap3A_765], %swap3A_768 {strides = array<i32>} : memref<128x128xf32, #tpu.memory_space<vmem>>, vector<1x16xf32>,
        %get3A_769 = arith.constant 66 : i32
        %get3A_770 = arith.index_cast %get3A_769 : i32 to index
        %get3A_771 = arith.constant 0 : index
        %get3A_772 = tpu.vector_load %arg8[%get3A_770, %get3A_771] {strides = array<i32>} : memref<128x16xf32, #tpu.memory_space<vmem>>, vector<1x16xf32>,
        %get3A_773 = vector.shape_cast %get3A_772 : vector<1x16xf32> to vector<16xf32>
        %swap3A_774 = arith.constant 66 : i32
        %swap3A_775 = arith.index_cast %swap3A_774 : i32 to index
        %swap3A_776 = arith.constant 0 : index
        %swap3A_777 = tpu.vector_load %arg9[%swap3A_775, %swap3A_776] {strides = array<i32>} : memref<128x128xf32, #tpu.memory_space<vmem>>, vector<1x16xf32>,
        %swap3A_778 = vector.shape_cast %swap3A_777 : vector<1x16xf32> to vector<16xf32>
        %swap3A_779 = vector.shape_cast %get3A_773 : vector<16xf32> to vector<1x16xf32>
        tpu.vector_store %arg9[%swap3A_775, %swap3A_776], %swap3A_779 {strides = array<i32>} : memref<128x128xf32, #tpu.memory_space<vmem>>, vector<1x16xf32>,
        %get3A_780 = arith.constant 67 : i32
        %get3A_781 = arith.index_cast %get3A_780 : i32 to index
        %get3A_782 = arith.constant 0 : index
        %get3A_783 = tpu.vector_load %arg8[%get3A_781, %get3A_782] {strides = array<i32>} : memref<128x16xf32, #tpu.memory_space<vmem>>, vector<1x16xf32>,
        %get3A_784 = vector.shape_cast %get3A_783 : vector<1x16xf32> to vector<16xf32>
        %swap3A_785 = arith.constant 67 : i32
        %swap3A_786 = arith.index_cast %swap3A_785 : i32 to index
        %swap3A_787 = arith.constant 0 : index
        %swap3A_788 = tpu.vector_load %arg9[%swap3A_786, %swap3A_787] {strides = array<i32>} : memref<128x128xf32, #tpu.memory_space<vmem>>, vector<1x16xf32>,
        %swap3A_789 = vector.shape_cast %swap3A_788 : vector<1x16xf32> to vector<16xf32>
        %swap3A_790 = vector.shape_cast %get3A_784 : vector<16xf32> to vector<1x16xf32>
        tpu.vector_store %arg9[%swap3A_786, %swap3A_787], %swap3A_790 {strides = array<i32>} : memref<128x128xf32, #tpu.memory_space<vmem>>, vector<1x16xf32>,
        %get3A_791 = arith.constant 68 : i32
        %get3A_792 = arith.index_cast %get3A_791 : i32 to index
        %get3A_793 = arith.constant 0 : index
        %get3A_794 = tpu.vector_load %arg8[%get3A_792, %get3A_793] {strides = array<i32>} : memref<128x16xf32, #tpu.memory_space<vmem>>, vector<1x16xf32>,
        %get3A_795 = vector.shape_cast %get3A_794 : vector<1x16xf32> to vector<16xf32>
        %swap3A_796 = arith.constant 68 : i32
        %swap3A_797 = arith.index_cast %swap3A_796 : i32 to index
        %swap3A_798 = arith.constant 0 : index
        %swap3A_799 = tpu.vector_load %arg9[%swap3A_797, %swap3A_798] {strides = array<i32>} : memref<128x128xf32, #tpu.memory_space<vmem>>, vector<1x16xf32>,
        %swap3A_800 = vector.shape_cast %swap3A_799 : vector<1x16xf32> to vector<16xf32>
        %swap3A_801 = vector.shape_cast %get3A_795 : vector<16xf32> to vector<1x16xf32>
        tpu.vector_store %arg9[%swap3A_797, %swap3A_798], %swap3A_801 {strides = array<i32>} : memref<128x128xf32, #tpu.memory_space<vmem>>, vector<1x16xf32>,
        %get3A_802 = arith.constant 69 : i32
        %get3A_803 = arith.index_cast %get3A_802 : i32 to index
        %get3A_804 = arith.constant 0 : index
        %get3A_805 = tpu.vector_load %arg8[%get3A_803, %get3A_804] {strides = array<i32>} : memref<128x16xf32, #tpu.memory_space<vmem>>, vector<1x16xf32>,
        %get3A_806 = vector.shape_cast %get3A_805 : vector<1x16xf32> to vector<16xf32>
        %swap3A_807 = arith.constant 69 : i32
        %swap3A_808 = arith.index_cast %swap3A_807 : i32 to index
        %swap3A_809 = arith.constant 0 : index
        %swap3A_810 = tpu.vector_load %arg9[%swap3A_808, %swap3A_809] {strides = array<i32>} : memref<128x128xf32, #tpu.memory_space<vmem>>, vector<1x16xf32>,
        %swap3A_811 = vector.shape_cast %swap3A_810 : vector<1x16xf32> to vector<16xf32>
        %swap3A_812 = vector.shape_cast %get3A_806 : vector<16xf32> to vector<1x16xf32>
        tpu.vector_store %arg9[%swap3A_808, %swap3A_809], %swap3A_812 {strides = array<i32>} : memref<128x128xf32, #tpu.memory_space<vmem>>, vector<1x16xf32>,
        %get3A_813 = arith.constant 70 : i32
        %get3A_814 = arith.index_cast %get3A_813 : i32 to index
        %get3A_815 = arith.constant 0 : index
        %get3A_816 = tpu.vector_load %arg8[%get3A_814, %get3A_815] {strides = array<i32>} : memref<128x16xf32, #tpu.memory_space<vmem>>, vector<1x16xf32>,
        %get3A_817 = vector.shape_cast %get3A_816 : vector<1x16xf32> to vector<16xf32>
        %swap3A_818 = arith.constant 70 : i32
        %swap3A_819 = arith.index_cast %swap3A_818 : i32 to index
        %swap3A_820 = arith.constant 0 : index
        %swap3A_821 = tpu.vector_load %arg9[%swap3A_819, %swap3A_820] {strides = array<i32>} : memref<128x128xf32, #tpu.memory_space<vmem>>, vector<1x16xf32>,
        %swap3A_822 = vector.shape_cast %swap3A_821 : vector<1x16xf32> to vector<16xf32>
        %swap3A_823 = vector.shape_cast %get3A_817 : vector<16xf32> to vector<1x16xf32>
        tpu.vector_store %arg9[%swap3A_819, %swap3A_820], %swap3A_823 {strides = array<i32>} : memref<128x128xf32, #tpu.memory_space<vmem>>, vector<1x16xf32>,
        %get3A_824 = arith.constant 71 : i32
        %get3A_825 = arith.index_cast %get3A_824 : i32 to index
        %get3A_826 = arith.constant 0 : index
        %get3A_827 = tpu.vector_load %arg8[%get3A_825, %get3A_826] {strides = array<i32>} : memref<128x16xf32, #tpu.memory_space<vmem>>, vector<1x16xf32>,
        %get3A_828 = vector.shape_cast %get3A_827 : vector<1x16xf32> to vector<16xf32>
        %swap3A_829 = arith.constant 71 : i32
        %swap3A_830 = arith.index_cast %swap3A_829 : i32 to index
        %swap3A_831 = arith.constant 0 : index
        %swap3A_832 = tpu.vector_load %arg9[%swap3A_830, %swap3A_831] {strides = array<i32>} : memref<128x128xf32, #tpu.memory_space<vmem>>, vector<1x16xf32>,
        %swap3A_833 = vector.shape_cast %swap3A_832 : vector<1x16xf32> to vector<16xf32>
        %swap3A_834 = vector.shape_cast %get3A_828 : vector<16xf32> to vector<1x16xf32>
        tpu.vector_store %arg9[%swap3A_830, %swap3A_831], %swap3A_834 {strides = array<i32>} : memref<128x128xf32, #tpu.memory_space<vmem>>, vector<1x16xf32>,
        %get3A_835 = arith.constant 72 : i32
        %get3A_836 = arith.index_cast %get3A_835 : i32 to index
        %get3A_837 = arith.constant 0 : index
        %get3A_838 = tpu.vector_load %arg8[%get3A_836, %get3A_837] {strides = array<i32>} : memref<128x16xf32, #tpu.memory_space<vmem>>, vector<1x16xf32>,
        %get3A_839 = vector.shape_cast %get3A_838 : vector<1x16xf32> to vector<16xf32>
        %swap3A_840 = arith.constant 72 : i32
        %swap3A_841 = arith.index_cast %swap3A_840 : i32 to index
        %swap3A_842 = arith.constant 0 : index
        %swap3A_843 = tpu.vector_load %arg9[%swap3A_841, %swap3A_842] {strides = array<i32>} : memref<128x128xf32, #tpu.memory_space<vmem>>, vector<1x16xf32>,
        %swap3A_844 = vector.shape_cast %swap3A_843 : vector<1x16xf32> to vector<16xf32>
        %swap3A_845 = vector.shape_cast %get3A_839 : vector<16xf32> to vector<1x16xf32>
        tpu.vector_store %arg9[%swap3A_841, %swap3A_842], %swap3A_845 {strides = array<i32>} : memref<128x128xf32, #tpu.memory_space<vmem>>, vector<1x16xf32>,
        %get3A_846 = arith.constant 73 : i32
        %get3A_847 = arith.index_cast %get3A_846 : i32 to index
        %get3A_848 = arith.constant 0 : index
        %get3A_849 = tpu.vector_load %arg8[%get3A_847, %get3A_848] {strides = array<i32>} : memref<128x16xf32, #tpu.memory_space<vmem>>, vector<1x16xf32>,
        %get3A_850 = vector.shape_cast %get3A_849 : vector<1x16xf32> to vector<16xf32>
        %swap3A_851 = arith.constant 73 : i32
        %swap3A_852 = arith.index_cast %swap3A_851 : i32 to index
        %swap3A_853 = arith.constant 0 : index
        %swap3A_854 = tpu.vector_load %arg9[%swap3A_852, %swap3A_853] {strides = array<i32>} : memref<128x128xf32, #tpu.memory_space<vmem>>, vector<1x16xf32>,
        %swap3A_855 = vector.shape_cast %swap3A_854 : vector<1x16xf32> to vector<16xf32>
        %swap3A_856 = vector.shape_cast %get3A_850 : vector<16xf32> to vector<1x16xf32>
        tpu.vector_store %arg9[%swap3A_852, %swap3A_853], %swap3A_856 {strides = array<i32>} : memref<128x128xf32, #tpu.memory_space<vmem>>, vector<1x16xf32>,
        %get3A_857 = arith.constant 74 : i32
        %get3A_858 = arith.index_cast %get3A_857 : i32 to index
        %get3A_859 = arith.constant 0 : index
        %get3A_860 = tpu.vector_load %arg8[%get3A_858, %get3A_859] {strides = array<i32>} : memref<128x16xf32, #tpu.memory_space<vmem>>, vector<1x16xf32>,
        %get3A_861 = vector.shape_cast %get3A_860 : vector<1x16xf32> to vector<16xf32>
        %swap3A_862 = arith.constant 74 : i32
        %swap3A_863 = arith.index_cast %swap3A_862 : i32 to index
        %swap3A_864 = arith.constant 0 : index
        %swap3A_865 = tpu.vector_load %arg9[%swap3A_863, %swap3A_864] {strides = array<i32>} : memref<128x128xf32, #tpu.memory_space<vmem>>, vector<1x16xf32>,
        %swap3A_866 = vector.shape_cast %swap3A_865 : vector<1x16xf32> to vector<16xf32>
        %swap3A_867 = vector.shape_cast %get3A_861 : vector<16xf32> to vector<1x16xf32>
        tpu.vector_store %arg9[%swap3A_863, %swap3A_864], %swap3A_867 {strides = array<i32>} : memref<128x128xf32, #tpu.memory_space<vmem>>, vector<1x16xf32>,
        %get3A_868 = arith.constant 75 : i32
        %get3A_869 = arith.index_cast %get3A_868 : i32 to index
        %get3A_870 = arith.constant 0 : index
        %get3A_871 = tpu.vector_load %arg8[%get3A_869, %get3A_870] {strides = array<i32>} : memref<128x16xf32, #tpu.memory_space<vmem>>, vector<1x16xf32>,
        %get3A_872 = vector.shape_cast %get3A_871 : vector<1x16xf32> to vector<16xf32>
        %swap3A_873 = arith.constant 75 : i32
        %swap3A_874 = arith.index_cast %swap3A_873 : i32 to index
        %swap3A_875 = arith.constant 0 : index
        %swap3A_876 = tpu.vector_load %arg9[%swap3A_874, %swap3A_875] {strides = array<i32>} : memref<128x128xf32, #tpu.memory_space<vmem>>, vector<1x16xf32>,
        %swap3A_877 = vector.shape_cast %swap3A_876 : vector<1x16xf32> to vector<16xf32>
        %swap3A_878 = vector.shape_cast %get3A_872 : vector<16xf32> to vector<1x16xf32>
        tpu.vector_store %arg9[%swap3A_874, %swap3A_875], %swap3A_878 {strides = array<i32>} : memref<128x128xf32, #tpu.memory_space<vmem>>, vector<1x16xf32>,
        %get3A_879 = arith.constant 76 : i32
        %get3A_880 = arith.index_cast %get3A_879 : i32 to index
        %get3A_881 = arith.constant 0 : index
        %get3A_882 = tpu.vector_load %arg8[%get3A_880, %get3A_881] {strides = array<i32>} : memref<128x16xf32, #tpu.memory_space<vmem>>, vector<1x16xf32>,
        %get3A_883 = vector.shape_cast %get3A_882 : vector<1x16xf32> to vector<16xf32>
        %swap3A_884 = arith.constant 76 : i32
        %swap3A_885 = arith.index_cast %swap3A_884 : i32 to index
        %swap3A_886 = arith.constant 0 : index
        %swap3A_887 = tpu.vector_load %arg9[%swap3A_885, %swap3A_886] {strides = array<i32>} : memref<128x128xf32, #tpu.memory_space<vmem>>, vector<1x16xf32>,
        %swap3A_888 = vector.shape_cast %swap3A_887 : vector<1x16xf32> to vector<16xf32>
        %swap3A_889 = vector.shape_cast %get3A_883 : vector<16xf32> to vector<1x16xf32>
        tpu.vector_store %arg9[%swap3A_885, %swap3A_886], %swap3A_889 {strides = array<i32>} : memref<128x128xf32, #tpu.memory_space<vmem>>, vector<1x16xf32>,
        %get3A_890 = arith.constant 77 : i32
        %get3A_891 = arith.index_cast %get3A_890 : i32 to index
        %get3A_892 = arith.constant 0 : index
        %get3A_893 = tpu.vector_load %arg8[%get3A_891, %get3A_892] {strides = array<i32>} : memref<128x16xf32, #tpu.memory_space<vmem>>, vector<1x16xf32>,
        %get3A_894 = vector.shape_cast %get3A_893 : vector<1x16xf32> to vector<16xf32>
        %swap3A_895 = arith.constant 77 : i32
        %swap3A_896 = arith.index_cast %swap3A_895 : i32 to index
        %swap3A_897 = arith.constant 0 : index
        %swap3A_898 = tpu.vector_load %arg9[%swap3A_896, %swap3A_897] {strides = array<i32>} : memref<128x128xf32, #tpu.memory_space<vmem>>, vector<1x16xf32>,
        %swap3A_899 = vector.shape_cast %swap3A_898 : vector<1x16xf32> to vector<16xf32>
        %swap3A_900 = vector.shape_cast %get3A_894 : vector<16xf32> to vector<1x16xf32>
        tpu.vector_store %arg9[%swap3A_896, %swap3A_897], %swap3A_900 {strides = array<i32>} : memref<128x128xf32, #tpu.memory_space<vmem>>, vector<1x16xf32>,
        %get3A_901 = arith.constant 78 : i32
        %get3A_902 = arith.index_cast %get3A_901 : i32 to index
        %get3A_903 = arith.constant 0 : index
        %get3A_904 = tpu.vector_load %arg8[%get3A_902, %get3A_903] {strides = array<i32>} : memref<128x16xf32, #tpu.memory_space<vmem>>, vector<1x16xf32>,
        %get3A_905 = vector.shape_cast %get3A_904 : vector<1x16xf32> to vector<16xf32>
        %swap3A_906 = arith.constant 78 : i32
        %swap3A_907 = arith.index_cast %swap3A_906 : i32 to index
        %swap3A_908 = arith.constant 0 : index
        %swap3A_909 = tpu.vector_load %arg9[%swap3A_907, %swap3A_908] {strides = array<i32>} : memref<128x128xf32, #tpu.memory_space<vmem>>, vector<1x16xf32>,
        %swap3A_910 = vector.shape_cast %swap3A_909 : vector<1x16xf32> to vector<16xf32>
        %swap3A_911 = vector.shape_cast %get3A_905 : vector<16xf32> to vector<1x16xf32>
        tpu.vector_store %arg9[%swap3A_907, %swap3A_908], %swap3A_911 {strides = array<i32>} : memref<128x128xf32, #tpu.memory_space<vmem>>, vector<1x16xf32>,
        %get3A_912 = arith.constant 79 : i32
        %get3A_913 = arith.index_cast %get3A_912 : i32 to index
        %get3A_914 = arith.constant 0 : index
        %get3A_915 = tpu.vector_load %arg8[%get3A_913, %get3A_914] {strides = array<i32>} : memref<128x16xf32, #tpu.memory_space<vmem>>, vector<1x16xf32>,
        %get3A_916 = vector.shape_cast %get3A_915 : vector<1x16xf32> to vector<16xf32>
        %swap3A_917 = arith.constant 79 : i32
        %swap3A_918 = arith.index_cast %swap3A_917 : i32 to index
        %swap3A_919 = arith.constant 0 : index
        %swap3A_920 = tpu.vector_load %arg9[%swap3A_918, %swap3A_919] {strides = array<i32>} : memref<128x128xf32, #tpu.memory_space<vmem>>, vector<1x16xf32>,
        %swap3A_921 = vector.shape_cast %swap3A_920 : vector<1x16xf32> to vector<16xf32>
        %swap3A_922 = vector.shape_cast %get3A_916 : vector<16xf32> to vector<1x16xf32>
        tpu.vector_store %arg9[%swap3A_918, %swap3A_919], %swap3A_922 {strides = array<i32>} : memref<128x128xf32, #tpu.memory_space<vmem>>, vector<1x16xf32>,
        %get3A_923 = arith.constant 80 : i32
        %get3A_924 = arith.index_cast %get3A_923 : i32 to index
        %get3A_925 = arith.constant 0 : index
        %get3A_926 = tpu.vector_load %arg8[%get3A_924, %get3A_925] {strides = array<i32>} : memref<128x16xf32, #tpu.memory_space<vmem>>, vector<1x16xf32>,
        %get3A_927 = vector.shape_cast %get3A_926 : vector<1x16xf32> to vector<16xf32>
        %swap3A_928 = arith.constant 80 : i32
        %swap3A_929 = arith.index_cast %swap3A_928 : i32 to index
        %swap3A_930 = arith.constant 0 : index
        %swap3A_931 = tpu.vector_load %arg9[%swap3A_929, %swap3A_930] {strides = array<i32>} : memref<128x128xf32, #tpu.memory_space<vmem>>, vector<1x16xf32>,
        %swap3A_932 = vector.shape_cast %swap3A_931 : vector<1x16xf32> to vector<16xf32>
        %swap3A_933 = vector.shape_cast %get3A_927 : vector<16xf32> to vector<1x16xf32>
        tpu.vector_store %arg9[%swap3A_929, %swap3A_930], %swap3A_933 {strides = array<i32>} : memref<128x128xf32, #tpu.memory_space<vmem>>, vector<1x16xf32>,
        %get3A_934 = arith.constant 81 : i32
        %get3A_935 = arith.index_cast %get3A_934 : i32 to index
        %get3A_936 = arith.constant 0 : index
        %get3A_937 = tpu.vector_load %arg8[%get3A_935, %get3A_936] {strides = array<i32>} : memref<128x16xf32, #tpu.memory_space<vmem>>, vector<1x16xf32>,
        %get3A_938 = vector.shape_cast %get3A_937 : vector<1x16xf32> to vector<16xf32>
        %swap3A_939 = arith.constant 81 : i32
        %swap3A_940 = arith.index_cast %swap3A_939 : i32 to index
        %swap3A_941 = arith.constant 0 : index
        %swap3A_942 = tpu.vector_load %arg9[%swap3A_940, %swap3A_941] {strides = array<i32>} : memref<128x128xf32, #tpu.memory_space<vmem>>, vector<1x16xf32>,
        %swap3A_943 = vector.shape_cast %swap3A_942 : vector<1x16xf32> to vector<16xf32>
        %swap3A_944 = vector.shape_cast %get3A_938 : vector<16xf32> to vector<1x16xf32>
        tpu.vector_store %arg9[%swap3A_940, %swap3A_941], %swap3A_944 {strides = array<i32>} : memref<128x128xf32, #tpu.memory_space<vmem>>, vector<1x16xf32>,
        %get3A_945 = arith.constant 82 : i32
        %get3A_946 = arith.index_cast %get3A_945 : i32 to index
        %get3A_947 = arith.constant 0 : index
        %get3A_948 = tpu.vector_load %arg8[%get3A_946, %get3A_947] {strides = array<i32>} : memref<128x16xf32, #tpu.memory_space<vmem>>, vector<1x16xf32>,
        %get3A_949 = vector.shape_cast %get3A_948 : vector<1x16xf32> to vector<16xf32>
        %swap3A_950 = arith.constant 82 : i32
        %swap3A_951 = arith.index_cast %swap3A_950 : i32 to index
        %swap3A_952 = arith.constant 0 : index
        %swap3A_953 = tpu.vector_load %arg9[%swap3A_951, %swap3A_952] {strides = array<i32>} : memref<128x128xf32, #tpu.memory_space<vmem>>, vector<1x16xf32>,
        %swap3A_954 = vector.shape_cast %swap3A_953 : vector<1x16xf32> to vector<16xf32>
        %swap3A_955 = vector.shape_cast %get3A_949 : vector<16xf32> to vector<1x16xf32>
        tpu.vector_store %arg9[%swap3A_951, %swap3A_952], %swap3A_955 {strides = array<i32>} : memref<128x128xf32, #tpu.memory_space<vmem>>, vector<1x16xf32>,
        %get3A_956 = arith.constant 83 : i32
        %get3A_957 = arith.index_cast %get3A_956 : i32 to index
        %get3A_958 = arith.constant 0 : index
        %get3A_959 = tpu.vector_load %arg8[%get3A_957, %get3A_958] {strides = array<i32>} : memref<128x16xf32, #tpu.memory_space<vmem>>, vector<1x16xf32>,
        %get3A_960 = vector.shape_cast %get3A_959 : vector<1x16xf32> to vector<16xf32>
        %swap3A_961 = arith.constant 83 : i32
        %swap3A_962 = arith.index_cast %swap3A_961 : i32 to index
        %swap3A_963 = arith.constant 0 : index
        %swap3A_964 = tpu.vector_load %arg9[%swap3A_962, %swap3A_963] {strides = array<i32>} : memref<128x128xf32, #tpu.memory_space<vmem>>, vector<1x16xf32>,
        %swap3A_965 = vector.shape_cast %swap3A_964 : vector<1x16xf32> to vector<16xf32>
        %swap3A_966 = vector.shape_cast %get3A_960 : vector<16xf32> to vector<1x16xf32>
        tpu.vector_store %arg9[%swap3A_962, %swap3A_963], %swap3A_966 {strides = array<i32>} : memref<128x128xf32, #tpu.memory_space<vmem>>, vector<1x16xf32>,
        %get3A_967 = arith.constant 84 : i32
        %get3A_968 = arith.index_cast %get3A_967 : i32 to index
        %get3A_969 = arith.constant 0 : index
        %get3A_970 = tpu.vector_load %arg8[%get3A_968, %get3A_969] {strides = array<i32>} : memref<128x16xf32, #tpu.memory_space<vmem>>, vector<1x16xf32>,
        %get3A_971 = vector.shape_cast %get3A_970 : vector<1x16xf32> to vector<16xf32>
        %swap3A_972 = arith.constant 84 : i32
        %swap3A_973 = arith.index_cast %swap3A_972 : i32 to index
        %swap3A_974 = arith.constant 0 : index
        %swap3A_975 = tpu.vector_load %arg9[%swap3A_973, %swap3A_974] {strides = array<i32>} : memref<128x128xf32, #tpu.memory_space<vmem>>, vector<1x16xf32>,
        %swap3A_976 = vector.shape_cast %swap3A_975 : vector<1x16xf32> to vector<16xf32>
        %swap3A_977 = vector.shape_cast %get3A_971 : vector<16xf32> to vector<1x16xf32>
        tpu.vector_store %arg9[%swap3A_973, %swap3A_974], %swap3A_977 {strides = array<i32>} : memref<128x128xf32, #tpu.memory_space<vmem>>, vector<1x16xf32>,
        %get3A_978 = arith.constant 85 : i32
        %get3A_979 = arith.index_cast %get3A_978 : i32 to index
        %get3A_980 = arith.constant 0 : index
        %get3A_981 = tpu.vector_load %arg8[%get3A_979, %get3A_980] {strides = array<i32>} : memref<128x16xf32, #tpu.memory_space<vmem>>, vector<1x16xf32>,
        %get3A_982 = vector.shape_cast %get3A_981 : vector<1x16xf32> to vector<16xf32>
        %swap3A_983 = arith.constant 85 : i32
        %swap3A_984 = arith.index_cast %swap3A_983 : i32 to index
        %swap3A_985 = arith.constant 0 : index
        %swap3A_986 = tpu.vector_load %arg9[%swap3A_984, %swap3A_985] {strides = array<i32>} : memref<128x128xf32, #tpu.memory_space<vmem>>, vector<1x16xf32>,
        %swap3A_987 = vector.shape_cast %swap3A_986 : vector<1x16xf32> to vector<16xf32>
        %swap3A_988 = vector.shape_cast %get3A_982 : vector<16xf32> to vector<1x16xf32>
        tpu.vector_store %arg9[%swap3A_984, %swap3A_985], %swap3A_988 {strides = array<i32>} : memref<128x128xf32, #tpu.memory_space<vmem>>, vector<1x16xf32>,
        %get3A_989 = arith.constant 86 : i32
        %get3A_990 = arith.index_cast %get3A_989 : i32 to index
        %get3A_991 = arith.constant 0 : index
        %get3A_992 = tpu.vector_load %arg8[%get3A_990, %get3A_991] {strides = array<i32>} : memref<128x16xf32, #tpu.memory_space<vmem>>, vector<1x16xf32>,
        %get3A_993 = vector.shape_cast %get3A_992 : vector<1x16xf32> to vector<16xf32>
        %swap3A_994 = arith.constant 86 : i32
        %swap3A_995 = arith.index_cast %swap3A_994 : i32 to index
        %swap3A_996 = arith.constant 0 : index
        %swap3A_997 = tpu.vector_load %arg9[%swap3A_995, %swap3A_996] {strides = array<i32>} : memref<128x128xf32, #tpu.memory_space<vmem>>, vector<1x16xf32>,
        %swap3A_998 = vector.shape_cast %swap3A_997 : vector<1x16xf32> to vector<16xf32>
        %swap3A_999 = vector.shape_cast %get3A_993 : vector<16xf32> to vector<1x16xf32>
        tpu.vector_store %arg9[%swap3A_995, %swap3A_996], %swap3A_999 {strides = array<i32>} : memref<128x128xf32, #tpu.memory_space<vmem>>, vector<1x16xf32>,
        %get3A_1000 = arith.constant 87 : i32
        %get3A_1001 = arith.index_cast %get3A_1000 : i32 to index
        %get3A_1002 = arith.constant 0 : index
        %get3A_1003 = tpu.vector_load %arg8[%get3A_1001, %get3A_1002] {strides = array<i32>} : memref<128x16xf32, #tpu.memory_space<vmem>>, vector<1x16xf32>,
        %get3A_1004 = vector.shape_cast %get3A_1003 : vector<1x16xf32> to vector<16xf32>
        %swap3A_1005 = arith.constant 87 : i32
        %swap3A_1006 = arith.index_cast %swap3A_1005 : i32 to index
        %swap3A_1007 = arith.constant 0 : index
        %swap3A_1008 = tpu.vector_load %arg9[%swap3A_1006, %swap3A_1007] {strides = array<i32>} : memref<128x128xf32, #tpu.memory_space<vmem>>, vector<1x16xf32>,
        %swap3A_1009 = vector.shape_cast %swap3A_1008 : vector<1x16xf32> to vector<16xf32>
        %swap3A_1010 = vector.shape_cast %get3A_1004 : vector<16xf32> to vector<1x16xf32>
        tpu.vector_store %arg9[%swap3A_1006, %swap3A_1007], %swap3A_1010 {strides = array<i32>} : memref<128x128xf32, #tpu.memory_space<vmem>>, vector<1x16xf32>,
        %get3A_1011 = arith.constant 88 : i32
        %get3A_1012 = arith.index_cast %get3A_1011 : i32 to index
        %get3A_1013 = arith.constant 0 : index
        %get3A_1014 = tpu.vector_load %arg8[%get3A_1012, %get3A_1013] {strides = array<i32>} : memref<128x16xf32, #tpu.memory_space<vmem>>, vector<1x16xf32>,
        %get3A_1015 = vector.shape_cast %get3A_1014 : vector<1x16xf32> to vector<16xf32>
        %swap3A_1016 = arith.constant 88 : i32
        %swap3A_1017 = arith.index_cast %swap3A_1016 : i32 to index
        %swap3A_1018 = arith.constant 0 : index
        %swap3A_1019 = tpu.vector_load %arg9[%swap3A_1017, %swap3A_1018] {strides = array<i32>} : memref<128x128xf32, #tpu.memory_space<vmem>>, vector<1x16xf32>,
        %swap3A_1020 = vector.shape_cast %swap3A_1019 : vector<1x16xf32> to vector<16xf32>
        %swap3A_1021 = vector.shape_cast %get3A_1015 : vector<16xf32> to vector<1x16xf32>
        tpu.vector_store %arg9[%swap3A_1017, %swap3A_1018], %swap3A_1021 {strides = array<i32>} : memref<128x128xf32, #tpu.memory_space<vmem>>, vector<1x16xf32>,
        %get3A_1022 = arith.constant 89 : i32
        %get3A_1023 = arith.index_cast %get3A_1022 : i32 to index
        %get3A_1024 = arith.constant 0 : index
        %get3A_1025 = tpu.vector_load %arg8[%get3A_1023, %get3A_1024] {strides = array<i32>} : memref<128x16xf32, #tpu.memory_space<vmem>>, vector<1x16xf32>,
        %get3A_1026 = vector.shape_cast %get3A_1025 : vector<1x16xf32> to vector<16xf32>
        %swap3A_1027 = arith.constant 89 : i32
        %swap3A_1028 = arith.index_cast %swap3A_1027 : i32 to index
        %swap3A_1029 = arith.constant 0 : index
        %swap3A_1030 = tpu.vector_load %arg9[%swap3A_1028, %swap3A_1029] {strides = array<i32>} : memref<128x128xf32, #tpu.memory_space<vmem>>, vector<1x16xf32>,
        %swap3A_1031 = vector.shape_cast %swap3A_1030 : vector<1x16xf32> to vector<16xf32>
        %swap3A_1032 = vector.shape_cast %get3A_1026 : vector<16xf32> to vector<1x16xf32>
        tpu.vector_store %arg9[%swap3A_1028, %swap3A_1029], %swap3A_1032 {strides = array<i32>} : memref<128x128xf32, #tpu.memory_space<vmem>>, vector<1x16xf32>,
        %get3A_1033 = arith.constant 90 : i32
        %get3A_1034 = arith.index_cast %get3A_1033 : i32 to index
        %get3A_1035 = arith.constant 0 : index
        %get3A_1036 = tpu.vector_load %arg8[%get3A_1034, %get3A_1035] {strides = array<i32>} : memref<128x16xf32, #tpu.memory_space<vmem>>, vector<1x16xf32>,
        %get3A_1037 = vector.shape_cast %get3A_1036 : vector<1x16xf32> to vector<16xf32>
        %swap3A_1038 = arith.constant 90 : i32
        %swap3A_1039 = arith.index_cast %swap3A_1038 : i32 to index
        %swap3A_1040 = arith.constant 0 : index
        %swap3A_1041 = tpu.vector_load %arg9[%swap3A_1039, %swap3A_1040] {strides = array<i32>} : memref<128x128xf32, #tpu.memory_space<vmem>>, vector<1x16xf32>,
        %swap3A_1042 = vector.shape_cast %swap3A_1041 : vector<1x16xf32> to vector<16xf32>
        %swap3A_1043 = vector.shape_cast %get3A_1037 : vector<16xf32> to vector<1x16xf32>
        tpu.vector_store %arg9[%swap3A_1039, %swap3A_1040], %swap3A_1043 {strides = array<i32>} : memref<128x128xf32, #tpu.memory_space<vmem>>, vector<1x16xf32>,
        %get3A_1044 = arith.constant 91 : i32
        %get3A_1045 = arith.index_cast %get3A_1044 : i32 to index
        %get3A_1046 = arith.constant 0 : index
        %get3A_1047 = tpu.vector_load %arg8[%get3A_1045, %get3A_1046] {strides = array<i32>} : memref<128x16xf32, #tpu.memory_space<vmem>>, vector<1x16xf32>,
        %get3A_1048 = vector.shape_cast %get3A_1047 : vector<1x16xf32> to vector<16xf32>
        %swap3A_1049 = arith.constant 91 : i32
        %swap3A_1050 = arith.index_cast %swap3A_1049 : i32 to index
        %swap3A_1051 = arith.constant 0 : index
        %swap3A_1052 = tpu.vector_load %arg9[%swap3A_1050, %swap3A_1051] {strides = array<i32>} : memref<128x128xf32, #tpu.memory_space<vmem>>, vector<1x16xf32>,
        %swap3A_1053 = vector.shape_cast %swap3A_1052 : vector<1x16xf32> to vector<16xf32>
        %swap3A_1054 = vector.shape_cast %get3A_1048 : vector<16xf32> to vector<1x16xf32>
        tpu.vector_store %arg9[%swap3A_1050, %swap3A_1051], %swap3A_1054 {strides = array<i32>} : memref<128x128xf32, #tpu.memory_space<vmem>>, vector<1x16xf32>,
        %get3A_1055 = arith.constant 92 : i32
        %get3A_1056 = arith.index_cast %get3A_1055 : i32 to index
        %get3A_1057 = arith.constant 0 : index
        %get3A_1058 = tpu.vector_load %arg8[%get3A_1056, %get3A_1057] {strides = array<i32>} : memref<128x16xf32, #tpu.memory_space<vmem>>, vector<1x16xf32>,
        %get3A_1059 = vector.shape_cast %get3A_1058 : vector<1x16xf32> to vector<16xf32>
        %swap3A_1060 = arith.constant 92 : i32
        %swap3A_1061 = arith.index_cast %swap3A_1060 : i32 to index
        %swap3A_1062 = arith.constant 0 : index
        %swap3A_1063 = tpu.vector_load %arg9[%swap3A_1061, %swap3A_1062] {strides = array<i32>} : memref<128x128xf32, #tpu.memory_space<vmem>>, vector<1x16xf32>,
        %swap3A_1064 = vector.shape_cast %swap3A_1063 : vector<1x16xf32> to vector<16xf32>
        %swap3A_1065 = vector.shape_cast %get3A_1059 : vector<16xf32> to vector<1x16xf32>
        tpu.vector_store %arg9[%swap3A_1061, %swap3A_1062], %swap3A_1065 {strides = array<i32>} : memref<128x128xf32, #tpu.memory_space<vmem>>, vector<1x16xf32>,
        %get3A_1066 = arith.constant 93 : i32
        %get3A_1067 = arith.index_cast %get3A_1066 : i32 to index
        %get3A_1068 = arith.constant 0 : index
        %get3A_1069 = tpu.vector_load %arg8[%get3A_1067, %get3A_1068] {strides = array<i32>} : memref<128x16xf32, #tpu.memory_space<vmem>>, vector<1x16xf32>,
        %get3A_1070 = vector.shape_cast %get3A_1069 : vector<1x16xf32> to vector<16xf32>
        %swap3A_1071 = arith.constant 93 : i32
        %swap3A_1072 = arith.index_cast %swap3A_1071 : i32 to index
        %swap3A_1073 = arith.constant 0 : index
        %swap3A_1074 = tpu.vector_load %arg9[%swap3A_1072, %swap3A_1073] {strides = array<i32>} : memref<128x128xf32, #tpu.memory_space<vmem>>, vector<1x16xf32>,
        %swap3A_1075 = vector.shape_cast %swap3A_1074 : vector<1x16xf32> to vector<16xf32>
        %swap3A_1076 = vector.shape_cast %get3A_1070 : vector<16xf32> to vector<1x16xf32>
        tpu.vector_store %arg9[%swap3A_1072, %swap3A_1073], %swap3A_1076 {strides = array<i32>} : memref<128x128xf32, #tpu.memory_space<vmem>>, vector<1x16xf32>,
        %get3A_1077 = arith.constant 94 : i32
        %get3A_1078 = arith.index_cast %get3A_1077 : i32 to index
        %get3A_1079 = arith.constant 0 : index
        %get3A_1080 = tpu.vector_load %arg8[%get3A_1078, %get3A_1079] {strides = array<i32>} : memref<128x16xf32, #tpu.memory_space<vmem>>, vector<1x16xf32>,
        %get3A_1081 = vector.shape_cast %get3A_1080 : vector<1x16xf32> to vector<16xf32>
        %swap3A_1082 = arith.constant 94 : i32
        %swap3A_1083 = arith.index_cast %swap3A_1082 : i32 to index
        %swap3A_1084 = arith.constant 0 : index
        %swap3A_1085 = tpu.vector_load %arg9[%swap3A_1083, %swap3A_1084] {strides = array<i32>} : memref<128x128xf32, #tpu.memory_space<vmem>>, vector<1x16xf32>,
        %swap3A_1086 = vector.shape_cast %swap3A_1085 : vector<1x16xf32> to vector<16xf32>
        %swap3A_1087 = vector.shape_cast %get3A_1081 : vector<16xf32> to vector<1x16xf32>
        tpu.vector_store %arg9[%swap3A_1083, %swap3A_1084], %swap3A_1087 {strides = array<i32>} : memref<128x128xf32, #tpu.memory_space<vmem>>, vector<1x16xf32>,
        %get3A_1088 = arith.constant 95 : i32
        %get3A_1089 = arith.index_cast %get3A_1088 : i32 to index
        %get3A_1090 = arith.constant 0 : index
        %get3A_1091 = tpu.vector_load %arg8[%get3A_1089, %get3A_1090] {strides = array<i32>} : memref<128x16xf32, #tpu.memory_space<vmem>>, vector<1x16xf32>,
        %get3A_1092 = vector.shape_cast %get3A_1091 : vector<1x16xf32> to vector<16xf32>
        %swap3A_1093 = arith.constant 95 : i32
        %swap3A_1094 = arith.index_cast %swap3A_1093 : i32 to index
        %swap3A_1095 = arith.constant 0 : index
        %swap3A_1096 = tpu.vector_load %arg9[%swap3A_1094, %swap3A_1095] {strides = array<i32>} : memref<128x128xf32, #tpu.memory_space<vmem>>, vector<1x16xf32>,
        %swap3A_1097 = vector.shape_cast %swap3A_1096 : vector<1x16xf32> to vector<16xf32>
        %swap3A_1098 = vector.shape_cast %get3A_1092 : vector<16xf32> to vector<1x16xf32>
        tpu.vector_store %arg9[%swap3A_1094, %swap3A_1095], %swap3A_1098 {strides = array<i32>} : memref<128x128xf32, #tpu.memory_space<vmem>>, vector<1x16xf32>,
        %get3A_1099 = arith.constant 96 : i32
        %get3A_1100 = arith.index_cast %get3A_1099 : i32 to index
        %get3A_1101 = arith.constant 0 : index
        %get3A_1102 = tpu.vector_load %arg8[%get3A_1100, %get3A_1101] {strides = array<i32>} : memref<128x16xf32, #tpu.memory_space<vmem>>, vector<1x16xf32>,
        %get3A_1103 = vector.shape_cast %get3A_1102 : vector<1x16xf32> to vector<16xf32>
        %swap3A_1104 = arith.constant 96 : i32
        %swap3A_1105 = arith.index_cast %swap3A_1104 : i32 to index
        %swap3A_1106 = arith.constant 0 : index
        %swap3A_1107 = tpu.vector_load %arg9[%swap3A_1105, %swap3A_1106] {strides = array<i32>} : memref<128x128xf32, #tpu.memory_space<vmem>>, vector<1x16xf32>,
        %swap3A_1108 = vector.shape_cast %swap3A_1107 : vector<1x16xf32> to vector<16xf32>
        %swap3A_1109 = vector.shape_cast %get3A_1103 : vector<16xf32> to vector<1x16xf32>
        tpu.vector_store %arg9[%swap3A_1105, %swap3A_1106], %swap3A_1109 {strides = array<i32>} : memref<128x128xf32, #tpu.memory_space<vmem>>, vector<1x16xf32>,
        %get3A_1110 = arith.constant 97 : i32
        %get3A_1111 = arith.index_cast %get3A_1110 : i32 to index
        %get3A_1112 = arith.constant 0 : index
        %get3A_1113 = tpu.vector_load %arg8[%get3A_1111, %get3A_1112] {strides = array<i32>} : memref<128x16xf32, #tpu.memory_space<vmem>>, vector<1x16xf32>,
        %get3A_1114 = vector.shape_cast %get3A_1113 : vector<1x16xf32> to vector<16xf32>
        %swap3A_1115 = arith.constant 97 : i32
        %swap3A_1116 = arith.index_cast %swap3A_1115 : i32 to index
        %swap3A_1117 = arith.constant 0 : index
        %swap3A_1118 = tpu.vector_load %arg9[%swap3A_1116, %swap3A_1117] {strides = array<i32>} : memref<128x128xf32, #tpu.memory_space<vmem>>, vector<1x16xf32>,
        %swap3A_1119 = vector.shape_cast %swap3A_1118 : vector<1x16xf32> to vector<16xf32>
        %swap3A_1120 = vector.shape_cast %get3A_1114 : vector<16xf32> to vector<1x16xf32>
        tpu.vector_store %arg9[%swap3A_1116, %swap3A_1117], %swap3A_1120 {strides = array<i32>} : memref<128x128xf32, #tpu.memory_space<vmem>>, vector<1x16xf32>,
        %get3A_1121 = arith.constant 98 : i32
        %get3A_1122 = arith.index_cast %get3A_1121 : i32 to index
        %get3A_1123 = arith.constant 0 : index
        %get3A_1124 = tpu.vector_load %arg8[%get3A_1122, %get3A_1123] {strides = array<i32>} : memref<128x16xf32, #tpu.memory_space<vmem>>, vector<1x16xf32>,
        %get3A_1125 = vector.shape_cast %get3A_1124 : vector<1x16xf32> to vector<16xf32>
        %swap3A_1126 = arith.constant 98 : i32
        %swap3A_1127 = arith.index_cast %swap3A_1126 : i32 to index
        %swap3A_1128 = arith.constant 0 : index
        %swap3A_1129 = tpu.vector_load %arg9[%swap3A_1127, %swap3A_1128] {strides = array<i32>} : memref<128x128xf32, #tpu.memory_space<vmem>>, vector<1x16xf32>,
        %swap3A_1130 = vector.shape_cast %swap3A_1129 : vector<1x16xf32> to vector<16xf32>
        %swap3A_1131 = vector.shape_cast %get3A_1125 : vector<16xf32> to vector<1x16xf32>
        tpu.vector_store %arg9[%swap3A_1127, %swap3A_1128], %swap3A_1131 {strides = array<i32>} : memref<128x128xf32, #tpu.memory_space<vmem>>, vector<1x16xf32>,
        %get3A_1132 = arith.constant 99 : i32
        %get3A_1133 = arith.index_cast %get3A_1132 : i32 to index
        %get3A_1134 = arith.constant 0 : index
        %get3A_1135 = tpu.vector_load %arg8[%get3A_1133, %get3A_1134] {strides = array<i32>} : memref<128x16xf32, #tpu.memory_space<vmem>>, vector<1x16xf32>,
        %get3A_1136 = vector.shape_cast %get3A_1135 : vector<1x16xf32> to vector<16xf32>
        %swap3A_1137 = arith.constant 99 : i32
        %swap3A_1138 = arith.index_cast %swap3A_1137 : i32 to index
        %swap3A_1139 = arith.constant 0 : index
        %swap3A_1140 = tpu.vector_load %arg9[%swap3A_1138, %swap3A_1139] {strides = array<i32>} : memref<128x128xf32, #tpu.memory_space<vmem>>, vector<1x16xf32>,
        %swap3A_1141 = vector.shape_cast %swap3A_1140 : vector<1x16xf32> to vector<16xf32>
        %swap3A_1142 = vector.shape_cast %get3A_1136 : vector<16xf32> to vector<1x16xf32>
        tpu.vector_store %arg9[%swap3A_1138, %swap3A_1139], %swap3A_1142 {strides = array<i32>} : memref<128x128xf32, #tpu.memory_space<vmem>>, vector<1x16xf32>,
        %get3A_1143 = arith.constant 100 : i32
        %get3A_1144 = arith.index_cast %get3A_1143 : i32 to index
        %get3A_1145 = arith.constant 0 : index
        %get3A_1146 = tpu.vector_load %arg8[%get3A_1144, %get3A_1145] {strides = array<i32>} : memref<128x16xf32, #tpu.memory_space<vmem>>, vector<1x16xf32>,
        %get3A_1147 = vector.shape_cast %get3A_1146 : vector<1x16xf32> to vector<16xf32>
        %swap3A_1148 = arith.constant 100 : i32
        %swap3A_1149 = arith.index_cast %swap3A_1148 : i32 to index
        %swap3A_1150 = arith.constant 0 : index
        %swap3A_1151 = tpu.vector_load %arg9[%swap3A_1149, %swap3A_1150] {strides = array<i32>} : memref<128x128xf32, #tpu.memory_space<vmem>>, vector<1x16xf32>,
        %swap3A_1152 = vector.shape_cast %swap3A_1151 : vector<1x16xf32> to vector<16xf32>
        %swap3A_1153 = vector.shape_cast %get3A_1147 : vector<16xf32> to vector<1x16xf32>
        tpu.vector_store %arg9[%swap3A_1149, %swap3A_1150], %swap3A_1153 {strides = array<i32>} : memref<128x128xf32, #tpu.memory_space<vmem>>, vector<1x16xf32>,
        %get3A_1154 = arith.constant 101 : i32
        %get3A_1155 = arith.index_cast %get3A_1154 : i32 to index
        %get3A_1156 = arith.constant 0 : index
        %get3A_1157 = tpu.vector_load %arg8[%get3A_1155, %get3A_1156] {strides = array<i32>} : memref<128x16xf32, #tpu.memory_space<vmem>>, vector<1x16xf32>,
        %get3A_1158 = vector.shape_cast %get3A_1157 : vector<1x16xf32> to vector<16xf32>
        %swap3A_1159 = arith.constant 101 : i32
        %swap3A_1160 = arith.index_cast %swap3A_1159 : i32 to index
        %swap3A_1161 = arith.constant 0 : index
        %swap3A_1162 = tpu.vector_load %arg9[%swap3A_1160, %swap3A_1161] {strides = array<i32>} : memref<128x128xf32, #tpu.memory_space<vmem>>, vector<1x16xf32>,
        %swap3A_1163 = vector.shape_cast %swap3A_1162 : vector<1x16xf32> to vector<16xf32>
        %swap3A_1164 = vector.shape_cast %get3A_1158 : vector<16xf32> to vector<1x16xf32>
        tpu.vector_store %arg9[%swap3A_1160, %swap3A_1161], %swap3A_1164 {strides = array<i32>} : memref<128x128xf32, #tpu.memory_space<vmem>>, vector<1x16xf32>,
        %get3A_1165 = arith.constant 102 : i32
        %get3A_1166 = arith.index_cast %get3A_1165 : i32 to index
        %get3A_1167 = arith.constant 0 : index
        %get3A_1168 = tpu.vector_load %arg8[%get3A_1166, %get3A_1167] {strides = array<i32>} : memref<128x16xf32, #tpu.memory_space<vmem>>, vector<1x16xf32>,
        %get3A_1169 = vector.shape_cast %get3A_1168 : vector<1x16xf32> to vector<16xf32>
        %swap3A_1170 = arith.constant 102 : i32
        %swap3A_1171 = arith.index_cast %swap3A_1170 : i32 to index
        %swap3A_1172 = arith.constant 0 : index
        %swap3A_1173 = tpu.vector_load %arg9[%swap3A_1171, %swap3A_1172] {strides = array<i32>} : memref<128x128xf32, #tpu.memory_space<vmem>>, vector<1x16xf32>,
        %swap3A_1174 = vector.shape_cast %swap3A_1173 : vector<1x16xf32> to vector<16xf32>
        %swap3A_1175 = vector.shape_cast %get3A_1169 : vector<16xf32> to vector<1x16xf32>
        tpu.vector_store %arg9[%swap3A_1171, %swap3A_1172], %swap3A_1175 {strides = array<i32>} : memref<128x128xf32, #tpu.memory_space<vmem>>, vector<1x16xf32>,
        %get3A_1176 = arith.constant 103 : i32
        %get3A_1177 = arith.index_cast %get3A_1176 : i32 to index
        %get3A_1178 = arith.constant 0 : index
        %get3A_1179 = tpu.vector_load %arg8[%get3A_1177, %get3A_1178] {strides = array<i32>} : memref<128x16xf32, #tpu.memory_space<vmem>>, vector<1x16xf32>,
        %get3A_1180 = vector.shape_cast %get3A_1179 : vector<1x16xf32> to vector<16xf32>
        %swap3A_1181 = arith.constant 103 : i32
        %swap3A_1182 = arith.index_cast %swap3A_1181 : i32 to index
        %swap3A_1183 = arith.constant 0 : index
        %swap3A_1184 = tpu.vector_load %arg9[%swap3A_1182, %swap3A_1183] {strides = array<i32>} : memref<128x128xf32, #tpu.memory_space<vmem>>, vector<1x16xf32>,
        %swap3A_1185 = vector.shape_cast %swap3A_1184 : vector<1x16xf32> to vector<16xf32>
        %swap3A_1186 = vector.shape_cast %get3A_1180 : vector<16xf32> to vector<1x16xf32>
        tpu.vector_store %arg9[%swap3A_1182, %swap3A_1183], %swap3A_1186 {strides = array<i32>} : memref<128x128xf32, #tpu.memory_space<vmem>>, vector<1x16xf32>,
        %get3A_1187 = arith.constant 104 : i32
        %get3A_1188 = arith.index_cast %get3A_1187 : i32 to index
        %get3A_1189 = arith.constant 0 : index
        %get3A_1190 = tpu.vector_load %arg8[%get3A_1188, %get3A_1189] {strides = array<i32>} : memref<128x16xf32, #tpu.memory_space<vmem>>, vector<1x16xf32>,
        %get3A_1191 = vector.shape_cast %get3A_1190 : vector<1x16xf32> to vector<16xf32>
        %swap3A_1192 = arith.constant 104 : i32
        %swap3A_1193 = arith.index_cast %swap3A_1192 : i32 to index
        %swap3A_1194 = arith.constant 0 : index
        %swap3A_1195 = tpu.vector_load %arg9[%swap3A_1193, %swap3A_1194] {strides = array<i32>} : memref<128x128xf32, #tpu.memory_space<vmem>>, vector<1x16xf32>,
        %swap3A_1196 = vector.shape_cast %swap3A_1195 : vector<1x16xf32> to vector<16xf32>
        %swap3A_1197 = vector.shape_cast %get3A_1191 : vector<16xf32> to vector<1x16xf32>
        tpu.vector_store %arg9[%swap3A_1193, %swap3A_1194], %swap3A_1197 {strides = array<i32>} : memref<128x128xf32, #tpu.memory_space<vmem>>, vector<1x16xf32>,
        %get3A_1198 = arith.constant 105 : i32
        %get3A_1199 = arith.index_cast %get3A_1198 : i32 to index
        %get3A_1200 = arith.constant 0 : index
        %get3A_1201 = tpu.vector_load %arg8[%get3A_1199, %get3A_1200] {strides = array<i32>} : memref<128x16xf32, #tpu.memory_space<vmem>>, vector<1x16xf32>,
        %get3A_1202 = vector.shape_cast %get3A_1201 : vector<1x16xf32> to vector<16xf32>
        %swap3A_1203 = arith.constant 105 : i32
        %swap3A_1204 = arith.index_cast %swap3A_1203 : i32 to index
        %swap3A_1205 = arith.constant 0 : index
        %swap3A_1206 = tpu.vector_load %arg9[%swap3A_1204, %swap3A_1205] {strides = array<i32>} : memref<128x128xf32, #tpu.memory_space<vmem>>, vector<1x16xf32>,
        %swap3A_1207 = vector.shape_cast %swap3A_1206 : vector<1x16xf32> to vector<16xf32>
        %swap3A_1208 = vector.shape_cast %get3A_1202 : vector<16xf32> to vector<1x16xf32>
        tpu.vector_store %arg9[%swap3A_1204, %swap3A_1205], %swap3A_1208 {strides = array<i32>} : memref<128x128xf32, #tpu.memory_space<vmem>>, vector<1x16xf32>,
        %get3A_1209 = arith.constant 106 : i32
        %get3A_1210 = arith.index_cast %get3A_1209 : i32 to index
        %get3A_1211 = arith.constant 0 : index
        %get3A_1212 = tpu.vector_load %arg8[%get3A_1210, %get3A_1211] {strides = array<i32>} : memref<128x16xf32, #tpu.memory_space<vmem>>, vector<1x16xf32>,
        %get3A_1213 = vector.shape_cast %get3A_1212 : vector<1x16xf32> to vector<16xf32>
        %swap3A_1214 = arith.constant 106 : i32
        %swap3A_1215 = arith.index_cast %swap3A_1214 : i32 to index
        %swap3A_1216 = arith.constant 0 : index
        %swap3A_1217 = tpu.vector_load %arg9[%swap3A_1215, %swap3A_1216] {strides = array<i32>} : memref<128x128xf32, #tpu.memory_space<vmem>>, vector<1x16xf32>,
        %swap3A_1218 = vector.shape_cast %swap3A_1217 : vector<1x16xf32> to vector<16xf32>
        %swap3A_1219 = vector.shape_cast %get3A_1213 : vector<16xf32> to vector<1x16xf32>
        tpu.vector_store %arg9[%swap3A_1215, %swap3A_1216], %swap3A_1219 {strides = array<i32>} : memref<128x128xf32, #tpu.memory_space<vmem>>, vector<1x16xf32>,
        %get3A_1220 = arith.constant 107 : i32
        %get3A_1221 = arith.index_cast %get3A_1220 : i32 to index
        %get3A_1222 = arith.constant 0 : index
        %get3A_1223 = tpu.vector_load %arg8[%get3A_1221, %get3A_1222] {strides = array<i32>} : memref<128x16xf32, #tpu.memory_space<vmem>>, vector<1x16xf32>,
        %get3A_1224 = vector.shape_cast %get3A_1223 : vector<1x16xf32> to vector<16xf32>
        %swap3A_1225 = arith.constant 107 : i32
        %swap3A_1226 = arith.index_cast %swap3A_1225 : i32 to index
        %swap3A_1227 = arith.constant 0 : index
        %swap3A_1228 = tpu.vector_load %arg9[%swap3A_1226, %swap3A_1227] {strides = array<i32>} : memref<128x128xf32, #tpu.memory_space<vmem>>, vector<1x16xf32>,
        %swap3A_1229 = vector.shape_cast %swap3A_1228 : vector<1x16xf32> to vector<16xf32>
        %swap3A_1230 = vector.shape_cast %get3A_1224 : vector<16xf32> to vector<1x16xf32>
        tpu.vector_store %arg9[%swap3A_1226, %swap3A_1227], %swap3A_1230 {strides = array<i32>} : memref<128x128xf32, #tpu.memory_space<vmem>>, vector<1x16xf32>,
        %get3A_1231 = arith.constant 108 : i32
        %get3A_1232 = arith.index_cast %get3A_1231 : i32 to index
        %get3A_1233 = arith.constant 0 : index
        %get3A_1234 = tpu.vector_load %arg8[%get3A_1232, %get3A_1233] {strides = array<i32>} : memref<128x16xf32, #tpu.memory_space<vmem>>, vector<1x16xf32>,
        %get3A_1235 = vector.shape_cast %get3A_1234 : vector<1x16xf32> to vector<16xf32>
        %swap3A_1236 = arith.constant 108 : i32
        %swap3A_1237 = arith.index_cast %swap3A_1236 : i32 to index
        %swap3A_1238 = arith.constant 0 : index
        %swap3A_1239 = tpu.vector_load %arg9[%swap3A_1237, %swap3A_1238] {strides = array<i32>} : memref<128x128xf32, #tpu.memory_space<vmem>>, vector<1x16xf32>,
        %swap3A_1240 = vector.shape_cast %swap3A_1239 : vector<1x16xf32> to vector<16xf32>
        %swap3A_1241 = vector.shape_cast %get3A_1235 : vector<16xf32> to vector<1x16xf32>
        tpu.vector_store %arg9[%swap3A_1237, %swap3A_1238], %swap3A_1241 {strides = array<i32>} : memref<128x128xf32, #tpu.memory_space<vmem>>, vector<1x16xf32>,
        %get3A_1242 = arith.constant 109 : i32
        %get3A_1243 = arith.index_cast %get3A_1242 : i32 to index
        %get3A_1244 = arith.constant 0 : index
        %get3A_1245 = tpu.vector_load %arg8[%get3A_1243, %get3A_1244] {strides = array<i32>} : memref<128x16xf32, #tpu.memory_space<vmem>>, vector<1x16xf32>,
        %get3A_1246 = vector.shape_cast %get3A_1245 : vector<1x16xf32> to vector<16xf32>
        %swap3A_1247 = arith.constant 109 : i32
        %swap3A_1248 = arith.index_cast %swap3A_1247 : i32 to index
        %swap3A_1249 = arith.constant 0 : index
        %swap3A_1250 = tpu.vector_load %arg9[%swap3A_1248, %swap3A_1249] {strides = array<i32>} : memref<128x128xf32, #tpu.memory_space<vmem>>, vector<1x16xf32>,
        %swap3A_1251 = vector.shape_cast %swap3A_1250 : vector<1x16xf32> to vector<16xf32>
        %swap3A_1252 = vector.shape_cast %get3A_1246 : vector<16xf32> to vector<1x16xf32>
        tpu.vector_store %arg9[%swap3A_1248, %swap3A_1249], %swap3A_1252 {strides = array<i32>} : memref<128x128xf32, #tpu.memory_space<vmem>>, vector<1x16xf32>,
        %get3A_1253 = arith.constant 110 : i32
        %get3A_1254 = arith.index_cast %get3A_1253 : i32 to index
        %get3A_1255 = arith.constant 0 : index
        %get3A_1256 = tpu.vector_load %arg8[%get3A_1254, %get3A_1255] {strides = array<i32>} : memref<128x16xf32, #tpu.memory_space<vmem>>, vector<1x16xf32>,
        %get3A_1257 = vector.shape_cast %get3A_1256 : vector<1x16xf32> to vector<16xf32>
        %swap3A_1258 = arith.constant 110 : i32
        %swap3A_1259 = arith.index_cast %swap3A_1258 : i32 to index
        %swap3A_1260 = arith.constant 0 : index
        %swap3A_1261 = tpu.vector_load %arg9[%swap3A_1259, %swap3A_1260] {strides = array<i32>} : memref<128x128xf32, #tpu.memory_space<vmem>>, vector<1x16xf32>,
        %swap3A_1262 = vector.shape_cast %swap3A_1261 : vector<1x16xf32> to vector<16xf32>
        %swap3A_1263 = vector.shape_cast %get3A_1257 : vector<16xf32> to vector<1x16xf32>
        tpu.vector_store %arg9[%swap3A_1259, %swap3A_1260], %swap3A_1263 {strides = array<i32>} : memref<128x128xf32, #tpu.memory_space<vmem>>, vector<1x16xf32>,
        %get3A_1264 = arith.constant 111 : i32
        %get3A_1265 = arith.index_cast %get3A_1264 : i32 to index
        %get3A_1266 = arith.constant 0 : index
        %get3A_1267 = tpu.vector_load %arg8[%get3A_1265, %get3A_1266] {strides = array<i32>} : memref<128x16xf32, #tpu.memory_space<vmem>>, vector<1x16xf32>,
        %get3A_1268 = vector.shape_cast %get3A_1267 : vector<1x16xf32> to vector<16xf32>
        %swap3A_1269 = arith.constant 111 : i32
        %swap3A_1270 = arith.index_cast %swap3A_1269 : i32 to index
        %swap3A_1271 = arith.constant 0 : index
        %swap3A_1272 = tpu.vector_load %arg9[%swap3A_1270, %swap3A_1271] {strides = array<i32>} : memref<128x128xf32, #tpu.memory_space<vmem>>, vector<1x16xf32>,
        %swap3A_1273 = vector.shape_cast %swap3A_1272 : vector<1x16xf32> to vector<16xf32>
        %swap3A_1274 = vector.shape_cast %get3A_1268 : vector<16xf32> to vector<1x16xf32>
        tpu.vector_store %arg9[%swap3A_1270, %swap3A_1271], %swap3A_1274 {strides = array<i32>} : memref<128x128xf32, #tpu.memory_space<vmem>>, vector<1x16xf32>,
        %get3A_1275 = arith.constant 112 : i32
        %get3A_1276 = arith.index_cast %get3A_1275 : i32 to index
        %get3A_1277 = arith.constant 0 : index
        %get3A_1278 = tpu.vector_load %arg8[%get3A_1276, %get3A_1277] {strides = array<i32>} : memref<128x16xf32, #tpu.memory_space<vmem>>, vector<1x16xf32>,
        %get3A_1279 = vector.shape_cast %get3A_1278 : vector<1x16xf32> to vector<16xf32>
        %swap3A_1280 = arith.constant 112 : i32
        %swap3A_1281 = arith.index_cast %swap3A_1280 : i32 to index
        %swap3A_1282 = arith.constant 0 : index
        %swap3A_1283 = tpu.vector_load %arg9[%swap3A_1281, %swap3A_1282] {strides = array<i32>} : memref<128x128xf32, #tpu.memory_space<vmem>>, vector<1x16xf32>,
        %swap3A_1284 = vector.shape_cast %swap3A_1283 : vector<1x16xf32> to vector<16xf32>
        %swap3A_1285 = vector.shape_cast %get3A_1279 : vector<16xf32> to vector<1x16xf32>
        tpu.vector_store %arg9[%swap3A_1281, %swap3A_1282], %swap3A_1285 {strides = array<i32>} : memref<128x128xf32, #tpu.memory_space<vmem>>, vector<1x16xf32>,
        %get3A_1286 = arith.constant 113 : i32
        %get3A_1287 = arith.index_cast %get3A_1286 : i32 to index
        %get3A_1288 = arith.constant 0 : index
        %get3A_1289 = tpu.vector_load %arg8[%get3A_1287, %get3A_1288] {strides = array<i32>} : memref<128x16xf32, #tpu.memory_space<vmem>>, vector<1x16xf32>,
        %get3A_1290 = vector.shape_cast %get3A_1289 : vector<1x16xf32> to vector<16xf32>
        %swap3A_1291 = arith.constant 113 : i32
        %swap3A_1292 = arith.index_cast %swap3A_1291 : i32 to index
        %swap3A_1293 = arith.constant 0 : index
        %swap3A_1294 = tpu.vector_load %arg9[%swap3A_1292, %swap3A_1293] {strides = array<i32>} : memref<128x128xf32, #tpu.memory_space<vmem>>, vector<1x16xf32>,
        %swap3A_1295 = vector.shape_cast %swap3A_1294 : vector<1x16xf32> to vector<16xf32>
        %swap3A_1296 = vector.shape_cast %get3A_1290 : vector<16xf32> to vector<1x16xf32>
        tpu.vector_store %arg9[%swap3A_1292, %swap3A_1293], %swap3A_1296 {strides = array<i32>} : memref<128x128xf32, #tpu.memory_space<vmem>>, vector<1x16xf32>,
        %get3A_1297 = arith.constant 114 : i32
        %get3A_1298 = arith.index_cast %get3A_1297 : i32 to index
        %get3A_1299 = arith.constant 0 : index
        %get3A_1300 = tpu.vector_load %arg8[%get3A_1298, %get3A_1299] {strides = array<i32>} : memref<128x16xf32, #tpu.memory_space<vmem>>, vector<1x16xf32>,
        %get3A_1301 = vector.shape_cast %get3A_1300 : vector<1x16xf32> to vector<16xf32>
        %swap3A_1302 = arith.constant 114 : i32
        %swap3A_1303 = arith.index_cast %swap3A_1302 : i32 to index
        %swap3A_1304 = arith.constant 0 : index
        %swap3A_1305 = tpu.vector_load %arg9[%swap3A_1303, %swap3A_1304] {strides = array<i32>} : memref<128x128xf32, #tpu.memory_space<vmem>>, vector<1x16xf32>,
        %swap3A_1306 = vector.shape_cast %swap3A_1305 : vector<1x16xf32> to vector<16xf32>
        %swap3A_1307 = vector.shape_cast %get3A_1301 : vector<16xf32> to vector<1x16xf32>
        tpu.vector_store %arg9[%swap3A_1303, %swap3A_1304], %swap3A_1307 {strides = array<i32>} : memref<128x128xf32, #tpu.memory_space<vmem>>, vector<1x16xf32>,
        %get3A_1308 = arith.constant 115 : i32
        %get3A_1309 = arith.index_cast %get3A_1308 : i32 to index
        %get3A_1310 = arith.constant 0 : index
        %get3A_1311 = tpu.vector_load %arg8[%get3A_1309, %get3A_1310] {strides = array<i32>} : memref<128x16xf32, #tpu.memory_space<vmem>>, vector<1x16xf32>,
        %get3A_1312 = vector.shape_cast %get3A_1311 : vector<1x16xf32> to vector<16xf32>
        %swap3A_1313 = arith.constant 115 : i32
        %swap3A_1314 = arith.index_cast %swap3A_1313 : i32 to index
        %swap3A_1315 = arith.constant 0 : index
        %swap3A_1316 = tpu.vector_load %arg9[%swap3A_1314, %swap3A_1315] {strides = array<i32>} : memref<128x128xf32, #tpu.memory_space<vmem>>, vector<1x16xf32>,
        %swap3A_1317 = vector.shape_cast %swap3A_1316 : vector<1x16xf32> to vector<16xf32>
        %swap3A_1318 = vector.shape_cast %get3A_1312 : vector<16xf32> to vector<1x16xf32>
        tpu.vector_store %arg9[%swap3A_1314, %swap3A_1315], %swap3A_1318 {strides = array<i32>} : memref<128x128xf32, #tpu.memory_space<vmem>>, vector<1x16xf32>,
        %get3A_1319 = arith.constant 116 : i32
        %get3A_1320 = arith.index_cast %get3A_1319 : i32 to index
        %get3A_1321 = arith.constant 0 : index
        %get3A_1322 = tpu.vector_load %arg8[%get3A_1320, %get3A_1321] {strides = array<i32>} : memref<128x16xf32, #tpu.memory_space<vmem>>, vector<1x16xf32>,
        %get3A_1323 = vector.shape_cast %get3A_1322 : vector<1x16xf32> to vector<16xf32>
        %swap3A_1324 = arith.constant 116 : i32
        %swap3A_1325 = arith.index_cast %swap3A_1324 : i32 to index
        %swap3A_1326 = arith.constant 0 : index
        %swap3A_1327 = tpu.vector_load %arg9[%swap3A_1325, %swap3A_1326] {strides = array<i32>} : memref<128x128xf32, #tpu.memory_space<vmem>>, vector<1x16xf32>,
        %swap3A_1328 = vector.shape_cast %swap3A_1327 : vector<1x16xf32> to vector<16xf32>
        %swap3A_1329 = vector.shape_cast %get3A_1323 : vector<16xf32> to vector<1x16xf32>
        tpu.vector_store %arg9[%swap3A_1325, %swap3A_1326], %swap3A_1329 {strides = array<i32>} : memref<128x128xf32, #tpu.memory_space<vmem>>, vector<1x16xf32>,
        %get3A_1330 = arith.constant 117 : i32
        %get3A_1331 = arith.index_cast %get3A_1330 : i32 to index
        %get3A_1332 = arith.constant 0 : index
        %get3A_1333 = tpu.vector_load %arg8[%get3A_1331, %get3A_1332] {strides = array<i32>} : memref<128x16xf32, #tpu.memory_space<vmem>>, vector<1x16xf32>,
        %get3A_1334 = vector.shape_cast %get3A_1333 : vector<1x16xf32> to vector<16xf32>
        %swap3A_1335 = arith.constant 117 : i32
        %swap3A_1336 = arith.index_cast %swap3A_1335 : i32 to index
        %swap3A_1337 = arith.constant 0 : index
        %swap3A_1338 = tpu.vector_load %arg9[%swap3A_1336, %swap3A_1337] {strides = array<i32>} : memref<128x128xf32, #tpu.memory_space<vmem>>, vector<1x16xf32>,
        %swap3A_1339 = vector.shape_cast %swap3A_1338 : vector<1x16xf32> to vector<16xf32>
        %swap3A_1340 = vector.shape_cast %get3A_1334 : vector<16xf32> to vector<1x16xf32>
        tpu.vector_store %arg9[%swap3A_1336, %swap3A_1337], %swap3A_1340 {strides = array<i32>} : memref<128x128xf32, #tpu.memory_space<vmem>>, vector<1x16xf32>,
        %get3A_1341 = arith.constant 118 : i32
        %get3A_1342 = arith.index_cast %get3A_1341 : i32 to index
        %get3A_1343 = arith.constant 0 : index
        %get3A_1344 = tpu.vector_load %arg8[%get3A_1342, %get3A_1343] {strides = array<i32>} : memref<128x16xf32, #tpu.memory_space<vmem>>, vector<1x16xf32>,
        %get3A_1345 = vector.shape_cast %get3A_1344 : vector<1x16xf32> to vector<16xf32>
        %swap3A_1346 = arith.constant 118 : i32
        %swap3A_1347 = arith.index_cast %swap3A_1346 : i32 to index
        %swap3A_1348 = arith.constant 0 : index
        %swap3A_1349 = tpu.vector_load %arg9[%swap3A_1347, %swap3A_1348] {strides = array<i32>} : memref<128x128xf32, #tpu.memory_space<vmem>>, vector<1x16xf32>,
        %swap3A_1350 = vector.shape_cast %swap3A_1349 : vector<1x16xf32> to vector<16xf32>
        %swap3A_1351 = vector.shape_cast %get3A_1345 : vector<16xf32> to vector<1x16xf32>
        tpu.vector_store %arg9[%swap3A_1347, %swap3A_1348], %swap3A_1351 {strides = array<i32>} : memref<128x128xf32, #tpu.memory_space<vmem>>, vector<1x16xf32>,
        %get3A_1352 = arith.constant 119 : i32
        %get3A_1353 = arith.index_cast %get3A_1352 : i32 to index
        %get3A_1354 = arith.constant 0 : index
        %get3A_1355 = tpu.vector_load %arg8[%get3A_1353, %get3A_1354] {strides = array<i32>} : memref<128x16xf32, #tpu.memory_space<vmem>>, vector<1x16xf32>,
        %get3A_1356 = vector.shape_cast %get3A_1355 : vector<1x16xf32> to vector<16xf32>
        %swap3A_1357 = arith.constant 119 : i32
        %swap3A_1358 = arith.index_cast %swap3A_1357 : i32 to index
        %swap3A_1359 = arith.constant 0 : index
        %swap3A_1360 = tpu.vector_load %arg9[%swap3A_1358, %swap3A_1359] {strides = array<i32>} : memref<128x128xf32, #tpu.memory_space<vmem>>, vector<1x16xf32>,
        %swap3A_1361 = vector.shape_cast %swap3A_1360 : vector<1x16xf32> to vector<16xf32>
        %swap3A_1362 = vector.shape_cast %get3A_1356 : vector<16xf32> to vector<1x16xf32>
        tpu.vector_store %arg9[%swap3A_1358, %swap3A_1359], %swap3A_1362 {strides = array<i32>} : memref<128x128xf32, #tpu.memory_space<vmem>>, vector<1x16xf32>,
        %get3A_1363 = arith.constant 120 : i32
        %get3A_1364 = arith.index_cast %get3A_1363 : i32 to index
        %get3A_1365 = arith.constant 0 : index
        %get3A_1366 = tpu.vector_load %arg8[%get3A_1364, %get3A_1365] {strides = array<i32>} : memref<128x16xf32, #tpu.memory_space<vmem>>, vector<1x16xf32>,
        %get3A_1367 = vector.shape_cast %get3A_1366 : vector<1x16xf32> to vector<16xf32>
        %swap3A_1368 = arith.constant 120 : i32
        %swap3A_1369 = arith.index_cast %swap3A_1368 : i32 to index
        %swap3A_1370 = arith.constant 0 : index
        %swap3A_1371 = tpu.vector_load %arg9[%swap3A_1369, %swap3A_1370] {strides = array<i32>} : memref<128x128xf32, #tpu.memory_space<vmem>>, vector<1x16xf32>,
        %swap3A_1372 = vector.shape_cast %swap3A_1371 : vector<1x16xf32> to vector<16xf32>
        %swap3A_1373 = vector.shape_cast %get3A_1367 : vector<16xf32> to vector<1x16xf32>
        tpu.vector_store %arg9[%swap3A_1369, %swap3A_1370], %swap3A_1373 {strides = array<i32>} : memref<128x128xf32, #tpu.memory_space<vmem>>, vector<1x16xf32>,
        %get3A_1374 = arith.constant 121 : i32
        %get3A_1375 = arith.index_cast %get3A_1374 : i32 to index
        %get3A_1376 = arith.constant 0 : index
        %get3A_1377 = tpu.vector_load %arg8[%get3A_1375, %get3A_1376] {strides = array<i32>} : memref<128x16xf32, #tpu.memory_space<vmem>>, vector<1x16xf32>,
        %get3A_1378 = vector.shape_cast %get3A_1377 : vector<1x16xf32> to vector<16xf32>
        %swap3A_1379 = arith.constant 121 : i32
        %swap3A_1380 = arith.index_cast %swap3A_1379 : i32 to index
        %swap3A_1381 = arith.constant 0 : index
        %swap3A_1382 = tpu.vector_load %arg9[%swap3A_1380, %swap3A_1381] {strides = array<i32>} : memref<128x128xf32, #tpu.memory_space<vmem>>, vector<1x16xf32>,
        %swap3A_1383 = vector.shape_cast %swap3A_1382 : vector<1x16xf32> to vector<16xf32>
        %swap3A_1384 = vector.shape_cast %get3A_1378 : vector<16xf32> to vector<1x16xf32>
        tpu.vector_store %arg9[%swap3A_1380, %swap3A_1381], %swap3A_1384 {strides = array<i32>} : memref<128x128xf32, #tpu.memory_space<vmem>>, vector<1x16xf32>,
        %get3A_1385 = arith.constant 122 : i32
        %get3A_1386 = arith.index_cast %get3A_1385 : i32 to index
        %get3A_1387 = arith.constant 0 : index
        %get3A_1388 = tpu.vector_load %arg8[%get3A_1386, %get3A_1387] {strides = array<i32>} : memref<128x16xf32, #tpu.memory_space<vmem>>, vector<1x16xf32>,
        %get3A_1389 = vector.shape_cast %get3A_1388 : vector<1x16xf32> to vector<16xf32>
        %swap3A_1390 = arith.constant 122 : i32
        %swap3A_1391 = arith.index_cast %swap3A_1390 : i32 to index
        %swap3A_1392 = arith.constant 0 : index
        %swap3A_1393 = tpu.vector_load %arg9[%swap3A_1391, %swap3A_1392] {strides = array<i32>} : memref<128x128xf32, #tpu.memory_space<vmem>>, vector<1x16xf32>,
        %swap3A_1394 = vector.shape_cast %swap3A_1393 : vector<1x16xf32> to vector<16xf32>
        %swap3A_1395 = vector.shape_cast %get3A_1389 : vector<16xf32> to vector<1x16xf32>
        tpu.vector_store %arg9[%swap3A_1391, %swap3A_1392], %swap3A_1395 {strides = array<i32>} : memref<128x128xf32, #tpu.memory_space<vmem>>, vector<1x16xf32>,
        %get3A_1396 = arith.constant 123 : i32
        %get3A_1397 = arith.index_cast %get3A_1396 : i32 to index
        %get3A_1398 = arith.constant 0 : index
        %get3A_1399 = tpu.vector_load %arg8[%get3A_1397, %get3A_1398] {strides = array<i32>} : memref<128x16xf32, #tpu.memory_space<vmem>>, vector<1x16xf32>,
        %get3A_1400 = vector.shape_cast %get3A_1399 : vector<1x16xf32> to vector<16xf32>
        %swap3A_1401 = arith.constant 123 : i32
        %swap3A_1402 = arith.index_cast %swap3A_1401 : i32 to index
        %swap3A_1403 = arith.constant 0 : index
        %swap3A_1404 = tpu.vector_load %arg9[%swap3A_1402, %swap3A_1403] {strides = array<i32>} : memref<128x128xf32, #tpu.memory_space<vmem>>, vector<1x16xf32>,
        %swap3A_1405 = vector.shape_cast %swap3A_1404 : vector<1x16xf32> to vector<16xf32>
        %swap3A_1406 = vector.shape_cast %get3A_1400 : vector<16xf32> to vector<1x16xf32>
        tpu.vector_store %arg9[%swap3A_1402, %swap3A_1403], %swap3A_1406 {strides = array<i32>} : memref<128x128xf32, #tpu.memory_space<vmem>>, vector<1x16xf32>,
        %get3A_1407 = arith.constant 124 : i32
        %get3A_1408 = arith.index_cast %get3A_1407 : i32 to index
        %get3A_1409 = arith.constant 0 : index
        %get3A_1410 = tpu.vector_load %arg8[%get3A_1408, %get3A_1409] {strides = array<i32>} : memref<128x16xf32, #tpu.memory_space<vmem>>, vector<1x16xf32>,
        %get3A_1411 = vector.shape_cast %get3A_1410 : vector<1x16xf32> to vector<16xf32>
        %swap3A_1412 = arith.constant 124 : i32
        %swap3A_1413 = arith.index_cast %swap3A_1412 : i32 to index
        %swap3A_1414 = arith.constant 0 : index
        %swap3A_1415 = tpu.vector_load %arg9[%swap3A_1413, %swap3A_1414] {strides = array<i32>} : memref<128x128xf32, #tpu.memory_space<vmem>>, vector<1x16xf32>,
        %swap3A_1416 = vector.shape_cast %swap3A_1415 : vector<1x16xf32> to vector<16xf32>
        %swap3A_1417 = vector.shape_cast %get3A_1411 : vector<16xf32> to vector<1x16xf32>
        tpu.vector_store %arg9[%swap3A_1413, %swap3A_1414], %swap3A_1417 {strides = array<i32>} : memref<128x128xf32, #tpu.memory_space<vmem>>, vector<1x16xf32>,
        %get3A_1418 = arith.constant 125 : i32
        %get3A_1419 = arith.index_cast %get3A_1418 : i32 to index
        %get3A_1420 = arith.constant 0 : index
        %get3A_1421 = tpu.vector_load %arg8[%get3A_1419, %get3A_1420] {strides = array<i32>} : memref<128x16xf32, #tpu.memory_space<vmem>>, vector<1x16xf32>,
        %get3A_1422 = vector.shape_cast %get3A_1421 : vector<1x16xf32> to vector<16xf32>
        %swap3A_1423 = arith.constant 125 : i32
        %swap3A_1424 = arith.index_cast %swap3A_1423 : i32 to index
        %swap3A_1425 = arith.constant 0 : index
        %swap3A_1426 = tpu.vector_load %arg9[%swap3A_1424, %swap3A_1425] {strides = array<i32>} : memref<128x128xf32, #tpu.memory_space<vmem>>, vector<1x16xf32>,
        %swap3A_1427 = vector.shape_cast %swap3A_1426 : vector<1x16xf32> to vector<16xf32>
        %swap3A_1428 = vector.shape_cast %get3A_1422 : vector<16xf32> to vector<1x16xf32>
        tpu.vector_store %arg9[%swap3A_1424, %swap3A_1425], %swap3A_1428 {strides = array<i32>} : memref<128x128xf32, #tpu.memory_space<vmem>>, vector<1x16xf32>,
        %get3A_1429 = arith.constant 126 : i32
        %get3A_1430 = arith.index_cast %get3A_1429 : i32 to index
        %get3A_1431 = arith.constant 0 : index
        %get3A_1432 = tpu.vector_load %arg8[%get3A_1430, %get3A_1431] {strides = array<i32>} : memref<128x16xf32, #tpu.memory_space<vmem>>, vector<1x16xf32>,
        %get3A_1433 = vector.shape_cast %get3A_1432 : vector<1x16xf32> to vector<16xf32>
        %swap3A_1434 = arith.constant 126 : i32
        %swap3A_1435 = arith.index_cast %swap3A_1434 : i32 to index
        %swap3A_1436 = arith.constant 0 : index
        %swap3A_1437 = tpu.vector_load %arg9[%swap3A_1435, %swap3A_1436] {strides = array<i32>} : memref<128x128xf32, #tpu.memory_space<vmem>>, vector<1x16xf32>,
        %swap3A_1438 = vector.shape_cast %swap3A_1437 : vector<1x16xf32> to vector<16xf32>
        %swap3A_1439 = vector.shape_cast %get3A_1433 : vector<16xf32> to vector<1x16xf32>
        tpu.vector_store %arg9[%swap3A_1435, %swap3A_1436], %swap3A_1439 {strides = array<i32>} : memref<128x128xf32, #tpu.memory_space<vmem>>, vector<1x16xf32>,
        %get3A_1440 = arith.constant 127 : i32
        %get3A_1441 = arith.index_cast %get3A_1440 : i32 to index
        %get3A_1442 = arith.constant 0 : index
        %get3A_1443 = tpu.vector_load %arg8[%get3A_1441, %get3A_1442] {strides = array<i32>} : memref<128x16xf32, #tpu.memory_space<vmem>>, vector<1x16xf32>,
        %get3A_1444 = vector.shape_cast %get3A_1443 : vector<1x16xf32> to vector<16xf32>
        %swap3A_1445 = arith.constant 127 : i32
        %swap3A_1446 = arith.index_cast %swap3A_1445 : i32 to index
        %swap3A_1447 = arith.constant 0 : index
        %swap3A_1448 = tpu.vector_load %arg9[%swap3A_1446, %swap3A_1447] {strides = array<i32>} : memref<128x128xf32, #tpu.memory_space<vmem>>, vector<1x16xf32>,
        %swap3A_1449 = vector.shape_cast %swap3A_1448 : vector<1x16xf32> to vector<16xf32>
        %swap3A_1450 = vector.shape_cast %get3A_1444 : vector<16xf32> to vector<1x16xf32>
        tpu.vector_store %arg9[%swap3A_1446, %swap3A_1447], %swap3A_1450 {strides = array<i32>} : memref<128x128xf32, #tpu.memory_space<vmem>>, vector<1x16xf32>,
        "tpu.region"() ({
          %run_scoped3A = tpu.sem_alloc : memref<!tpu.dma_semaphore, #tpu.memory_space<semaphore_mem>>
          %dma_start3A = arith.constant 0 : i32
          %dma_start3A_1451 = tpu.memref_slice %arg7[%scan3A_35, %dma_start3A] : memref<80x128xi32, #tpu.memory_space<vmem>> -> memref<1x128xi32, #tpu.memory_space<vmem>>
          %dma_start3A_1452 = tpu.memref_squeeze %dma_start3A_1451 : memref<1x128xi32, #tpu.memory_space<vmem>> -> memref<128xi32, #tpu.memory_space<vmem>>
          %dma_start3A_1453 = arith.constant 0 : i32
          %dma_start3A_1454 = arith.constant 0 : i32
          %dma_start3A_1455 = tpu.memref_slice %arg10[%dma_start3A_1453, %dma_start3A_1454] : memref<10000x128xf32, #tpu.memory_space<vmem_shared>> -> memref<10000x128xf32, #tpu.memory_space<vmem_shared>>
          tpu.enqueue_indirect_dma source(%arg9 : memref<128x128xf32, #tpu.memory_space<vmem>>) target(%dma_start3A_1455 : memref<10000x128xf32, #tpu.memory_space<vmem_shared>>) offsets(%dma_start3A_1452 : memref<128xi32, #tpu.memory_space<vmem>>) semaphore(%run_scoped3A : memref<!tpu.dma_semaphore, #tpu.memory_space<semaphore_mem>>) {add = true}
          %dma_wait3A = arith.constant 0 : i32
          %dma_wait3A_1456 = tpu.memref_slice %arg7[%scan3A_35, %dma_wait3A] : memref<80x128xi32, #tpu.memory_space<vmem>> -> memref<1x128xi32, #tpu.memory_space<vmem>>
          %dma_wait3A_1457 = tpu.memref_squeeze %dma_wait3A_1456 : memref<1x128xi32, #tpu.memory_space<vmem>> -> memref<128xi32, #tpu.memory_space<vmem>>
          %dma_wait3A_1458 = arith.constant 0 : i32
          %dma_wait3A_1459 = arith.constant 0 : i32
          %dma_wait3A_1460 = tpu.memref_slice %arg10[%dma_wait3A_1458, %dma_wait3A_1459] : memref<10000x128xf32, #tpu.memory_space<vmem_shared>> -> memref<10000x128xf32, #tpu.memory_space<vmem_shared>>
          tpu.wait_indirect_dma semaphore(%run_scoped3A : memref<!tpu.dma_semaphore, #tpu.memory_space<semaphore_mem>>) src(%arg9 : memref<128x128xf32, #tpu.memory_space<vmem>>) dst(%dma_wait3A_1460 : memref<10000x128xf32, #tpu.memory_space<vmem_shared>>)
          tpu.yield
        }) : () -> ()
      } else {
      }
    }
    %scan3A_21 = arith.constant 80 : i32
    %barrier3A_22 = arith.constant 0 : index
    tpu.barrier barrier_id(%barrier3A_22)
    %mul3A_23 = arith.constant 10000 : i32
    %mul3A_24 = arith.muli %arg0, %mul3A_23 : i32
    %mul3A_25 = arith.constant 624 : i32
    %mul3A_26 = arith.muli %arg1, %mul3A_25 : i32
    %add3A_27 = arith.addi %mul3A_24, %mul3A_26 : i32
    %mul3A_28 = arith.constant 624 : i32
    %mul3A_29 = arith.muli %arg1, %mul3A_28 : i32
    "tpu.region"() ({
      %run_scoped3A = tpu.sem_alloc : memref<!tpu.dma_semaphore, #tpu.memory_space<semaphore_mem>>
      %dma_start3A = arith.constant 0 : i32
      %dma_start3A_35 = tpu.memref_slice %arg6[%add3A_27, %dma_start3A] : memref<20000x128xf32, #tpu.memory_space<hbm>> -> memref<624x128xf32, #tpu.memory_space<hbm>>
      %dma_start3A_36 = arith.constant 0 : i32
      %dma_start3A_37 = tpu.memref_slice %arg10[%mul3A_29, %dma_start3A_36] : memref<10000x128xf32, #tpu.memory_space<vmem_shared>> -> memref<624x128xf32, #tpu.memory_space<vmem_shared>>
      tpu.enqueue_dma source(%dma_start3A_37 : memref<624x128xf32, #tpu.memory_space<vmem_shared>>) target(%dma_start3A_35 : memref<624x128xf32, #tpu.memory_space<hbm>>) target_semaphore(%run_scoped3A : memref<!tpu.dma_semaphore, #tpu.memory_space<semaphore_mem>>)
      %dma_wait3A = arith.constant 0 : i32
      %dma_wait3A_38 = tpu.memref_slice %arg6[%add3A_27, %dma_wait3A] : memref<20000x128xf32, #tpu.memory_space<hbm>> -> memref<624x128xf32, #tpu.memory_space<hbm>>
      %dma_wait3A_39 = arith.constant 0 : i32
      %dma_wait3A_40 = tpu.memref_slice %arg10[%mul3A_29, %dma_wait3A_39] : memref<10000x128xf32, #tpu.memory_space<vmem_shared>> -> memref<624x128xf32, #tpu.memory_space<vmem_shared>>
      tpu.wait_dma2 semaphore(%run_scoped3A : memref<!tpu.dma_semaphore, #tpu.memory_space<semaphore_mem>>) src(%dma_wait3A_40 : memref<624x128xf32, #tpu.memory_space<vmem_shared>>) dst(%dma_wait3A_38 : memref<624x128xf32, #tpu.memory_space<hbm>>)
      tpu.yield
    }) : () -> ()
    %eq3A_30 = arith.constant 15 : i32
    %eq3A_31 = arith.cmpi eq, %arg1, %eq3A_30 : i32
    %convert_element_type3A_32 = arith.extui %eq3A_31 : i1 to i32
    %cond3A_33 = arith.constant 0 : i32
    %cond3A_34 = arith.cmpi ne, %convert_element_type3A_32, %cond3A_33 : i32
    scf.if %cond3A_34 {
      %mul3A_35 = arith.constant 10000 : i32
      %mul3A_36 = arith.muli %arg0, %mul3A_35 : i32
      %add3A_37 = arith.constant 9984 : i32
      %add3A_38 = arith.addi %mul3A_36, %add3A_37 : i32
      "tpu.region"() ({
        %run_scoped3A = tpu.sem_alloc : memref<!tpu.dma_semaphore, #tpu.memory_space<semaphore_mem>>
        %dma_start3A = arith.constant 0 : i32
        %dma_start3A_39 = tpu.memref_slice %arg6[%add3A_38, %dma_start3A] : memref<20000x128xf32, #tpu.memory_space<hbm>> -> memref<16x128xf32, #tpu.memory_space<hbm>>
        %dma_start3A_40 = arith.constant 9984 : i32
        %dma_start3A_41 = arith.constant 0 : i32
        %dma_start3A_42 = tpu.memref_slice %arg10[%dma_start3A_40, %dma_start3A_41] : memref<10000x128xf32, #tpu.memory_space<vmem_shared>> -> memref<16x128xf32, #tpu.memory_space<vmem_shared>>
        tpu.enqueue_dma source(%dma_start3A_42 : memref<16x128xf32, #tpu.memory_space<vmem_shared>>) target(%dma_start3A_39 : memref<16x128xf32, #tpu.memory_space<hbm>>) target_semaphore(%run_scoped3A : memref<!tpu.dma_semaphore, #tpu.memory_space<semaphore_mem>>)
        %dma_wait3A = arith.constant 0 : i32
        %dma_wait3A_43 = tpu.memref_slice %arg6[%add3A_38, %dma_wait3A] : memref<20000x128xf32, #tpu.memory_space<hbm>> -> memref<16x128xf32, #tpu.memory_space<hbm>>
        %dma_wait3A_44 = arith.constant 9984 : i32
        %dma_wait3A_45 = arith.constant 0 : i32
        %dma_wait3A_46 = tpu.memref_slice %arg10[%dma_wait3A_44, %dma_wait3A_45] : memref<10000x128xf32, #tpu.memory_space<vmem_shared>> -> memref<16x128xf32, #tpu.memory_space<vmem_shared>>
        tpu.wait_dma2 semaphore(%run_scoped3A : memref<!tpu.dma_semaphore, #tpu.memory_space<semaphore_mem>>) src(%dma_wait3A_46 : memref<16x128xf32, #tpu.memory_space<vmem_shared>>) dst(%dma_wait3A_43 : memref<16x128xf32, #tpu.memory_space<hbm>>)
        tpu.yield
      }) : () -> ()
    } else {
    }
    return
  }
}

#map = affine_map<(d0, d1) -> (0, 0)>
module attributes {stable_mosaic.version = 14 : i64} {
  func.func @_sc_segsum_rows(%arg0: i32, %arg1: i32, %arg2: memref<10000x128xf32, #tpu.memory_space<hbm>>, %arg3: memref<2560x128xi32, #tpu.memory_space<hbm>>, %arg4: memref<2560x128xi32, #tpu.memory_space<hbm>>, %arg5: memref<208x128xf32, #tpu.memory_space<hbm>>, %arg6: memref<20000x128xf32, #tpu.memory_space<hbm>>, %arg7: memref<2x2x128xi32, #tpu.memory_space<vmem>>, %arg8: memref<2x128x128xf32, #tpu.memory_space<vmem>>, %arg9: memref<10000x128xf32, #tpu.memory_space<vmem_shared>>, %arg10: memref<!tpu.dma_semaphore, #tpu.memory_space<semaphore_mem>>, %arg11: memref<!tpu.dma_semaphore, #tpu.memory_space<semaphore_mem>>, %arg12: memref<!tpu.dma_semaphore, #tpu.memory_space<semaphore_mem>>, %arg13: memref<!tpu.dma_semaphore, #tpu.memory_space<semaphore_mem>>) attributes {dimension_semantics = [#tpu.dimension_semantics<core_parallel>, #tpu.dimension_semantics<subcore_parallel>], iteration_bounds = array<i64: 2, 16>, scalar_prefetch = 0 : i64, scratch_operands = 7 : i64, tpu.core_type = #tpu.core_type<sc_vector_subcore>, window_params = [{transform_indices = #map}, {transform_indices = #map}, {transform_indices = #map}, {transform_indices = #map}, {transform_indices = #map}]} {
    %mul3A = arith.constant 2 : i32
    %mul3A_0 = arith.muli %arg1, %mul3A : i32
    %add3A = arith.addi %mul3A_0, %arg0 : i32
    %mul3A_1 = arith.constant 624 : i32
    %mul3A_2 = arith.muli %arg1, %mul3A_1 : i32
    %add3A_3 = arith.constant 0 : i32
    %add3A_4 = arith.addi %mul3A_2, %add3A_3 : i32
    "tpu.region"() ({
      %run_scoped3A = tpu.sem_alloc : memref<!tpu.dma_semaphore, #tpu.memory_space<semaphore_mem>>
      %dma_start3A = arith.constant 0 : i32
      %dma_start3A_33 = tpu.memref_slice %arg9[%add3A_4, %dma_start3A] : memref<10000x128xf32, #tpu.memory_space<vmem_shared>> -> memref<208x128xf32, #tpu.memory_space<vmem_shared>>
      tpu.enqueue_dma source(%arg5 : memref<208x128xf32, #tpu.memory_space<hbm>>) target(%dma_start3A_33 : memref<208x128xf32, #tpu.memory_space<vmem_shared>>) target_semaphore(%run_scoped3A : memref<!tpu.dma_semaphore, #tpu.memory_space<semaphore_mem>>)
      %dma_wait3A = arith.constant 0 : i32
      %dma_wait3A_34 = tpu.memref_slice %arg9[%add3A_4, %dma_wait3A] : memref<10000x128xf32, #tpu.memory_space<vmem_shared>> -> memref<208x128xf32, #tpu.memory_space<vmem_shared>>
      tpu.wait_dma2 semaphore(%run_scoped3A : memref<!tpu.dma_semaphore, #tpu.memory_space<semaphore_mem>>) src(%arg5 : memref<208x128xf32, #tpu.memory_space<hbm>>) dst(%dma_wait3A_34 : memref<208x128xf32, #tpu.memory_space<vmem_shared>>)
      tpu.yield
    }) : () -> ()
    %mul3A_5 = arith.constant 624 : i32
    %mul3A_6 = arith.muli %arg1, %mul3A_5 : i32
    %add3A_7 = arith.constant 208 : i32
    %add3A_8 = arith.addi %mul3A_6, %add3A_7 : i32
    "tpu.region"() ({
      %run_scoped3A = tpu.sem_alloc : memref<!tpu.dma_semaphore, #tpu.memory_space<semaphore_mem>>
      %dma_start3A = arith.constant 0 : i32
      %dma_start3A_33 = tpu.memref_slice %arg9[%add3A_8, %dma_start3A] : memref<10000x128xf32, #tpu.memory_space<vmem_shared>> -> memref<208x128xf32, #tpu.memory_space<vmem_shared>>
      tpu.enqueue_dma source(%arg5 : memref<208x128xf32, #tpu.memory_space<hbm>>) target(%dma_start3A_33 : memref<208x128xf32, #tpu.memory_space<vmem_shared>>) target_semaphore(%run_scoped3A : memref<!tpu.dma_semaphore, #tpu.memory_space<semaphore_mem>>)
      %dma_wait3A = arith.constant 0 : i32
      %dma_wait3A_34 = tpu.memref_slice %arg9[%add3A_8, %dma_wait3A] : memref<10000x128xf32, #tpu.memory_space<vmem_shared>> -> memref<208x128xf32, #tpu.memory_space<vmem_shared>>
      tpu.wait_dma2 semaphore(%run_scoped3A : memref<!tpu.dma_semaphore, #tpu.memory_space<semaphore_mem>>) src(%arg5 : memref<208x128xf32, #tpu.memory_space<hbm>>) dst(%dma_wait3A_34 : memref<208x128xf32, #tpu.memory_space<vmem_shared>>)
      tpu.yield
    }) : () -> ()
    %mul3A_9 = arith.constant 624 : i32
    %mul3A_10 = arith.muli %arg1, %mul3A_9 : i32
    %add3A_11 = arith.constant 416 : i32
    %add3A_12 = arith.addi %mul3A_10, %add3A_11 : i32
    "tpu.region"() ({
      %run_scoped3A = tpu.sem_alloc : memref<!tpu.dma_semaphore, #tpu.memory_space<semaphore_mem>>
      %dma_start3A = arith.constant 0 : i32
      %dma_start3A_33 = tpu.memref_slice %arg9[%add3A_12, %dma_start3A] : memref<10000x128xf32, #tpu.memory_space<vmem_shared>> -> memref<208x128xf32, #tpu.memory_space<vmem_shared>>
      tpu.enqueue_dma source(%arg5 : memref<208x128xf32, #tpu.memory_space<hbm>>) target(%dma_start3A_33 : memref<208x128xf32, #tpu.memory_space<vmem_shared>>) target_semaphore(%run_scoped3A : memref<!tpu.dma_semaphore, #tpu.memory_space<semaphore_mem>>)
      %dma_wait3A = arith.constant 0 : i32
      %dma_wait3A_34 = tpu.memref_slice %arg9[%add3A_12, %dma_wait3A] : memref<10000x128xf32, #tpu.memory_space<vmem_shared>> -> memref<208x128xf32, #tpu.memory_space<vmem_shared>>
      tpu.wait_dma2 semaphore(%run_scoped3A : memref<!tpu.dma_semaphore, #tpu.memory_space<semaphore_mem>>) src(%arg5 : memref<208x128xf32, #tpu.memory_space<hbm>>) dst(%dma_wait3A_34 : memref<208x128xf32, #tpu.memory_space<vmem_shared>>)
      tpu.yield
    }) : () -> ()
    %eq3A = arith.constant 15 : i32
    %eq3A_13 = arith.cmpi eq, %arg1, %eq3A : i32
    %convert_element_type3A = arith.extui %eq3A_13 : i1 to i32
    %cond3A = arith.constant 0 : i32
    %cond3A_14 = arith.cmpi ne, %convert_element_type3A, %cond3A : i32
    scf.if %cond3A_14 {
      "tpu.region"() ({
        %run_scoped3A = tpu.sem_alloc : memref<!tpu.dma_semaphore, #tpu.memory_space<semaphore_mem>>
        %dma_start3A = arith.constant 9984 : i32
        %dma_start3A_33 = arith.constant 0 : i32
        %dma_start3A_34 = tpu.memref_slice %arg9[%dma_start3A, %dma_start3A_33] : memref<10000x128xf32, #tpu.memory_space<vmem_shared>> -> memref<16x128xf32, #tpu.memory_space<vmem_shared>>
        %dma_start3A_35 = arith.constant 0 : i32
        %dma_start3A_36 = arith.constant 0 : i32
        %dma_start3A_37 = tpu.memref_slice %arg5[%dma_start3A_35, %dma_start3A_36] : memref<208x128xf32, #tpu.memory_space<hbm>> -> memref<16x128xf32, #tpu.memory_space<hbm>>
        tpu.enqueue_dma source(%dma_start3A_37 : memref<16x128xf32, #tpu.memory_space<hbm>>) target(%dma_start3A_34 : memref<16x128xf32, #tpu.memory_space<vmem_shared>>) target_semaphore(%run_scoped3A : memref<!tpu.dma_semaphore, #tpu.memory_space<semaphore_mem>>)
        %dma_wait3A = arith.constant 9984 : i32
        %dma_wait3A_38 = arith.constant 0 : i32
        %dma_wait3A_39 = tpu.memref_slice %arg9[%dma_wait3A, %dma_wait3A_38] : memref<10000x128xf32, #tpu.memory_space<vmem_shared>> -> memref<16x128xf32, #tpu.memory_space<vmem_shared>>
        %dma_wait3A_40 = arith.constant 0 : i32
        %dma_wait3A_41 = arith.constant 0 : i32
        %dma_wait3A_42 = tpu.memref_slice %arg5[%dma_wait3A_40, %dma_wait3A_41] : memref<208x128xf32, #tpu.memory_space<hbm>> -> memref<16x128xf32, #tpu.memory_space<hbm>>
        tpu.wait_dma2 semaphore(%run_scoped3A : memref<!tpu.dma_semaphore, #tpu.memory_space<semaphore_mem>>) src(%dma_wait3A_42 : memref<16x128xf32, #tpu.memory_space<hbm>>) dst(%dma_wait3A_39 : memref<16x128xf32, #tpu.memory_space<vmem_shared>>)
        tpu.yield
      }) : () -> ()
    } else {
    }
    %barrier3A = arith.constant 0 : index
    tpu.barrier barrier_id(%barrier3A)
    %scan3A = arith.constant 0 : i32
    %scan3A_15 = arith.constant 0 : i32
    %scan3A_16 = arith.constant 80 : i32
    %scan3A_17 = arith.addi %scan3A_15, %scan3A_16 : i32
    %scan3A_18 = arith.constant 1 : i32
    scf.for %scan3A_33 = %scan3A_15 to %scan3A_17 step %scan3A_18  : i32 {
      %mul3A_34 = arith.constant 32 : i32
      %mul3A_35 = arith.muli %scan3A_33, %mul3A_34 : i32
      %add3A_36 = arith.addi %mul3A_35, %add3A : i32
      %lt3A = arith.constant 2500 : i32
      %lt3A_37 = arith.cmpi slt, %add3A_36, %lt3A : i32
      %convert_element_type3A_38 = arith.extui %lt3A_37 : i1 to i32
      %cond3A_39 = arith.constant 0 : i32
      %cond3A_40 = arith.cmpi ne, %convert_element_type3A_38, %cond3A_39 : i32
      scf.if %cond3A_40 {
        %run_scoped3A = arith.constant 0 : i32
        %run_scoped3A_41 = arith.constant 0 : i32
        "tpu.region"() ({
          %run_scoped3A_71 = tpu.sem_alloc : memref<!tpu.dma_semaphore, #tpu.memory_space<semaphore_mem>>
          %dma_start3A_72 = arith.constant 0 : i32
          %dma_start3A_73 = tpu.memref_slice %arg7[%run_scoped3A, %run_scoped3A_41, %dma_start3A_72] : memref<2x2x128xi32, #tpu.memory_space<vmem>> -> memref<1x1x128xi32, #tpu.memory_space<vmem>>
          %dma_start3A_74 = tpu.memref_squeeze %dma_start3A_73 : memref<1x1x128xi32, #tpu.memory_space<vmem>> -> memref<128xi32, #tpu.memory_space<vmem>>
          %dma_start3A_75 = arith.constant 0 : i32
          %dma_start3A_76 = tpu.memref_slice %arg3[%add3A_36, %dma_start3A_75] : memref<2560x128xi32, #tpu.memory_space<hbm>> -> memref<1x128xi32, #tpu.memory_space<hbm>>
          %dma_start3A_77 = tpu.memref_squeeze %dma_start3A_76 : memref<1x128xi32, #tpu.memory_space<hbm>> -> memref<128xi32, #tpu.memory_space<hbm>>
          %dma_start3A_78 = arith.constant 0 : i32
          %dma_start3A_79 = tpu.memref_slice %arg7[%run_scoped3A, %run_scoped3A_41, %dma_start3A_78] : memref<2x2x128xi32, #tpu.memory_space<vmem>> -> memref<1x1x128xi32, #tpu.memory_space<vmem>>
          %dma_start3A_80 = tpu.memref_squeeze %dma_start3A_79 : memref<1x1x128xi32, #tpu.memory_space<vmem>> -> memref<128xi32, #tpu.memory_space<vmem>>
          %dma_start3A_81 = arith.constant 0 : i32
          %dma_start3A_82 = tpu.memref_slice %arg3[%add3A_36, %dma_start3A_81] : memref<2560x128xi32, #tpu.memory_space<hbm>> -> memref<1x128xi32, #tpu.memory_space<hbm>>
          %dma_start3A_83 = tpu.memref_squeeze %dma_start3A_82 : memref<1x128xi32, #tpu.memory_space<hbm>> -> memref<128xi32, #tpu.memory_space<hbm>>
          tpu.enqueue_dma source(%dma_start3A_83 : memref<128xi32, #tpu.memory_space<hbm>>) target(%dma_start3A_80 : memref<128xi32, #tpu.memory_space<vmem>>) target_semaphore(%run_scoped3A_71 : memref<!tpu.dma_semaphore, #tpu.memory_space<semaphore_mem>>)
          %dma_wait3A_84 = arith.constant 0 : i32
          %dma_wait3A_85 = tpu.memref_slice %arg7[%run_scoped3A, %run_scoped3A_41, %dma_wait3A_84] : memref<2x2x128xi32, #tpu.memory_space<vmem>> -> memref<1x1x128xi32, #tpu.memory_space<vmem>>
          %dma_wait3A_86 = tpu.memref_squeeze %dma_wait3A_85 : memref<1x1x128xi32, #tpu.memory_space<vmem>> -> memref<128xi32, #tpu.memory_space<vmem>>
          %dma_wait3A_87 = arith.constant 0 : i32
          %dma_wait3A_88 = tpu.memref_slice %arg3[%add3A_36, %dma_wait3A_87] : memref<2560x128xi32, #tpu.memory_space<hbm>> -> memref<1x128xi32, #tpu.memory_space<hbm>>
          %dma_wait3A_89 = tpu.memref_squeeze %dma_wait3A_88 : memref<1x128xi32, #tpu.memory_space<hbm>> -> memref<128xi32, #tpu.memory_space<hbm>>
          %dma_wait3A_90 = arith.constant 0 : i32
          %dma_wait3A_91 = tpu.memref_slice %arg7[%run_scoped3A, %run_scoped3A_41, %dma_wait3A_90] : memref<2x2x128xi32, #tpu.memory_space<vmem>> -> memref<1x1x128xi32, #tpu.memory_space<vmem>>
          %dma_wait3A_92 = tpu.memref_squeeze %dma_wait3A_91 : memref<1x1x128xi32, #tpu.memory_space<vmem>> -> memref<128xi32, #tpu.memory_space<vmem>>
          %dma_wait3A_93 = arith.constant 0 : i32
          %dma_wait3A_94 = tpu.memref_slice %arg3[%add3A_36, %dma_wait3A_93] : memref<2560x128xi32, #tpu.memory_space<hbm>> -> memref<1x128xi32, #tpu.memory_space<hbm>>
          %dma_wait3A_95 = tpu.memref_squeeze %dma_wait3A_94 : memref<1x128xi32, #tpu.memory_space<hbm>> -> memref<128xi32, #tpu.memory_space<hbm>>
          tpu.wait_dma2 semaphore(%run_scoped3A_71 : memref<!tpu.dma_semaphore, #tpu.memory_space<semaphore_mem>>) src(%dma_wait3A_95 : memref<128xi32, #tpu.memory_space<hbm>>) dst(%dma_wait3A_92 : memref<128xi32, #tpu.memory_space<vmem>>)
          tpu.yield
        }) : () -> ()
        %run_scoped3A_42 = arith.constant 0 : i32
        %run_scoped3A_43 = arith.constant 1 : i32
        "tpu.region"() ({
          %run_scoped3A_71 = tpu.sem_alloc : memref<!tpu.dma_semaphore, #tpu.memory_space<semaphore_mem>>
          %dma_start3A_72 = arith.constant 0 : i32
          %dma_start3A_73 = tpu.memref_slice %arg7[%run_scoped3A_42, %run_scoped3A_43, %dma_start3A_72] : memref<2x2x128xi32, #tpu.memory_space<vmem>> -> memref<1x1x128xi32, #tpu.memory_space<vmem>>
          %dma_start3A_74 = tpu.memref_squeeze %dma_start3A_73 : memref<1x1x128xi32, #tpu.memory_space<vmem>> -> memref<128xi32, #tpu.memory_space<vmem>>
          %dma_start3A_75 = arith.constant 0 : i32
          %dma_start3A_76 = tpu.memref_slice %arg4[%add3A_36, %dma_start3A_75] : memref<2560x128xi32, #tpu.memory_space<hbm>> -> memref<1x128xi32, #tpu.memory_space<hbm>>
          %dma_start3A_77 = tpu.memref_squeeze %dma_start3A_76 : memref<1x128xi32, #tpu.memory_space<hbm>> -> memref<128xi32, #tpu.memory_space<hbm>>
          %dma_start3A_78 = arith.constant 0 : i32
          %dma_start3A_79 = tpu.memref_slice %arg7[%run_scoped3A_42, %run_scoped3A_43, %dma_start3A_78] : memref<2x2x128xi32, #tpu.memory_space<vmem>> -> memref<1x1x128xi32, #tpu.memory_space<vmem>>
          %dma_start3A_80 = tpu.memref_squeeze %dma_start3A_79 : memref<1x1x128xi32, #tpu.memory_space<vmem>> -> memref<128xi32, #tpu.memory_space<vmem>>
          %dma_start3A_81 = arith.constant 0 : i32
          %dma_start3A_82 = tpu.memref_slice %arg4[%add3A_36, %dma_start3A_81] : memref<2560x128xi32, #tpu.memory_space<hbm>> -> memref<1x128xi32, #tpu.memory_space<hbm>>
          %dma_start3A_83 = tpu.memref_squeeze %dma_start3A_82 : memref<1x128xi32, #tpu.memory_space<hbm>> -> memref<128xi32, #tpu.memory_space<hbm>>
          tpu.enqueue_dma source(%dma_start3A_83 : memref<128xi32, #tpu.memory_space<hbm>>) target(%dma_start3A_80 : memref<128xi32, #tpu.memory_space<vmem>>) target_semaphore(%run_scoped3A_71 : memref<!tpu.dma_semaphore, #tpu.memory_space<semaphore_mem>>)
          %dma_wait3A_84 = arith.constant 0 : i32
          %dma_wait3A_85 = tpu.memref_slice %arg7[%run_scoped3A_42, %run_scoped3A_43, %dma_wait3A_84] : memref<2x2x128xi32, #tpu.memory_space<vmem>> -> memref<1x1x128xi32, #tpu.memory_space<vmem>>
          %dma_wait3A_86 = tpu.memref_squeeze %dma_wait3A_85 : memref<1x1x128xi32, #tpu.memory_space<vmem>> -> memref<128xi32, #tpu.memory_space<vmem>>
          %dma_wait3A_87 = arith.constant 0 : i32
          %dma_wait3A_88 = tpu.memref_slice %arg4[%add3A_36, %dma_wait3A_87] : memref<2560x128xi32, #tpu.memory_space<hbm>> -> memref<1x128xi32, #tpu.memory_space<hbm>>
          %dma_wait3A_89 = tpu.memref_squeeze %dma_wait3A_88 : memref<1x128xi32, #tpu.memory_space<hbm>> -> memref<128xi32, #tpu.memory_space<hbm>>
          %dma_wait3A_90 = arith.constant 0 : i32
          %dma_wait3A_91 = tpu.memref_slice %arg7[%run_scoped3A_42, %run_scoped3A_43, %dma_wait3A_90] : memref<2x2x128xi32, #tpu.memory_space<vmem>> -> memref<1x1x128xi32, #tpu.memory_space<vmem>>
          %dma_wait3A_92 = tpu.memref_squeeze %dma_wait3A_91 : memref<1x1x128xi32, #tpu.memory_space<vmem>> -> memref<128xi32, #tpu.memory_space<vmem>>
          %dma_wait3A_93 = arith.constant 0 : i32
          %dma_wait3A_94 = tpu.memref_slice %arg4[%add3A_36, %dma_wait3A_93] : memref<2560x128xi32, #tpu.memory_space<hbm>> -> memref<1x128xi32, #tpu.memory_space<hbm>>
          %dma_wait3A_95 = tpu.memref_squeeze %dma_wait3A_94 : memref<1x128xi32, #tpu.memory_space<hbm>> -> memref<128xi32, #tpu.memory_space<hbm>>
          tpu.wait_dma2 semaphore(%run_scoped3A_71 : memref<!tpu.dma_semaphore, #tpu.memory_space<semaphore_mem>>) src(%dma_wait3A_95 : memref<128xi32, #tpu.memory_space<hbm>>) dst(%dma_wait3A_92 : memref<128xi32, #tpu.memory_space<vmem>>)
          tpu.yield
        }) : () -> ()
        %dma_start3A = arith.constant 0 : i32
        %dma_start3A_44 = arith.constant 0 : i32
        %dma_start3A_45 = arith.constant 0 : i32
        %dma_start3A_46 = arith.constant 0 : i32
        %dma_start3A_47 = arith.constant 0 : i32
        %dma_start3A_48 = tpu.memref_slice %arg8[%dma_start3A_45, %dma_start3A_46, %dma_start3A_47] : memref<2x128x128xf32, #tpu.memory_space<vmem>> -> memref<1x128x128xf32, #tpu.memory_space<vmem>>
        %dma_start3A_49 = tpu.memref_squeeze %dma_start3A_48 : memref<1x128x128xf32, #tpu.memory_space<vmem>> -> memref<128x128xf32, #tpu.memory_space<vmem>>
        %dma_start3A_50 = arith.constant 0 : i32
        %dma_start3A_51 = tpu.memref_slice %arg7[%dma_start3A, %dma_start3A_44, %dma_start3A_50] : memref<2x2x128xi32, #tpu.memory_space<vmem>> -> memref<1x1x128xi32, #tpu.memory_space<vmem>>
        %dma_start3A_52 = tpu.memref_squeeze %dma_start3A_51 : memref<1x1x128xi32, #tpu.memory_space<vmem>> -> memref<128xi32, #tpu.memory_space<vmem>>
        %dma_start3A_53 = arith.constant 0 : i32
        %dma_start3A_54 = arith.constant 0 : i32
        %dma_start3A_55 = tpu.memref_slice %arg2[%dma_start3A_53, %dma_start3A_54] : memref<10000x128xf32, #tpu.memory_space<hbm>> -> memref<10000x128xf32, #tpu.memory_space<hbm>>
        tpu.enqueue_indirect_dma source(%dma_start3A_55 : memref<10000x128xf32, #tpu.memory_space<hbm>>) target(%dma_start3A_49 : memref<128x128xf32, #tpu.memory_space<vmem>>) offsets(%dma_start3A_52 : memref<128xi32, #tpu.memory_space<vmem>>) semaphore(%arg10 : memref<!tpu.dma_semaphore, #tpu.memory_space<semaphore_mem>>)
        %dma_wait3A = arith.constant 0 : i32
        %dma_wait3A_56 = arith.constant 0 : i32
        %dma_wait3A_57 = arith.constant 0 : i32
        %dma_wait3A_58 = arith.constant 0 : i32
        %dma_wait3A_59 = arith.constant 0 : i32
        %dma_wait3A_60 = tpu.memref_slice %arg8[%dma_wait3A_57, %dma_wait3A_58, %dma_wait3A_59] : memref<2x128x128xf32, #tpu.memory_space<vmem>> -> memref<1x128x128xf32, #tpu.memory_space<vmem>>
        %dma_wait3A_61 = tpu.memref_squeeze %dma_wait3A_60 : memref<1x128x128xf32, #tpu.memory_space<vmem>> -> memref<128x128xf32, #tpu.memory_space<vmem>>
        %dma_wait3A_62 = arith.constant 0 : i32
        %dma_wait3A_63 = tpu.memref_slice %arg7[%dma_wait3A, %dma_wait3A_56, %dma_wait3A_62] : memref<2x2x128xi32, #tpu.memory_space<vmem>> -> memref<1x1x128xi32, #tpu.memory_space<vmem>>
        %dma_wait3A_64 = tpu.memref_squeeze %dma_wait3A_63 : memref<1x1x128xi32, #tpu.memory_space<vmem>> -> memref<128xi32, #tpu.memory_space<vmem>>
        %dma_wait3A_65 = arith.constant 0 : i32
        %dma_wait3A_66 = arith.constant 0 : i32
        %dma_wait3A_67 = tpu.memref_slice %arg2[%dma_wait3A_65, %dma_wait3A_66] : memref<10000x128xf32, #tpu.memory_space<hbm>> -> memref<10000x128xf32, #tpu.memory_space<hbm>>
        tpu.wait_indirect_dma semaphore(%arg10 : memref<!tpu.dma_semaphore, #tpu.memory_space<semaphore_mem>>) src(%dma_wait3A_67 : memref<10000x128xf32, #tpu.memory_space<hbm>>) dst(%dma_wait3A_61 : memref<128x128xf32, #tpu.memory_space<vmem>>)
        %run_scoped3A_68 = arith.constant 0 : i32
        %run_scoped3A_69 = arith.constant 0 : i32
        %run_scoped3A_70 = arith.constant 1 : i32
        "tpu.region"() ({
          %run_scoped3A_71 = tpu.sem_alloc : memref<!tpu.dma_semaphore, #tpu.memory_space<semaphore_mem>>
          %dma_start3A_72 = arith.constant 0 : i32
          %dma_start3A_73 = arith.constant 0 : i32
          %dma_start3A_74 = tpu.memref_slice %arg8[%run_scoped3A_68, %dma_start3A_72, %dma_start3A_73] : memref<2x128x128xf32, #tpu.memory_space<vmem>> -> memref<1x128x128xf32, #tpu.memory_space<vmem>>
          %dma_start3A_75 = tpu.memref_squeeze %dma_start3A_74 : memref<1x128x128xf32, #tpu.memory_space<vmem>> -> memref<128x128xf32, #tpu.memory_space<vmem>>
          %dma_start3A_76 = arith.constant 0 : i32
          %dma_start3A_77 = tpu.memref_slice %arg7[%run_scoped3A_69, %run_scoped3A_70, %dma_start3A_76] : memref<2x2x128xi32, #tpu.memory_space<vmem>> -> memref<1x1x128xi32, #tpu.memory_space<vmem>>
          %dma_start3A_78 = tpu.memref_squeeze %dma_start3A_77 : memref<1x1x128xi32, #tpu.memory_space<vmem>> -> memref<128xi32, #tpu.memory_space<vmem>>
          %dma_start3A_79 = arith.constant 0 : i32
          %dma_start3A_80 = arith.constant 0 : i32
          %dma_start3A_81 = tpu.memref_slice %arg9[%dma_start3A_79, %dma_start3A_80] : memref<10000x128xf32, #tpu.memory_space<vmem_shared>> -> memref<10000x128xf32, #tpu.memory_space<vmem_shared>>
          tpu.enqueue_indirect_dma source(%dma_start3A_75 : memref<128x128xf32, #tpu.memory_space<vmem>>) target(%dma_start3A_81 : memref<10000x128xf32, #tpu.memory_space<vmem_shared>>) offsets(%dma_start3A_78 : memref<128xi32, #tpu.memory_space<vmem>>) semaphore(%run_scoped3A_71 : memref<!tpu.dma_semaphore, #tpu.memory_space<semaphore_mem>>) {add = true}
          %dma_wait3A_82 = arith.constant 0 : i32
          %dma_wait3A_83 = arith.constant 0 : i32
          %dma_wait3A_84 = tpu.memref_slice %arg8[%run_scoped3A_68, %dma_wait3A_82, %dma_wait3A_83] : memref<2x128x128xf32, #tpu.memory_space<vmem>> -> memref<1x128x128xf32, #tpu.memory_space<vmem>>
          %dma_wait3A_85 = tpu.memref_squeeze %dma_wait3A_84 : memref<1x128x128xf32, #tpu.memory_space<vmem>> -> memref<128x128xf32, #tpu.memory_space<vmem>>
          %dma_wait3A_86 = arith.constant 0 : i32
          %dma_wait3A_87 = tpu.memref_slice %arg7[%run_scoped3A_69, %run_scoped3A_70, %dma_wait3A_86] : memref<2x2x128xi32, #tpu.memory_space<vmem>> -> memref<1x1x128xi32, #tpu.memory_space<vmem>>
          %dma_wait3A_88 = tpu.memref_squeeze %dma_wait3A_87 : memref<1x1x128xi32, #tpu.memory_space<vmem>> -> memref<128xi32, #tpu.memory_space<vmem>>
          %dma_wait3A_89 = arith.constant 0 : i32
          %dma_wait3A_90 = arith.constant 0 : i32
          %dma_wait3A_91 = tpu.memref_slice %arg9[%dma_wait3A_89, %dma_wait3A_90] : memref<10000x128xf32, #tpu.memory_space<vmem_shared>> -> memref<10000x128xf32, #tpu.memory_space<vmem_shared>>
          tpu.wait_indirect_dma semaphore(%run_scoped3A_71 : memref<!tpu.dma_semaphore, #tpu.memory_space<semaphore_mem>>) src(%dma_wait3A_85 : memref<128x128xf32, #tpu.memory_space<vmem>>) dst(%dma_wait3A_91 : memref<10000x128xf32, #tpu.memory_space<vmem_shared>>)
          tpu.yield
        }) : () -> ()
      } else {
      }
    }
    %scan3A_19 = arith.constant 80 : i32
    %barrier3A_20 = arith.constant 0 : index
    tpu.barrier barrier_id(%barrier3A_20)
    %mul3A_21 = arith.constant 10000 : i32
    %mul3A_22 = arith.muli %arg0, %mul3A_21 : i32
    %mul3A_23 = arith.constant 624 : i32
    %mul3A_24 = arith.muli %arg1, %mul3A_23 : i32
    %add3A_25 = arith.addi %mul3A_22, %mul3A_24 : i32
    %mul3A_26 = arith.constant 624 : i32
    %mul3A_27 = arith.muli %arg1, %mul3A_26 : i32
    "tpu.region"() ({
      %run_scoped3A = tpu.sem_alloc : memref<!tpu.dma_semaphore, #tpu.memory_space<semaphore_mem>>
      %dma_start3A = arith.constant 0 : i32
      %dma_start3A_33 = tpu.memref_slice %arg6[%add3A_25, %dma_start3A] : memref<20000x128xf32, #tpu.memory_space<hbm>> -> memref<624x128xf32, #tpu.memory_space<hbm>>
      %dma_start3A_34 = arith.constant 0 : i32
      %dma_start3A_35 = tpu.memref_slice %arg9[%mul3A_27, %dma_start3A_34] : memref<10000x128xf32, #tpu.memory_space<vmem_shared>> -> memref<624x128xf32, #tpu.memory_space<vmem_shared>>
      tpu.enqueue_dma source(%dma_start3A_35 : memref<624x128xf32, #tpu.memory_space<vmem_shared>>) target(%dma_start3A_33 : memref<624x128xf32, #tpu.memory_space<hbm>>) target_semaphore(%run_scoped3A : memref<!tpu.dma_semaphore, #tpu.memory_space<semaphore_mem>>)
      %dma_wait3A = arith.constant 0 : i32
      %dma_wait3A_36 = tpu.memref_slice %arg6[%add3A_25, %dma_wait3A] : memref<20000x128xf32, #tpu.memory_space<hbm>> -> memref<624x128xf32, #tpu.memory_space<hbm>>
      %dma_wait3A_37 = arith.constant 0 : i32
      %dma_wait3A_38 = tpu.memref_slice %arg9[%mul3A_27, %dma_wait3A_37] : memref<10000x128xf32, #tpu.memory_space<vmem_shared>> -> memref<624x128xf32, #tpu.memory_space<vmem_shared>>
      tpu.wait_dma2 semaphore(%run_scoped3A : memref<!tpu.dma_semaphore, #tpu.memory_space<semaphore_mem>>) src(%dma_wait3A_38 : memref<624x128xf32, #tpu.memory_space<vmem_shared>>) dst(%dma_wait3A_36 : memref<624x128xf32, #tpu.memory_space<hbm>>)
      tpu.yield
    }) : () -> ()
    %eq3A_28 = arith.constant 15 : i32
    %eq3A_29 = arith.cmpi eq, %arg1, %eq3A_28 : i32
    %convert_element_type3A_30 = arith.extui %eq3A_29 : i1 to i32
    %cond3A_31 = arith.constant 0 : i32
    %cond3A_32 = arith.cmpi ne, %convert_element_type3A_30, %cond3A_31 : i32
    scf.if %cond3A_32 {
      %mul3A_33 = arith.constant 10000 : i32
      %mul3A_34 = arith.muli %arg0, %mul3A_33 : i32
      %add3A_35 = arith.constant 9984 : i32
      %add3A_36 = arith.addi %mul3A_34, %add3A_35 : i32
      "tpu.region"() ({
        %run_scoped3A = tpu.sem_alloc : memref<!tpu.dma_semaphore, #tpu.memory_space<semaphore_mem>>
        %dma_start3A = arith.constant 0 : i32
        %dma_start3A_37 = tpu.memref_slice %arg6[%add3A_36, %dma_start3A] : memref<20000x128xf32, #tpu.memory_space<hbm>> -> memref<16x128xf32, #tpu.memory_space<hbm>>
        %dma_start3A_38 = arith.constant 9984 : i32
        %dma_start3A_39 = arith.constant 0 : i32
        %dma_start3A_40 = tpu.memref_slice %arg9[%dma_start3A_38, %dma_start3A_39] : memref<10000x128xf32, #tpu.memory_space<vmem_shared>> -> memref<16x128xf32, #tpu.memory_space<vmem_shared>>
        tpu.enqueue_dma source(%dma_start3A_40 : memref<16x128xf32, #tpu.memory_space<vmem_shared>>) target(%dma_start3A_37 : memref<16x128xf32, #tpu.memory_space<hbm>>) target_semaphore(%run_scoped3A : memref<!tpu.dma_semaphore, #tpu.memory_space<semaphore_mem>>)
        %dma_wait3A = arith.constant 0 : i32
        %dma_wait3A_41 = tpu.memref_slice %arg6[%add3A_36, %dma_wait3A] : memref<20000x128xf32, #tpu.memory_space<hbm>> -> memref<16x128xf32, #tpu.memory_space<hbm>>
        %dma_wait3A_42 = arith.constant 9984 : i32
        %dma_wait3A_43 = arith.constant 0 : i32
        %dma_wait3A_44 = tpu.memref_slice %arg9[%dma_wait3A_42, %dma_wait3A_43] : memref<10000x128xf32, #tpu.memory_space<vmem_shared>> -> memref<16x128xf32, #tpu.memory_space<vmem_shared>>
        tpu.wait_dma2 semaphore(%run_scoped3A : memref<!tpu.dma_semaphore, #tpu.memory_space<semaphore_mem>>) src(%dma_wait3A_44 : memref<16x128xf32, #tpu.memory_space<vmem_shared>>) dst(%dma_wait3A_41 : memref<16x128xf32, #tpu.memory_space<hbm>>)
        tpu.yield
      }) : () -> ()
    } else {
    }
    return
  }
}

#map = affine_map<(d0, d1) -> (0, 0)>
module attributes {stable_mosaic.version = 14 : i64} {
  func.func @_sc_segsum_rows(%arg0: i32, %arg1: i32, %arg2: memref<10000x128xf32, #tpu.memory_space<hbm>>, %arg3: memref<2560x128xi32, #tpu.memory_space<hbm>>, %arg4: memref<2560x128xi32, #tpu.memory_space<hbm>>, %arg5: memref<208x128xf32, #tpu.memory_space<hbm>>, %arg6: memref<20000x128xf32, #tpu.memory_space<hbm>>, %arg7: memref<2x2x128xi32, #tpu.memory_space<vmem>>, %arg8: memref<2x128x128xf32, #tpu.memory_space<vmem>>, %arg9: memref<10000x128xf32, #tpu.memory_space<vmem_shared>>, %arg10: memref<!tpu.dma_semaphore, #tpu.memory_space<semaphore_mem>>, %arg11: memref<!tpu.dma_semaphore, #tpu.memory_space<semaphore_mem>>, %arg12: memref<!tpu.dma_semaphore, #tpu.memory_space<semaphore_mem>>, %arg13: memref<!tpu.dma_semaphore, #tpu.memory_space<semaphore_mem>>) attributes {dimension_semantics = [#tpu.dimension_semantics<core_parallel>, #tpu.dimension_semantics<subcore_parallel>], iteration_bounds = array<i64: 2, 16>, scalar_prefetch = 0 : i64, scratch_operands = 7 : i64, tpu.core_type = #tpu.core_type<sc_vector_subcore>, window_params = [{transform_indices = #map}, {transform_indices = #map}, {transform_indices = #map}, {transform_indices = #map}, {transform_indices = #map}]} {
    %mul3A = arith.constant 2 : i32
    %mul3A_0 = arith.muli %arg1, %mul3A : i32
    %add3A = arith.addi %mul3A_0, %arg0 : i32
    %mul3A_1 = arith.constant 624 : i32
    %mul3A_2 = arith.muli %arg1, %mul3A_1 : i32
    %add3A_3 = arith.constant 0 : i32
    %add3A_4 = arith.addi %mul3A_2, %add3A_3 : i32
    "tpu.region"() ({
      %run_scoped3A = tpu.sem_alloc : memref<!tpu.dma_semaphore, #tpu.memory_space<semaphore_mem>>
      %dma_start3A = arith.constant 0 : i32
      %dma_start3A_33 = tpu.memref_slice %arg9[%add3A_4, %dma_start3A] : memref<10000x128xf32, #tpu.memory_space<vmem_shared>> -> memref<208x128xf32, #tpu.memory_space<vmem_shared>>
      tpu.enqueue_dma source(%arg5 : memref<208x128xf32, #tpu.memory_space<hbm>>) target(%dma_start3A_33 : memref<208x128xf32, #tpu.memory_space<vmem_shared>>) target_semaphore(%run_scoped3A : memref<!tpu.dma_semaphore, #tpu.memory_space<semaphore_mem>>)
      %dma_wait3A = arith.constant 0 : i32
      %dma_wait3A_34 = tpu.memref_slice %arg9[%add3A_4, %dma_wait3A] : memref<10000x128xf32, #tpu.memory_space<vmem_shared>> -> memref<208x128xf32, #tpu.memory_space<vmem_shared>>
      tpu.wait_dma2 semaphore(%run_scoped3A : memref<!tpu.dma_semaphore, #tpu.memory_space<semaphore_mem>>) src(%arg5 : memref<208x128xf32, #tpu.memory_space<hbm>>) dst(%dma_wait3A_34 : memref<208x128xf32, #tpu.memory_space<vmem_shared>>)
      tpu.yield
    }) : () -> ()
    %mul3A_5 = arith.constant 624 : i32
    %mul3A_6 = arith.muli %arg1, %mul3A_5 : i32
    %add3A_7 = arith.constant 208 : i32
    %add3A_8 = arith.addi %mul3A_6, %add3A_7 : i32
    "tpu.region"() ({
      %run_scoped3A = tpu.sem_alloc : memref<!tpu.dma_semaphore, #tpu.memory_space<semaphore_mem>>
      %dma_start3A = arith.constant 0 : i32
      %dma_start3A_33 = tpu.memref_slice %arg9[%add3A_8, %dma_start3A] : memref<10000x128xf32, #tpu.memory_space<vmem_shared>> -> memref<208x128xf32, #tpu.memory_space<vmem_shared>>
      tpu.enqueue_dma source(%arg5 : memref<208x128xf32, #tpu.memory_space<hbm>>) target(%dma_start3A_33 : memref<208x128xf32, #tpu.memory_space<vmem_shared>>) target_semaphore(%run_scoped3A : memref<!tpu.dma_semaphore, #tpu.memory_space<semaphore_mem>>)
      %dma_wait3A = arith.constant 0 : i32
      %dma_wait3A_34 = tpu.memref_slice %arg9[%add3A_8, %dma_wait3A] : memref<10000x128xf32, #tpu.memory_space<vmem_shared>> -> memref<208x128xf32, #tpu.memory_space<vmem_shared>>
      tpu.wait_dma2 semaphore(%run_scoped3A : memref<!tpu.dma_semaphore, #tpu.memory_space<semaphore_mem>>) src(%arg5 : memref<208x128xf32, #tpu.memory_space<hbm>>) dst(%dma_wait3A_34 : memref<208x128xf32, #tpu.memory_space<vmem_shared>>)
      tpu.yield
    }) : () -> ()
    %mul3A_9 = arith.constant 624 : i32
    %mul3A_10 = arith.muli %arg1, %mul3A_9 : i32
    %add3A_11 = arith.constant 416 : i32
    %add3A_12 = arith.addi %mul3A_10, %add3A_11 : i32
    "tpu.region"() ({
      %run_scoped3A = tpu.sem_alloc : memref<!tpu.dma_semaphore, #tpu.memory_space<semaphore_mem>>
      %dma_start3A = arith.constant 0 : i32
      %dma_start3A_33 = tpu.memref_slice %arg9[%add3A_12, %dma_start3A] : memref<10000x128xf32, #tpu.memory_space<vmem_shared>> -> memref<208x128xf32, #tpu.memory_space<vmem_shared>>
      tpu.enqueue_dma source(%arg5 : memref<208x128xf32, #tpu.memory_space<hbm>>) target(%dma_start3A_33 : memref<208x128xf32, #tpu.memory_space<vmem_shared>>) target_semaphore(%run_scoped3A : memref<!tpu.dma_semaphore, #tpu.memory_space<semaphore_mem>>)
      %dma_wait3A = arith.constant 0 : i32
      %dma_wait3A_34 = tpu.memref_slice %arg9[%add3A_12, %dma_wait3A] : memref<10000x128xf32, #tpu.memory_space<vmem_shared>> -> memref<208x128xf32, #tpu.memory_space<vmem_shared>>
      tpu.wait_dma2 semaphore(%run_scoped3A : memref<!tpu.dma_semaphore, #tpu.memory_space<semaphore_mem>>) src(%arg5 : memref<208x128xf32, #tpu.memory_space<hbm>>) dst(%dma_wait3A_34 : memref<208x128xf32, #tpu.memory_space<vmem_shared>>)
      tpu.yield
    }) : () -> ()
    %eq3A = arith.constant 15 : i32
    %eq3A_13 = arith.cmpi eq, %arg1, %eq3A : i32
    %convert_element_type3A = arith.extui %eq3A_13 : i1 to i32
    %cond3A = arith.constant 0 : i32
    %cond3A_14 = arith.cmpi ne, %convert_element_type3A, %cond3A : i32
    scf.if %cond3A_14 {
      "tpu.region"() ({
        %run_scoped3A = tpu.sem_alloc : memref<!tpu.dma_semaphore, #tpu.memory_space<semaphore_mem>>
        %dma_start3A = arith.constant 9984 : i32
        %dma_start3A_33 = arith.constant 0 : i32
        %dma_start3A_34 = tpu.memref_slice %arg9[%dma_start3A, %dma_start3A_33] : memref<10000x128xf32, #tpu.memory_space<vmem_shared>> -> memref<16x128xf32, #tpu.memory_space<vmem_shared>>
        %dma_start3A_35 = arith.constant 0 : i32
        %dma_start3A_36 = arith.constant 0 : i32
        %dma_start3A_37 = tpu.memref_slice %arg5[%dma_start3A_35, %dma_start3A_36] : memref<208x128xf32, #tpu.memory_space<hbm>> -> memref<16x128xf32, #tpu.memory_space<hbm>>
        tpu.enqueue_dma source(%dma_start3A_37 : memref<16x128xf32, #tpu.memory_space<hbm>>) target(%dma_start3A_34 : memref<16x128xf32, #tpu.memory_space<vmem_shared>>) target_semaphore(%run_scoped3A : memref<!tpu.dma_semaphore, #tpu.memory_space<semaphore_mem>>)
        %dma_wait3A = arith.constant 9984 : i32
        %dma_wait3A_38 = arith.constant 0 : i32
        %dma_wait3A_39 = tpu.memref_slice %arg9[%dma_wait3A, %dma_wait3A_38] : memref<10000x128xf32, #tpu.memory_space<vmem_shared>> -> memref<16x128xf32, #tpu.memory_space<vmem_shared>>
        %dma_wait3A_40 = arith.constant 0 : i32
        %dma_wait3A_41 = arith.constant 0 : i32
        %dma_wait3A_42 = tpu.memref_slice %arg5[%dma_wait3A_40, %dma_wait3A_41] : memref<208x128xf32, #tpu.memory_space<hbm>> -> memref<16x128xf32, #tpu.memory_space<hbm>>
        tpu.wait_dma2 semaphore(%run_scoped3A : memref<!tpu.dma_semaphore, #tpu.memory_space<semaphore_mem>>) src(%dma_wait3A_42 : memref<16x128xf32, #tpu.memory_space<hbm>>) dst(%dma_wait3A_39 : memref<16x128xf32, #tpu.memory_space<vmem_shared>>)
        tpu.yield
      }) : () -> ()
    } else {
    }
    %barrier3A = arith.constant 0 : index
    tpu.barrier barrier_id(%barrier3A)
    %scan3A = arith.constant 0 : i32
    %scan3A_15 = arith.constant 0 : i32
    %scan3A_16 = arith.constant 80 : i32
    %scan3A_17 = arith.addi %scan3A_15, %scan3A_16 : i32
    %scan3A_18 = arith.constant 1 : i32
    scf.for %scan3A_33 = %scan3A_15 to %scan3A_17 step %scan3A_18  : i32 {
      %mul3A_34 = arith.constant 32 : i32
      %mul3A_35 = arith.muli %scan3A_33, %mul3A_34 : i32
      %add3A_36 = arith.addi %mul3A_35, %add3A : i32
      %lt3A = arith.constant 2500 : i32
      %lt3A_37 = arith.cmpi slt, %add3A_36, %lt3A : i32
      %convert_element_type3A_38 = arith.extui %lt3A_37 : i1 to i32
      %cond3A_39 = arith.constant 0 : i32
      %cond3A_40 = arith.cmpi ne, %convert_element_type3A_38, %cond3A_39 : i32
      scf.if %cond3A_40 {
        %run_scoped3A = arith.constant 0 : i32
        %run_scoped3A_41 = arith.constant 0 : i32
        "tpu.region"() ({
          %run_scoped3A_71 = tpu.sem_alloc : memref<!tpu.dma_semaphore, #tpu.memory_space<semaphore_mem>>
          %dma_start3A_72 = arith.constant 0 : i32
          %dma_start3A_73 = tpu.memref_slice %arg7[%run_scoped3A, %run_scoped3A_41, %dma_start3A_72] : memref<2x2x128xi32, #tpu.memory_space<vmem>> -> memref<1x1x128xi32, #tpu.memory_space<vmem>>
          %dma_start3A_74 = tpu.memref_squeeze %dma_start3A_73 : memref<1x1x128xi32, #tpu.memory_space<vmem>> -> memref<128xi32, #tpu.memory_space<vmem>>
          %dma_start3A_75 = arith.constant 0 : i32
          %dma_start3A_76 = tpu.memref_slice %arg3[%add3A_36, %dma_start3A_75] : memref<2560x128xi32, #tpu.memory_space<hbm>> -> memref<1x128xi32, #tpu.memory_space<hbm>>
          %dma_start3A_77 = tpu.memref_squeeze %dma_start3A_76 : memref<1x128xi32, #tpu.memory_space<hbm>> -> memref<128xi32, #tpu.memory_space<hbm>>
          %dma_start3A_78 = arith.constant 0 : i32
          %dma_start3A_79 = tpu.memref_slice %arg7[%run_scoped3A, %run_scoped3A_41, %dma_start3A_78] : memref<2x2x128xi32, #tpu.memory_space<vmem>> -> memref<1x1x128xi32, #tpu.memory_space<vmem>>
          %dma_start3A_80 = tpu.memref_squeeze %dma_start3A_79 : memref<1x1x128xi32, #tpu.memory_space<vmem>> -> memref<128xi32, #tpu.memory_space<vmem>>
          %dma_start3A_81 = arith.constant 0 : i32
          %dma_start3A_82 = tpu.memref_slice %arg3[%add3A_36, %dma_start3A_81] : memref<2560x128xi32, #tpu.memory_space<hbm>> -> memref<1x128xi32, #tpu.memory_space<hbm>>
          %dma_start3A_83 = tpu.memref_squeeze %dma_start3A_82 : memref<1x128xi32, #tpu.memory_space<hbm>> -> memref<128xi32, #tpu.memory_space<hbm>>
          tpu.enqueue_dma source(%dma_start3A_83 : memref<128xi32, #tpu.memory_space<hbm>>) target(%dma_start3A_80 : memref<128xi32, #tpu.memory_space<vmem>>) target_semaphore(%run_scoped3A_71 : memref<!tpu.dma_semaphore, #tpu.memory_space<semaphore_mem>>)
          %dma_wait3A_84 = arith.constant 0 : i32
          %dma_wait3A_85 = tpu.memref_slice %arg7[%run_scoped3A, %run_scoped3A_41, %dma_wait3A_84] : memref<2x2x128xi32, #tpu.memory_space<vmem>> -> memref<1x1x128xi32, #tpu.memory_space<vmem>>
          %dma_wait3A_86 = tpu.memref_squeeze %dma_wait3A_85 : memref<1x1x128xi32, #tpu.memory_space<vmem>> -> memref<128xi32, #tpu.memory_space<vmem>>
          %dma_wait3A_87 = arith.constant 0 : i32
          %dma_wait3A_88 = tpu.memref_slice %arg3[%add3A_36, %dma_wait3A_87] : memref<2560x128xi32, #tpu.memory_space<hbm>> -> memref<1x128xi32, #tpu.memory_space<hbm>>
          %dma_wait3A_89 = tpu.memref_squeeze %dma_wait3A_88 : memref<1x128xi32, #tpu.memory_space<hbm>> -> memref<128xi32, #tpu.memory_space<hbm>>
          %dma_wait3A_90 = arith.constant 0 : i32
          %dma_wait3A_91 = tpu.memref_slice %arg7[%run_scoped3A, %run_scoped3A_41, %dma_wait3A_90] : memref<2x2x128xi32, #tpu.memory_space<vmem>> -> memref<1x1x128xi32, #tpu.memory_space<vmem>>
          %dma_wait3A_92 = tpu.memref_squeeze %dma_wait3A_91 : memref<1x1x128xi32, #tpu.memory_space<vmem>> -> memref<128xi32, #tpu.memory_space<vmem>>
          %dma_wait3A_93 = arith.constant 0 : i32
          %dma_wait3A_94 = tpu.memref_slice %arg3[%add3A_36, %dma_wait3A_93] : memref<2560x128xi32, #tpu.memory_space<hbm>> -> memref<1x128xi32, #tpu.memory_space<hbm>>
          %dma_wait3A_95 = tpu.memref_squeeze %dma_wait3A_94 : memref<1x128xi32, #tpu.memory_space<hbm>> -> memref<128xi32, #tpu.memory_space<hbm>>
          tpu.wait_dma2 semaphore(%run_scoped3A_71 : memref<!tpu.dma_semaphore, #tpu.memory_space<semaphore_mem>>) src(%dma_wait3A_95 : memref<128xi32, #tpu.memory_space<hbm>>) dst(%dma_wait3A_92 : memref<128xi32, #tpu.memory_space<vmem>>)
          tpu.yield
        }) : () -> ()
        %run_scoped3A_42 = arith.constant 0 : i32
        %run_scoped3A_43 = arith.constant 1 : i32
        "tpu.region"() ({
          %run_scoped3A_71 = tpu.sem_alloc : memref<!tpu.dma_semaphore, #tpu.memory_space<semaphore_mem>>
          %dma_start3A_72 = arith.constant 0 : i32
          %dma_start3A_73 = tpu.memref_slice %arg7[%run_scoped3A_42, %run_scoped3A_43, %dma_start3A_72] : memref<2x2x128xi32, #tpu.memory_space<vmem>> -> memref<1x1x128xi32, #tpu.memory_space<vmem>>
          %dma_start3A_74 = tpu.memref_squeeze %dma_start3A_73 : memref<1x1x128xi32, #tpu.memory_space<vmem>> -> memref<128xi32, #tpu.memory_space<vmem>>
          %dma_start3A_75 = arith.constant 0 : i32
          %dma_start3A_76 = tpu.memref_slice %arg4[%add3A_36, %dma_start3A_75] : memref<2560x128xi32, #tpu.memory_space<hbm>> -> memref<1x128xi32, #tpu.memory_space<hbm>>
          %dma_start3A_77 = tpu.memref_squeeze %dma_start3A_76 : memref<1x128xi32, #tpu.memory_space<hbm>> -> memref<128xi32, #tpu.memory_space<hbm>>
          %dma_start3A_78 = arith.constant 0 : i32
          %dma_start3A_79 = tpu.memref_slice %arg7[%run_scoped3A_42, %run_scoped3A_43, %dma_start3A_78] : memref<2x2x128xi32, #tpu.memory_space<vmem>> -> memref<1x1x128xi32, #tpu.memory_space<vmem>>
          %dma_start3A_80 = tpu.memref_squeeze %dma_start3A_79 : memref<1x1x128xi32, #tpu.memory_space<vmem>> -> memref<128xi32, #tpu.memory_space<vmem>>
          %dma_start3A_81 = arith.constant 0 : i32
          %dma_start3A_82 = tpu.memref_slice %arg4[%add3A_36, %dma_start3A_81] : memref<2560x128xi32, #tpu.memory_space<hbm>> -> memref<1x128xi32, #tpu.memory_space<hbm>>
          %dma_start3A_83 = tpu.memref_squeeze %dma_start3A_82 : memref<1x128xi32, #tpu.memory_space<hbm>> -> memref<128xi32, #tpu.memory_space<hbm>>
          tpu.enqueue_dma source(%dma_start3A_83 : memref<128xi32, #tpu.memory_space<hbm>>) target(%dma_start3A_80 : memref<128xi32, #tpu.memory_space<vmem>>) target_semaphore(%run_scoped3A_71 : memref<!tpu.dma_semaphore, #tpu.memory_space<semaphore_mem>>)
          %dma_wait3A_84 = arith.constant 0 : i32
          %dma_wait3A_85 = tpu.memref_slice %arg7[%run_scoped3A_42, %run_scoped3A_43, %dma_wait3A_84] : memref<2x2x128xi32, #tpu.memory_space<vmem>> -> memref<1x1x128xi32, #tpu.memory_space<vmem>>
          %dma_wait3A_86 = tpu.memref_squeeze %dma_wait3A_85 : memref<1x1x128xi32, #tpu.memory_space<vmem>> -> memref<128xi32, #tpu.memory_space<vmem>>
          %dma_wait3A_87 = arith.constant 0 : i32
          %dma_wait3A_88 = tpu.memref_slice %arg4[%add3A_36, %dma_wait3A_87] : memref<2560x128xi32, #tpu.memory_space<hbm>> -> memref<1x128xi32, #tpu.memory_space<hbm>>
          %dma_wait3A_89 = tpu.memref_squeeze %dma_wait3A_88 : memref<1x128xi32, #tpu.memory_space<hbm>> -> memref<128xi32, #tpu.memory_space<hbm>>
          %dma_wait3A_90 = arith.constant 0 : i32
          %dma_wait3A_91 = tpu.memref_slice %arg7[%run_scoped3A_42, %run_scoped3A_43, %dma_wait3A_90] : memref<2x2x128xi32, #tpu.memory_space<vmem>> -> memref<1x1x128xi32, #tpu.memory_space<vmem>>
          %dma_wait3A_92 = tpu.memref_squeeze %dma_wait3A_91 : memref<1x1x128xi32, #tpu.memory_space<vmem>> -> memref<128xi32, #tpu.memory_space<vmem>>
          %dma_wait3A_93 = arith.constant 0 : i32
          %dma_wait3A_94 = tpu.memref_slice %arg4[%add3A_36, %dma_wait3A_93] : memref<2560x128xi32, #tpu.memory_space<hbm>> -> memref<1x128xi32, #tpu.memory_space<hbm>>
          %dma_wait3A_95 = tpu.memref_squeeze %dma_wait3A_94 : memref<1x128xi32, #tpu.memory_space<hbm>> -> memref<128xi32, #tpu.memory_space<hbm>>
          tpu.wait_dma2 semaphore(%run_scoped3A_71 : memref<!tpu.dma_semaphore, #tpu.memory_space<semaphore_mem>>) src(%dma_wait3A_95 : memref<128xi32, #tpu.memory_space<hbm>>) dst(%dma_wait3A_92 : memref<128xi32, #tpu.memory_space<vmem>>)
          tpu.yield
        }) : () -> ()
        %dma_start3A = arith.constant 0 : i32
        %dma_start3A_44 = arith.constant 0 : i32
        %dma_start3A_45 = arith.constant 0 : i32
        %dma_start3A_46 = arith.constant 0 : i32
        %dma_start3A_47 = arith.constant 0 : i32
        %dma_start3A_48 = tpu.memref_slice %arg8[%dma_start3A_45, %dma_start3A_46, %dma_start3A_47] : memref<2x128x128xf32, #tpu.memory_space<vmem>> -> memref<1x128x128xf32, #tpu.memory_space<vmem>>
        %dma_start3A_49 = tpu.memref_squeeze %dma_start3A_48 : memref<1x128x128xf32, #tpu.memory_space<vmem>> -> memref<128x128xf32, #tpu.memory_space<vmem>>
        %dma_start3A_50 = arith.constant 0 : i32
        %dma_start3A_51 = tpu.memref_slice %arg7[%dma_start3A, %dma_start3A_44, %dma_start3A_50] : memref<2x2x128xi32, #tpu.memory_space<vmem>> -> memref<1x1x128xi32, #tpu.memory_space<vmem>>
        %dma_start3A_52 = tpu.memref_squeeze %dma_start3A_51 : memref<1x1x128xi32, #tpu.memory_space<vmem>> -> memref<128xi32, #tpu.memory_space<vmem>>
        %dma_start3A_53 = arith.constant 0 : i32
        %dma_start3A_54 = arith.constant 0 : i32
        %dma_start3A_55 = tpu.memref_slice %arg2[%dma_start3A_53, %dma_start3A_54] : memref<10000x128xf32, #tpu.memory_space<hbm>> -> memref<10000x128xf32, #tpu.memory_space<hbm>>
        tpu.enqueue_indirect_dma source(%dma_start3A_55 : memref<10000x128xf32, #tpu.memory_space<hbm>>) target(%dma_start3A_49 : memref<128x128xf32, #tpu.memory_space<vmem>>) offsets(%dma_start3A_52 : memref<128xi32, #tpu.memory_space<vmem>>) semaphore(%arg10 : memref<!tpu.dma_semaphore, #tpu.memory_space<semaphore_mem>>)
        %dma_wait3A = arith.constant 0 : i32
        %dma_wait3A_56 = arith.constant 0 : i32
        %dma_wait3A_57 = arith.constant 0 : i32
        %dma_wait3A_58 = arith.constant 0 : i32
        %dma_wait3A_59 = arith.constant 0 : i32
        %dma_wait3A_60 = tpu.memref_slice %arg8[%dma_wait3A_57, %dma_wait3A_58, %dma_wait3A_59] : memref<2x128x128xf32, #tpu.memory_space<vmem>> -> memref<1x128x128xf32, #tpu.memory_space<vmem>>
        %dma_wait3A_61 = tpu.memref_squeeze %dma_wait3A_60 : memref<1x128x128xf32, #tpu.memory_space<vmem>> -> memref<128x128xf32, #tpu.memory_space<vmem>>
        %dma_wait3A_62 = arith.constant 0 : i32
        %dma_wait3A_63 = tpu.memref_slice %arg7[%dma_wait3A, %dma_wait3A_56, %dma_wait3A_62] : memref<2x2x128xi32, #tpu.memory_space<vmem>> -> memref<1x1x128xi32, #tpu.memory_space<vmem>>
        %dma_wait3A_64 = tpu.memref_squeeze %dma_wait3A_63 : memref<1x1x128xi32, #tpu.memory_space<vmem>> -> memref<128xi32, #tpu.memory_space<vmem>>
        %dma_wait3A_65 = arith.constant 0 : i32
        %dma_wait3A_66 = arith.constant 0 : i32
        %dma_wait3A_67 = tpu.memref_slice %arg2[%dma_wait3A_65, %dma_wait3A_66] : memref<10000x128xf32, #tpu.memory_space<hbm>> -> memref<10000x128xf32, #tpu.memory_space<hbm>>
        tpu.wait_indirect_dma semaphore(%arg10 : memref<!tpu.dma_semaphore, #tpu.memory_space<semaphore_mem>>) src(%dma_wait3A_67 : memref<10000x128xf32, #tpu.memory_space<hbm>>) dst(%dma_wait3A_61 : memref<128x128xf32, #tpu.memory_space<vmem>>)
        %run_scoped3A_68 = arith.constant 0 : i32
        %run_scoped3A_69 = arith.constant 0 : i32
        %run_scoped3A_70 = arith.constant 1 : i32
        "tpu.region"() ({
          %run_scoped3A_71 = tpu.sem_alloc : memref<!tpu.dma_semaphore, #tpu.memory_space<semaphore_mem>>
          %dma_start3A_72 = arith.constant 0 : i32
          %dma_start3A_73 = arith.constant 0 : i32
          %dma_start3A_74 = tpu.memref_slice %arg8[%run_scoped3A_68, %dma_start3A_72, %dma_start3A_73] : memref<2x128x128xf32, #tpu.memory_space<vmem>> -> memref<1x128x128xf32, #tpu.memory_space<vmem>>
          %dma_start3A_75 = tpu.memref_squeeze %dma_start3A_74 : memref<1x128x128xf32, #tpu.memory_space<vmem>> -> memref<128x128xf32, #tpu.memory_space<vmem>>
          %dma_start3A_76 = arith.constant 0 : i32
          %dma_start3A_77 = tpu.memref_slice %arg7[%run_scoped3A_69, %run_scoped3A_70, %dma_start3A_76] : memref<2x2x128xi32, #tpu.memory_space<vmem>> -> memref<1x1x128xi32, #tpu.memory_space<vmem>>
          %dma_start3A_78 = tpu.memref_squeeze %dma_start3A_77 : memref<1x1x128xi32, #tpu.memory_space<vmem>> -> memref<128xi32, #tpu.memory_space<vmem>>
          %dma_start3A_79 = arith.constant 0 : i32
          %dma_start3A_80 = arith.constant 0 : i32
          %dma_start3A_81 = tpu.memref_slice %arg9[%dma_start3A_79, %dma_start3A_80] : memref<10000x128xf32, #tpu.memory_space<vmem_shared>> -> memref<10000x128xf32, #tpu.memory_space<vmem_shared>>
          tpu.enqueue_indirect_dma source(%dma_start3A_75 : memref<128x128xf32, #tpu.memory_space<vmem>>) target(%dma_start3A_81 : memref<10000x128xf32, #tpu.memory_space<vmem_shared>>) offsets(%dma_start3A_78 : memref<128xi32, #tpu.memory_space<vmem>>) semaphore(%run_scoped3A_71 : memref<!tpu.dma_semaphore, #tpu.memory_space<semaphore_mem>>) {add = true}
          %dma_wait3A_82 = arith.constant 0 : i32
          %dma_wait3A_83 = arith.constant 0 : i32
          %dma_wait3A_84 = tpu.memref_slice %arg8[%run_scoped3A_68, %dma_wait3A_82, %dma_wait3A_83] : memref<2x128x128xf32, #tpu.memory_space<vmem>> -> memref<1x128x128xf32, #tpu.memory_space<vmem>>
          %dma_wait3A_85 = tpu.memref_squeeze %dma_wait3A_84 : memref<1x128x128xf32, #tpu.memory_space<vmem>> -> memref<128x128xf32, #tpu.memory_space<vmem>>
          %dma_wait3A_86 = arith.constant 0 : i32
          %dma_wait3A_87 = tpu.memref_slice %arg7[%run_scoped3A_69, %run_scoped3A_70, %dma_wait3A_86] : memref<2x2x128xi32, #tpu.memory_space<vmem>> -> memref<1x1x128xi32, #tpu.memory_space<vmem>>
          %dma_wait3A_88 = tpu.memref_squeeze %dma_wait3A_87 : memref<1x1x128xi32, #tpu.memory_space<vmem>> -> memref<128xi32, #tpu.memory_space<vmem>>
          %dma_wait3A_89 = arith.constant 0 : i32
          %dma_wait3A_90 = arith.constant 0 : i32
          %dma_wait3A_91 = tpu.memref_slice %arg9[%dma_wait3A_89, %dma_wait3A_90] : memref<10000x128xf32, #tpu.memory_space<vmem_shared>> -> memref<10000x128xf32, #tpu.memory_space<vmem_shared>>
          tpu.wait_indirect_dma semaphore(%run_scoped3A_71 : memref<!tpu.dma_semaphore, #tpu.memory_space<semaphore_mem>>) src(%dma_wait3A_85 : memref<128x128xf32, #tpu.memory_space<vmem>>) dst(%dma_wait3A_91 : memref<10000x128xf32, #tpu.memory_space<vmem_shared>>)
          tpu.yield
        }) : () -> ()
      } else {
      }
    }
    %scan3A_19 = arith.constant 80 : i32
    %barrier3A_20 = arith.constant 0 : index
    tpu.barrier barrier_id(%barrier3A_20)
    %mul3A_21 = arith.constant 10000 : i32
    %mul3A_22 = arith.muli %arg0, %mul3A_21 : i32
    %mul3A_23 = arith.constant 624 : i32
    %mul3A_24 = arith.muli %arg1, %mul3A_23 : i32
    %add3A_25 = arith.addi %mul3A_22, %mul3A_24 : i32
    %mul3A_26 = arith.constant 624 : i32
    %mul3A_27 = arith.muli %arg1, %mul3A_26 : i32
    "tpu.region"() ({
      %run_scoped3A = tpu.sem_alloc : memref<!tpu.dma_semaphore, #tpu.memory_space<semaphore_mem>>
      %dma_start3A = arith.constant 0 : i32
      %dma_start3A_33 = tpu.memref_slice %arg6[%add3A_25, %dma_start3A] : memref<20000x128xf32, #tpu.memory_space<hbm>> -> memref<624x128xf32, #tpu.memory_space<hbm>>
      %dma_start3A_34 = arith.constant 0 : i32
      %dma_start3A_35 = tpu.memref_slice %arg9[%mul3A_27, %dma_start3A_34] : memref<10000x128xf32, #tpu.memory_space<vmem_shared>> -> memref<624x128xf32, #tpu.memory_space<vmem_shared>>
      tpu.enqueue_dma source(%dma_start3A_35 : memref<624x128xf32, #tpu.memory_space<vmem_shared>>) target(%dma_start3A_33 : memref<624x128xf32, #tpu.memory_space<hbm>>) target_semaphore(%run_scoped3A : memref<!tpu.dma_semaphore, #tpu.memory_space<semaphore_mem>>)
      %dma_wait3A = arith.constant 0 : i32
      %dma_wait3A_36 = tpu.memref_slice %arg6[%add3A_25, %dma_wait3A] : memref<20000x128xf32, #tpu.memory_space<hbm>> -> memref<624x128xf32, #tpu.memory_space<hbm>>
      %dma_wait3A_37 = arith.constant 0 : i32
      %dma_wait3A_38 = tpu.memref_slice %arg9[%mul3A_27, %dma_wait3A_37] : memref<10000x128xf32, #tpu.memory_space<vmem_shared>> -> memref<624x128xf32, #tpu.memory_space<vmem_shared>>
      tpu.wait_dma2 semaphore(%run_scoped3A : memref<!tpu.dma_semaphore, #tpu.memory_space<semaphore_mem>>) src(%dma_wait3A_38 : memref<624x128xf32, #tpu.memory_space<vmem_shared>>) dst(%dma_wait3A_36 : memref<624x128xf32, #tpu.memory_space<hbm>>)
      tpu.yield
    }) : () -> ()
    %eq3A_28 = arith.constant 15 : i32
    %eq3A_29 = arith.cmpi eq, %arg1, %eq3A_28 : i32
    %convert_element_type3A_30 = arith.extui %eq3A_29 : i1 to i32
    %cond3A_31 = arith.constant 0 : i32
    %cond3A_32 = arith.cmpi ne, %convert_element_type3A_30, %cond3A_31 : i32
    scf.if %cond3A_32 {
      %mul3A_33 = arith.constant 10000 : i32
      %mul3A_34 = arith.muli %arg0, %mul3A_33 : i32
      %add3A_35 = arith.constant 9984 : i32
      %add3A_36 = arith.addi %mul3A_34, %add3A_35 : i32
      "tpu.region"() ({
        %run_scoped3A = tpu.sem_alloc : memref<!tpu.dma_semaphore, #tpu.memory_space<semaphore_mem>>
        %dma_start3A = arith.constant 0 : i32
        %dma_start3A_37 = tpu.memref_slice %arg6[%add3A_36, %dma_start3A] : memref<20000x128xf32, #tpu.memory_space<hbm>> -> memref<16x128xf32, #tpu.memory_space<hbm>>
        %dma_start3A_38 = arith.constant 9984 : i32
        %dma_start3A_39 = arith.constant 0 : i32
        %dma_start3A_40 = tpu.memref_slice %arg9[%dma_start3A_38, %dma_start3A_39] : memref<10000x128xf32, #tpu.memory_space<vmem_shared>> -> memref<16x128xf32, #tpu.memory_space<vmem_shared>>
        tpu.enqueue_dma source(%dma_start3A_40 : memref<16x128xf32, #tpu.memory_space<vmem_shared>>) target(%dma_start3A_37 : memref<16x128xf32, #tpu.memory_space<hbm>>) target_semaphore(%run_scoped3A : memref<!tpu.dma_semaphore, #tpu.memory_space<semaphore_mem>>)
        %dma_wait3A = arith.constant 0 : i32
        %dma_wait3A_41 = tpu.memref_slice %arg6[%add3A_36, %dma_wait3A] : memref<20000x128xf32, #tpu.memory_space<hbm>> -> memref<16x128xf32, #tpu.memory_space<hbm>>
        %dma_wait3A_42 = arith.constant 9984 : i32
        %dma_wait3A_43 = arith.constant 0 : i32
        %dma_wait3A_44 = tpu.memref_slice %arg9[%dma_wait3A_42, %dma_wait3A_43] : memref<10000x128xf32, #tpu.memory_space<vmem_shared>> -> memref<16x128xf32, #tpu.memory_space<vmem_shared>>
        tpu.wait_dma2 semaphore(%run_scoped3A : memref<!tpu.dma_semaphore, #tpu.memory_space<semaphore_mem>>) src(%dma_wait3A_44 : memref<16x128xf32, #tpu.memory_space<vmem_shared>>) dst(%dma_wait3A_41 : memref<16x128xf32, #tpu.memory_space<hbm>>)
        tpu.yield
      }) : () -> ()
    } else {
    }
    return
  }
}

#map = affine_map<(d0, d1) -> (0)>
module attributes {stable_mosaic.version = 14 : i64} {
  func.func @_sc_edge_score(%arg0: i32, %arg1: i32, %arg2: memref<10000xf32, #tpu.memory_space<hbm>>, %arg3: memref<10000xf32, #tpu.memory_space<hbm>>, %arg4: memref<10000xf32, #tpu.memory_space<hbm>>, %arg5: memref<10000xf32, #tpu.memory_space<hbm>>, %arg6: memref<327680xi32, #tpu.memory_space<hbm>>, %arg7: memref<327680xi32, #tpu.memory_space<hbm>>, %arg8: memref<327680xf32, #tpu.memory_space<hbm>>, %arg9: memref<327680xf32, #tpu.memory_space<hbm>>, %arg10: memref<327680xf32, #tpu.memory_space<hbm>>, %arg11: memref<327680xf32, #tpu.memory_space<hbm>>, %arg12: memref<10016xf32, #tpu.memory_space<vmem>>, %arg13: memref<10016xf32, #tpu.memory_space<vmem>>, %arg14: memref<10016xf32, #tpu.memory_space<vmem>>, %arg15: memref<10016xf32, #tpu.memory_space<vmem>>, %arg16: memref<10240xi32, #tpu.memory_space<vmem>>, %arg17: memref<10240xi32, #tpu.memory_space<vmem>>, %arg18: memref<10240xf32, #tpu.memory_space<vmem>>, %arg19: memref<10240xf32, #tpu.memory_space<vmem>>, %arg20: memref<10240xf32, #tpu.memory_space<vmem>>, %arg21: memref<10240xf32, #tpu.memory_space<vmem>>) attributes {dimension_semantics = [#tpu.dimension_semantics<core_parallel>, #tpu.dimension_semantics<subcore_parallel>], iteration_bounds = array<i64: 2, 16>, scalar_prefetch = 0 : i64, scratch_operands = 10 : i64, tpu.core_type = #tpu.core_type<sc_vector_subcore>, window_params = [{transform_indices = #map}, {transform_indices = #map}, {transform_indices = #map}, {transform_indices = #map}, {transform_indices = #map}, {transform_indices = #map}, {transform_indices = #map}, {transform_indices = #map}, {transform_indices = #map}, {transform_indices = #map}]} {
    %mul3A = arith.constant 2 : i32
    %mul3A_0 = arith.muli %arg1, %mul3A : i32
    %add3A = arith.addi %mul3A_0, %arg0 : i32
    "tpu.region"() ({
      %run_scoped3A = tpu.sem_alloc : memref<!tpu.dma_semaphore, #tpu.memory_space<semaphore_mem>>
      %dma_start3A = arith.constant 0 : i32
      %dma_start3A_8 = tpu.memref_slice %arg12[%dma_start3A] : memref<10016xf32, #tpu.memory_space<vmem>> -> memref<10000xf32, #tpu.memory_space<vmem>>
      %dma_start3A_9 = arith.constant 0 : i32
      %dma_start3A_10 = tpu.memref_slice %arg12[%dma_start3A_9] : memref<10016xf32, #tpu.memory_space<vmem>> -> memref<10000xf32, #tpu.memory_space<vmem>>
      tpu.enqueue_dma source(%arg2 : memref<10000xf32, #tpu.memory_space<hbm>>) target(%dma_start3A_10 : memref<10000xf32, #tpu.memory_space<vmem>>) target_semaphore(%run_scoped3A : memref<!tpu.dma_semaphore, #tpu.memory_space<semaphore_mem>>)
      %dma_wait3A = arith.constant 0 : i32
      %dma_wait3A_11 = tpu.memref_slice %arg12[%dma_wait3A] : memref<10016xf32, #tpu.memory_space<vmem>> -> memref<10000xf32, #tpu.memory_space<vmem>>
      %dma_wait3A_12 = arith.constant 0 : i32
      %dma_wait3A_13 = tpu.memref_slice %arg12[%dma_wait3A_12] : memref<10016xf32, #tpu.memory_space<vmem>> -> memref<10000xf32, #tpu.memory_space<vmem>>
      tpu.wait_dma2 semaphore(%run_scoped3A : memref<!tpu.dma_semaphore, #tpu.memory_space<semaphore_mem>>) src(%arg2 : memref<10000xf32, #tpu.memory_space<hbm>>) dst(%dma_wait3A_13 : memref<10000xf32, #tpu.memory_space<vmem>>)
      tpu.yield
    }) : () -> ()
    "tpu.region"() ({
      %run_scoped3A = tpu.sem_alloc : memref<!tpu.dma_semaphore, #tpu.memory_space<semaphore_mem>>
      %dma_start3A = arith.constant 0 : i32
      %dma_start3A_8 = tpu.memref_slice %arg13[%dma_start3A] : memref<10016xf32, #tpu.memory_space<vmem>> -> memref<10000xf32, #tpu.memory_space<vmem>>
      %dma_start3A_9 = arith.constant 0 : i32
      %dma_start3A_10 = tpu.memref_slice %arg13[%dma_start3A_9] : memref<10016xf32, #tpu.memory_space<vmem>> -> memref<10000xf32, #tpu.memory_space<vmem>>
      tpu.enqueue_dma source(%arg3 : memref<10000xf32, #tpu.memory_space<hbm>>) target(%dma_start3A_10 : memref<10000xf32, #tpu.memory_space<vmem>>) target_semaphore(%run_scoped3A : memref<!tpu.dma_semaphore, #tpu.memory_space<semaphore_mem>>)
      %dma_wait3A = arith.constant 0 : i32
      %dma_wait3A_11 = tpu.memref_slice %arg13[%dma_wait3A] : memref<10016xf32, #tpu.memory_space<vmem>> -> memref<10000xf32, #tpu.memory_space<vmem>>
      %dma_wait3A_12 = arith.constant 0 : i32
      %dma_wait3A_13 = tpu.memref_slice %arg13[%dma_wait3A_12] : memref<10016xf32, #tpu.memory_space<vmem>> -> memref<10000xf32, #tpu.memory_space<vmem>>
      tpu.wait_dma2 semaphore(%run_scoped3A : memref<!tpu.dma_semaphore, #tpu.memory_space<semaphore_mem>>) src(%arg3 : memref<10000xf32, #tpu.memory_space<hbm>>) dst(%dma_wait3A_13 : memref<10000xf32, #tpu.memory_space<vmem>>)
      tpu.yield
    }) : () -> ()
    "tpu.region"() ({
      %run_scoped3A = tpu.sem_alloc : memref<!tpu.dma_semaphore, #tpu.memory_space<semaphore_mem>>
      %dma_start3A = arith.constant 0 : i32
      %dma_start3A_8 = tpu.memref_slice %arg14[%dma_start3A] : memref<10016xf32, #tpu.memory_space<vmem>> -> memref<10000xf32, #tpu.memory_space<vmem>>
      %dma_start3A_9 = arith.constant 0 : i32
      %dma_start3A_10 = tpu.memref_slice %arg14[%dma_start3A_9] : memref<10016xf32, #tpu.memory_space<vmem>> -> memref<10000xf32, #tpu.memory_space<vmem>>
      tpu.enqueue_dma source(%arg4 : memref<10000xf32, #tpu.memory_space<hbm>>) target(%dma_start3A_10 : memref<10000xf32, #tpu.memory_space<vmem>>) target_semaphore(%run_scoped3A : memref<!tpu.dma_semaphore, #tpu.memory_space<semaphore_mem>>)
      %dma_wait3A = arith.constant 0 : i32
      %dma_wait3A_11 = tpu.memref_slice %arg14[%dma_wait3A] : memref<10016xf32, #tpu.memory_space<vmem>> -> memref<10000xf32, #tpu.memory_space<vmem>>
      %dma_wait3A_12 = arith.constant 0 : i32
      %dma_wait3A_13 = tpu.memref_slice %arg14[%dma_wait3A_12] : memref<10016xf32, #tpu.memory_space<vmem>> -> memref<10000xf32, #tpu.memory_space<vmem>>
      tpu.wait_dma2 semaphore(%run_scoped3A : memref<!tpu.dma_semaphore, #tpu.memory_space<semaphore_mem>>) src(%arg4 : memref<10000xf32, #tpu.memory_space<hbm>>) dst(%dma_wait3A_13 : memref<10000xf32, #tpu.memory_space<vmem>>)
      tpu.yield
    }) : () -> ()
    "tpu.region"() ({
      %run_scoped3A = tpu.sem_alloc : memref<!tpu.dma_semaphore, #tpu.memory_space<semaphore_mem>>
      %dma_start3A = arith.constant 0 : i32
      %dma_start3A_8 = tpu.memref_slice %arg15[%dma_start3A] : memref<10016xf32, #tpu.memory_space<vmem>> -> memref<10000xf32, #tpu.memory_space<vmem>>
      %dma_start3A_9 = arith.constant 0 : i32
      %dma_start3A_10 = tpu.memref_slice %arg15[%dma_start3A_9] : memref<10016xf32, #tpu.memory_space<vmem>> -> memref<10000xf32, #tpu.memory_space<vmem>>
      tpu.enqueue_dma source(%arg5 : memref<10000xf32, #tpu.memory_space<hbm>>) target(%dma_start3A_10 : memref<10000xf32, #tpu.memory_space<vmem>>) target_semaphore(%run_scoped3A : memref<!tpu.dma_semaphore, #tpu.memory_space<semaphore_mem>>)
      %dma_wait3A = arith.constant 0 : i32
      %dma_wait3A_11 = tpu.memref_slice %arg15[%dma_wait3A] : memref<10016xf32, #tpu.memory_space<vmem>> -> memref<10000xf32, #tpu.memory_space<vmem>>
      %dma_wait3A_12 = arith.constant 0 : i32
      %dma_wait3A_13 = tpu.memref_slice %arg15[%dma_wait3A_12] : memref<10016xf32, #tpu.memory_space<vmem>> -> memref<10000xf32, #tpu.memory_space<vmem>>
      tpu.wait_dma2 semaphore(%run_scoped3A : memref<!tpu.dma_semaphore, #tpu.memory_space<semaphore_mem>>) src(%arg5 : memref<10000xf32, #tpu.memory_space<hbm>>) dst(%dma_wait3A_13 : memref<10000xf32, #tpu.memory_space<vmem>>)
      tpu.yield
    }) : () -> ()
    %mul3A_1 = arith.constant 10240 : i32
    %mul3A_2 = arith.muli %add3A, %mul3A_1 : i32
    "tpu.region"() ({
      %run_scoped3A = tpu.sem_alloc : memref<!tpu.dma_semaphore, #tpu.memory_space<semaphore_mem>>
      %dma_start3A = tpu.memref_slice %arg6[%mul3A_2] : memref<327680xi32, #tpu.memory_space<hbm>> -> memref<10240xi32, #tpu.memory_space<hbm>>
      %dma_start3A_8 = tpu.memref_slice %arg6[%mul3A_2] : memref<327680xi32, #tpu.memory_space<hbm>> -> memref<10240xi32, #tpu.memory_space<hbm>>
      tpu.enqueue_dma source(%dma_start3A_8 : memref<10240xi32, #tpu.memory_space<hbm>>) target(%arg16 : memref<10240xi32, #tpu.memory_space<vmem>>) target_semaphore(%run_scoped3A : memref<!tpu.dma_semaphore, #tpu.memory_space<semaphore_mem>>)
      %dma_wait3A = tpu.memref_slice %arg6[%mul3A_2] : memref<327680xi32, #tpu.memory_space<hbm>> -> memref<10240xi32, #tpu.memory_space<hbm>>
      %dma_wait3A_9 = tpu.memref_slice %arg6[%mul3A_2] : memref<327680xi32, #tpu.memory_space<hbm>> -> memref<10240xi32, #tpu.memory_space<hbm>>
      tpu.wait_dma2 semaphore(%run_scoped3A : memref<!tpu.dma_semaphore, #tpu.memory_space<semaphore_mem>>) src(%dma_wait3A_9 : memref<10240xi32, #tpu.memory_space<hbm>>) dst(%arg16 : memref<10240xi32, #tpu.memory_space<vmem>>)
      tpu.yield
    }) : () -> ()
    "tpu.region"() ({
      %run_scoped3A = tpu.sem_alloc : memref<!tpu.dma_semaphore, #tpu.memory_space<semaphore_mem>>
      %dma_start3A = tpu.memref_slice %arg7[%mul3A_2] : memref<327680xi32, #tpu.memory_space<hbm>> -> memref<10240xi32, #tpu.memory_space<hbm>>
      %dma_start3A_8 = tpu.memref_slice %arg7[%mul3A_2] : memref<327680xi32, #tpu.memory_space<hbm>> -> memref<10240xi32, #tpu.memory_space<hbm>>
      tpu.enqueue_dma source(%dma_start3A_8 : memref<10240xi32, #tpu.memory_space<hbm>>) target(%arg17 : memref<10240xi32, #tpu.memory_space<vmem>>) target_semaphore(%run_scoped3A : memref<!tpu.dma_semaphore, #tpu.memory_space<semaphore_mem>>)
      %dma_wait3A = tpu.memref_slice %arg7[%mul3A_2] : memref<327680xi32, #tpu.memory_space<hbm>> -> memref<10240xi32, #tpu.memory_space<hbm>>
      %dma_wait3A_9 = tpu.memref_slice %arg7[%mul3A_2] : memref<327680xi32, #tpu.memory_space<hbm>> -> memref<10240xi32, #tpu.memory_space<hbm>>
      tpu.wait_dma2 semaphore(%run_scoped3A : memref<!tpu.dma_semaphore, #tpu.memory_space<semaphore_mem>>) src(%dma_wait3A_9 : memref<10240xi32, #tpu.memory_space<hbm>>) dst(%arg17 : memref<10240xi32, #tpu.memory_space<vmem>>)
      tpu.yield
    }) : () -> ()
    "tpu.region"() ({
      %run_scoped3A = tpu.sem_alloc : memref<!tpu.dma_semaphore, #tpu.memory_space<semaphore_mem>>
      %dma_start3A = tpu.memref_slice %arg8[%mul3A_2] : memref<327680xf32, #tpu.memory_space<hbm>> -> memref<10240xf32, #tpu.memory_space<hbm>>
      %dma_start3A_8 = tpu.memref_slice %arg8[%mul3A_2] : memref<327680xf32, #tpu.memory_space<hbm>> -> memref<10240xf32, #tpu.memory_space<hbm>>
      tpu.enqueue_dma source(%dma_start3A_8 : memref<10240xf32, #tpu.memory_space<hbm>>) target(%arg18 : memref<10240xf32, #tpu.memory_space<vmem>>) target_semaphore(%run_scoped3A : memref<!tpu.dma_semaphore, #tpu.memory_space<semaphore_mem>>)
      %dma_wait3A = tpu.memref_slice %arg8[%mul3A_2] : memref<327680xf32, #tpu.memory_space<hbm>> -> memref<10240xf32, #tpu.memory_space<hbm>>
      %dma_wait3A_9 = tpu.memref_slice %arg8[%mul3A_2] : memref<327680xf32, #tpu.memory_space<hbm>> -> memref<10240xf32, #tpu.memory_space<hbm>>
      tpu.wait_dma2 semaphore(%run_scoped3A : memref<!tpu.dma_semaphore, #tpu.memory_space<semaphore_mem>>) src(%dma_wait3A_9 : memref<10240xf32, #tpu.memory_space<hbm>>) dst(%arg18 : memref<10240xf32, #tpu.memory_space<vmem>>)
      tpu.yield
    }) : () -> ()
    "tpu.region"() ({
      %run_scoped3A = tpu.sem_alloc : memref<!tpu.dma_semaphore, #tpu.memory_space<semaphore_mem>>
      %dma_start3A = tpu.memref_slice %arg9[%mul3A_2] : memref<327680xf32, #tpu.memory_space<hbm>> -> memref<10240xf32, #tpu.memory_space<hbm>>
      %dma_start3A_8 = tpu.memref_slice %arg9[%mul3A_2] : memref<327680xf32, #tpu.memory_space<hbm>> -> memref<10240xf32, #tpu.memory_space<hbm>>
      tpu.enqueue_dma source(%dma_start3A_8 : memref<10240xf32, #tpu.memory_space<hbm>>) target(%arg19 : memref<10240xf32, #tpu.memory_space<vmem>>) target_semaphore(%run_scoped3A : memref<!tpu.dma_semaphore, #tpu.memory_space<semaphore_mem>>)
      %dma_wait3A = tpu.memref_slice %arg9[%mul3A_2] : memref<327680xf32, #tpu.memory_space<hbm>> -> memref<10240xf32, #tpu.memory_space<hbm>>
      %dma_wait3A_9 = tpu.memref_slice %arg9[%mul3A_2] : memref<327680xf32, #tpu.memory_space<hbm>> -> memref<10240xf32, #tpu.memory_space<hbm>>
      tpu.wait_dma2 semaphore(%run_scoped3A : memref<!tpu.dma_semaphore, #tpu.memory_space<semaphore_mem>>) src(%dma_wait3A_9 : memref<10240xf32, #tpu.memory_space<hbm>>) dst(%arg19 : memref<10240xf32, #tpu.memory_space<vmem>>)
      tpu.yield
    }) : () -> ()
    %scan3A = arith.constant 0 : i32
    %scan3A_3 = arith.constant 0 : i32
    %scan3A_4 = arith.constant 640 : i32
    %scan3A_5 = arith.addi %scan3A_3, %scan3A_4 : i32
    %scan3A_6 = arith.constant 1 : i32
    scf.for %scan3A_8 = %scan3A_3 to %scan3A_5 step %scan3A_6  : i32 {
      %mul3A_9 = arith.constant 16 : i32
      %mul3A_10 = arith.muli %scan3A_8, %mul3A_9 : i32
      %get3A = arith.index_cast %mul3A_10 : i32 to index
      %get3A_11 = tpu.vector_load %arg16[%get3A] {strides = array<i32>} : memref<10240xi32, #tpu.memory_space<vmem>>, vector<16xi32>,
      %get3A_12 = arith.index_cast %mul3A_10 : i32 to index
      %get3A_13 = tpu.vector_load %arg17[%get3A_12] {strides = array<i32>} : memref<10240xi32, #tpu.memory_space<vmem>>, vector<16xi32>,
      %gather3A = tpu.vector_load_idx %arg12[%get3A_11] : memref<10016xf32, #tpu.memory_space<vmem>>[vector<16xi32>], vector<16xf32>,
      %gather3A_14 = tpu.vector_load_idx %arg14[%get3A_13] : memref<10016xf32, #tpu.memory_space<vmem>>[vector<16xi32>], vector<16xf32>,
      %add3A_15 = arith.addf %gather3A, %gather3A_14 : vector<16xf32>
      %get3A_16 = arith.index_cast %mul3A_10 : i32 to index
      %get3A_17 = tpu.vector_load %arg18[%get3A_16] {strides = array<i32>} : memref<10240xf32, #tpu.memory_space<vmem>>, vector<16xf32>,
      %add3A_18 = arith.addf %add3A_15, %get3A_17 : vector<16xf32>
      %swap3A = arith.index_cast %mul3A_10 : i32 to index
      %swap3A_19 = tpu.vector_load %arg20[%swap3A] {strides = array<i32>} : memref<10240xf32, #tpu.memory_space<vmem>>, vector<16xf32>,
      tpu.vector_store %arg20[%swap3A], %add3A_18 {strides = array<i32>} : memref<10240xf32, #tpu.memory_space<vmem>>, vector<16xf32>,
      %gather3A_20 = tpu.vector_load_idx %arg13[%get3A_11] : memref<10016xf32, #tpu.memory_space<vmem>>[vector<16xi32>], vector<16xf32>,
      %gather3A_21 = tpu.vector_load_idx %arg15[%get3A_13] : memref<10016xf32, #tpu.memory_space<vmem>>[vector<16xi32>], vector<16xf32>,
      %add3A_22 = arith.addf %gather3A_20, %gather3A_21 : vector<16xf32>
      %get3A_23 = arith.index_cast %mul3A_10 : i32 to index
      %get3A_24 = tpu.vector_load %arg19[%get3A_23] {strides = array<i32>} : memref<10240xf32, #tpu.memory_space<vmem>>, vector<16xf32>,
      %add3A_25 = arith.addf %add3A_22, %get3A_24 : vector<16xf32>
      %swap3A_26 = arith.index_cast %mul3A_10 : i32 to index
      %swap3A_27 = tpu.vector_load %arg21[%swap3A_26] {strides = array<i32>} : memref<10240xf32, #tpu.memory_space<vmem>>, vector<16xf32>,
      tpu.vector_store %arg21[%swap3A_26], %add3A_25 {strides = array<i32>} : memref<10240xf32, #tpu.memory_space<vmem>>, vector<16xf32>,
    }
    %scan3A_7 = arith.constant 640 : i32
    "tpu.region"() ({
      %run_scoped3A = tpu.sem_alloc : memref<!tpu.dma_semaphore, #tpu.memory_space<semaphore_mem>>
      %dma_start3A = tpu.memref_slice %arg10[%mul3A_2] : memref<327680xf32, #tpu.memory_space<hbm>> -> memref<10240xf32, #tpu.memory_space<hbm>>
      %dma_start3A_8 = tpu.memref_slice %arg10[%mul3A_2] : memref<327680xf32, #tpu.memory_space<hbm>> -> memref<10240xf32, #tpu.memory_space<hbm>>
      tpu.enqueue_dma source(%arg20 : memref<10240xf32, #tpu.memory_space<vmem>>) target(%dma_start3A_8 : memref<10240xf32, #tpu.memory_space<hbm>>) target_semaphore(%run_scoped3A : memref<!tpu.dma_semaphore, #tpu.memory_space<semaphore_mem>>)
      %dma_wait3A = tpu.memref_slice %arg10[%mul3A_2] : memref<327680xf32, #tpu.memory_space<hbm>> -> memref<10240xf32, #tpu.memory_space<hbm>>
      %dma_wait3A_9 = tpu.memref_slice %arg10[%mul3A_2] : memref<327680xf32, #tpu.memory_space<hbm>> -> memref<10240xf32, #tpu.memory_space<hbm>>
      tpu.wait_dma2 semaphore(%run_scoped3A : memref<!tpu.dma_semaphore, #tpu.memory_space<semaphore_mem>>) src(%arg20 : memref<10240xf32, #tpu.memory_space<vmem>>) dst(%dma_wait3A_9 : memref<10240xf32, #tpu.memory_space<hbm>>)
      tpu.yield
    }) : () -> ()
    "tpu.region"() ({
      %run_scoped3A = tpu.sem_alloc : memref<!tpu.dma_semaphore, #tpu.memory_space<semaphore_mem>>
      %dma_start3A = tpu.memref_slice %arg11[%mul3A_2] : memref<327680xf32, #tpu.memory_space<hbm>> -> memref<10240xf32, #tpu.memory_space<hbm>>
      %dma_start3A_8 = tpu.memref_slice %arg11[%mul3A_2] : memref<327680xf32, #tpu.memory_space<hbm>> -> memref<10240xf32, #tpu.memory_space<hbm>>
      tpu.enqueue_dma source(%arg21 : memref<10240xf32, #tpu.memory_space<vmem>>) target(%dma_start3A_8 : memref<10240xf32, #tpu.memory_space<hbm>>) target_semaphore(%run_scoped3A : memref<!tpu.dma_semaphore, #tpu.memory_space<semaphore_mem>>)
      %dma_wait3A = tpu.memref_slice %arg11[%mul3A_2] : memref<327680xf32, #tpu.memory_space<hbm>> -> memref<10240xf32, #tpu.memory_space<hbm>>
      %dma_wait3A_9 = tpu.memref_slice %arg11[%mul3A_2] : memref<327680xf32, #tpu.memory_space<hbm>> -> memref<10240xf32, #tpu.memory_space<hbm>>
      tpu.wait_dma2 semaphore(%run_scoped3A : memref<!tpu.dma_semaphore, #tpu.memory_space<semaphore_mem>>) src(%arg21 : memref<10240xf32, #tpu.memory_space<vmem>>) dst(%dma_wait3A_9 : memref<10240xf32, #tpu.memory_space<hbm>>)
      tpu.yield
    }) : () -> ()
    return
  }
}

module attributes {stable_mosaic.version = 14 : i64} {
  func.func @_layer_body(%arg0: i32, %arg1: memref<400x128xf32, #tpu.memory_space<vmem>>, %arg2: memref<400x128xf32, #tpu.memory_space<vmem>>, %arg3: memref<400x128xf32, #tpu.memory_space<vmem>>, %arg4: memref<400x128xf32, #tpu.memory_space<vmem>>, %arg5: memref<400x128xf32, #tpu.memory_space<vmem>>, %arg6: memref<128x128xf32, #tpu.memory_space<vmem>>, %arg7: memref<16x128xf32, #tpu.memory_space<vmem>>, %arg8: memref<1x128xf32, #tpu.memory_space<vmem>>, %arg9: memref<128x128xf32, #tpu.memory_space<vmem>>, %arg10: memref<128x128xf32, #tpu.memory_space<vmem>>, %arg11: memref<1x128xf32, #tpu.memory_space<vmem>>, %arg12: memref<128x8xf32, #tpu.memory_space<vmem>>, %arg13: memref<400x128xf32, #tpu.memory_space<vmem>>, %arg14: memref<400x8xf32, #tpu.memory_space<vmem>>) attributes {dimension_semantics = [#tpu.dimension_semantics<arbitrary>], iteration_bounds = array<i64: 25>, scalar_prefetch = 0 : i64, scratch_operands = 0 : i64, tpu.core_type = #tpu.core_type<tc>, window_params = [{transform_indices = @transform_0, window_bounds = array<i64: 400, 128>}, {transform_indices = @transform_1, window_bounds = array<i64: 400, 128>}, {transform_indices = @transform_2, window_bounds = array<i64: 400, 128>}, {transform_indices = @transform_3, window_bounds = array<i64: 400, 128>}, {transform_indices = @transform_4, window_bounds = array<i64: 400, 128>}, {pipeline_mode = #tpu.pipeline_mode<synchronous>, transform_indices = @transform_5, window_bounds = array<i64: 128, 128>}, {pipeline_mode = #tpu.pipeline_mode<synchronous>, transform_indices = @transform_6, window_bounds = array<i64: 16, 128>}, {pipeline_mode = #tpu.pipeline_mode<synchronous>, transform_indices = @transform_7, window_bounds = array<i64: 1, 128>}, {pipeline_mode = #tpu.pipeline_mode<synchronous>, transform_indices = @transform_8, window_bounds = array<i64: 128, 128>}, {pipeline_mode = #tpu.pipeline_mode<synchronous>, transform_indices = @transform_9, window_bounds = array<i64: 128, 128>}, {pipeline_mode = #tpu.pipeline_mode<synchronous>, transform_indices = @transform_10, window_bounds = array<i64: 1, 128>}, {pipeline_mode = #tpu.pipeline_mode<synchronous>, transform_indices = @transform_11, window_bounds = array<i64: 128, 8>}, {transform_indices = @transform_12, window_bounds = array<i64: 400, 128>}, {transform_indices = @transform_13, window_bounds = array<i64: 400, 8>}]} {
    %get3A = arith.constant 0 : index
    %get3A_0 = arith.constant 0 : index
    %get3A_1 = vector.load %arg2[%get3A, %get3A_0] : memref<400x128xf32, #tpu.memory_space<vmem>>, vector<400x128xf32>
    %get3A_2 = arith.constant 0 : index
    %get3A_3 = arith.constant 0 : index
    %get3A_4 = vector.load %arg3[%get3A_2, %get3A_3] : memref<400x128xf32, #tpu.memory_space<vmem>>, vector<400x128xf32>
    %add3A = arith.addf %get3A_1, %get3A_4 : vector<400x128xf32>
    %get3A_5 = arith.constant 0 : index
    %get3A_6 = arith.constant 0 : index
    %get3A_7 = vector.load %arg4[%get3A_5, %get3A_6] : memref<400x128xf32, #tpu.memory_space<vmem>>, vector<400x128xf32>
    %get3A_8 = arith.constant 0 : index
    %get3A_9 = arith.constant 0 : index
    %get3A_10 = vector.load %arg5[%get3A_8, %get3A_9] : memref<400x128xf32, #tpu.memory_space<vmem>>, vector<400x128xf32>
    %add3A_11 = arith.addf %get3A_7, %get3A_10 : vector<400x128xf32>
    %slice3A = vector.extract_strided_slice %add3A_11 {offsets = [0, 0], sizes = [400, 16], strides = [1, 1]} : vector<400x128xf32> to vector<400x16xf32>
    %slice3A_12 = vector.extract_strided_slice %add3A_11 {offsets = [0, 16], sizes = [400, 1], strides = [1, 1]} : vector<400x128xf32> to vector<400x1xf32>
    %get3A_13 = arith.constant 0 : index
    %get3A_14 = arith.constant 0 : index
    %get3A_15 = vector.load %arg6[%get3A_13, %get3A_14] : memref<128x128xf32, #tpu.memory_space<vmem>>, vector<128x128xf32>
    %dot_general3A = arith.constant dense<0.000000e+00> : vector<400x128xf32>
    %dot_general3A_16 = tpu.matmul %add3A, %get3A_15, %dot_general3A {dimension_numbers = #tpu.dot_dimension_numbers<[1], [0], [0], [1], [0, 0, 1, 1], [], []>, transpose_lhs_hint = false} : vector<400x128xf32>, vector<128x128xf32>, vector<400x128xf32> -> vector<400x128xf32>
    %get3A_17 = arith.constant 0 : index
    %get3A_18 = arith.constant 0 : index
    %get3A_19 = vector.load %arg7[%get3A_17, %get3A_18] : memref<16x128xf32, #tpu.memory_space<vmem>>, vector<16x128xf32>
    %dot_general3A_20 = arith.constant dense<0.000000e+00> : vector<400x128xf32>
    %dot_general3A_21 = tpu.matmul %slice3A, %get3A_19, %dot_general3A_20 {dimension_numbers = #tpu.dot_dimension_numbers<[1], [0], [0], [1], [0, 0, 1, 1], [], []>, transpose_lhs_hint = false} : vector<400x16xf32>, vector<16x128xf32>, vector<400x128xf32> -> vector<400x128xf32>
    %add3A_22 = arith.addf %dot_general3A_16, %dot_general3A_21 : vector<400x128xf32>
    %get3A_23 = arith.constant 0 : index
    %get3A_24 = arith.constant 0 : index
    %get3A_25 = vector.load %arg8[%get3A_23, %get3A_24] : memref<1x128xf32, #tpu.memory_space<vmem>>, vector<1x128xf32>
    %mul3A = vector.broadcast %slice3A_12 : vector<400x1xf32> to vector<400x128xf32>
    %mul3A_26 = vector.broadcast %get3A_25 : vector<1x128xf32> to vector<400x128xf32>
    %mul3A_27 = arith.mulf %mul3A, %mul3A_26 : vector<400x128xf32>
    %add3A_28 = arith.addf %add3A_22, %mul3A_27 : vector<400x128xf32>
    %max3A = arith.constant 1.000000e+00 : f32
    %max3A_29 = vector.broadcast %max3A : f32 to vector<400x1xf32>
    %max3A_30 = arith.maximumf %slice3A_12, %max3A_29 : vector<400x1xf32>
    %div3A = vector.broadcast %max3A_30 : vector<400x1xf32> to vector<400x128xf32>
    %div3A_31 = arith.divf %add3A_28, %div3A : vector<400x128xf32>
    %get3A_32 = arith.constant 0 : index
    %get3A_33 = arith.constant 0 : index
    %get3A_34 = vector.load %arg1[%get3A_32, %get3A_33] : memref<400x128xf32, #tpu.memory_space<vmem>>, vector<400x128xf32>
    %get3A_35 = arith.constant 0 : index
    %get3A_36 = arith.constant 0 : index
    %get3A_37 = vector.load %arg9[%get3A_35, %get3A_36] : memref<128x128xf32, #tpu.memory_space<vmem>>, vector<128x128xf32>
    %dot_general3A_38 = arith.constant dense<0.000000e+00> : vector<400x128xf32>
    %dot_general3A_39 = tpu.matmul %get3A_34, %get3A_37, %dot_general3A_38 {dimension_numbers = #tpu.dot_dimension_numbers<[1], [0], [0], [1], [0, 0, 1, 1], [], []>, transpose_lhs_hint = false} : vector<400x128xf32>, vector<128x128xf32>, vector<400x128xf32> -> vector<400x128xf32>
    %get3A_40 = arith.constant 0 : index
    %get3A_41 = arith.constant 0 : index
    %get3A_42 = vector.load %arg10[%get3A_40, %get3A_41] : memref<128x128xf32, #tpu.memory_space<vmem>>, vector<128x128xf32>
    %dot_general3A_43 = arith.constant dense<0.000000e+00> : vector<400x128xf32>
    %dot_general3A_44 = tpu.matmul %div3A_31, %get3A_42, %dot_general3A_43 {dimension_numbers = #tpu.dot_dimension_numbers<[1], [0], [0], [1], [0, 0, 1, 1], [], []>, transpose_lhs_hint = false} : vector<400x128xf32>, vector<128x128xf32>, vector<400x128xf32> -> vector<400x128xf32>
    %add3A_45 = arith.addf %dot_general3A_39, %dot_general3A_44 : vector<400x128xf32>
    %get3A_46 = arith.constant 0 : index
    %get3A_47 = arith.constant 0 : index
    %get3A_48 = vector.load %arg11[%get3A_46, %get3A_47] : memref<1x128xf32, #tpu.memory_space<vmem>>, vector<1x128xf32>
    %add3A_49 = vector.broadcast %get3A_48 : vector<1x128xf32> to vector<400x128xf32>
    %add3A_50 = arith.addf %add3A_45, %add3A_49 : vector<400x128xf32>
    %max3A_51 = arith.constant 0.000000e+00 : f32
    %max3A_52 = vector.broadcast %max3A_51 : f32 to vector<400x128xf32>
    %max3A_53 = arith.maximumf %add3A_50, %max3A_52 : vector<400x128xf32>
    %swap3A = arith.constant 0 : index
    %swap3A_54 = arith.constant 0 : index
    %swap3A_55 = vector.load %arg13[%swap3A, %swap3A_54] : memref<400x128xf32, #tpu.memory_space<vmem>>, vector<400x128xf32>
    tpu.vector_store %arg13[%swap3A, %swap3A_54], %max3A_53 {strides = array<i32>} : memref<400x128xf32, #tpu.memory_space<vmem>>, vector<400x128xf32>,
    %get3A_56 = arith.constant 0 : index
    %get3A_57 = arith.constant 0 : index
    %get3A_58 = vector.load %arg12[%get3A_56, %get3A_57] : memref<128x8xf32, #tpu.memory_space<vmem>>, vector<128x8xf32>
    %dot_general3A_59 = arith.constant dense<0.000000e+00> : vector<400x8xf32>
    %dot_general3A_60 = tpu.matmul %max3A_53, %get3A_58, %dot_general3A_59 {dimension_numbers = #tpu.dot_dimension_numbers<[1], [0], [0], [1], [0, 0, 1, 1], [], []>, transpose_lhs_hint = false} : vector<400x128xf32>, vector<128x8xf32>, vector<400x8xf32> -> vector<400x8xf32>
    %swap3A_61 = arith.constant 0 : index
    %swap3A_62 = arith.constant 0 : index
    %swap3A_63 = vector.load %arg14[%swap3A_61, %swap3A_62] : memref<400x8xf32, #tpu.memory_space<vmem>>, vector<400x8xf32>
    tpu.vector_store %arg14[%swap3A_61, %swap3A_62], %dot_general3A_60 {strides = array<i32>} : memref<400x8xf32, #tpu.memory_space<vmem>>, vector<400x8xf32>,
    return
  }
  func.func @transform_0(%arg0: i32) -> (i32, i32) {
    %c0_i32 = arith.constant 0 : i32
    %c0_i32_0 = arith.constant 0 : i32
    return %arg0, %c0_i32 : i32, i32
  }
  func.func @transform_1(%arg0: i32) -> (i32, i32) {
    %c0_i32 = arith.constant 0 : i32
    %c0_i32_0 = arith.constant 0 : i32
    return %arg0, %c0_i32 : i32, i32
  }
  func.func @transform_2(%arg0: i32) -> (i32, i32) {
    %c0_i32 = arith.constant 0 : i32
    %c0_i32_0 = arith.constant 0 : i32
    return %arg0, %c0_i32 : i32, i32
  }
  func.func @transform_3(%arg0: i32) -> (i32, i32) {
    %c0_i32 = arith.constant 0 : i32
    %c0_i32_0 = arith.constant 0 : i32
    return %arg0, %c0_i32 : i32, i32
  }
  func.func @transform_4(%arg0: i32) -> (i32, i32) {
    %c0_i32 = arith.constant 0 : i32
    %c0_i32_0 = arith.constant 0 : i32
    return %arg0, %c0_i32 : i32, i32
  }
  func.func @transform_5(%arg0: i32) -> (i32, i32) {
    %c0_i32 = arith.constant 0 : i32
    %c0_i32_0 = arith.constant 0 : i32
    %c0_i32_1 = arith.constant 0 : i32
    return %c0_i32, %c0_i32_0 : i32, i32
  }
  func.func @transform_6(%arg0: i32) -> (i32, i32) {
    %c0_i32 = arith.constant 0 : i32
    %c0_i32_0 = arith.constant 0 : i32
    %c0_i32_1 = arith.constant 0 : i32
    return %c0_i32, %c0_i32_0 : i32, i32
  }
  func.func @transform_7(%arg0: i32) -> (i32, i32) {
    %c0_i32 = arith.constant 0 : i32
    %c0_i32_0 = arith.constant 0 : i32
    %c0_i32_1 = arith.constant 0 : i32
    return %c0_i32, %c0_i32_0 : i32, i32
  }
  func.func @transform_8(%arg0: i32) -> (i32, i32) {
    %c0_i32 = arith.constant 0 : i32
    %c0_i32_0 = arith.constant 0 : i32
    %c0_i32_1 = arith.constant 0 : i32
    return %c0_i32, %c0_i32_0 : i32, i32
  }
  func.func @transform_9(%arg0: i32) -> (i32, i32) {
    %c0_i32 = arith.constant 0 : i32
    %c0_i32_0 = arith.constant 0 : i32
    %c0_i32_1 = arith.constant 0 : i32
    return %c0_i32, %c0_i32_0 : i32, i32
  }
  func.func @transform_10(%arg0: i32) -> (i32, i32) {
    %c0_i32 = arith.constant 0 : i32
    %c0_i32_0 = arith.constant 0 : i32
    %c0_i32_1 = arith.constant 0 : i32
    return %c0_i32, %c0_i32_0 : i32, i32
  }
  func.func @transform_11(%arg0: i32) -> (i32, i32) {
    %c0_i32 = arith.constant 0 : i32
    %c0_i32_0 = arith.constant 0 : i32
    %c0_i32_1 = arith.constant 0 : i32
    return %c0_i32, %c0_i32_0 : i32, i32
  }
  func.func @transform_12(%arg0: i32) -> (i32, i32) {
    %c0_i32 = arith.constant 0 : i32
    %c0_i32_0 = arith.constant 0 : i32
    return %arg0, %c0_i32 : i32, i32
  }
  func.func @transform_13(%arg0: i32) -> (i32, i32) {
    %c0_i32 = arith.constant 0 : i32
    %c0_i32_0 = arith.constant 0 : i32
    return %arg0, %c0_i32 : i32, i32
  }
}

module attributes {stable_mosaic.version = 14 : i64} {
  func.func @_edge_dense_body(%arg0: i32, %arg1: memref<3200x16xf32, #tpu.memory_space<vmem>>, %arg2: memref<16x32xf32, #tpu.memory_space<vmem>>, %arg3: memref<1x32xf32, #tpu.memory_space<vmem>>, %arg4: memref<32x8xf32, #tpu.memory_space<vmem>>, %arg5: memref<1x8xf32, #tpu.memory_space<vmem>>, %arg6: memref<3200x8xf32, #tpu.memory_space<vmem>>) attributes {dimension_semantics = [#tpu.dimension_semantics<arbitrary>], iteration_bounds = array<i64: 100>, scalar_prefetch = 0 : i64, scratch_operands = 0 : i64, tpu.core_type = #tpu.core_type<tc>, window_params = [{transform_indices = @transform_0, window_bounds = array<i64: 3200, 16>}, {pipeline_mode = #tpu.pipeline_mode<synchronous>, transform_indices = @transform_1, window_bounds = array<i64: 16, 32>}, {pipeline_mode = #tpu.pipeline_mode<synchronous>, transform_indices = @transform_2, window_bounds = array<i64: 1, 32>}, {pipeline_mode = #tpu.pipeline_mode<synchronous>, transform_indices = @transform_3, window_bounds = array<i64: 32, 8>}, {pipeline_mode = #tpu.pipeline_mode<synchronous>, transform_indices = @transform_4, window_bounds = array<i64: 1, 8>}, {transform_indices = @transform_5, window_bounds = array<i64: 3200, 8>}]} {
    %get3A = arith.constant 0 : index
    %get3A_0 = arith.constant 0 : index
    %get3A_1 = vector.load %arg1[%get3A, %get3A_0] : memref<3200x16xf32, #tpu.memory_space<vmem>>, vector<3200x16xf32>
    %get3A_2 = arith.constant 0 : index
    %get3A_3 = arith.constant 0 : index
    %get3A_4 = vector.load %arg2[%get3A_2, %get3A_3] : memref<16x32xf32, #tpu.memory_space<vmem>>, vector<16x32xf32>
    %dot_general3A = arith.constant dense<0.000000e+00> : vector<3200x32xf32>
    %dot_general3A_5 = tpu.matmul %get3A_1, %get3A_4, %dot_general3A {dimension_numbers = #tpu.dot_dimension_numbers<[1], [0], [0], [1], [0, 0, 1, 1], [], []>, transpose_lhs_hint = false} : vector<3200x16xf32>, vector<16x32xf32>, vector<3200x32xf32> -> vector<3200x32xf32>
    %get3A_6 = arith.constant 0 : index
    %get3A_7 = arith.constant 0 : index
    %get3A_8 = vector.load %arg3[%get3A_6, %get3A_7] : memref<1x32xf32, #tpu.memory_space<vmem>>, vector<1x32xf32>
    %add3A = vector.broadcast %get3A_8 : vector<1x32xf32> to vector<3200x32xf32>
    %add3A_9 = arith.addf %dot_general3A_5, %add3A : vector<3200x32xf32>
    %max3A = arith.constant 0.000000e+00 : f32
    %max3A_10 = vector.broadcast %max3A : f32 to vector<3200x32xf32>
    %max3A_11 = arith.maximumf %add3A_9, %max3A_10 : vector<3200x32xf32>
    %get3A_12 = arith.constant 0 : index
    %get3A_13 = arith.constant 0 : index
    %get3A_14 = vector.load %arg4[%get3A_12, %get3A_13] : memref<32x8xf32, #tpu.memory_space<vmem>>, vector<32x8xf32>
    %dot_general3A_15 = arith.constant dense<0.000000e+00> : vector<3200x8xf32>
    %dot_general3A_16 = tpu.matmul %max3A_11, %get3A_14, %dot_general3A_15 {dimension_numbers = #tpu.dot_dimension_numbers<[1], [0], [0], [1], [0, 0, 1, 1], [], []>, transpose_lhs_hint = false} : vector<3200x32xf32>, vector<32x8xf32>, vector<3200x8xf32> -> vector<3200x8xf32>
    %get3A_17 = arith.constant 0 : index
    %get3A_18 = arith.constant 0 : index
    %get3A_19 = vector.load %arg5[%get3A_17, %get3A_18] : memref<1x8xf32, #tpu.memory_space<vmem>>, vector<1x8xf32>
    %add3A_20 = vector.broadcast %get3A_19 : vector<1x8xf32> to vector<3200x8xf32>
    %add3A_21 = arith.addf %dot_general3A_16, %add3A_20 : vector<3200x8xf32>
    %swap3A = arith.constant 0 : index
    %swap3A_22 = arith.constant 0 : index
    %swap3A_23 = vector.load %arg6[%swap3A, %swap3A_22] : memref<3200x8xf32, #tpu.memory_space<vmem>>, vector<3200x8xf32>
    tpu.vector_store %arg6[%swap3A, %swap3A_22], %add3A_21 {strides = array<i32>} : memref<3200x8xf32, #tpu.memory_space<vmem>>, vector<3200x8xf32>,
    return
  }
  func.func @transform_0(%arg0: i32) -> (i32, i32) {
    %c0_i32 = arith.constant 0 : i32
    %c0_i32_0 = arith.constant 0 : i32
    return %arg0, %c0_i32 : i32, i32
  }
  func.func @transform_1(%arg0: i32) -> (i32, i32) {
    %c0_i32 = arith.constant 0 : i32
    %c0_i32_0 = arith.constant 0 : i32
    %c0_i32_1 = arith.constant 0 : i32
    return %c0_i32, %c0_i32_0 : i32, i32
  }
  func.func @transform_2(%arg0: i32) -> (i32, i32) {
    %c0_i32 = arith.constant 0 : i32
    %c0_i32_0 = arith.constant 0 : i32
    %c0_i32_1 = arith.constant 0 : i32
    return %c0_i32, %c0_i32_0 : i32, i32
  }
  func.func @transform_3(%arg0: i32) -> (i32, i32) {
    %c0_i32 = arith.constant 0 : i32
    %c0_i32_0 = arith.constant 0 : i32
    %c0_i32_1 = arith.constant 0 : i32
    return %c0_i32, %c0_i32_0 : i32, i32
  }
  func.func @transform_4(%arg0: i32) -> (i32, i32) {
    %c0_i32 = arith.constant 0 : i32
    %c0_i32_0 = arith.constant 0 : i32
    %c0_i32_1 = arith.constant 0 : i32
    return %c0_i32, %c0_i32_0 : i32, i32
  }
  func.func @transform_5(%arg0: i32) -> (i32, i32) {
    %c0_i32 = arith.constant 0 : i32
    %c0_i32_0 = arith.constant 0 : i32
    return %arg0, %c0_i32 : i32, i32
  }
}

module attributes {stable_mosaic.version = 14 : i64} {
  func.func @_layer_body(%arg0: i32, %arg1: memref<400x128xf32, #tpu.memory_space<vmem>>, %arg2: memref<400x128xf32, #tpu.memory_space<vmem>>, %arg3: memref<400x128xf32, #tpu.memory_space<vmem>>, %arg4: memref<400x128xf32, #tpu.memory_space<vmem>>, %arg5: memref<400x128xf32, #tpu.memory_space<vmem>>, %arg6: memref<128x128xf32, #tpu.memory_space<vmem>>, %arg7: memref<16x128xf32, #tpu.memory_space<vmem>>, %arg8: memref<1x128xf32, #tpu.memory_space<vmem>>, %arg9: memref<128x128xf32, #tpu.memory_space<vmem>>, %arg10: memref<128x128xf32, #tpu.memory_space<vmem>>, %arg11: memref<1x128xf32, #tpu.memory_space<vmem>>, %arg12: memref<128x8xf32, #tpu.memory_space<vmem>>, %arg13: memref<400x128xf32, #tpu.memory_space<vmem>>, %arg14: memref<400x8xf32, #tpu.memory_space<vmem>>) attributes {dimension_semantics = [#tpu.dimension_semantics<arbitrary>], iteration_bounds = array<i64: 25>, scalar_prefetch = 0 : i64, scratch_operands = 0 : i64, tpu.core_type = #tpu.core_type<tc>, window_params = [{transform_indices = @transform_0, window_bounds = array<i64: 400, 128>}, {transform_indices = @transform_1, window_bounds = array<i64: 400, 128>}, {transform_indices = @transform_2, window_bounds = array<i64: 400, 128>}, {transform_indices = @transform_3, window_bounds = array<i64: 400, 128>}, {transform_indices = @transform_4, window_bounds = array<i64: 400, 128>}, {pipeline_mode = #tpu.pipeline_mode<synchronous>, transform_indices = @transform_5, window_bounds = array<i64: 128, 128>}, {pipeline_mode = #tpu.pipeline_mode<synchronous>, transform_indices = @transform_6, window_bounds = array<i64: 16, 128>}, {pipeline_mode = #tpu.pipeline_mode<synchronous>, transform_indices = @transform_7, window_bounds = array<i64: 1, 128>}, {pipeline_mode = #tpu.pipeline_mode<synchronous>, transform_indices = @transform_8, window_bounds = array<i64: 128, 128>}, {pipeline_mode = #tpu.pipeline_mode<synchronous>, transform_indices = @transform_9, window_bounds = array<i64: 128, 128>}, {pipeline_mode = #tpu.pipeline_mode<synchronous>, transform_indices = @transform_10, window_bounds = array<i64: 1, 128>}, {pipeline_mode = #tpu.pipeline_mode<synchronous>, transform_indices = @transform_11, window_bounds = array<i64: 128, 8>}, {transform_indices = @transform_12, window_bounds = array<i64: 400, 128>}, {transform_indices = @transform_13, window_bounds = array<i64: 400, 8>}]} {
    %get3A = arith.constant 0 : index
    %get3A_0 = arith.constant 0 : index
    %get3A_1 = vector.load %arg2[%get3A, %get3A_0] : memref<400x128xf32, #tpu.memory_space<vmem>>, vector<400x128xf32>
    %get3A_2 = arith.constant 0 : index
    %get3A_3 = arith.constant 0 : index
    %get3A_4 = vector.load %arg3[%get3A_2, %get3A_3] : memref<400x128xf32, #tpu.memory_space<vmem>>, vector<400x128xf32>
    %add3A = arith.addf %get3A_1, %get3A_4 : vector<400x128xf32>
    %get3A_5 = arith.constant 0 : index
    %get3A_6 = arith.constant 0 : index
    %get3A_7 = vector.load %arg4[%get3A_5, %get3A_6] : memref<400x128xf32, #tpu.memory_space<vmem>>, vector<400x128xf32>
    %get3A_8 = arith.constant 0 : index
    %get3A_9 = arith.constant 0 : index
    %get3A_10 = vector.load %arg5[%get3A_8, %get3A_9] : memref<400x128xf32, #tpu.memory_space<vmem>>, vector<400x128xf32>
    %add3A_11 = arith.addf %get3A_7, %get3A_10 : vector<400x128xf32>
    %slice3A = vector.extract_strided_slice %add3A_11 {offsets = [0, 0], sizes = [400, 16], strides = [1, 1]} : vector<400x128xf32> to vector<400x16xf32>
    %slice3A_12 = vector.extract_strided_slice %add3A_11 {offsets = [0, 16], sizes = [400, 1], strides = [1, 1]} : vector<400x128xf32> to vector<400x1xf32>
    %get3A_13 = arith.constant 0 : index
    %get3A_14 = arith.constant 0 : index
    %get3A_15 = vector.load %arg6[%get3A_13, %get3A_14] : memref<128x128xf32, #tpu.memory_space<vmem>>, vector<128x128xf32>
    %dot_general3A = arith.constant dense<0.000000e+00> : vector<400x128xf32>
    %dot_general3A_16 = tpu.matmul %add3A, %get3A_15, %dot_general3A {dimension_numbers = #tpu.dot_dimension_numbers<[1], [0], [0], [1], [0, 0, 1, 1], [], []>, transpose_lhs_hint = false} : vector<400x128xf32>, vector<128x128xf32>, vector<400x128xf32> -> vector<400x128xf32>
    %get3A_17 = arith.constant 0 : index
    %get3A_18 = arith.constant 0 : index
    %get3A_19 = vector.load %arg7[%get3A_17, %get3A_18] : memref<16x128xf32, #tpu.memory_space<vmem>>, vector<16x128xf32>
    %dot_general3A_20 = arith.constant dense<0.000000e+00> : vector<400x128xf32>
    %dot_general3A_21 = tpu.matmul %slice3A, %get3A_19, %dot_general3A_20 {dimension_numbers = #tpu.dot_dimension_numbers<[1], [0], [0], [1], [0, 0, 1, 1], [], []>, transpose_lhs_hint = false} : vector<400x16xf32>, vector<16x128xf32>, vector<400x128xf32> -> vector<400x128xf32>
    %add3A_22 = arith.addf %dot_general3A_16, %dot_general3A_21 : vector<400x128xf32>
    %get3A_23 = arith.constant 0 : index
    %get3A_24 = arith.constant 0 : index
    %get3A_25 = vector.load %arg8[%get3A_23, %get3A_24] : memref<1x128xf32, #tpu.memory_space<vmem>>, vector<1x128xf32>
    %mul3A = vector.broadcast %slice3A_12 : vector<400x1xf32> to vector<400x128xf32>
    %mul3A_26 = vector.broadcast %get3A_25 : vector<1x128xf32> to vector<400x128xf32>
    %mul3A_27 = arith.mulf %mul3A, %mul3A_26 : vector<400x128xf32>
    %add3A_28 = arith.addf %add3A_22, %mul3A_27 : vector<400x128xf32>
    %max3A = arith.constant 1.000000e+00 : f32
    %max3A_29 = vector.broadcast %max3A : f32 to vector<400x1xf32>
    %max3A_30 = arith.maximumf %slice3A_12, %max3A_29 : vector<400x1xf32>
    %div3A = vector.broadcast %max3A_30 : vector<400x1xf32> to vector<400x128xf32>
    %div3A_31 = arith.divf %add3A_28, %div3A : vector<400x128xf32>
    %get3A_32 = arith.constant 0 : index
    %get3A_33 = arith.constant 0 : index
    %get3A_34 = vector.load %arg1[%get3A_32, %get3A_33] : memref<400x128xf32, #tpu.memory_space<vmem>>, vector<400x128xf32>
    %get3A_35 = arith.constant 0 : index
    %get3A_36 = arith.constant 0 : index
    %get3A_37 = vector.load %arg9[%get3A_35, %get3A_36] : memref<128x128xf32, #tpu.memory_space<vmem>>, vector<128x128xf32>
    %dot_general3A_38 = arith.constant dense<0.000000e+00> : vector<400x128xf32>
    %dot_general3A_39 = tpu.matmul %get3A_34, %get3A_37, %dot_general3A_38 {dimension_numbers = #tpu.dot_dimension_numbers<[1], [0], [0], [1], [0, 0, 1, 1], [], []>, transpose_lhs_hint = false} : vector<400x128xf32>, vector<128x128xf32>, vector<400x128xf32> -> vector<400x128xf32>
    %get3A_40 = arith.constant 0 : index
    %get3A_41 = arith.constant 0 : index
    %get3A_42 = vector.load %arg10[%get3A_40, %get3A_41] : memref<128x128xf32, #tpu.memory_space<vmem>>, vector<128x128xf32>
    %dot_general3A_43 = arith.constant dense<0.000000e+00> : vector<400x128xf32>
    %dot_general3A_44 = tpu.matmul %div3A_31, %get3A_42, %dot_general3A_43 {dimension_numbers = #tpu.dot_dimension_numbers<[1], [0], [0], [1], [0, 0, 1, 1], [], []>, transpose_lhs_hint = false} : vector<400x128xf32>, vector<128x128xf32>, vector<400x128xf32> -> vector<400x128xf32>
    %add3A_45 = arith.addf %dot_general3A_39, %dot_general3A_44 : vector<400x128xf32>
    %get3A_46 = arith.constant 0 : index
    %get3A_47 = arith.constant 0 : index
    %get3A_48 = vector.load %arg11[%get3A_46, %get3A_47] : memref<1x128xf32, #tpu.memory_space<vmem>>, vector<1x128xf32>
    %add3A_49 = vector.broadcast %get3A_48 : vector<1x128xf32> to vector<400x128xf32>
    %add3A_50 = arith.addf %add3A_45, %add3A_49 : vector<400x128xf32>
    %max3A_51 = arith.constant 0.000000e+00 : f32
    %max3A_52 = vector.broadcast %max3A_51 : f32 to vector<400x128xf32>
    %max3A_53 = arith.maximumf %add3A_50, %max3A_52 : vector<400x128xf32>
    %swap3A = arith.constant 0 : index
    %swap3A_54 = arith.constant 0 : index
    %swap3A_55 = vector.load %arg13[%swap3A, %swap3A_54] : memref<400x128xf32, #tpu.memory_space<vmem>>, vector<400x128xf32>
    tpu.vector_store %arg13[%swap3A, %swap3A_54], %max3A_53 {strides = array<i32>} : memref<400x128xf32, #tpu.memory_space<vmem>>, vector<400x128xf32>,
    %get3A_56 = arith.constant 0 : index
    %get3A_57 = arith.constant 0 : index
    %get3A_58 = vector.load %arg12[%get3A_56, %get3A_57] : memref<128x8xf32, #tpu.memory_space<vmem>>, vector<128x8xf32>
    %dot_general3A_59 = arith.constant dense<0.000000e+00> : vector<400x8xf32>
    %dot_general3A_60 = tpu.matmul %max3A_53, %get3A_58, %dot_general3A_59 {dimension_numbers = #tpu.dot_dimension_numbers<[1], [0], [0], [1], [0, 0, 1, 1], [], []>, transpose_lhs_hint = false} : vector<400x128xf32>, vector<128x8xf32>, vector<400x8xf32> -> vector<400x8xf32>
    %swap3A_61 = arith.constant 0 : index
    %swap3A_62 = arith.constant 0 : index
    %swap3A_63 = vector.load %arg14[%swap3A_61, %swap3A_62] : memref<400x8xf32, #tpu.memory_space<vmem>>, vector<400x8xf32>
    tpu.vector_store %arg14[%swap3A_61, %swap3A_62], %dot_general3A_60 {strides = array<i32>} : memref<400x8xf32, #tpu.memory_space<vmem>>, vector<400x8xf32>,
    return
  }
  func.func @transform_0(%arg0: i32) -> (i32, i32) {
    %c0_i32 = arith.constant 0 : i32
    %c0_i32_0 = arith.constant 0 : i32
    return %arg0, %c0_i32 : i32, i32
  }
  func.func @transform_1(%arg0: i32) -> (i32, i32) {
    %c0_i32 = arith.constant 0 : i32
    %c0_i32_0 = arith.constant 0 : i32
    return %arg0, %c0_i32 : i32, i32
  }
  func.func @transform_2(%arg0: i32) -> (i32, i32) {
    %c0_i32 = arith.constant 0 : i32
    %c0_i32_0 = arith.constant 0 : i32
    return %arg0, %c0_i32 : i32, i32
  }
  func.func @transform_3(%arg0: i32) -> (i32, i32) {
    %c0_i32 = arith.constant 0 : i32
    %c0_i32_0 = arith.constant 0 : i32
    return %arg0, %c0_i32 : i32, i32
  }
  func.func @transform_4(%arg0: i32) -> (i32, i32) {
    %c0_i32 = arith.constant 0 : i32
    %c0_i32_0 = arith.constant 0 : i32
    return %arg0, %c0_i32 : i32, i32
  }
  func.func @transform_5(%arg0: i32) -> (i32, i32) {
    %c0_i32 = arith.constant 0 : i32
    %c0_i32_0 = arith.constant 0 : i32
    %c0_i32_1 = arith.constant 0 : i32
    return %c0_i32, %c0_i32_0 : i32, i32
  }
  func.func @transform_6(%arg0: i32) -> (i32, i32) {
    %c0_i32 = arith.constant 0 : i32
    %c0_i32_0 = arith.constant 0 : i32
    %c0_i32_1 = arith.constant 0 : i32
    return %c0_i32, %c0_i32_0 : i32, i32
  }
  func.func @transform_7(%arg0: i32) -> (i32, i32) {
    %c0_i32 = arith.constant 0 : i32
    %c0_i32_0 = arith.constant 0 : i32
    %c0_i32_1 = arith.constant 0 : i32
    return %c0_i32, %c0_i32_0 : i32, i32
  }
  func.func @transform_8(%arg0: i32) -> (i32, i32) {
    %c0_i32 = arith.constant 0 : i32
    %c0_i32_0 = arith.constant 0 : i32
    %c0_i32_1 = arith.constant 0 : i32
    return %c0_i32, %c0_i32_0 : i32, i32
  }
  func.func @transform_9(%arg0: i32) -> (i32, i32) {
    %c0_i32 = arith.constant 0 : i32
    %c0_i32_0 = arith.constant 0 : i32
    %c0_i32_1 = arith.constant 0 : i32
    return %c0_i32, %c0_i32_0 : i32, i32
  }
  func.func @transform_10(%arg0: i32) -> (i32, i32) {
    %c0_i32 = arith.constant 0 : i32
    %c0_i32_0 = arith.constant 0 : i32
    %c0_i32_1 = arith.constant 0 : i32
    return %c0_i32, %c0_i32_0 : i32, i32
  }
  func.func @transform_11(%arg0: i32) -> (i32, i32) {
    %c0_i32 = arith.constant 0 : i32
    %c0_i32_0 = arith.constant 0 : i32
    %c0_i32_1 = arith.constant 0 : i32
    return %c0_i32, %c0_i32_0 : i32, i32
  }
  func.func @transform_12(%arg0: i32) -> (i32, i32) {
    %c0_i32 = arith.constant 0 : i32
    %c0_i32_0 = arith.constant 0 : i32
    return %arg0, %c0_i32 : i32, i32
  }
  func.func @transform_13(%arg0: i32) -> (i32, i32) {
    %c0_i32 = arith.constant 0 : i32
    %c0_i32_0 = arith.constant 0 : i32
    return %arg0, %c0_i32 : i32, i32
  }
}

</mosaic_0001>

<sc_bundles>
// kernel: gather_offload_async_start
scs
__scs_entry_jumppad:
0x0: {  	(pc) =	sbr.rel $0x88, $3  }
0x1: {  	(tag) =	ssettag $0x0;
	lr =	simm.s32 $0x1  }
0x2: {  	[smem:$0x3F92] =	sst lr;
	_ =	strace $0xD0000000  }
0x3: {  	_ = 	snop  }
0x4: {  	_ = 	snop  }
0x5: {  	_ = 	snop  }
0x6: {  	_ = 	snop  }
0x7: {  	_ = 	snop  }
__scs_overlays_trampoline_lowered:
0x8: {  	[smem:$0x3FA1] =	sst s0  }
0x9: {  	[smem:$0x3FA2] =	sst s1  }
0xa: {  	[smem:$0x3FA3] =	sst s2  }
0xb: {  	[smem:$0x3FA4] =	sst s3  }
0xc: {  	[smem:$0x3FA5] =	sst s4  }
0xd: {  	[smem:$0x3FA6] =	sst s5  }
0xe: {  	[smem:$0x3FA7] =	sst s6  }
0xf: {  	[smem:$0x3FA8] =	sst s7  }
0x10: {  	[smem:$0x3FA9] =	sst s8  }
0x11: {  	[smem:$0x3FAA] =	sst s9;
	s0 =	simm.s32 @!p0 $0x0  }
0x12: {  	s1 =	sld [smem:$0x3F90];
	s0 =	simm.s32 @p0 $0x1  }
0x13: {  	[smem:$0x3FAB] =	sst s0;
	s0 =	simm.s32 @!p1 $0x0  }
0x14: {  	s2 =	sld [smem:$0x3F8F];
	s0 =	simm.s32 @p1 $0x1  }
0x15: {  	[smem:$0x3FAC] =	sst s0;
	s0 =	simm.s32 @!p2 $0x0  }
0x16: {  	s3 =	sld [smem:$0x3FDB];
	s0 =	simm.s32 @p2 $0x1  }
0x17: {  	s4 =	simm.s32 $0x1BF5;
	[smem:$0x3FAE] =	sst s0  }
0x18: {  	s0 =	sld [smem:$0x3F91];
	_ =	swait.ge [sflag:s4], $0x0  }
0x19: {  	s7 =	sld [smem:$0x3F92]  }
0x1a: {  	s8 =	sadd.s32 $0xFFFFE003, lr  }
0x1b: {  	s9 =	sadd.s32 $0xFFFFFEF7, lr;
	s5 =	simm.s32 $0xFFFFFFFF;
	p2 =	slt.u32 s8, $0xFFFFF086  }
0x1c: {  	p1 =	slt.u32 s9, $0xF7A;
	s5 =	simm.s32 @!p2 $0x0  }
0x1d: {  	s5 =	simm.s32 @p1 $0x1;
	p0 =	seq.s32 s7, s2  }
0x1e: {  	s7 =	smul.u32 @!p0 $0xF7A, s2;
	p2 =	seq.s32 @!p0 s5, $0x0  }
0x1f: {  	s9 =	smul.u32 $0xF7A, s1;
	s8 =	simm.s32 @!p0 $0x1BF5;
	p2 =	por !p2, p0  }
0x20: {  	[sflag:s8] =	ssyncset.s32 @!p0 $0xFFFFF086;
	s6 =	sadd.s32 @!p0 s3, s7;
	s7 =	simm.s32 @!p0 $0x108  }
0x21: {  	s3 =	sadd.s32 s3, s9;
	s6 =	sadd.s32 @!p0 $0x88, s6;
	s7 =	simm.s32 @p2 $0x1082  }
0x22: {  	[simem:s7], [sflag:s8] =	dma.local @!p0 [hbm:s6], $0xF7A  }
0x23: {  	s9 =	sor.u32 $0xD0000000, s2;
	s6 =	simm.s32 $0x108;
	_ =	swait.ge @!p0 [sflag:s8], $0x0  }
0x24: {  	s3 =	sadd.s32 $0x88, s3;
	s6 =	simm.s32 @!p1 $0x1082;
	[sflag:s4] =	ssyncset.s32 $0xFFFFF086  }
0x25: {  	[simem:s6], [sflag:s4] =	dma.local [hbm:s3], $0xF7A  }
0x26: {  	[smem:$0x3F92] =	sst s1;
	(tag) =	ssettag s2;
	_ =	strace s9  }
0x27: {  	s1 =	sld [smem:$0x3FA2]  }
0x28: {  	s2 =	sld [smem:$0x3FA3]  }
0x29: {  	s4 =	sld [smem:$0x3FA5]  }
0x2a: {  	p0 =	seq.s32 s5, $0x0;
	s5 =	sld [smem:$0x3FA6]  }
0x2b: {  	s6 =	sld [smem:$0x3FA7]  }
0x2c: {  	s7 =	sld [smem:$0x3FA8]  }
0x2d: {  	s3 =	simm.s32 $0x108;
	s8 =	sld [smem:$0x3FA9]  }
0x2e: {  	s3 =	simm.s32 @!p0 $0x1082;
	s9 =	sld [smem:$0x3FAA]  }
0x2f: {  	lr =	sadd.s32 s0, s3;
	s0 =	sld [smem:$0x3FA1]  }
0x30: {  	s3 =	sld [smem:$0x3FA4]  }
0x31: {  	[smem:$0x3FAD] =	sst s10  }
0x32: {  	s10 =	sld [smem:$0x3FAB];
	_ =	sdelay $0x3  }
0x33: {  	p0 =	seq.s32 s10, $0x1;
	s10 =	sld [smem:$0x3FAD];
	_ =	sdelay $0x3  }
0x34: {  	[smem:$0x3FAD] =	sst s10  }
0x35: {  	s10 =	sld [smem:$0x3FAC];
	_ =	sdelay $0x3  }
0x36: {  	p1 =	seq.s32 s10, $0x1;
	s10 =	sld [smem:$0x3FAD];
	_ =	sdelay $0x3  }
0x37: {  	[smem:$0x3FAD] =	sst s10  }
0x38: {  	s10 =	sld [smem:$0x3FAE]  }
0x39: {  	_ = 	snop;
	(pc) =	sbr.ind lr, $3  }
0x3a: {  	_ = 	snop  }
0x3b: {  	_ = 	snop  }
0x3c: {  	p2 =	seq.s32 s10, $0x1;
	s10 =	sld [smem:$0x3FAD]  }
0x3d: {  	_ =	shalt  }
0x3e: {  	_ =	shalt  }
0x3f: {  	_ =	shalt  }
0x40: {  	_ =	shalt  }
0x41: {  	_ =	shalt  }
0x42: {  	_ =	shalt  }
0x43: {  	_ =	shalt  }
0x44: {  	_ =	shalt  }
0x45: {  	_ =	shalt  }
0x46: {  	_ =	shalt  }
0x47: {  	_ =	shalt  }
0x48: {  	_ =	shalt  }
0x49: {  	_ =	shalt  }
0x4a: {  	_ =	shalt  }
0x4b: {  	_ =	shalt  }
0x4c: {  	_ =	shalt  }
0x4d: {  	_ =	shalt  }
0x4e: {  	_ =	shalt  }
0x4f: {  	_ =	shalt  }
0x50: {  	_ =	shalt  }
0x51: {  	_ =	shalt  }
0x52: {  	_ =	shalt  }
0x53: {  	_ =	shalt  }
0x54: {  	_ =	shalt  }
0x55: {  	_ =	shalt  }
0x56: {  	_ =	shalt  }
0x57: {  	_ =	shalt  }
0x58: {  	_ =	shalt  }
0x59: {  	_ =	shalt  }
0x5a: {  	_ =	shalt  }
0x5b: {  	_ =	shalt  }
0x5c: {  	_ =	shalt  }
0x5d: {  	_ =	shalt  }
0x5e: {  	_ =	shalt  }
0x5f: {  	_ =	shalt  }
0x60: {  	_ =	shalt  }
0x61: {  	_ =	shalt  }
0x62: {  	_ =	shalt  }
0x63: {  	_ =	shalt  }
0x64: {  	_ =	shalt  }
0x65: {  	_ =	shalt  }
0x66: {  	_ =	shalt  }
0x67: {  	_ =	shalt  }
0x68: {  	_ =	shalt  }
0x69: {  	_ =	shalt  }
0x6a: {  	_ =	shalt  }
0x6b: {  	_ =	shalt  }
0x6c: {  	_ =	shalt  }
0x6d: {  	_ =	shalt  }
0x6e: {  	_ =	shalt  }
0x6f: {  	_ =	shalt  }
0x70: {  	_ =	shalt  }
0x71: {  	_ =	shalt  }
0x72: {  	_ =	shalt  }
0x73: {  	_ =	shalt  }
0x74: {  	_ =	shalt  }
0x75: {  	_ =	shalt  }
0x76: {  	_ =	shalt  }
0x77: {  	_ =	shalt  }
0x78: {  	_ =	shalt  }
0x79: {  	_ =	shalt  }
0x7a: {  	_ =	shalt  }
0x7b: {  	_ =	shalt  }
0x7c: {  	_ =	shalt  }
0x7d: {  	_ =	shalt  }
0x7e: {  	_ =	shalt  }
0x7f: {  	_ =	shalt  }
0x80: {  	_ =	shalt  }
0x81: {  	_ =	shalt  }
0x82: {  	_ =	shalt  }
0x83: {  	_ =	shalt  }
0x84: {  	_ =	shalt  }
0x85: {  	_ =	shalt  }
0x86: {  	_ =	shalt  }
0x87: {  	_ =	shalt  }
.Lfunc_end0:
.L_simem_size_0:
called_computation_lowered:
.L_overlay_start_0:
0x88: {  	s2 =	sld [smem:$0x3FD9]  }
0x89: {  	s3 =	sld [smem:$0x3FFE];
	_ =	sdelay $0x1  }
0x8a: {  	s1 =	srdreg.scid  }
0x8b: {  	s0 =	sand.u32 $0x1, s1  }
0x8c: {  	s16 =	sshll.u32 s0, $0xA;
	s2 =	sadd.s32 s3, s2  }
0x8d: {  	s2 =	sadd.s32 s2, s16  }
0x8e: {  	[smem:$0x3FB9] =	sst s2  }
0x8f: {  	_ = 	snop  }
0x90: {  	(tm) =	ssettm $0x1  }
0x91: {  	s17 =	sld [smem:$0x3FFB];
	_ =	sdelay $0x3  }
0x92: {  	_ =	strace s17  }
0x93: {  	s2 =	sld [smem:$0x3FFC];
	_ =	sdelay $0x3  }
0x94: {  	_ =	strace s2  }
0x95: {  	s2 =	sld [smem:$0x3FFD];
	_ =	sdelay $0x3  }
0x96: {  	_ =	strace s2  }
0x97: {  	_ =	strace $0x8FFFFFFF  }
0x98: {  	s18 =	sld [smem:$0x3FDB];
	_ =	sdelay $0x1  }
0x99: {  	s19 =	simm.s32 $_scs_section_size  }
0x9a: {  	s4 =	simm.s32 $_size__tile_overlayer_lowered;
	s5 =	simm.s32 $_tile_overlayer_lowered  }
0x9b: {  	s22 =	simm.s32 $0x1BFF;
	s21 =	sshll.u32 s5, $0x1;
	s2 =	sadd.s32 s19, s18  }
0x9c: {  	s6 =	simm.s32 $0x0;
	s20 =	sshll.u32 s4, $0x1;
	s4 =	sadd.s32 s21, s2  }
0x9d: {  	[timem:s6], [sflag:s22] =	dma.local [hbm:s4], s20  }
0x9e: {  	_ =	swait.ge [sflag:s22], s20  }
0x9f: {  	s3 =	ssub.s32 $0x0, s20;
	[sflag:s22] =	ssyncset.done $0x0  }
0xa0: {  	[sflag:s22] =	ssyncadd.s32 s3;
	_ =	sdelay $0x1  }
0xa1: {  	s23 =	simm.s32 $0x1B8B  }
0xa2: {  	_ =	swait.ge [sflag:s23], $0x1  }
0xa3: {  	[sflag:s23] =	ssyncset.done $0x0  }
0xa4: {  	s25 =	simm.s32 $0x1B8E;
	s24 =	sld [smem:$0x3FFE];
	[sflag:s23] =	ssyncadd.s32 $0xFFFFFFFF  }
0xa5: {  	s26 =	simm.s32 $execute0_lowered;
	[smem:$0x3FD2] =	sst s25  }
0xa6: {  	s4 =	sshll.u32 s26, $0x1;
	_ =	strace $0x80000046;
	[dreg:$0x1] =	wrdreg $0xFFFFFFFF  }
0xa7: {  	s28 =	simm.s32 $_size_execute0_lowered;
	s2 =	sadd.s32 s2, s4;
	[dreg:$0x0] =	wrdreg $0x0  }
0xa8: {  	s4 =	sshll.u32 s28, $0x1;
	[dreg:$0x2] =	wrdreg s2  }
0xa9: {  	[dreg:$0x3] =	wrdreg s4  }
0xaa: {  	[dreg:$0x4] =	wrdreg $0xC0  }
0xab: {  	_ =	task [dreg:s6], $0x5FFFF  }
0xac: {  	[dreg:$0x1] =	wrdreg $0xFFFFFFFF  }
0xad: {  	[dreg:$0x0] =	wrdreg $0x60  }
0xae: {  	[dreg:$0x2] =	wrdreg s24  }
0xaf: {  	[dreg:$0x3] =	wrdreg $0xA  }
0xb0: {  	_ =	task.clear_ibuf [dreg:s6], $0x4FFFF;
	_ =	strace $0x90000046  }
0xb1: {  	s29 =	simm.s32 $0xA;
	_ =	strace $0x80000048  }
0xb2: {  	_ =	swait.ge [sflag:s29], $0x1  }
0xb3: {  	[sflag:s29] =	ssyncadd.s32 $0xFFFFFFFF  }
0xb4: {  	_ =	strace $0x90000048  }
0xb5: {  	_ =	sfence  }
0xb6: {  	s30 =	sld [smem:$0x0];
	_ =	sdelay $0x2  }
0xb7: {  	s31 =	sshll.u32 s1, $0xD;
	s1 =	sshrl.u32 s1, $0x2  }
0xb8: {  	s3 =	sand.u32 $0x4000, s31;
	s1 =	sadd.s32 s1, s30  }
0xb9: {  	s0 =	sor.u32 s3, s0;
	s1 =	sshll.u32 s1, $0x11  }
0xba: {  	s0 =	sor.u32 s1, s0  }
0xbb: {  	s0 =	sadd.s32 $0x8F2B, s0  }
0xbc: {  	[sflag:s0] =	ssyncadd.remote.s32 $0x1  }
0xbd: {  	_ =	sfence.sel $0xFFFF  }
0xbe: {  	[dreg:$0x0] =	wrdreg $0xFFFFFFFF;
	(pc) =	sbr.abs _section_cstart, $3  }
0xbf: {  	[dreg:$0x1] =	wrdreg $0xFFFFFFFF  }
0xc0: {  	_ =	task.clear_ibuf [dreg:s6], $0x2FFFF;
	_ =	strace $0x9FFFFFFF  }
0xc1: {  	(tm) =	ssettm $0x7FFFFFFF  }
tec
execute0_lowered:
.L_overlay_start_1:
0x0: {  	(tag) =	ssettag $0x1  }
0x1: {  	s0 =	srdreg.scid  }
0x2: {  	s1 =	sshll.u32 s0, $0x4  }
0x3: {  	s0 =	stileid.u32;
	s1 =	sand.u32 $0x10, s1  }
0x4: {  	s1 =	sor.u32 s0, s1  }
0x5: {  	s9 =	rddreg [dreg:$0x0];
	s6 =	simm.s32 $0x1;
	s2 =	smin.u32 s1, $0x8  }
0x6: {  	p0 =	slt.u32 s1, $0x8;
	s2 =	sadd.s32 s1, s2;
	s1 =	simm.s32 $0x80  }
0x7: {  	s7 =	simm.s32 $0x2;
	s2 =	sshll.u32 s2, $0x6;
	s1 =	simm.s32 @!p0 $0x40  }
0x8: {  	s10 =	simm.s32 $0x3;
	s13 =	simm.s32 $0x0;
	s3 =	sadd.s32 s1, s2  }
0x9: {  	s12 =	simm.s32 $0x0;
	s4 =	sadd.s32 $0x4A00, s9;
	s3 =	smin.u32 s3, $0xA00  }
.Ltmp0:
0xa: {  	s5 =	sadd.s32 $0x4800, s9;
	s8 =	ssub.s32 s3, s2;
	(pc) =	sbr.rel .LBB2_1-.Ltmp0, $4  }
0xb: {  	s1 =	rddreg [dreg:$0x1];
	_ =	strace $0x80000047;
	p0 =	sgt.s32 s8, $0x0  }
0xc: {  	s9 =	sadd.s32 $0x22A00, s9;
	[sflag:s6] =	ssyncpa.u1 $0x0;
	s8 =	simm.s32 @!p0 $0x0  }
0xd: {  	s11 =	smov.u32 s2;
	[sflag:s7] =	ssyncpa.u1 $0x0;
	s8 =	sshrl.u32 s8, $0x6  }
0xe: {  	vm0 =	vmmov $0xff;
	vm1 =	vcmask $0x3F20;
	[sflag:s10] =	ssyncpa.u1 $0x0;
	p0 =	por $0x0, $0x0;
	s10 =	sadd.s32 $0x1, s8  }
.LBB2_6:
0xf: {  	[hbm:s17] =	stream.linear.scatter [tilespmem:s14], [sflag:$0x3], $0x400, $0x38;
	[tilespmem:$0x4080] =	vst v63  }
.LBB2_7:
0x10: {  	s13 =	sadd.s32 $0x40, s11  }
0x11: {  	s15 =	smov.u32 s2;
	p2 =	slt.s32 s13, s3  }
0x12: {  	s15 =	smov.u32 @p2 s13;
	p2 =	sne.s32 s12, s10  }
.Ltmp1:
0x13: {  	p1 =	slt.u32 s12, $0x2;
	(pc) =	sbr.rel @!p2 .LBB2_8-.Ltmp1, $4  }
0x14: {  	s14 =	simm.s32 @!p1 $0x3  }
0x15: {  	s16 =	sadd.s32 $0x1, s12;
	_ =	swait.ge @!p1 [sflag:s14], $0x2000  }
0x16: {  	p0 =	por !p0, !p0;
	s13 =	smov.u32 s11;
	[sflag:s14] =	ssyncset.done @!p1 $0x0  }
0x17: {  	s12 =	smov.u32 s16;
	s11 =	smov.u32 s15;
	[sflag:s14] =	ssyncadd.s32 @!p1 $0xFFFFE000  }
.LBB2_1:
0x18: {  	p1 =	sge.u32 s12, s8  }
0x19: {  	s14 =	sxor.u32 @!p1 $0xFFFFFFFF, s12  }
0x1a: {  	s31 =	sadd.s32 $0xFFFFFFFF, s12;
	s15 =	sshrl.u32 @!p1 s11, $0x3;
	s14 =	sshll.u32 @!p1 s14, $0x6  }
0x1b: {  	s16 =	sand.u32 @!p1 $0x7, s11;
	s15 =	sadd.s32 @!p1 s5, s15;
	s14 =	sand.u32 @!p1 $0x40, s14  }
0x1c: {  	[tilespmem:s14], [sflag:$0x2] =	stream.linear.gather @!p1 [hbm4b:s15+s16], $0x40, $0x38;
	[tilespmem:$0x4080] =	vst v63  }
0x1d: {  	p1 =	sge.u32 s31, s8  }
.Ltmp2:
0x1e: {  	_ = 	snop;
	(pc) =	sbr.rel @p1 .LBB2_7-.Ltmp2, $1  }
0x1f: {  	_ =	sdelay $0x3  }
0x20: {  	s14 =	simm.s32 $0x1  }
0x21: {  	_ =	swait.ge [sflag:s7], $0x40;
	s14 =	simm.s32 @!p0 $0x0  }
0x22: {  	[sflag:s7] =	ssyncset.done $0x0;
	s16 =	sshll.u32 s14, $0x6  }
0x23: {  	[sflag:s7] =	ssyncadd.s32 $0xFFFFFFC0;
	s15 =	sadd.s32 $0x0, s16  }
0x24: {  	v0 =	vld.msk [tilespmem:s15+$0x0 ss:$0x1], $0xffff;
	_ =	sdelay $0x4  }
0x25: {  	vm2 =	vgt.s32 v0, $0x0  }
0x26: {  	v0 =	vnsel vm2, $0x0, v0  }
0x27: {  	v0 =	vmin.u32 v0, $0x9FF  }
0x28: {  	v0 =	vshll.u32 v0, $0x4;
	_ =	sdelay $0x2  }
0x29: {  	s14 =	sshll.u32 s14, $0xD  }
0x2a: {  	s14 =	sor.u32 $0x80, s14  }
0x2b: {  	[tilespmem:s14], [sflag:$0x1] =	stream.indirect_vreg.gather [hbm:s4], $0x80, v0, vm0, $0x38;
	[tilespmem:$0x4080] =	vst v63  }
0x2c: {  	s17 =	sadd.s32 $0x10, s16;
	s15 =	sadd.s32 $0x400, s14  }
0x2d: {  	[tilespmem:s15], [sflag:$0x1] =	stream.indirect_vreg.gather [hbm:s4], $0x80, v0, vm1, $0x38;
	[tilespmem:$0x4080] =	vst v63  }
0x2e: {  	s18 =	simm.s32 $0x80;
	v0 =	vld.msk [tilespmem:s17+$0x0 ss:$0x1], $0xffff;
	s17 =	smov.u32 s14  }
.LBB2_3:
0x2f: {  	p1 =	sne.s32 s18, $0xC0;
	_ =	sdelay $0x4  }
0x30: {  	vm2 =	vgt.s32 v0, $0x0  }
0x31: {  	v0 =	vnsel vm2, $0x0, v0  }
0x32: {  	v0 =	vmin.u32 v0, $0x9FF  }
0x33: {  	v0 =	vshll.u32 v0, $0x4;
	_ =	sdelay $0x3  }
.Ltmp3:
0x34: {  	s19 =	sshra.s32 s18, $0x2;
	s17 =	sadd.s32 $0x800, s17;
	(pc) =	sbr.rel @p1 .LBB2_3-.Ltmp3, $4  }
0x35: {  	[tilespmem:s17], [sflag:$0x1] =	stream.indirect_vreg.gather [hbm:s4], $0x80, v0, vm0, $0x38;
	[tilespmem:$0x4080] =	vst v63  }
0x36: {  	s19 =	sadd.s32 s19, s16;
	s20 =	sadd.s32 $0x400, s17  }
0x37: {  	[tilespmem:s20], [sflag:$0x1] =	stream.indirect_vreg.gather [hbm:s4], $0x80, v0, vm1, $0x38;
	[tilespmem:$0x4080] =	vst v63  }
0x38: {  	s18 =	sadd.s32 $0x40, s18;
	v0 =	vld.msk [tilespmem:s19+$0x0 ss:$0x1], $0xffff  }
0x39: {  	_ =	sdelay $0x3  }
0x3a: {  	vm2 =	vgt.s32 v0, $0x0  }
0x3b: {  	v0 =	vnsel vm2, $0x0, v0  }
0x3c: {  	v0 =	vmin.u32 v0, $0x9FF  }
0x3d: {  	v0 =	vshll.u32 v0, $0x4;
	_ =	sdelay $0x3  }
0x3e: {  	s16 =	sadd.s32 $0x800, s17  }
0x3f: {  	[tilespmem:s16], [sflag:$0x1] =	stream.indirect_vreg.gather [hbm:s4], $0x80, v0, vm0, $0x38;
	[tilespmem:$0x4080] =	vst v63  }
0x40: {  	s16 =	sadd.s32 $0x400, s16  }
0x41: {  	[tilespmem:s16], [sflag:$0x1] =	stream.indirect_vreg.gather [hbm:s4], $0x80, v0, vm1, $0x38;
	[tilespmem:$0x4080] =	vst v63  }
0x42: {  	s13 =	sshll.u32 s13, $0x4;
	_ =	swait.ge [sflag:s6], $0x2000  }
0x43: {  	s13 =	sadd.s32 s13, s9;
	[sflag:s6] =	ssyncset.done $0x0  }
0x44: {  	s17 =	sadd.s32 $0x0, s13;
	s16 =	simm.s32 $0x80;
	[sflag:s6] =	ssyncadd.s32 $0xFFFFE000  }
.LBB2_5:
0x45: {  	[hbm:s17] =	stream.linear.scatter [tilespmem:s14], [sflag:$0x3], $0x400, $0x38;
	[tilespmem:$0x4080] =	vst v63  }
0x46: {  	s17 =	smov.u32 s16;
	s14 =	smov.u32 s15;
	p1 =	sne.s32 s16, $0x380  }
.Ltmp4:
0x47: {  	s16 =	sadd.s32 $0x80, s16;
	(pc) =	sbr.rel @p1 .LBB2_5-.Ltmp4, $2  }
0x48: {  	_ =	sdelay $0x2  }
0x49: {  	s15 =	sadd.s32 $0x400, s15;
	s17 =	sadd.s32 s17, s13  }
.Ltmp5:
0x4a: {  	_ = 	snop;
	(pc) =	sbr.rel .LBB2_6-.Ltmp5, $1  }
0x4b: {  	_ =	sdelay $0x3  }
.LBB2_8:
0x4c: {  	_ =	sfence.sel $0x180000  }
0x4d: {  	s2 =	simm.s32 $0x2;
	[bflag:$0x0] =	sbarrier.arrive $0xFFFF  }
0x4e: {  	s30 =	simm.s32 $0x3;
	[sflag:s2] =	ssyncpa.u1 $0x1  }
0x4f: {  	s31 =	simm.s32 $0x1;
	[sflag:s30] =	ssyncpa.u1 $0x1  }
0x50: {  	[sflag:s31] =	ssyncpa.u1 $0x1  }
0x51: {  	p0 =	sne.s32 s0, $0x0;
	_ =	strace $0x90000047  }
0x52: {  	s0 =	sadd.s32 @!p0 $0x100000, s1;
	[bflag:$0x2] =	sbarrier.arrive $0xFFFF  }
0x53: {  	[sflag:s0] =	ssyncadd.tile.s32 @!p0 $0x1;
	_ =	shalt  }
.Lfunc_end2:
_tile_overlayer_lowered:
.L_overlay_start_2:
0x54: {  	(tag) =	ssettag $0x2  }
0x55: {  	s0 =	rddreg [dreg:$0x0];
	s2 =	stileid.u32  }
0x56: {  	s1 =	rddreg [dreg:$0x1];
	p0 =	sne.s32 s2, $0x0  }
0x57: {  	s3 =	rddreg [dreg:$0x2];
	[bflag:$0x3] =	sbarrier.arrive $0xFFFF;
	s2 =	simm.s32 @!p0 $0x1C01  }
0x58: {  	[timem:s3], [sflag:s2] =	dma.local @!p0 [hbm:s0], s1  }
0x59: {  	s0 =	simm.s32 @!p0 $0x1  }
0x5a: {  	_ =	swait.ge @!p0 [sflag:s0], s1  }
0x5b: {  	s1 =	ssub.s32 @!p0 $0x0, s1;
	[sflag:s0] =	ssyncset.done @!p0 $0x0  }
0x5c: {  	[sflag:s0] =	ssyncadd.s32 @!p0 s1  }
0x5d: {  	[bflag:$0x3] =	sbarrier.arrive $0xFFFF  }
0x5e: {  	_ =	shalt  }

// kernel: kernel.12.cloned.1.call-start
scs
__scs_entry_jumppad:
0x0: {  	(pc) =	sbr.rel $0x88, $3  }
0x1: {  	(tag) =	ssettag $0x0;
	lr =	simm.s32 $0x1  }
0x2: {  	[smem:$0x3F92] =	sst lr;
	_ =	strace $0xD0000000  }
0x3: {  	_ = 	snop  }
0x4: {  	_ = 	snop  }
0x5: {  	_ = 	snop  }
0x6: {  	_ = 	snop  }
0x7: {  	_ = 	snop  }
__scs_overlays_trampoline_lowered:
0x8: {  	[smem:$0x3FA1] =	sst s0  }
0x9: {  	[smem:$0x3FA2] =	sst s1  }
0xa: {  	[smem:$0x3FA3] =	sst s2  }
0xb: {  	[smem:$0x3FA4] =	sst s3  }
0xc: {  	[smem:$0x3FA5] =	sst s4  }
0xd: {  	[smem:$0x3FA6] =	sst s5  }
0xe: {  	[smem:$0x3FA7] =	sst s6  }
0xf: {  	[smem:$0x3FA8] =	sst s7  }
0x10: {  	[smem:$0x3FA9] =	sst s8  }
0x11: {  	[smem:$0x3FAA] =	sst s9;
	s0 =	simm.s32 @!p0 $0x0  }
0x12: {  	s1 =	sld [smem:$0x3F90];
	s0 =	simm.s32 @p0 $0x1  }
0x13: {  	[smem:$0x3FAB] =	sst s0;
	s0 =	simm.s32 @!p1 $0x0  }
0x14: {  	s2 =	sld [smem:$0x3F8F];
	s0 =	simm.s32 @p1 $0x1  }
0x15: {  	[smem:$0x3FAC] =	sst s0;
	s0 =	simm.s32 @!p2 $0x0  }
0x16: {  	s3 =	sld [smem:$0x3FDB];
	s0 =	simm.s32 @p2 $0x1  }
0x17: {  	s4 =	simm.s32 $0x1BF5;
	[smem:$0x3FAE] =	sst s0  }
0x18: {  	s0 =	sld [smem:$0x3F91];
	_ =	swait.ge [sflag:s4], $0x0  }
0x19: {  	s7 =	sld [smem:$0x3F92]  }
0x1a: {  	s8 =	sadd.s32 $0xFFFFE003, lr  }
0x1b: {  	s9 =	sadd.s32 $0xFFFFFEF7, lr;
	s5 =	simm.s32 $0xFFFFFFFF;
	p2 =	slt.u32 s8, $0xFFFFF086  }
0x1c: {  	p1 =	slt.u32 s9, $0xF7A;
	s5 =	simm.s32 @!p2 $0x0  }
0x1d: {  	s5 =	simm.s32 @p1 $0x1;
	p0 =	seq.s32 s7, s2  }
0x1e: {  	s7 =	smul.u32 @!p0 $0xF7A, s2;
	p2 =	seq.s32 @!p0 s5, $0x0  }
0x1f: {  	s9 =	smul.u32 $0xF7A, s1;
	s8 =	simm.s32 @!p0 $0x1BF5;
	p2 =	por !p2, p0  }
0x20: {  	[sflag:s8] =	ssyncset.s32 @!p0 $0xFFFFF086;
	s6 =	sadd.s32 @!p0 s3, s7;
	s7 =	simm.s32 @!p0 $0x108  }
0x21: {  	s3 =	sadd.s32 s3, s9;
	s6 =	sadd.s32 @!p0 $0x88, s6;
	s7 =	simm.s32 @p2 $0x1082  }
0x22: {  	[simem:s7], [sflag:s8] =	dma.local @!p0 [hbm:s6], $0xF7A  }
0x23: {  	s9 =	sor.u32 $0xD0000000, s2;
	s6 =	simm.s32 $0x108;
	_ =	swait.ge @!p0 [sflag:s8], $0x0  }
0x24: {  	s3 =	sadd.s32 $0x88, s3;
	s6 =	simm.s32 @!p1 $0x1082;
	[sflag:s4] =	ssyncset.s32 $0xFFFFF086  }
0x25: {  	[simem:s6], [sflag:s4] =	dma.local [hbm:s3], $0xF7A  }
0x26: {  	[smem:$0x3F92] =	sst s1;
	(tag) =	ssettag s2;
	_ =	strace s9  }
0x27: {  	s1 =	sld [smem:$0x3FA2]  }
0x28: {  	s2 =	sld [smem:$0x3FA3]  }
0x29: {  	s4 =	sld [smem:$0x3FA5]  }
0x2a: {  	p0 =	seq.s32 s5, $0x0;
	s5 =	sld [smem:$0x3FA6]  }
0x2b: {  	s6 =	sld [smem:$0x3FA7]  }
0x2c: {  	s7 =	sld [smem:$0x3FA8]  }
0x2d: {  	s3 =	simm.s32 $0x108;
	s8 =	sld [smem:$0x3FA9]  }
0x2e: {  	s3 =	simm.s32 @!p0 $0x1082;
	s9 =	sld [smem:$0x3FAA]  }
0x2f: {  	lr =	sadd.s32 s0, s3;
	s0 =	sld [smem:$0x3FA1]  }
0x30: {  	s3 =	sld [smem:$0x3FA4]  }
0x31: {  	[smem:$0x3FAD] =	sst s10  }
0x32: {  	s10 =	sld [smem:$0x3FAB];
	_ =	sdelay $0x3  }
0x33: {  	p0 =	seq.s32 s10, $0x1;
	s10 =	sld [smem:$0x3FAD];
	_ =	sdelay $0x3  }
0x34: {  	[smem:$0x3FAD] =	sst s10  }
0x35: {  	s10 =	sld [smem:$0x3FAC];
	_ =	sdelay $0x3  }
0x36: {  	p1 =	seq.s32 s10, $0x1;
	s10 =	sld [smem:$0x3FAD];
	_ =	sdelay $0x3  }
0x37: {  	[smem:$0x3FAD] =	sst s10  }
0x38: {  	s10 =	sld [smem:$0x3FAE]  }
0x39: {  	_ = 	snop;
	(pc) =	sbr.ind lr, $3  }
0x3a: {  	_ = 	snop  }
0x3b: {  	_ = 	snop  }
0x3c: {  	p2 =	seq.s32 s10, $0x1;
	s10 =	sld [smem:$0x3FAD]  }
0x3d: {  	_ =	shalt  }
0x3e: {  	_ =	shalt  }
0x3f: {  	_ =	shalt  }
0x40: {  	_ =	shalt  }
0x41: {  	_ =	shalt  }
0x42: {  	_ =	shalt  }
0x43: {  	_ =	shalt  }
0x44: {  	_ =	shalt  }
0x45: {  	_ =	shalt  }
0x46: {  	_ =	shalt  }
0x47: {  	_ =	shalt  }
0x48: {  	_ =	shalt  }
0x49: {  	_ =	shalt  }
0x4a: {  	_ =	shalt  }
0x4b: {  	_ =	shalt  }
0x4c: {  	_ =	shalt  }
0x4d: {  	_ =	shalt  }
0x4e: {  	_ =	shalt  }
0x4f: {  	_ =	shalt  }
0x50: {  	_ =	shalt  }
0x51: {  	_ =	shalt  }
0x52: {  	_ =	shalt  }
0x53: {  	_ =	shalt  }
0x54: {  	_ =	shalt  }
0x55: {  	_ =	shalt  }
0x56: {  	_ =	shalt  }
0x57: {  	_ =	shalt  }
0x58: {  	_ =	shalt  }
0x59: {  	_ =	shalt  }
0x5a: {  	_ =	shalt  }
0x5b: {  	_ =	shalt  }
0x5c: {  	_ =	shalt  }
0x5d: {  	_ =	shalt  }
0x5e: {  	_ =	shalt  }
0x5f: {  	_ =	shalt  }
0x60: {  	_ =	shalt  }
0x61: {  	_ =	shalt  }
0x62: {  	_ =	shalt  }
0x63: {  	_ =	shalt  }
0x64: {  	_ =	shalt  }
0x65: {  	_ =	shalt  }
0x66: {  	_ =	shalt  }
0x67: {  	_ =	shalt  }
0x68: {  	_ =	shalt  }
0x69: {  	_ =	shalt  }
0x6a: {  	_ =	shalt  }
0x6b: {  	_ =	shalt  }
0x6c: {  	_ =	shalt  }
0x6d: {  	_ =	shalt  }
0x6e: {  	_ =	shalt  }
0x6f: {  	_ =	shalt  }
0x70: {  	_ =	shalt  }
0x71: {  	_ =	shalt  }
0x72: {  	_ =	shalt  }
0x73: {  	_ =	shalt  }
0x74: {  	_ =	shalt  }
0x75: {  	_ =	shalt  }
0x76: {  	_ =	shalt  }
0x77: {  	_ =	shalt  }
0x78: {  	_ =	shalt  }
0x79: {  	_ =	shalt  }
0x7a: {  	_ =	shalt  }
0x7b: {  	_ =	shalt  }
0x7c: {  	_ =	shalt  }
0x7d: {  	_ =	shalt  }
0x7e: {  	_ =	shalt  }
0x7f: {  	_ =	shalt  }
0x80: {  	_ =	shalt  }
0x81: {  	_ =	shalt  }
0x82: {  	_ =	shalt  }
0x83: {  	_ =	shalt  }
0x84: {  	_ =	shalt  }
0x85: {  	_ =	shalt  }
0x86: {  	_ =	shalt  }
0x87: {  	_ =	shalt  }
.Lfunc_end0:
.L_simem_size_0:
called_computation.2_lowered:
.L_overlay_start_0:
0x88: {  	s2 =	sld [smem:$0x3FD9]  }
0x89: {  	s3 =	sld [smem:$0x3FFE];
	_ =	sdelay $0x1  }
0x8a: {  	s1 =	srdreg.scid  }
0x8b: {  	s0 =	sand.u32 $0x1, s1  }
0x8c: {  	s17 =	sshll.u32 s0, $0xA;
	s2 =	sadd.s32 s3, s2  }
0x8d: {  	s2 =	sadd.s32 s2, s17  }
0x8e: {  	[smem:$0x3FB9] =	sst s2  }
0x8f: {  	_ = 	snop  }
0x90: {  	(tm) =	ssettm $0x1  }
0x91: {  	s18 =	sld [smem:$0x3FFB];
	_ =	sdelay $0x3  }
0x92: {  	_ =	strace s18  }
0x93: {  	s2 =	sld [smem:$0x3FFC];
	_ =	sdelay $0x3  }
0x94: {  	_ =	strace s2  }
0x95: {  	s2 =	sld [smem:$0x3FFD];
	_ =	sdelay $0x3  }
0x96: {  	_ =	strace s2  }
0x97: {  	_ =	strace $0x8FFFFFFF  }
0x98: {  	s19 =	sld [smem:$0x3FDB];
	_ =	sdelay $0x1  }
0x99: {  	s20 =	simm.s32 $_scs_section_size  }
0x9a: {  	s4 =	simm.s32 $_size__tile_overlayer_lowered;
	s5 =	simm.s32 $_tile_overlayer_lowered  }
0x9b: {  	s6 =	simm.s32 $0x1BFF;
	s21 =	sshll.u32 s5, $0x1;
	s3 =	sadd.s32 s20, s19  }
0x9c: {  	s22 =	simm.s32 $0x0;
	s4 =	sshll.u32 s4, $0x1;
	s5 =	sadd.s32 s21, s3  }
0x9d: {  	[timem:s22], [sflag:s6] =	dma.local [hbm:s5], s4  }
0x9e: {  	_ =	swait.ge [sflag:s6], s4  }
0x9f: {  	s4 =	ssub.s32 $0x0, s4;
	[sflag:s6] =	ssyncset.done $0x0  }
0xa0: {  	[sflag:s6] =	ssyncadd.s32 s4;
	_ =	sdelay $0x1  }
0xa1: {  	s23 =	simm.s32 $0x1B8B  }
0xa2: {  	_ =	swait.ge [sflag:s23], $0x1  }
0xa3: {  	[sflag:s23] =	ssyncset.done $0x0  }
0xa4: {  	[sflag:s23] =	ssyncadd.s32 $0xFFFFFFFF  }
0xa5: {  	s4 =	sld [smem:$0x0]  }
0xa6: {  	s5 =	sand.u32 $0xFFFFFFFE, s1  }
0xa7: {  	p0 =	sne.s32 s1, s5  }
0xa8: {  	s5 =	sshll.u32 @p0 s5, $0xE  }
0xa9: {  	s5 =	sadd.s32 @p0 $0x11B8D, s5;
	s6 =	sshll.u32 @p0 s4, $0x11  }
0xaa: {  	s5 =	sor.u32 @p0 s6, s5  }
0xab: {  	[sflag:s5] =	ssyncadd.remote.s32 @p0 $0x1;
	_ =	sdelay $0x1  }
0xac: {  	s5 =	simm.s32 @p0 $0x1B8D  }
0xad: {  	_ =	swait.eq @p0 [sflag:s5], $0x1  }
0xae: {  	[sflag:s5] =	ssyncadd.s32 @p0 $0xFFFFFFFF  }
0xaf: {  	s6 =	sshll.u32 @!p0 s1, $0xE  }
0xb0: {  	s6 =	sor.u32 @!p0 $0x4000, s6;
	s5 =	simm.s32 @!p0 $0x1B8D  }
0xb1: {  	s4 =	sshll.u32 @!p0 s4, $0x11;
	s6 =	sadd.s32 @!p0 $0x11B8D, s6;
	_ =	swait.eq @!p0 [sflag:s5], $0x1  }
0xb2: {  	s4 =	sor.u32 @!p0 s4, s6;
	[sflag:s5] =	ssyncadd.s32 @!p0 $0xFFFFFFFF  }
0xb3: {  	s25 =	simm.s32 $0x1B8E;
	s24 =	sld [smem:$0x3FFE];
	[sflag:s4] =	ssyncadd.remote.s32 @!p0 $0x1  }
0xb4: {  	s26 =	simm.s32 $execute0_lowered;
	[smem:$0x3FD2] =	sst s25  }
0xb5: {  	s5 =	sshll.u32 s26, $0x1;
	_ =	strace $0x8000004C;
	[dreg:$0x1] =	wrdreg $0xFFFFFFFF  }
0xb6: {  	s28 =	simm.s32 $_size_execute0_lowered;
	s3 =	sadd.s32 s3, s5;
	[dreg:$0x0] =	wrdreg $0x0  }
0xb7: {  	s5 =	sshll.u32 s28, $0x1;
	[dreg:$0x2] =	wrdreg s3  }
0xb8: {  	[dreg:$0x3] =	wrdreg s5  }
0xb9: {  	[dreg:$0x4] =	wrdreg $0xC0  }
0xba: {  	_ =	task [dreg:s22], $0x5FFFF  }
0xbb: {  	[dreg:$0x1] =	wrdreg $0xFFFFFFFF  }
0xbc: {  	[dreg:$0x0] =	wrdreg $0x60  }
0xbd: {  	[dreg:$0x2] =	wrdreg s24  }
0xbe: {  	[dreg:$0x3] =	wrdreg $0xA8000  }
0xbf: {  	[dreg:$0x4] =	wrdreg $0xA  }
0xc0: {  	_ =	task.clear_ibuf [dreg:s22], $0x5FFFF;
	_ =	strace $0x9000004C  }
0xc1: {  	s29 =	simm.s32 $0xA;
	_ =	strace $0x8000004E  }
0xc2: {  	_ =	swait.ge [sflag:s29], $0x1  }
0xc3: {  	[sflag:s29] =	ssyncadd.s32 $0xFFFFFFFF  }
0xc4: {  	_ =	strace $0x9000004E  }
0xc5: {  	_ =	sfence  }
0xc6: {  	s30 =	sld [smem:$0x0];
	_ =	sdelay $0x2  }
0xc7: {  	s31 =	sshll.u32 s1, $0xD;
	s1 =	sshrl.u32 s1, $0x2  }
0xc8: {  	s4 =	sand.u32 $0x4000, s31;
	s1 =	sadd.s32 s1, s30  }
0xc9: {  	s0 =	sor.u32 s4, s0;
	s1 =	sshll.u32 s1, $0x11  }
0xca: {  	s0 =	sor.u32 s1, s0  }
0xcb: {  	s0 =	sadd.s32 $0x8F2B, s0  }
0xcc: {  	[sflag:s0] =	ssyncadd.remote.s32 $0x1  }
0xcd: {  	_ =	sfence.sel $0xFFFF  }
0xce: {  	[dreg:$0x0] =	wrdreg $0xFFFFFFFF;
	(pc) =	sbr.abs _section_cstart, $3  }
0xcf: {  	[dreg:$0x1] =	wrdreg $0xFFFFFFFF  }
0xd0: {  	_ =	task.clear_ibuf [dreg:s22], $0x2FFFF;
	_ =	strace $0x9FFFFFFF  }
0xd1: {  	(tm) =	ssettm $0x7FFFFFFF  }
tec
execute0_lowered:
.L_overlay_start_1:
0x0: {  	(tag) =	ssettag $0x1  }
0x1: {  	s1 =	srdreg.scid  }
0x2: {  	s0 =	stileid.u32;
	s7 =	rddreg [dreg:$0x0]  }
0x3: {  	s2 =	rddreg [dreg:$0x1];
	s4 =	simm.s32 $0x0;
	s20 =	simm.s32 $0x2  }
0x4: {  	s21 =	simm.s32 $0x80;
	s10 =	sand.u32 $0x1, s1;
	s1 =	rddreg [dreg:$0x2]  }
0x5: {  	s22 =	simm.s32 $0x0;
	s24 =	sshll.u32 s0, $0x1;
	[smem:$0x7FF] =	sst s4  }
0x6: {  	s25 =	sshll.u32 s0, $0xC;
	s6 =	sadd.s32 $0x2CA00, s7;
	s13 =	smul.u32 $0x4E000, s0  }
0x7: {  	s14 =	sadd.s32 $0xA5E200, s7;
	s26 =	smul.u32 $0x2700, s0;
	s29 =	sshll.u32 s0, $0x6  }
0x8: {  	s19 =	sadd.s32 $0x138000, s2;
	p0 =	sne.s32 s0, $0xF;
	s3 =	sor.u32 s10, s24  }
0x9: {  	_ =	strace $0x8000004D;
	s12 =	sadd.s32 s25, s7;
	s15 =	smul.u32 $0x27100, s10  }
0xa: {  	s9 =	ssub.s32 $0x2, s10;
	s30 =	smul.u32 $0x138800, s10;
	s31 =	sshll.u32 s10, $0xB  }
0xb: {  	s5 =	smul.u32 $0x500, s3;
	s11 =	sshrl.u32 s9, $0x1;
	s28 =	sshrl.u32 s13, $0x2  }
0xc: {  	s12 =	sadd.s32 s31, s12;
	s11 =	ssub.s32 s9, s11;
	s16 =	sadd.s32 s28, s2  }
0xd: {  	s9 =	sadd.s32 s26, s15;
	s13 =	sshrl.u32 s30, $0x3;
	s12 =	sadd.s32 $0x55DA00, s12  }
0xe: {  	s8 =	sadd.s32 s5, s7;
	s5 =	sadd.s32 $0xA5DA00, s7;
	s7 =	sor.u32 $0x1C01, s29  }
.Ltmp0:
0xf: {  	s17 =	sadd.s32 $0x6800, s16;
	s18 =	sadd.s32 $0xD000, s16;
	(pc) =	sbr.rel .LBB2_1-.Ltmp0, $4  }
0x10: {  	s9 =	sadd.s32 s14, s9;
	s13 =	sadd.s32 s14, s13;
	s11 =	smax.u32 s11, $0x1  }
0x11: {  	s14 =	simm.s32 $0x1;
	s8 =	sadd.s32 $0x22A00, s8;
	s10 =	sadd.s32 $0x27000, s13  }
0x12: {  	s13 =	sshrl.u32 s16, $0x3;
	s15 =	sshrl.u32 s17, $0x3;
	s16 =	sshrl.u32 s18, $0x3  }
0x13: {  	s17 =	sshrl.u32 @!p0 s19, $0x3;
	s18 =	simm.s32 $0x6800;
	s19 =	simm.s32 $0x2800  }
.LBB2_5:
0x14: {  	[bflag:$0x0] =	sbarrier.arrive $0xFFFF  }
0x15: {  	[hbm:s9], [sflag:s7] =	dma.local [spmem:s13], $0x2700  }
0x16: {  	s22 =	sadd.s32 $0x1, s22;
	_ =	swait.ge [sflag:s14], $0x2700  }
0x17: {  	p1 =	sne.s32 s22, s11;
	[sflag:s14] =	ssyncset.done $0x0  }
.Ltmp1:
0x18: {  	s23 =	simm.s32 @!p0 $0x1;
	[sflag:s14] =	ssyncadd.s32 $0xFFFFD900;
	(pc) =	sbr.rel @!p1 .LBB2_6-.Ltmp1, $4  }
0x19: {  	[hbm:s10], [sflag:s7] =	dma.local @!p0 [spmem:s17], $0x100  }
0x1a: {  	_ =	swait.ge @!p0 [sflag:s23], $0x100  }
0x1b: {  	[sflag:s23] =	ssyncset.done @!p0 $0x0  }
0x1c: {  	[sflag:s23] =	ssyncadd.s32 @!p0 $0xFFFFFF00  }
.LBB2_1:
0x1d: {  	[spmem:s13], [sflag:s7] =	dma.local [hbm:s6], $0xD00  }
0x1e: {  	_ =	swait.ge [sflag:s14], $0xD00  }
0x1f: {  	[sflag:s14] =	ssyncset.done $0x0  }
0x20: {  	[sflag:s14] =	ssyncadd.s32 $0xFFFFF300  }
0x21: {  	[spmem:s15], [sflag:s7] =	dma.local [hbm:s6], $0xD00  }
0x22: {  	_ =	swait.ge [sflag:s14], $0xD00  }
0x23: {  	[sflag:s14] =	ssyncset.done $0x0  }
0x24: {  	[sflag:s14] =	ssyncadd.s32 $0xFFFFF300  }
0x25: {  	[spmem:s16], [sflag:s7] =	dma.local [hbm:s6], $0xD00  }
0x26: {  	_ =	swait.ge [sflag:s14], $0xD00  }
0x27: {  	[sflag:s14] =	ssyncset.done $0x0  }
0x28: {  	s23 =	simm.s32 @!p0 $0x1;
	[sflag:s14] =	ssyncadd.s32 $0xFFFFF300  }
0x29: {  	[spmem:s17], [sflag:s7] =	dma.local @!p0 [hbm:s6], $0x100  }
0x2a: {  	_ =	swait.ge @!p0 [sflag:s23], $0x100  }
0x2b: {  	[sflag:s23] =	ssyncset.done @!p0 $0x0  }
0x2c: {  	[sflag:s23] =	ssyncadd.s32 @!p0 $0xFFFFFF00  }
0x2d: {  	[tilespmem:s18], [sflag:$0x1] =	stream.linear.gather [hbm4b:s5+s4], $0x4000, $0x38;
	[tilespmem:$0x1E080] =	vst v63  }
0x2e: {  	_ =	swait.ge [sflag:s14], $0x4000  }
0x2f: {  	[sflag:s14] =	ssyncset.done $0x0  }
0x30: {  	[sflag:s14] =	ssyncadd.s32 $0xFFFFC000  }
.Ltmp2:
0x31: {  	[bflag:$0x0] =	sbarrier.arrive $0xFFFF;
	(pc) =	sbr.rel .LBB2_2-.Ltmp2, $4  }
0x32: {  	[tilespmem:s4], [sflag:$0x1] =	stream.linear.gather [hbm4b:s8+s4], $0x2800, $0x38;
	[tilespmem:$0x1E080] =	vst v63  }
0x33: {  	_ =	swait.ge [sflag:s14], $0x2800  }
0x34: {  	s24 =	simm.s32 $0x0;
	[sflag:s14] =	ssyncset.done $0x0  }
0x35: {  	s25 =	simm.s32 $0x0;
	s23 =	smov.u32 s12;
	[sflag:s14] =	ssyncadd.s32 $0xFFFFD800  }
.LBB2_4:
0x36: {  	s25 =	sadd.s32 $0x20, s25  }
0x37: {  	p1 =	sne.s32 s25, $0xA00  }
.Ltmp3:
0x38: {  	_ = 	snop;
	(pc) =	sbr.rel @!p1 .LBB2_5-.Ltmp3, $2  }
0x39: {  	_ =	sdelay $0x2  }
0x3a: {  	s24 =	sadd.s32 $0x80, s24;
	s23 =	sadd.s32 $0x10000, s23  }
.LBB2_2:
0x3b: {  	s26 =	sadd.s32 s25, s3  }
0x3c: {  	p1 =	sgt.u32 s26, $0x9C3  }
.Ltmp4:
0x3d: {  	_ = 	snop;
	(pc) =	sbr.rel @p1 .LBB2_4-.Ltmp4, $1  }
0x3e: {  	_ =	sdelay $0x3  }
0x3f: {  	[tilespmem:s19], [sflag:$0x2] =	stream.linear.gather [hbm4b:s23+s4], $0x4000, $0x38;
	[tilespmem:$0x1E080] =	vst v63  }
0x40: {  	_ =	swait.ge [sflag:s20], $0x4000  }
0x41: {  	[sflag:s20] =	ssyncset.done $0x0  }
0x42: {  	[sflag:s20] =	ssyncadd.s32 $0xFFFFC000  }
0x43: {  	v0 =	vld [tilespmem:$0x2800]  }
0x44: {  	v1 =	vld [tilespmem:$0x2880]  }
0x45: {  	v2 =	vld [tilespmem:$0x2900]  }
0x46: {  	v3 =	vld [tilespmem:$0x2980]  }
0x47: {  	v4 =	vld [tilespmem:$0x2A00]  }
0x48: {  	v53 =	vld [tilespmem:$0x2A80];
	[tilespmem:$0x6800] =	vst v0  }
0x49: {  	v54 =	vld [tilespmem:$0x2B00];
	[tilespmem:$0x6880] =	vst v1  }
0x4a: {  	v55 =	vld [tilespmem:$0x2B80];
	[tilespmem:$0x6900] =	vst v2  }
0x4b: {  	v56 =	vld [tilespmem:$0x2C00];
	[tilespmem:$0x6980] =	vst v3  }
0x4c: {  	v57 =	vld [tilespmem:$0x2C80];
	[tilespmem:$0x6A00] =	vst v4  }
0x4d: {  	v58 =	vld [tilespmem:$0x2D00];
	[tilespmem:$0x6A80] =	vst v53  }
0x4e: {  	v59 =	vld [tilespmem:$0x2D80];
	[tilespmem:$0x6B00] =	vst v54  }
0x4f: {  	v60 =	vld [tilespmem:$0x2E00];
	[tilespmem:$0x6B80] =	vst v55  }
0x50: {  	v61 =	vld [tilespmem:$0x2E80];
	[tilespmem:$0x6C00] =	vst v56  }
0x51: {  	v62 =	vld [tilespmem:$0x2F00];
	[tilespmem:$0x6C80] =	vst v57  }
0x52: {  	v63 =	vld [tilespmem:$0x2F80];
	[tilespmem:$0x6D00] =	vst v58  }
0x53: {  	v8 =	vld [tilespmem:$0x3000];
	[tilespmem:$0x6D80] =	vst v59  }
0x54: {  	v9 =	vld [tilespmem:$0x3080];
	[tilespmem:$0x6E00] =	vst v60  }
0x55: {  	v10 =	vld [tilespmem:$0x3100];
	[tilespmem:$0x6E80] =	vst v61  }
0x56: {  	v11 =	vld [tilespmem:$0x3180];
	[tilespmem:$0x6F00] =	vst v62  }
0x57: {  	v12 =	vld [tilespmem:$0x3200];
	[tilespmem:$0x6F80] =	vst v63  }
0x58: {  	v13 =	vld [tilespmem:$0x3280];
	[tilespmem:$0x7000] =	vst v8  }
0x59: {  	v14 =	vld [tilespmem:$0x3300];
	[tilespmem:$0x7080] =	vst v9  }
0x5a: {  	v15 =	vld [tilespmem:$0x3380];
	[tilespmem:$0x7100] =	vst v10  }
0x5b: {  	v16 =	vld [tilespmem:$0x3400];
	[tilespmem:$0x7180] =	vst v11  }
0x5c: {  	v17 =	vld [tilespmem:$0x3480];
	[tilespmem:$0x7200] =	vst v12  }
0x5d: {  	v18 =	vld [tilespmem:$0x3500];
	[tilespmem:$0x7280] =	vst v13  }
0x5e: {  	v19 =	vld [tilespmem:$0x3580];
	[tilespmem:$0x7300] =	vst v14  }
0x5f: {  	v20 =	vld [tilespmem:$0x3600];
	[tilespmem:$0x7380] =	vst v15  }
0x60: {  	v21 =	vld [tilespmem:$0x3680];
	[tilespmem:$0x7400] =	vst v16  }
0x61: {  	v22 =	vld [tilespmem:$0x3700];
	[tilespmem:$0x7480] =	vst v17  }
0x62: {  	v23 =	vld [tilespmem:$0x3780];
	[tilespmem:$0x7500] =	vst v18  }
0x63: {  	v24 =	vld [tilespmem:$0x3800];
	[tilespmem:$0x7580] =	vst v19  }
0x64: {  	v25 =	vld [tilespmem:$0x3880];
	[tilespmem:$0x7600] =	vst v20  }
0x65: {  	v26 =	vld [tilespmem:$0x3900];
	[tilespmem:$0x7680] =	vst v21  }
0x66: {  	v27 =	vld [tilespmem:$0x3980];
	[tilespmem:$0x7700] =	vst v22  }
0x67: {  	v28 =	vld [tilespmem:$0x3A00];
	[tilespmem:$0x7780] =	vst v23  }
0x68: {  	v29 =	vld [tilespmem:$0x3A80];
	[tilespmem:$0x7800] =	vst v24  }
0x69: {  	v30 =	vld [tilespmem:$0x3B00];
	[tilespmem:$0x7880] =	vst v25  }
0x6a: {  	v31 =	vld [tilespmem:$0x3B80];
	[tilespmem:$0x7900] =	vst v26  }
0x6b: {  	v32 =	vld [tilespmem:$0x3C00];
	[tilespmem:$0x7980] =	vst v27  }
0x6c: {  	v33 =	vld [tilespmem:$0x3C80];
	[tilespmem:$0x7A00] =	vst v28  }
0x6d: {  	v34 =	vld [tilespmem:$0x3D00];
	[tilespmem:$0x7A80] =	vst v29  }
0x6e: {  	v35 =	vld [tilespmem:$0x3D80];
	[tilespmem:$0x7B00] =	vst v30  }
0x6f: {  	v36 =	vld [tilespmem:$0x3E00];
	[tilespmem:$0x7B80] =	vst v31  }
0x70: {  	v37 =	vld [tilespmem:$0x3E80];
	[tilespmem:$0x7C00] =	vst v32  }
0x71: {  	v38 =	vld [tilespmem:$0x3F00];
	[tilespmem:$0x7C80] =	vst v33  }
0x72: {  	v39 =	vld [tilespmem:$0x3F80];
	[tilespmem:$0x7D00] =	vst v34  }
0x73: {  	v40 =	vld [tilespmem:$0x4000];
	[tilespmem:$0x7D80] =	vst v35  }
0x74: {  	v41 =	vld [tilespmem:$0x4080];
	[tilespmem:$0x7E00] =	vst v36  }
0x75: {  	v42 =	vld [tilespmem:$0x4100];
	[tilespmem:$0x7E80] =	vst v37  }
0x76: {  	v43 =	vld [tilespmem:$0x4180];
	[tilespmem:$0x7F00] =	vst v38  }
0x77: {  	v44 =	vld [tilespmem:$0x4200];
	[tilespmem:$0x7F80] =	vst v39  }
0x78: {  	v45 =	vld [tilespmem:$0x4280];
	[tilespmem:$0x8000] =	vst v40  }
0x79: {  	v46 =	vld [tilespmem:$0x4300];
	[tilespmem:$0x8080] =	vst v41  }
0x7a: {  	v47 =	vld [tilespmem:$0x4380];
	[tilespmem:$0x8100] =	vst v42  }
0x7b: {  	v48 =	vld [tilespmem:$0x4400];
	[tilespmem:$0x8180] =	vst v43  }
0x7c: {  	v49 =	vld [tilespmem:$0x4480];
	[tilespmem:$0x8200] =	vst v44  }
0x7d: {  	v50 =	vld [tilespmem:$0x4500];
	[tilespmem:$0x8280] =	vst v45  }
0x7e: {  	v51 =	vld [tilespmem:$0x4580];
	[tilespmem:$0x8300] =	vst v46  }
0x7f: {  	v52 =	vld [tilespmem:$0x4600];
	[tilespmem:$0x8380] =	vst v47  }
0x80: {  	[tilespmem:$0x8400] =	vst v48;
	v53 =	vld [tilespmem:$0x4680]  }
0x81: {  	[tilespmem:$0x8480] =	vst v49;
	v54 =	vld [tilespmem:$0x4700]  }
0x82: {  	[tilespmem:$0x8500] =	vst v50;
	v55 =	vld [tilespmem:$0x4780]  }
0x83: {  	[tilespmem:$0x8580] =	vst v51;
	v56 =	vld [tilespmem:$0x4800]  }
0x84: {  	[tilespmem:$0x8600] =	vst v52;
	v57 =	vld [tilespmem:$0x4880]  }
0x85: {  	v58 =	vld [tilespmem:$0x4900];
	[tilespmem:$0x8680] =	vst v53  }
0x86: {  	v59 =	vld [tilespmem:$0x4980];
	[tilespmem:$0x8700] =	vst v54  }
0x87: {  	v60 =	vld [tilespmem:$0x4A00];
	[tilespmem:$0x8780] =	vst v55  }
0x88: {  	v61 =	vld [tilespmem:$0x4A80];
	[tilespmem:$0x8800] =	vst v56  }
0x89: {  	v62 =	vld [tilespmem:$0x4B00];
	[tilespmem:$0x8880] =	vst v57  }
0x8a: {  	v63 =	vld [tilespmem:$0x4B80];
	[tilespmem:$0x8900] =	vst v58  }
0x8b: {  	v8 =	vld [tilespmem:$0x4C00];
	[tilespmem:$0x8980] =	vst v59  }
0x8c: {  	v9 =	vld [tilespmem:$0x4C80];
	[tilespmem:$0x8A00] =	vst v60  }
0x8d: {  	v10 =	vld [tilespmem:$0x4D00];
	[tilespmem:$0x8A80] =	vst v61  }
0x8e: {  	v11 =	vld [tilespmem:$0x4D80];
	[tilespmem:$0x8B00] =	vst v62  }
0x8f: {  	v12 =	vld [tilespmem:$0x4E00];
	[tilespmem:$0x8B80] =	vst v63  }
0x90: {  	v13 =	vld [tilespmem:$0x4E80];
	[tilespmem:$0x8C00] =	vst v8  }
0x91: {  	v14 =	vld [tilespmem:$0x4F00];
	[tilespmem:$0x8C80] =	vst v9  }
0x92: {  	v15 =	vld [tilespmem:$0x4F80];
	[tilespmem:$0x8D00] =	vst v10  }
0x93: {  	v16 =	vld [tilespmem:$0x5000];
	[tilespmem:$0x8D80] =	vst v11  }
0x94: {  	v17 =	vld [tilespmem:$0x5080];
	[tilespmem:$0x8E00] =	vst v12  }
0x95: {  	v18 =	vld [tilespmem:$0x5100];
	[tilespmem:$0x8E80] =	vst v13  }
0x96: {  	v19 =	vld [tilespmem:$0x5180];
	[tilespmem:$0x8F00] =	vst v14  }
0x97: {  	v20 =	vld [tilespmem:$0x5200];
	[tilespmem:$0x8F80] =	vst v15  }
0x98: {  	v21 =	vld [tilespmem:$0x5280];
	[tilespmem:$0x9000] =	vst v16  }
0x99: {  	v22 =	vld [tilespmem:$0x5300];
	[tilespmem:$0x9080] =	vst v17  }
0x9a: {  	v23 =	vld [tilespmem:$0x5380];
	[tilespmem:$0x9100] =	vst v18  }
0x9b: {  	v24 =	vld [tilespmem:$0x5400];
	[tilespmem:$0x9180] =	vst v19  }
0x9c: {  	v25 =	vld [tilespmem:$0x5480];
	[tilespmem:$0x9200] =	vst v20  }
0x9d: {  	v26 =	vld [tilespmem:$0x5500];
	[tilespmem:$0x9280] =	vst v21  }
0x9e: {  	v27 =	vld [tilespmem:$0x5580];
	[tilespmem:$0x9300] =	vst v22  }
0x9f: {  	v28 =	vld [tilespmem:$0x5600];
	[tilespmem:$0x9380] =	vst v23  }
0xa0: {  	v29 =	vld [tilespmem:$0x5680];
	[tilespmem:$0x9400] =	vst v24  }
0xa1: {  	v30 =	vld [tilespmem:$0x5700];
	[tilespmem:$0x9480] =	vst v25  }
0xa2: {  	v31 =	vld [tilespmem:$0x5780];
	[tilespmem:$0x9500] =	vst v26  }
0xa3: {  	v32 =	vld [tilespmem:$0x5800];
	[tilespmem:$0x9580] =	vst v27  }
0xa4: {  	v33 =	vld [tilespmem:$0x5880];
	[tilespmem:$0x9600] =	vst v28  }
0xa5: {  	v34 =	vld [tilespmem:$0x5900];
	[tilespmem:$0x9680] =	vst v29  }
0xa6: {  	v35 =	vld [tilespmem:$0x5980];
	[tilespmem:$0x9700] =	vst v30  }
0xa7: {  	v36 =	vld [tilespmem:$0x5A00];
	[tilespmem:$0x9780] =	vst v31  }
0xa8: {  	v37 =	vld [tilespmem:$0x5A80];
	[tilespmem:$0x9800] =	vst v32  }
0xa9: {  	v38 =	vld [tilespmem:$0x5B00];
	[tilespmem:$0x9880] =	vst v33  }
0xaa: {  	v39 =	vld [tilespmem:$0x5B80];
	[tilespmem:$0x9900] =	vst v34  }
0xab: {  	v40 =	vld [tilespmem:$0x5C00];
	[tilespmem:$0x9980] =	vst v35  }
0xac: {  	v41 =	vld [tilespmem:$0x5C80];
	[tilespmem:$0x9A00] =	vst v36  }
0xad: {  	v42 =	vld [tilespmem:$0x5D00];
	[tilespmem:$0x9A80] =	vst v37  }
0xae: {  	v43 =	vld [tilespmem:$0x5D80];
	[tilespmem:$0x9B00] =	vst v38  }
0xaf: {  	v44 =	vld [tilespmem:$0x5E00];
	[tilespmem:$0x9B80] =	vst v39  }
0xb0: {  	v45 =	vld [tilespmem:$0x5E80];
	[tilespmem:$0x9C00] =	vst v40  }
0xb1: {  	v46 =	vld [tilespmem:$0x5F00];
	[tilespmem:$0x9C80] =	vst v41  }
0xb2: {  	v47 =	vld [tilespmem:$0x5F80];
	[tilespmem:$0x9D00] =	vst v42  }
0xb3: {  	v48 =	vld [tilespmem:$0x6000];
	[tilespmem:$0x9D80] =	vst v43  }
0xb4: {  	v49 =	vld [tilespmem:$0x6080];
	[tilespmem:$0x9E00] =	vst v44  }
0xb5: {  	v50 =	vld [tilespmem:$0x6100];
	[tilespmem:$0x9E80] =	vst v45  }
0xb6: {  	v51 =	vld [tilespmem:$0x6180];
	[tilespmem:$0x9F00] =	vst v46  }
0xb7: {  	v52 =	vld [tilespmem:$0x6200];
	[tilespmem:$0x9F80] =	vst v47  }
0xb8: {  	[tilespmem:$0xA000] =	vst v48;
	v53 =	vld [tilespmem:$0x6280]  }
0xb9: {  	[tilespmem:$0xA080] =	vst v49;
	v54 =	vld [tilespmem:$0x6300]  }
0xba: {  	[tilespmem:$0xA100] =	vst v50;
	v55 =	vld [tilespmem:$0x6380]  }
0xbb: {  	[tilespmem:$0xA180] =	vst v51;
	v56 =	vld [tilespmem:$0x6400]  }
0xbc: {  	[tilespmem:$0xA200] =	vst v52;
	v57 =	vld [tilespmem:$0x6480]  }
0xbd: {  	v58 =	vld [tilespmem:$0x6500];
	[tilespmem:$0xA280] =	vst v53  }
0xbe: {  	v59 =	vld [tilespmem:$0x6580];
	[tilespmem:$0xA300] =	vst v54  }
0xbf: {  	v60 =	vld [tilespmem:$0x6600];
	[tilespmem:$0xA380] =	vst v55  }
0xc0: {  	v61 =	vld [tilespmem:$0x6680];
	[tilespmem:$0xA400] =	vst v56  }
0xc1: {  	v62 =	vld [tilespmem:$0x6700];
	[tilespmem:$0xA480] =	vst v57  }
0xc2: {  	v63 =	vld [tilespmem:$0x6780];
	[tilespmem:$0xA500] =	vst v58  }
0xc3: {  	[tilespmem:$0xA580] =	vst v59  }
0xc4: {  	[tilespmem:$0xA600] =	vst v60  }
0xc5: {  	[tilespmem:$0xA680] =	vst v61  }
0xc6: {  	[tilespmem:$0xA700] =	vst v62  }
.Ltmp5:
0xc7: {  	[tilespmem:$0xA780] =	vst v63;
	(pc) =	sbr.rel .LBB2_4-.Ltmp5, $4  }
0xc8: {  	[spmem:s2] =	stream.indirect.scatter.add.f32 [tilespmem:s18], [sflag:$0x1], $0x80, s24, s21, $0xb8;
	[tilespmem:$0x1E080] =	vst v63  }
0xc9: {  	_ =	swait.ge [sflag:s14], $0x4000  }
0xca: {  	[sflag:s14] =	ssyncset.done $0x0  }
0xcb: {  	[sflag:s14] =	ssyncadd.s32 $0xFFFFC000  }
.LBB2_6:
0xcc: {  	_ =	sfence.sel $0x180000  }
0xcd: {  	[bflag:$0x0] =	sbarrier.arrive $0xFFFF  }
0xce: {  	p0 =	sne.s32 s0, $0x0;
	_ =	strace $0x9000004D  }
0xcf: {  	s0 =	sadd.s32 @!p0 $0x100000, s1;
	[bflag:$0x2] =	sbarrier.arrive $0xFFFF  }
0xd0: {  	[sflag:s0] =	ssyncadd.tile.s32 @!p0 $0x1;
	_ =	shalt  }
.Lfunc_end2:
_tile_overlayer_lowered:
.L_overlay_start_2:
0xd1: {  	(tag) =	ssettag $0x2  }
0xd2: {  	s0 =	rddreg [dreg:$0x0];
	s2 =	stileid.u32  }
0xd3: {  	s1 =	rddreg [dreg:$0x1];
	p0 =	sne.s32 s2, $0x0  }
0xd4: {  	s3 =	rddreg [dreg:$0x2];
	[bflag:$0x3] =	sbarrier.arrive $0xFFFF;
	s2 =	simm.s32 @!p0 $0x1C01  }
0xd5: {  	[timem:s3], [sflag:s2] =	dma.local @!p0 [hbm:s0], s1  }
0xd6: {  	s0 =	simm.s32 @!p0 $0x1  }
0xd7: {  	_ =	swait.ge @!p0 [sflag:s0], s1  }
0xd8: {  	s1 =	ssub.s32 @!p0 $0x0, s1;
	[sflag:s0] =	ssyncset.done @!p0 $0x0  }
0xd9: {  	[sflag:s0] =	ssyncadd.s32 @!p0 s1  }
0xda: {  	[bflag:$0x3] =	sbarrier.arrive $0xFFFF  }
0xdb: {  	_ =	shalt  }

// kernel: kernel.15.cloned.1.call-start
scs
__scs_entry_jumppad:
0x0: {  	(pc) =	sbr.rel $0x88, $3  }
0x1: {  	(tag) =	ssettag $0x0;
	lr =	simm.s32 $0x1  }
0x2: {  	[smem:$0x3F92] =	sst lr;
	_ =	strace $0xD0000000  }
0x3: {  	_ = 	snop  }
0x4: {  	_ = 	snop  }
0x5: {  	_ = 	snop  }
0x6: {  	_ = 	snop  }
0x7: {  	_ = 	snop  }
__scs_overlays_trampoline_lowered:
0x8: {  	[smem:$0x3FA1] =	sst s0  }
0x9: {  	[smem:$0x3FA2] =	sst s1  }
0xa: {  	[smem:$0x3FA3] =	sst s2  }
0xb: {  	[smem:$0x3FA4] =	sst s3  }
0xc: {  	[smem:$0x3FA5] =	sst s4  }
0xd: {  	[smem:$0x3FA6] =	sst s5  }
0xe: {  	[smem:$0x3FA7] =	sst s6  }
0xf: {  	[smem:$0x3FA8] =	sst s7  }
0x10: {  	[smem:$0x3FA9] =	sst s8  }
0x11: {  	[smem:$0x3FAA] =	sst s9;
	s0 =	simm.s32 @!p0 $0x0  }
0x12: {  	s1 =	sld [smem:$0x3F90];
	s0 =	simm.s32 @p0 $0x1  }
0x13: {  	[smem:$0x3FAB] =	sst s0;
	s0 =	simm.s32 @!p1 $0x0  }
0x14: {  	s2 =	sld [smem:$0x3F8F];
	s0 =	simm.s32 @p1 $0x1  }
0x15: {  	[smem:$0x3FAC] =	sst s0;
	s0 =	simm.s32 @!p2 $0x0  }
0x16: {  	s3 =	sld [smem:$0x3FDB];
	s0 =	simm.s32 @p2 $0x1  }
0x17: {  	s4 =	simm.s32 $0x1BF5;
	[smem:$0x3FAE] =	sst s0  }
0x18: {  	s0 =	sld [smem:$0x3F91];
	_ =	swait.ge [sflag:s4], $0x0  }
0x19: {  	s7 =	sld [smem:$0x3F92]  }
0x1a: {  	s8 =	sadd.s32 $0xFFFFE003, lr  }
0x1b: {  	s9 =	sadd.s32 $0xFFFFFEF7, lr;
	s5 =	simm.s32 $0xFFFFFFFF;
	p2 =	slt.u32 s8, $0xFFFFF086  }
0x1c: {  	p1 =	slt.u32 s9, $0xF7A;
	s5 =	simm.s32 @!p2 $0x0  }
0x1d: {  	s5 =	simm.s32 @p1 $0x1;
	p0 =	seq.s32 s7, s2  }
0x1e: {  	s7 =	smul.u32 @!p0 $0xF7A, s2;
	p2 =	seq.s32 @!p0 s5, $0x0  }
0x1f: {  	s9 =	smul.u32 $0xF7A, s1;
	s8 =	simm.s32 @!p0 $0x1BF5;
	p2 =	por !p2, p0  }
0x20: {  	[sflag:s8] =	ssyncset.s32 @!p0 $0xFFFFF086;
	s6 =	sadd.s32 @!p0 s3, s7;
	s7 =	simm.s32 @!p0 $0x108  }
0x21: {  	s3 =	sadd.s32 s3, s9;
	s6 =	sadd.s32 @!p0 $0x88, s6;
	s7 =	simm.s32 @p2 $0x1082  }
0x22: {  	[simem:s7], [sflag:s8] =	dma.local @!p0 [hbm:s6], $0xF7A  }
0x23: {  	s9 =	sor.u32 $0xD0000000, s2;
	s6 =	simm.s32 $0x108;
	_ =	swait.ge @!p0 [sflag:s8], $0x0  }
0x24: {  	s3 =	sadd.s32 $0x88, s3;
	s6 =	simm.s32 @!p1 $0x1082;
	[sflag:s4] =	ssyncset.s32 $0xFFFFF086  }
0x25: {  	[simem:s6], [sflag:s4] =	dma.local [hbm:s3], $0xF7A  }
0x26: {  	[smem:$0x3F92] =	sst s1;
	(tag) =	ssettag s2;
	_ =	strace s9  }
0x27: {  	s1 =	sld [smem:$0x3FA2]  }
0x28: {  	s2 =	sld [smem:$0x3FA3]  }
0x29: {  	s4 =	sld [smem:$0x3FA5]  }
0x2a: {  	p0 =	seq.s32 s5, $0x0;
	s5 =	sld [smem:$0x3FA6]  }
0x2b: {  	s6 =	sld [smem:$0x3FA7]  }
0x2c: {  	s7 =	sld [smem:$0x3FA8]  }
0x2d: {  	s3 =	simm.s32 $0x108;
	s8 =	sld [smem:$0x3FA9]  }
0x2e: {  	s3 =	simm.s32 @!p0 $0x1082;
	s9 =	sld [smem:$0x3FAA]  }
0x2f: {  	lr =	sadd.s32 s0, s3;
	s0 =	sld [smem:$0x3FA1]  }
0x30: {  	s3 =	sld [smem:$0x3FA4]  }
0x31: {  	[smem:$0x3FAD] =	sst s10  }
0x32: {  	s10 =	sld [smem:$0x3FAB];
	_ =	sdelay $0x3  }
0x33: {  	p0 =	seq.s32 s10, $0x1;
	s10 =	sld [smem:$0x3FAD];
	_ =	sdelay $0x3  }
0x34: {  	[smem:$0x3FAD] =	sst s10  }
0x35: {  	s10 =	sld [smem:$0x3FAC];
	_ =	sdelay $0x3  }
0x36: {  	p1 =	seq.s32 s10, $0x1;
	s10 =	sld [smem:$0x3FAD];
	_ =	sdelay $0x3  }
0x37: {  	[smem:$0x3FAD] =	sst s10  }
0x38: {  	s10 =	sld [smem:$0x3FAE]  }
0x39: {  	_ = 	snop;
	(pc) =	sbr.ind lr, $3  }
0x3a: {  	_ = 	snop  }
0x3b: {  	_ = 	snop  }
0x3c: {  	p2 =	seq.s32 s10, $0x1;
	s10 =	sld [smem:$0x3FAD]  }
0x3d: {  	_ =	shalt  }
0x3e: {  	_ =	shalt  }
0x3f: {  	_ =	shalt  }
0x40: {  	_ =	shalt  }
0x41: {  	_ =	shalt  }
0x42: {  	_ =	shalt  }
0x43: {  	_ =	shalt  }
0x44: {  	_ =	shalt  }
0x45: {  	_ =	shalt  }
0x46: {  	_ =	shalt  }
0x47: {  	_ =	shalt  }
0x48: {  	_ =	shalt  }
0x49: {  	_ =	shalt  }
0x4a: {  	_ =	shalt  }
0x4b: {  	_ =	shalt  }
0x4c: {  	_ =	shalt  }
0x4d: {  	_ =	shalt  }
0x4e: {  	_ =	shalt  }
0x4f: {  	_ =	shalt  }
0x50: {  	_ =	shalt  }
0x51: {  	_ =	shalt  }
0x52: {  	_ =	shalt  }
0x53: {  	_ =	shalt  }
0x54: {  	_ =	shalt  }
0x55: {  	_ =	shalt  }
0x56: {  	_ =	shalt  }
0x57: {  	_ =	shalt  }
0x58: {  	_ =	shalt  }
0x59: {  	_ =	shalt  }
0x5a: {  	_ =	shalt  }
0x5b: {  	_ =	shalt  }
0x5c: {  	_ =	shalt  }
0x5d: {  	_ =	shalt  }
0x5e: {  	_ =	shalt  }
0x5f: {  	_ =	shalt  }
0x60: {  	_ =	shalt  }
0x61: {  	_ =	shalt  }
0x62: {  	_ =	shalt  }
0x63: {  	_ =	shalt  }
0x64: {  	_ =	shalt  }
0x65: {  	_ =	shalt  }
0x66: {  	_ =	shalt  }
0x67: {  	_ =	shalt  }
0x68: {  	_ =	shalt  }
0x69: {  	_ =	shalt  }
0x6a: {  	_ =	shalt  }
0x6b: {  	_ =	shalt  }
0x6c: {  	_ =	shalt  }
0x6d: {  	_ =	shalt  }
0x6e: {  	_ =	shalt  }
0x6f: {  	_ =	shalt  }
0x70: {  	_ =	shalt  }
0x71: {  	_ =	shalt  }
0x72: {  	_ =	shalt  }
0x73: {  	_ =	shalt  }
0x74: {  	_ =	shalt  }
0x75: {  	_ =	shalt  }
0x76: {  	_ =	shalt  }
0x77: {  	_ =	shalt  }
0x78: {  	_ =	shalt  }
0x79: {  	_ =	shalt  }
0x7a: {  	_ =	shalt  }
0x7b: {  	_ =	shalt  }
0x7c: {  	_ =	shalt  }
0x7d: {  	_ =	shalt  }
0x7e: {  	_ =	shalt  }
0x7f: {  	_ =	shalt  }
0x80: {  	_ =	shalt  }
0x81: {  	_ =	shalt  }
0x82: {  	_ =	shalt  }
0x83: {  	_ =	shalt  }
0x84: {  	_ =	shalt  }
0x85: {  	_ =	shalt  }
0x86: {  	_ =	shalt  }
0x87: {  	_ =	shalt  }
.Lfunc_end0:
.L_simem_size_0:
called_computation.3_lowered:
.L_overlay_start_0:
0x88: {  	s2 =	sld [smem:$0x3FD9]  }
0x89: {  	s3 =	sld [smem:$0x3FFE];
	_ =	sdelay $0x1  }
0x8a: {  	s1 =	srdreg.scid  }
0x8b: {  	s0 =	sand.u32 $0x1, s1  }
0x8c: {  	s16 =	sshll.u32 s0, $0xA;
	s2 =	sadd.s32 s3, s2  }
0x8d: {  	s2 =	sadd.s32 s2, s16  }
0x8e: {  	[smem:$0x3FB9] =	sst s2  }
0x8f: {  	_ = 	snop  }
0x90: {  	(tm) =	ssettm $0x1  }
0x91: {  	s17 =	sld [smem:$0x3FFB];
	_ =	sdelay $0x3  }
0x92: {  	_ =	strace s17  }
0x93: {  	s2 =	sld [smem:$0x3FFC];
	_ =	sdelay $0x3  }
0x94: {  	_ =	strace s2  }
0x95: {  	s2 =	sld [smem:$0x3FFD];
	_ =	sdelay $0x3  }
0x96: {  	_ =	strace s2  }
0x97: {  	_ =	strace $0x8FFFFFFF  }
0x98: {  	s18 =	sld [smem:$0x3FDB];
	_ =	sdelay $0x1  }
0x99: {  	s19 =	simm.s32 $_scs_section_size  }
0x9a: {  	s4 =	simm.s32 $_size__tile_overlayer_lowered;
	s5 =	simm.s32 $_tile_overlayer_lowered  }
0x9b: {  	s22 =	simm.s32 $0x1BFF;
	s21 =	sshll.u32 s5, $0x1;
	s2 =	sadd.s32 s19, s18  }
0x9c: {  	s6 =	simm.s32 $0x0;
	s20 =	sshll.u32 s4, $0x1;
	s4 =	sadd.s32 s21, s2  }
0x9d: {  	[timem:s6], [sflag:s22] =	dma.local [hbm:s4], s20  }
0x9e: {  	_ =	swait.ge [sflag:s22], s20  }
0x9f: {  	s3 =	ssub.s32 $0x0, s20;
	[sflag:s22] =	ssyncset.done $0x0  }
0xa0: {  	[sflag:s22] =	ssyncadd.s32 s3;
	_ =	sdelay $0x1  }
0xa1: {  	s23 =	simm.s32 $0x1B8B  }
0xa2: {  	_ =	swait.ge [sflag:s23], $0x1  }
0xa3: {  	[sflag:s23] =	ssyncset.done $0x0  }
0xa4: {  	s25 =	simm.s32 $0x1B8E;
	s24 =	sld [smem:$0x3FFE];
	[sflag:s23] =	ssyncadd.s32 $0xFFFFFFFF  }
0xa5: {  	s26 =	simm.s32 $execute0_lowered;
	[smem:$0x3FD2] =	sst s25  }
0xa6: {  	s4 =	sshll.u32 s26, $0x1;
	_ =	strace $0x8000004F;
	[dreg:$0x1] =	wrdreg $0xFFFFFFFF  }
0xa7: {  	s28 =	simm.s32 $_size_execute0_lowered;
	s2 =	sadd.s32 s2, s4;
	[dreg:$0x0] =	wrdreg $0x0  }
0xa8: {  	s4 =	sshll.u32 s28, $0x1;
	[dreg:$0x2] =	wrdreg s2  }
0xa9: {  	[dreg:$0x3] =	wrdreg s4  }
0xaa: {  	[dreg:$0x4] =	wrdreg $0xC0  }
0xab: {  	_ =	task [dreg:s6], $0x5FFFF  }
0xac: {  	[dreg:$0x1] =	wrdreg $0xFFFFFFFF  }
0xad: {  	[dreg:$0x0] =	wrdreg $0x60  }
0xae: {  	[dreg:$0x2] =	wrdreg s24  }
0xaf: {  	[dreg:$0x3] =	wrdreg $0x82000  }
0xb0: {  	[dreg:$0x4] =	wrdreg $0x9  }
0xb1: {  	_ =	task.clear_ibuf [dreg:s6], $0x5FFFF;
	_ =	strace $0x9000004F  }
0xb2: {  	s29 =	simm.s32 $0x9;
	_ =	strace $0x80000051  }
0xb3: {  	_ =	swait.ge [sflag:s29], $0x1  }
0xb4: {  	[sflag:s29] =	ssyncadd.s32 $0xFFFFFFFF  }
0xb5: {  	_ =	strace $0x90000051  }
0xb6: {  	_ =	sfence  }
0xb7: {  	s30 =	sld [smem:$0x0];
	_ =	sdelay $0x2  }
0xb8: {  	s31 =	sshll.u32 s1, $0xD;
	s1 =	sshrl.u32 s1, $0x2  }
0xb9: {  	s3 =	sand.u32 $0x4000, s31;
	s1 =	sadd.s32 s1, s30  }
0xba: {  	s0 =	sor.u32 s3, s0;
	s1 =	sshll.u32 s1, $0x11  }
0xbb: {  	s0 =	sor.u32 s1, s0  }
0xbc: {  	s0 =	sadd.s32 $0x8F2B, s0  }
0xbd: {  	[sflag:s0] =	ssyncadd.remote.s32 $0x1  }
0xbe: {  	_ =	sfence.sel $0xFFFF  }
0xbf: {  	[dreg:$0x0] =	wrdreg $0xFFFFFFFF;
	(pc) =	sbr.abs _section_cstart, $3  }
0xc0: {  	[dreg:$0x1] =	wrdreg $0xFFFFFFFF  }
0xc1: {  	_ =	task.clear_ibuf [dreg:s6], $0x2FFFF;
	_ =	strace $0x9FFFFFFF  }
0xc2: {  	(tm) =	ssettm $0x7FFFFFFF  }
0xc3: {  	_ =	shalt  }
tec
execute0_lowered:
.L_overlay_start_1:
0x0: {  	(tag) =	ssettag $0x1  }
0x1: {  	s6 =	rddreg [dreg:$0x0]  }
0x2: {  	s2 =	rddreg [dreg:$0x1]  }
0x3: {  	s3 =	srdreg.scid;
	s0 =	rddreg [dreg:$0x2]  }
0x4: {  	s1 =	stileid.u32;
	s12 =	sand.u32 $0x1, s3;
	s3 =	simm.s32 $0x0  }
0x5: {  	s4 =	sshll.u32 s1, $0x5;
	s11 =	smul.u32 $0x4E000, s1;
	s13 =	sadd.s32 $0x5ABE00, s6  }
0x6: {  	s24 =	smul.u32 $0x2700, s1;
	s14 =	sshll.u32 s1, $0x1;
	s28 =	sshll.u32 s1, $0x6  }
0x7: {  	s19 =	sadd.s32 $0x138000, s2;
	p0 =	sne.s32 s1, $0xF;
	s5 =	sshll.u32 s12, $0x4  }
0x8: {  	[smem:$0x7FF] =	sst s3;
	s7 =	ssub.s32 $0x2, s12;
	s26 =	smul.u32 $0x27100, s12  }
0x9: {  	s16 =	smul.u32 $0x138800, s12;
	s12 =	sor.u32 s12, s14;
	s14 =	simm.s32 $0x2  }
0xa: {  	s8 =	sor.u32 s5, s4;
	_ =	strace $0x80000050;
	s4 =	sadd.s32 $0x584C00, s6  }
0xb: {  	s9 =	sshrl.u32 s7, $0x1;
	s25 =	sshrl.u32 s11, $0x2;
	s5 =	sand.u32 $0x180, s8  }
0xc: {  	s9 =	ssub.s32 s7, s9;
	s15 =	sadd.s32 s25, s2;
	s7 =	sadd.s32 s24, s26  }
0xd: {  	s29 =	sshrl.u32 s16, $0x3;
	s30 =	sand.u32 $0x70, s8;
	s10 =	sadd.s32 s5, s6  }
0xe: {  	s5 =	sadd.s32 $0x2CA00, s6;
	s6 =	sor.u32 $0x1C02, s28;
	s17 =	sadd.s32 $0x6800, s15  }
0xf: {  	s18 =	sadd.s32 $0xD000, s15;
	s7 =	sadd.s32 s13, s7;
	s11 =	sadd.s32 s13, s29  }
0x10: {  	s9 =	smax.u32 s9, $0x1;
	s13 =	sshrl.u32 s15, $0x3;
	s8 =	sadd.s32 $0x27000, s11  }
0x11: {  	s31 =	sadd.s32 s30, s10;
	s15 =	sshrl.u32 s17, $0x3;
	s16 =	sshrl.u32 s18, $0x3  }
0x12: {  	s17 =	sshrl.u32 @!p0 s19, $0x3;
	s10 =	sadd.s32 $0xEA00, s31;
	s11 =	sadd.s32 $0x4A00, s31  }
.LBB2_1:
0x13: {  	[spmem:s13], [sflag:s6] =	dma.local [hbm:s5], $0xD00  }
0x14: {  	_ =	swait.ge [sflag:s14], $0xD00  }
0x15: {  	[sflag:s14] =	ssyncset.done $0x0  }
0x16: {  	[sflag:s14] =	ssyncadd.s32 $0xFFFFF300  }
0x17: {  	[spmem:s15], [sflag:s6] =	dma.local [hbm:s5], $0xD00  }
0x18: {  	_ =	swait.ge [sflag:s14], $0xD00  }
0x19: {  	[sflag:s14] =	ssyncset.done $0x0  }
0x1a: {  	[sflag:s14] =	ssyncadd.s32 $0xFFFFF300  }
0x1b: {  	[spmem:s16], [sflag:s6] =	dma.local [hbm:s5], $0xD00  }
0x1c: {  	_ =	swait.ge [sflag:s14], $0xD00  }
0x1d: {  	[sflag:s14] =	ssyncset.done $0x0  }
0x1e: {  	s18 =	simm.s32 @!p0 $0x2;
	[sflag:s14] =	ssyncadd.s32 $0xFFFFF300  }
0x1f: {  	[spmem:s17], [sflag:s6] =	dma.local @!p0 [hbm:s5], $0x100  }
0x20: {  	_ =	swait.ge @!p0 [sflag:s18], $0x100  }
0x21: {  	p1 =	sgt.u32 s12, $0x9C3;
	[sflag:s18] =	ssyncset.done @!p0 $0x0  }
0x22: {  	s19 =	simm.s32 @!p1 $0x0;
	[sflag:s18] =	ssyncadd.s32 @!p0 $0xFFFFFF00  }
0x23: {  	s20 =	simm.s32 @!p1 $0x3;
	s18 =	sadd.s32 @!p1 $0x0, s10;
	[bflag:$0x0] =	sbarrier.arrive $0xFFFF  }
0x24: {  	[tilespmem:s19], [sflag:$0x3] =	stream.linear.gather @!p1 [hbm4b:s18+s19], $0x80, $0x38;
	[tilespmem:$0x1BA80] =	vst v63  }
0x25: {  	_ =	swait.ge @!p1 [sflag:s20], $0x80;
	p1 =	por p1, p1  }
0x26: {  	[sflag:s20] =	ssyncset.done @!p1 $0x0  }
0x27: {  	s18 =	sadd.s32 @!p1 $0x0, s11;
	s21 =	simm.s32 @!p1 $0x80;
	[sflag:s20] =	ssyncadd.s32 @!p1 $0xFFFFFF80  }
0x28: {  	[tilespmem:s21], [sflag:$0x3] =	stream.linear.gather @!p1 [hbm4b:s18+s19], $0x80, $0x38;
	[tilespmem:$0x1BA80] =	vst v63  }
0x29: {  	_ =	swait.ge @!p1 [sflag:s20], $0x80  }
0x2a: {  	[sflag:s20] =	ssyncset.done @!p1 $0x0  }
0x2b: {  	s18 =	simm.s32 @!p1 $0x200;
	[sflag:s20] =	ssyncadd.s32 @!p1 $0xFFFFFF80;
	s20 =	simm.s32 @!p1 $0x1  }
0x2c: {  	[tilespmem:s18], [sflag:$0x1] =	stream.indirect.gather @!p1 [hbm4b:s4+s21], $0x80, s19, s21, $0xb8;
	[tilespmem:$0x1BA80] =	vst v63  }
0x2d: {  	_ =	swait.ge @!p1 [sflag:s20], $0x4000  }
0x2e: {  	[sflag:s20] =	ssyncset.done @!p1 $0x0  }
0x2f: {  	s19 =	sadd.s32 $0x20, s12;
	[sflag:s20] =	ssyncadd.s32 @!p1 $0xFFFFC000  }
0x30: {  	[spmem:s2] =	stream.indirect.scatter.add.f32 @!p1 [tilespmem:s18], [sflag:$0x2], $0x80, s21, s21, $0xb8;
	[tilespmem:$0x1BA80] =	vst v63  }
0x31: {  	p3 =	sgt.u32 s19, $0x9C3;
	s21 =	simm.s32 @!p1 $0x2  }
0x32: {  	s20 =	simm.s32 $0x400;
	s18 =	simm.s32 $0x200;
	_ =	swait.ge @!p1 [sflag:s21], $0x4000  }
.LBB2_2:
0x33: {  	s22 =	sadd.s32 @!p3 s18, s10  }
0x34: {  	s23 =	simm.s32 @!p3 $0x0;
	[sflag:s21] =	ssyncset.done @!p1 $0x0;
	s24 =	smov.u32 s20  }
0x35: {  	s20 =	sadd.s32 $0x200, s20;
	s25 =	simm.s32 @!p3 $0x3;
	[sflag:s21] =	ssyncadd.s32 @!p1 $0xFFFFC000  }
0x36: {  	[tilespmem:s23], [sflag:$0x3] =	stream.linear.gather @!p3 [hbm4b:s22+s23], $0x80, $0x38;
	[tilespmem:$0x1BA80] =	vst v63  }
0x37: {  	p2 =	sne.s32 s20, $0xA000;
	p1 =	por p3, p3;
	_ =	swait.ge @!p3 [sflag:s25], $0x80  }
0x38: {  	[sflag:s25] =	ssyncset.done @!p1 $0x0  }
0x39: {  	s18 =	sadd.s32 @!p1 s18, s11;
	s22 =	simm.s32 @!p1 $0x80;
	[sflag:s25] =	ssyncadd.s32 @!p1 $0xFFFFFF80  }
0x3a: {  	[tilespmem:s22], [sflag:$0x3] =	stream.linear.gather @!p1 [hbm4b:s18+s23], $0x80, $0x38;
	[tilespmem:$0x1BA80] =	vst v63  }
0x3b: {  	s18 =	smov.u32 s24;
	_ =	swait.ge @!p1 [sflag:s25], $0x80  }
0x3c: {  	[sflag:s25] =	ssyncset.done @!p1 $0x0  }
0x3d: {  	s21 =	simm.s32 @!p1 $0x1;
	s24 =	simm.s32 @!p1 $0x200;
	[sflag:s25] =	ssyncadd.s32 @!p1 $0xFFFFFF80  }
0x3e: {  	[tilespmem:s24], [sflag:$0x1] =	stream.indirect.gather @!p1 [hbm4b:s4+s22], $0x80, s23, s22, $0xb8;
	[tilespmem:$0x1BA80] =	vst v63  }
.Ltmp0:
0x3f: {  	_ =	swait.ge @!p1 [sflag:s21], $0x4000;
	(pc) =	sbr.rel @p2 .LBB2_2-.Ltmp0, $4  }
0x40: {  	[sflag:s21] =	ssyncset.done @!p1 $0x0  }
0x41: {  	s19 =	sadd.s32 $0x20, s19;
	[sflag:s21] =	ssyncadd.s32 @!p1 $0xFFFFC000;
	s21 =	simm.s32 @!p1 $0x2  }
0x42: {  	[spmem:s2] =	stream.indirect.scatter.add.f32 @!p1 [tilespmem:s24], [sflag:$0x2], $0x80, s22, s22, $0xb8;
	[tilespmem:$0x1BA80] =	vst v63  }
0x43: {  	p3 =	sgt.u32 s19, $0x9C3;
	_ =	swait.ge @!p1 [sflag:s21], $0x4000  }
0x44: {  	s19 =	sadd.s32 @!p3 s18, s10;
	[sflag:s21] =	ssyncset.done @!p1 $0x0  }
0x45: {  	s20 =	simm.s32 @!p3 $0x0;
	s22 =	simm.s32 @!p3 $0x3;
	[sflag:s21] =	ssyncadd.s32 @!p1 $0xFFFFC000  }
0x46: {  	[tilespmem:s20], [sflag:$0x3] =	stream.linear.gather @!p3 [hbm4b:s19+s20], $0x80, $0x38;
	[tilespmem:$0x1BA80] =	vst v63  }
0x47: {  	p1 =	por p3, p3;
	_ =	swait.ge @!p3 [sflag:s22], $0x80  }
0x48: {  	[sflag:s22] =	ssyncset.done @!p1 $0x0  }
0x49: {  	s18 =	sadd.s32 @!p1 s18, s11;
	s19 =	simm.s32 @!p1 $0x80;
	[sflag:s22] =	ssyncadd.s32 @!p1 $0xFFFFFF80  }
0x4a: {  	[tilespmem:s19], [sflag:$0x3] =	stream.linear.gather @!p1 [hbm4b:s18+s20], $0x80, $0x38;
	[tilespmem:$0x1BA80] =	vst v63  }
0x4b: {  	_ =	swait.ge @!p1 [sflag:s22], $0x80  }
0x4c: {  	[sflag:s22] =	ssyncset.done @!p1 $0x0  }
0x4d: {  	s21 =	simm.s32 @!p1 $0x1;
	s18 =	simm.s32 @!p1 $0x200;
	[sflag:s22] =	ssyncadd.s32 @!p1 $0xFFFFFF80  }
0x4e: {  	[tilespmem:s18], [sflag:$0x1] =	stream.indirect.gather @!p1 [hbm4b:s4+s19], $0x80, s20, s19, $0xb8;
	[tilespmem:$0x1BA80] =	vst v63  }
0x4f: {  	_ =	swait.ge @!p1 [sflag:s21], $0x4000  }
0x50: {  	[sflag:s21] =	ssyncset.done @!p1 $0x0  }
0x51: {  	s20 =	simm.s32 @!p1 $0x2;
	[sflag:s21] =	ssyncadd.s32 @!p1 $0xFFFFC000  }
0x52: {  	[spmem:s2] =	stream.indirect.scatter.add.f32 @!p1 [tilespmem:s18], [sflag:$0x2], $0x80, s19, s19, $0xb8;
	[tilespmem:$0x1BA80] =	vst v63  }
0x53: {  	_ =	swait.ge @!p1 [sflag:s20], $0x4000  }
0x54: {  	[sflag:s20] =	ssyncset.done @!p1 $0x0  }
0x55: {  	[sflag:s20] =	ssyncadd.s32 @!p1 $0xFFFFC000  }
0x56: {  	[bflag:$0x0] =	sbarrier.arrive $0xFFFF  }
0x57: {  	[hbm:s7], [sflag:s6] =	dma.local [spmem:s13], $0x2700  }
0x58: {  	s3 =	sadd.s32 $0x1, s3;
	_ =	swait.ge [sflag:s14], $0x2700  }
0x59: {  	p1 =	sne.s32 s3, s9;
	[sflag:s14] =	ssyncset.done $0x0  }
.Ltmp1:
0x5a: {  	s18 =	simm.s32 @!p0 $0x2;
	[sflag:s14] =	ssyncadd.s32 $0xFFFFD900;
	(pc) =	sbr.rel @p1 .LBB2_1-.Ltmp1, $4  }
0x5b: {  	[hbm:s8], [sflag:s6] =	dma.local @!p0 [spmem:s17], $0x100  }
0x5c: {  	_ =	swait.ge @!p0 [sflag:s18], $0x100  }
0x5d: {  	[sflag:s18] =	ssyncset.done @!p0 $0x0  }
0x5e: {  	[sflag:s18] =	ssyncadd.s32 @!p0 $0xFFFFFF00  }
0x5f: {  	_ =	sfence.sel $0x180000  }
0x60: {  	[bflag:$0x0] =	sbarrier.arrive $0xFFFF  }
0x61: {  	p0 =	sne.s32 s1, $0x0;
	_ =	strace $0x90000050  }
0x62: {  	s0 =	sadd.s32 @!p0 $0x100000, s0;
	[bflag:$0x2] =	sbarrier.arrive $0xFFFF  }
0x63: {  	[sflag:s0] =	ssyncadd.tile.s32 @!p0 $0x1;
	_ =	shalt  }
.Lfunc_end2:
_tile_overlayer_lowered:
.L_overlay_start_2:
0x64: {  	(tag) =	ssettag $0x2  }
0x65: {  	s0 =	rddreg [dreg:$0x0];
	s2 =	stileid.u32  }
0x66: {  	s1 =	rddreg [dreg:$0x1];
	p0 =	sne.s32 s2, $0x0  }
0x67: {  	s3 =	rddreg [dreg:$0x2];
	[bflag:$0x3] =	sbarrier.arrive $0xFFFF;
	s2 =	simm.s32 @!p0 $0x1C02  }
0x68: {  	[timem:s3], [sflag:s2] =	dma.local @!p0 [hbm:s0], s1  }
0x69: {  	s0 =	simm.s32 @!p0 $0x2  }
0x6a: {  	_ =	swait.ge @!p0 [sflag:s0], s1  }
0x6b: {  	s1 =	ssub.s32 @!p0 $0x0, s1;
	[sflag:s0] =	ssyncset.done @!p0 $0x0  }
0x6c: {  	[sflag:s0] =	ssyncadd.s32 @!p0 s1  }
0x6d: {  	[bflag:$0x3] =	sbarrier.arrive $0xFFFF  }
0x6e: {  	_ =	shalt  }

// kernel: kernel.18.cloned.1.call-start
scs
__scs_entry_jumppad:
0x0: {  	(pc) =	sbr.rel $0x88, $3  }
0x1: {  	(tag) =	ssettag $0x0;
	lr =	simm.s32 $0x1  }
0x2: {  	[smem:$0x3F92] =	sst lr;
	_ =	strace $0xD0000000  }
0x3: {  	_ = 	snop  }
0x4: {  	_ = 	snop  }
0x5: {  	_ = 	snop  }
0x6: {  	_ = 	snop  }
0x7: {  	_ = 	snop  }
__scs_overlays_trampoline_lowered:
0x8: {  	[smem:$0x3FA1] =	sst s0  }
0x9: {  	[smem:$0x3FA2] =	sst s1  }
0xa: {  	[smem:$0x3FA3] =	sst s2  }
0xb: {  	[smem:$0x3FA4] =	sst s3  }
0xc: {  	[smem:$0x3FA5] =	sst s4  }
0xd: {  	[smem:$0x3FA6] =	sst s5  }
0xe: {  	[smem:$0x3FA7] =	sst s6  }
0xf: {  	[smem:$0x3FA8] =	sst s7  }
0x10: {  	[smem:$0x3FA9] =	sst s8  }
0x11: {  	[smem:$0x3FAA] =	sst s9;
	s0 =	simm.s32 @!p0 $0x0  }
0x12: {  	s1 =	sld [smem:$0x3F90];
	s0 =	simm.s32 @p0 $0x1  }
0x13: {  	[smem:$0x3FAB] =	sst s0;
	s0 =	simm.s32 @!p1 $0x0  }
0x14: {  	s2 =	sld [smem:$0x3F8F];
	s0 =	simm.s32 @p1 $0x1  }
0x15: {  	[smem:$0x3FAC] =	sst s0;
	s0 =	simm.s32 @!p2 $0x0  }
0x16: {  	s3 =	sld [smem:$0x3FDB];
	s0 =	simm.s32 @p2 $0x1  }
0x17: {  	s4 =	simm.s32 $0x1BF5;
	[smem:$0x3FAE] =	sst s0  }
0x18: {  	s0 =	sld [smem:$0x3F91];
	_ =	swait.ge [sflag:s4], $0x0  }
0x19: {  	s7 =	sld [smem:$0x3F92]  }
0x1a: {  	s8 =	sadd.s32 $0xFFFFE003, lr  }
0x1b: {  	s9 =	sadd.s32 $0xFFFFFEF7, lr;
	s5 =	simm.s32 $0xFFFFFFFF;
	p2 =	slt.u32 s8, $0xFFFFF086  }
0x1c: {  	p1 =	slt.u32 s9, $0xF7A;
	s5 =	simm.s32 @!p2 $0x0  }
0x1d: {  	s5 =	simm.s32 @p1 $0x1;
	p0 =	seq.s32 s7, s2  }
0x1e: {  	s7 =	smul.u32 @!p0 $0xF7A, s2;
	p2 =	seq.s32 @!p0 s5, $0x0  }
0x1f: {  	s9 =	smul.u32 $0xF7A, s1;
	s8 =	simm.s32 @!p0 $0x1BF5;
	p2 =	por !p2, p0  }
0x20: {  	[sflag:s8] =	ssyncset.s32 @!p0 $0xFFFFF086;
	s6 =	sadd.s32 @!p0 s3, s7;
	s7 =	simm.s32 @!p0 $0x108  }
0x21: {  	s3 =	sadd.s32 s3, s9;
	s6 =	sadd.s32 @!p0 $0x88, s6;
	s7 =	simm.s32 @p2 $0x1082  }
0x22: {  	[simem:s7], [sflag:s8] =	dma.local @!p0 [hbm:s6], $0xF7A  }
0x23: {  	s9 =	sor.u32 $0xD0000000, s2;
	s6 =	simm.s32 $0x108;
	_ =	swait.ge @!p0 [sflag:s8], $0x0  }
0x24: {  	s3 =	sadd.s32 $0x88, s3;
	s6 =	simm.s32 @!p1 $0x1082;
	[sflag:s4] =	ssyncset.s32 $0xFFFFF086  }
0x25: {  	[simem:s6], [sflag:s4] =	dma.local [hbm:s3], $0xF7A  }
0x26: {  	[smem:$0x3F92] =	sst s1;
	(tag) =	ssettag s2;
	_ =	strace s9  }
0x27: {  	s1 =	sld [smem:$0x3FA2]  }
0x28: {  	s2 =	sld [smem:$0x3FA3]  }
0x29: {  	s4 =	sld [smem:$0x3FA5]  }
0x2a: {  	p0 =	seq.s32 s5, $0x0;
	s5 =	sld [smem:$0x3FA6]  }
0x2b: {  	s6 =	sld [smem:$0x3FA7]  }
0x2c: {  	s7 =	sld [smem:$0x3FA8]  }
0x2d: {  	s3 =	simm.s32 $0x108;
	s8 =	sld [smem:$0x3FA9]  }
0x2e: {  	s3 =	simm.s32 @!p0 $0x1082;
	s9 =	sld [smem:$0x3FAA]  }
0x2f: {  	lr =	sadd.s32 s0, s3;
	s0 =	sld [smem:$0x3FA1]  }
0x30: {  	s3 =	sld [smem:$0x3FA4]  }
0x31: {  	[smem:$0x3FAD] =	sst s10  }
0x32: {  	s10 =	sld [smem:$0x3FAB];
	_ =	sdelay $0x3  }
0x33: {  	p0 =	seq.s32 s10, $0x1;
	s10 =	sld [smem:$0x3FAD];
	_ =	sdelay $0x3  }
0x34: {  	[smem:$0x3FAD] =	sst s10  }
0x35: {  	s10 =	sld [smem:$0x3FAC];
	_ =	sdelay $0x3  }
0x36: {  	p1 =	seq.s32 s10, $0x1;
	s10 =	sld [smem:$0x3FAD];
	_ =	sdelay $0x3  }
0x37: {  	[smem:$0x3FAD] =	sst s10  }
0x38: {  	s10 =	sld [smem:$0x3FAE]  }
0x39: {  	_ = 	snop;
	(pc) =	sbr.ind lr, $3  }
0x3a: {  	_ = 	snop  }
0x3b: {  	_ = 	snop  }
0x3c: {  	p2 =	seq.s32 s10, $0x1;
	s10 =	sld [smem:$0x3FAD]  }
0x3d: {  	_ =	shalt  }
0x3e: {  	_ =	shalt  }
0x3f: {  	_ =	shalt  }
0x40: {  	_ =	shalt  }
0x41: {  	_ =	shalt  }
0x42: {  	_ =	shalt  }
0x43: {  	_ =	shalt  }
0x44: {  	_ =	shalt  }
0x45: {  	_ =	shalt  }
0x46: {  	_ =	shalt  }
0x47: {  	_ =	shalt  }
0x48: {  	_ =	shalt  }
0x49: {  	_ =	shalt  }
0x4a: {  	_ =	shalt  }
0x4b: {  	_ =	shalt  }
0x4c: {  	_ =	shalt  }
0x4d: {  	_ =	shalt  }
0x4e: {  	_ =	shalt  }
0x4f: {  	_ =	shalt  }
0x50: {  	_ =	shalt  }
0x51: {  	_ =	shalt  }
0x52: {  	_ =	shalt  }
0x53: {  	_ =	shalt  }
0x54: {  	_ =	shalt  }
0x55: {  	_ =	shalt  }
0x56: {  	_ =	shalt  }
0x57: {  	_ =	shalt  }
0x58: {  	_ =	shalt  }
0x59: {  	_ =	shalt  }
0x5a: {  	_ =	shalt  }
0x5b: {  	_ =	shalt  }
0x5c: {  	_ =	shalt  }
0x5d: {  	_ =	shalt  }
0x5e: {  	_ =	shalt  }
0x5f: {  	_ =	shalt  }
0x60: {  	_ =	shalt  }
0x61: {  	_ =	shalt  }
0x62: {  	_ =	shalt  }
0x63: {  	_ =	shalt  }
0x64: {  	_ =	shalt  }
0x65: {  	_ =	shalt  }
0x66: {  	_ =	shalt  }
0x67: {  	_ =	shalt  }
0x68: {  	_ =	shalt  }
0x69: {  	_ =	shalt  }
0x6a: {  	_ =	shalt  }
0x6b: {  	_ =	shalt  }
0x6c: {  	_ =	shalt  }
0x6d: {  	_ =	shalt  }
0x6e: {  	_ =	shalt  }
0x6f: {  	_ =	shalt  }
0x70: {  	_ =	shalt  }
0x71: {  	_ =	shalt  }
0x72: {  	_ =	shalt  }
0x73: {  	_ =	shalt  }
0x74: {  	_ =	shalt  }
0x75: {  	_ =	shalt  }
0x76: {  	_ =	shalt  }
0x77: {  	_ =	shalt  }
0x78: {  	_ =	shalt  }
0x79: {  	_ =	shalt  }
0x7a: {  	_ =	shalt  }
0x7b: {  	_ =	shalt  }
0x7c: {  	_ =	shalt  }
0x7d: {  	_ =	shalt  }
0x7e: {  	_ =	shalt  }
0x7f: {  	_ =	shalt  }
0x80: {  	_ =	shalt  }
0x81: {  	_ =	shalt  }
0x82: {  	_ =	shalt  }
0x83: {  	_ =	shalt  }
0x84: {  	_ =	shalt  }
0x85: {  	_ =	shalt  }
0x86: {  	_ =	shalt  }
0x87: {  	_ =	shalt  }
.Lfunc_end0:
.L_simem_size_0:
called_computation.4_lowered:
.L_overlay_start_0:
0x88: {  	s2 =	sld [smem:$0x3FD9]  }
0x89: {  	s3 =	sld [smem:$0x3FFE];
	_ =	sdelay $0x1  }
0x8a: {  	s1 =	srdreg.scid  }
0x8b: {  	s0 =	sand.u32 $0x1, s1  }
0x8c: {  	s17 =	sshll.u32 s0, $0xA;
	s2 =	sadd.s32 s3, s2  }
0x8d: {  	s2 =	sadd.s32 s2, s17  }
0x8e: {  	[smem:$0x3FB9] =	sst s2  }
0x8f: {  	_ = 	snop  }
0x90: {  	s2 =	sld [smem:$0x3FD0];
	(tm) =	ssettm $0x1  }
0x91: {  	s18 =	sld [smem:$0x3FFB];
	_ =	sdelay $0x3  }
0x92: {  	_ =	strace s18  }
0x93: {  	s3 =	sld [smem:$0x3FFC];
	_ =	sdelay $0x3  }
0x94: {  	_ =	strace s3  }
0x95: {  	s3 =	sld [smem:$0x3FFD];
	_ =	sdelay $0x3  }
0x96: {  	_ =	strace s3  }
0x97: {  	_ =	strace $0x8FFFFFFF  }
0x98: {  	s19 =	sld [smem:$0x3FDB];
	_ =	sdelay $0x1  }
0x99: {  	s4 =	simm.s32 $_scs_section_size  }
0x9a: {  	s5 =	simm.s32 $_size__tile_overlayer_lowered;
	s6 =	simm.s32 $_tile_overlayer_lowered  }
0x9b: {  	s22 =	simm.s32 $0x1BFF;
	s21 =	sshll.u32 s6, $0x1;
	s3 =	sadd.s32 s4, s19  }
0x9c: {  	s7 =	simm.s32 $0x0;
	s20 =	sshll.u32 s5, $0x1;
	s5 =	sadd.s32 s21, s3  }
0x9d: {  	[timem:s7], [sflag:s22] =	dma.local [hbm:s5], s20  }
0x9e: {  	_ =	swait.ge [sflag:s22], s20  }
0x9f: {  	s4 =	ssub.s32 $0x0, s20;
	[sflag:s22] =	ssyncset.done $0x0  }
0xa0: {  	[sflag:s22] =	ssyncadd.s32 s4;
	_ =	sdelay $0x1  }
0xa1: {  	s23 =	simm.s32 $0x1B8B  }
0xa2: {  	_ =	swait.ge [sflag:s23], $0x1  }
0xa3: {  	[sflag:s23] =	ssyncset.done $0x0  }
0xa4: {  	s25 =	simm.s32 $0x1B8E;
	s24 =	sld [smem:$0x3FFE];
	[sflag:s23] =	ssyncadd.s32 $0xFFFFFFFF  }
0xa5: {  	s26 =	simm.s32 $execute0_lowered;
	[smem:$0x3FD2] =	sst s25  }
0xa6: {  	s5 =	sshll.u32 s26, $0x1;
	_ =	strace $0x80000052;
	[dreg:$0x1] =	wrdreg $0xFFFFFFFF  }
0xa7: {  	s28 =	simm.s32 $_size_execute0_lowered;
	s3 =	sadd.s32 s3, s5;
	[dreg:$0x0] =	wrdreg $0x0  }
0xa8: {  	s5 =	sshll.u32 s28, $0x1;
	[dreg:$0x2] =	wrdreg s3  }
0xa9: {  	[dreg:$0x3] =	wrdreg s5  }
0xaa: {  	[dreg:$0x4] =	wrdreg $0xC0  }
0xab: {  	_ =	task [dreg:s7], $0x5FFFF  }
0xac: {  	[dreg:$0x1] =	wrdreg $0xFFFFFFFF  }
0xad: {  	[dreg:$0x0] =	wrdreg $0x60  }
0xae: {  	[dreg:$0x2] =	wrdreg s24  }
0xaf: {  	[dreg:$0x3] =	wrdreg s2  }
0xb0: {  	[dreg:$0x4] =	wrdreg $0x9  }
0xb1: {  	_ =	task.clear_ibuf [dreg:s7], $0x5FFFF;
	_ =	strace $0x90000052  }
0xb2: {  	s29 =	simm.s32 $0x9;
	_ =	strace $0x80000054  }
0xb3: {  	_ =	swait.ge [sflag:s29], $0x1  }
0xb4: {  	[sflag:s29] =	ssyncadd.s32 $0xFFFFFFFF  }
0xb5: {  	_ =	strace $0x90000054  }
0xb6: {  	_ =	sfence  }
0xb7: {  	s30 =	sld [smem:$0x0];
	_ =	sdelay $0x2  }
0xb8: {  	s31 =	sshll.u32 s1, $0xD;
	s1 =	sshrl.u32 s1, $0x2  }
0xb9: {  	s3 =	sand.u32 $0x4000, s31;
	s1 =	sadd.s32 s1, s30  }
0xba: {  	s0 =	sor.u32 s3, s0;
	s1 =	sshll.u32 s1, $0x11  }
0xbb: {  	s0 =	sor.u32 s1, s0  }
0xbc: {  	s0 =	sadd.s32 $0x8F2B, s0  }
0xbd: {  	[sflag:s0] =	ssyncadd.remote.s32 $0x1  }
0xbe: {  	_ =	sfence.sel $0xFFFF  }
0xbf: {  	[dreg:$0x0] =	wrdreg $0xFFFFFFFF;
	(pc) =	sbr.abs _section_cstart, $3  }
0xc0: {  	[dreg:$0x1] =	wrdreg $0xFFFFFFFF  }
0xc1: {  	_ =	task.clear_ibuf [dreg:s7], $0x2FFFF;
	_ =	strace $0x9FFFFFFF  }
0xc2: {  	(tm) =	ssettm $0x7FFFFFFF  }
0xc3: {  	_ =	shalt  }
tec
execute0_lowered:
.L_overlay_start_1:
0x0: {  	(tag) =	ssettag $0x1  }
0x1: {  	s7 =	rddreg [dreg:$0x0]  }
0x2: {  	s8 =	rddreg [dreg:$0x1]  }
0x3: {  	s0 =	rddreg [dreg:$0x2];
	s2 =	simm.s32 $0x0;
	s3 =	srdreg.scid  }
0x4: {  	s1 =	stileid.u32;
	s14 =	simm.s32 $0x1;
	s15 =	simm.s32 $0x2780  }
0x5: {  	s16 =	simm.s32 $0x4F00;
	s17 =	simm.s32 $0x7680;
	s18 =	simm.s32 $0x9E00  }
0x6: {  	s19 =	simm.s32 $0xC600;
	s20 =	simm.s32 $0xEE00;
	s21 =	simm.s32 $0x11600  }
0x7: {  	s22 =	simm.s32 $0x13E00;
	s23 =	simm.s32 $0x16600;
	s24 =	simm.s32 $0x0  }
0x8: {  	[smem:$0x7FF] =	sst s2;
	s4 =	sand.u32 $0x1, s3;
	s31 =	sshll.u32 s1, $0x1  }
0x9: {  	s3 =	sadd.s32 $0x5A00, s7;
	s6 =	sadd.s32 $0x4800, s7;
	s5 =	sor.u32 s4, s31  }
0xa: {  	_ =	strace $0x80000053;
	s10 =	ssub.s32 $0x2, s4;
	s9 =	smul.u32 $0x500, s5  }
0xb: {  	s4 =	sadd.s32 $0x5400, s7;
	s5 =	sadd.s32 $0x4E00, s7;
	s11 =	sshrl.u32 s10, $0x1  }
0xc: {  	s13 =	ssub.s32 s10, s11;
	s12 =	sadd.s32 s9, s7;
	s8 =	sadd.s32 s8, s9  }
0xd: {  	s13 =	smax.u32 s13, $0x1;
	s7 =	sadd.s32 $0x18A00, s12;
	s9 =	sadd.s32 $0x604000, s12  }
0xe: {  	s10 =	sadd.s32 $0x5FA000, s12;
	s11 =	sadd.s32 $0x6000, s12;
	s12 =	sadd.s32 $0x22A00, s12  }
.LBB2_1:
0xf: {  	[tilespmem:s2], [sflag:$0x1] =	stream.linear.gather [hbm4b:s3+s2], $0x2710, $0x38;
	[tilespmem:$0x18E00] =	vst v63  }
0x10: {  	_ =	swait.ge [sflag:s14], $0x2710  }
0x11: {  	[sflag:s14] =	ssyncset.done $0x0  }
0x12: {  	[sflag:s14] =	ssyncadd.s32 $0xFFFFD8F0  }
0x13: {  	[tilespmem:s15], [sflag:$0x1] =	stream.linear.gather [hbm4b:s4+s2], $0x2710, $0x38;
	[tilespmem:$0x18E00] =	vst v63  }
0x14: {  	_ =	swait.ge [sflag:s14], $0x2710  }
0x15: {  	[sflag:s14] =	ssyncset.done $0x0  }
0x16: {  	[sflag:s14] =	ssyncadd.s32 $0xFFFFD8F0  }
0x17: {  	[tilespmem:s16], [sflag:$0x1] =	stream.linear.gather [hbm4b:s5+s2], $0x2710, $0x38;
	[tilespmem:$0x18E00] =	vst v63  }
0x18: {  	_ =	swait.ge [sflag:s14], $0x2710  }
0x19: {  	[sflag:s14] =	ssyncset.done $0x0  }
0x1a: {  	[sflag:s14] =	ssyncadd.s32 $0xFFFFD8F0  }
0x1b: {  	[tilespmem:s17], [sflag:$0x1] =	stream.linear.gather [hbm4b:s6+s2], $0x2710, $0x38;
	[tilespmem:$0x18E00] =	vst v63  }
0x1c: {  	_ =	swait.ge [sflag:s14], $0x2710  }
0x1d: {  	[sflag:s14] =	ssyncset.done $0x0  }
0x1e: {  	[sflag:s14] =	ssyncadd.s32 $0xFFFFD8F0  }
0x1f: {  	[tilespmem:s18], [sflag:$0x1] =	stream.linear.gather [hbm4b:s7+s2], $0x2800, $0x38;
	[tilespmem:$0x18E00] =	vst v63  }
0x20: {  	_ =	swait.ge [sflag:s14], $0x2800  }
0x21: {  	[sflag:s14] =	ssyncset.done $0x0  }
0x22: {  	[sflag:s14] =	ssyncadd.s32 $0xFFFFD800  }
0x23: {  	[tilespmem:s19], [sflag:$0x1] =	stream.linear.gather [hbm4b:s8+s2], $0x2800, $0x38;
	[tilespmem:$0x18E00] =	vst v63  }
0x24: {  	_ =	swait.ge [sflag:s14], $0x2800  }
0x25: {  	[sflag:s14] =	ssyncset.done $0x0  }
0x26: {  	[sflag:s14] =	ssyncadd.s32 $0xFFFFD800  }
0x27: {  	[tilespmem:s20], [sflag:$0x1] =	stream.linear.gather [hbm4b:s9+s2], $0x2800, $0x38;
	[tilespmem:$0x18E00] =	vst v63  }
0x28: {  	_ =	swait.ge [sflag:s14], $0x2800  }
0x29: {  	[sflag:s14] =	ssyncset.done $0x0  }
0x2a: {  	[sflag:s14] =	ssyncadd.s32 $0xFFFFD800  }
0x2b: {  	[tilespmem:s21], [sflag:$0x1] =	stream.linear.gather [hbm4b:s10+s2], $0x2800, $0x38;
	[tilespmem:$0x18E00] =	vst v63  }
0x2c: {  	_ =	swait.ge [sflag:s14], $0x2800  }
0x2d: {  	[sflag:s14] =	ssyncset.done $0x0  }
0x2e: {  	s25 =	simm.s32 $0x0;
	[sflag:s14] =	ssyncadd.s32 $0xFFFFD800  }
0x2f: {  	v0 =	vld [tilespmem:s25+$0x9E00]  }
0x30: {  	v1 =	vld [tilespmem:s25+$0xC600];
	_ =	sdelay $0x6  }
0x31: {  	v2 =	vld.idx.msk [tilespmem:v0+s2+$0x0], $0xffff  }
0x32: {  	v3 =	vld.idx.msk [tilespmem:v1+s16+$0x0], $0xffff;
	_ =	sdelay $0x1  }
0x33: {  	v4 =	vld [tilespmem:s25+$0xEE00];
	_ =	sdelay $0x2  }
0x34: {  	v2 =	vadd.f32 v3, v2;
	_ =	sdelay $0x1  }
0x35: {  	v2 =	vadd.f32 v4, v2;
	_ =	sdelay $0x1  }
0x36: {  	[tilespmem:s25+$0x13E00] =	vst v2  }
0x37: {  	v3 =	vld.idx.msk [tilespmem:v0+s15+$0x0], $0xffff  }
0x38: {  	v4 =	vld.idx.msk [tilespmem:v1+s17+$0x0], $0xffff  }
0x39: {  	s28 =	simm.s32 $0x10;
	v2 =	vld [tilespmem:s25+$0x11600]  }
0x3a: {  	v0 =	vld [tilespmem:s28+$0x9E00]  }
0x3b: {  	v1 =	vld [tilespmem:s28+$0xC600];
	_ =	sdelay $0x1  }
0x3c: {  	s26 =	simm.s32 $0x80;
	v3 =	vadd.f32 v4, v3  }
.LBB2_2:
0x3d: {  	_ = 	snop  }
0x3e: {  	p0 =	sne.s32 s26, $0x9FC0;
	s29 =	smov.u32 s26;
	s26 =	sadd.s32 $0x40, s26;
	v2 =	vadd.f32 v2, v3  }
0x3f: {  	_ = 	snop  }
0x40: {  	[tilespmem:s25+$0x16600] =	vst v2;
	s25 =	smov.u32 s28  }
0x41: {  	v2 =	vld.idx.msk [tilespmem:v0+s2+$0x0], $0xffff  }
0x42: {  	v3 =	vld.idx.msk [tilespmem:v1+s16+$0x0], $0xffff;
	_ =	sdelay $0x1  }
0x43: {  	v4 =	vld [tilespmem:s25+$0xEE00];
	_ =	sdelay $0x3  }
0x44: {  	v2 =	vadd.f32 v3, v2;
	_ =	sdelay $0x1  }
0x45: {  	v2 =	vadd.f32 v4, v2;
	_ =	sdelay $0x1  }
0x46: {  	[tilespmem:s25+$0x13E00] =	vst v2  }
0x47: {  	v3 =	vld.idx.msk [tilespmem:v0+s15+$0x0], $0xffff  }
0x48: {  	v4 =	vld.idx.msk [tilespmem:v1+s17+$0x0], $0xffff  }
0x49: {  	v2 =	vld [tilespmem:s25+$0x11600]  }
.Ltmp0:
0x4a: {  	s28 =	sshra.s32 s29, $0x2;
	(pc) =	sbr.rel @p0 .LBB2_2-.Ltmp0, $3  }
0x4b: {  	v0 =	vld [tilespmem:s28+$0x9E00]  }
0x4c: {  	v1 =	vld [tilespmem:s28+$0xC600];
	_ =	sdelay $0x1  }
0x4d: {  	v3 =	vadd.f32 v4, v3  }
0x4e: {  	_ =	sdelay $0x1  }
0x4f: {  	v2 =	vadd.f32 v2, v3;
	_ =	sdelay $0x1  }
0x50: {  	[tilespmem:s25+$0x16600] =	vst v2  }
0x51: {  	v2 =	vld.idx.msk [tilespmem:v0+s2+$0x0], $0xffff  }
0x52: {  	v60 =	vld.idx.msk [tilespmem:v1+s16+$0x0], $0xffff;
	_ =	sdelay $0x1  }
0x53: {  	v4 =	vld [tilespmem:s28+$0xEE00];
	_ =	sdelay $0x2  }
0x54: {  	v2 =	vadd.f32 v60, v2;
	_ =	sdelay $0x1  }
0x55: {  	v2 =	vadd.f32 v4, v2;
	_ =	sdelay $0x1  }
0x56: {  	[tilespmem:s28+$0x13E00] =	vst v2  }
0x57: {  	v61 =	vld.idx.msk [tilespmem:v0+s15+$0x0], $0xffff  }
0x58: {  	v62 =	vld.idx.msk [tilespmem:v1+s17+$0x0], $0xffff;
	_ =	sdelay $0x1  }
0x59: {  	v63 =	vld [tilespmem:s28+$0x11600];
	_ =	sdelay $0x2  }
0x5a: {  	v0 =	vadd.f32 v62, v61;
	_ =	sdelay $0x1  }
0x5b: {  	v0 =	vadd.f32 v63, v0;
	_ =	sdelay $0x1  }
0x5c: {  	[tilespmem:s28+$0x16600] =	vst v0  }
0x5d: {  	[hbm4b:s11+s2] =	stream.linear.scatter [tilespmem:s22], [sflag:$0x1], $0x2800, $0x38;
	[tilespmem:$0x18E00] =	vst v63  }
0x5e: {  	s24 =	sadd.s32 $0x1, s24;
	_ =	swait.ge [sflag:s14], $0x2800  }
0x5f: {  	p0 =	sne.s32 s24, s13;
	[sflag:s14] =	ssyncset.done $0x0  }
.Ltmp1:
0x60: {  	[sflag:s14] =	ssyncadd.s32 $0xFFFFD800;
	(pc) =	sbr.rel @p0 .LBB2_1-.Ltmp1, $4  }
0x61: {  	[hbm4b:s12+s2] =	stream.linear.scatter [tilespmem:s23], [sflag:$0x1], $0x2800, $0x38;
	[tilespmem:$0x18E00] =	vst v63  }
0x62: {  	_ =	swait.ge [sflag:s14], $0x2800  }
0x63: {  	[sflag:s14] =	ssyncset.done $0x0  }
0x64: {  	[sflag:s14] =	ssyncadd.s32 $0xFFFFD800  }
0x65: {  	_ =	sfence.sel $0x180000  }
0x66: {  	[bflag:$0x0] =	sbarrier.arrive $0xFFFF  }
0x67: {  	p0 =	sne.s32 s1, $0x0;
	_ =	strace $0x90000053  }
0x68: {  	s0 =	sadd.s32 @!p0 $0x100000, s0;
	[bflag:$0x2] =	sbarrier.arrive $0xFFFF  }
0x69: {  	[sflag:s0] =	ssyncadd.tile.s32 @!p0 $0x1;
	_ =	shalt  }
.Lfunc_end2:
_tile_overlayer_lowered:
.L_overlay_start_2:
0x6a: {  	(tag) =	ssettag $0x2  }
0x6b: {  	s0 =	rddreg [dreg:$0x0];
	s2 =	stileid.u32  }
0x6c: {  	s1 =	rddreg [dreg:$0x1];
	p0 =	sne.s32 s2, $0x0  }
0x6d: {  	s3 =	rddreg [dreg:$0x2];
	[bflag:$0x3] =	sbarrier.arrive $0xFFFF;
	s2 =	simm.s32 @!p0 $0x1C01  }
0x6e: {  	[timem:s3], [sflag:s2] =	dma.local @!p0 [hbm:s0], s1  }
0x6f: {  	s0 =	simm.s32 @!p0 $0x1  }
0x70: {  	_ =	swait.ge @!p0 [sflag:s0], s1  }
0x71: {  	s1 =	ssub.s32 @!p0 $0x0, s1;
	[sflag:s0] =	ssyncset.done @!p0 $0x0  }
0x72: {  	[sflag:s0] =	ssyncadd.s32 @!p0 s1  }
0x73: {  	[bflag:$0x3] =	sbarrier.arrive $0xFFFF  }
0x74: {  	_ =	shalt  }

// kernel: kernel.9.cloned.1.call-start
scs
__scs_entry_jumppad:
0x0: {  	(pc) =	sbr.rel $0x88, $3  }
0x1: {  	(tag) =	ssettag $0x0;
	lr =	simm.s32 $0x1  }
0x2: {  	[smem:$0x3F92] =	sst lr;
	_ =	strace $0xD0000000  }
0x3: {  	_ = 	snop  }
0x4: {  	_ = 	snop  }
0x5: {  	_ = 	snop  }
0x6: {  	_ = 	snop  }
0x7: {  	_ = 	snop  }
__scs_overlays_trampoline_lowered:
0x8: {  	[smem:$0x3FA1] =	sst s0  }
0x9: {  	[smem:$0x3FA2] =	sst s1  }
0xa: {  	[smem:$0x3FA3] =	sst s2  }
0xb: {  	[smem:$0x3FA4] =	sst s3  }
0xc: {  	[smem:$0x3FA5] =	sst s4  }
0xd: {  	[smem:$0x3FA6] =	sst s5  }
0xe: {  	[smem:$0x3FA7] =	sst s6  }
0xf: {  	[smem:$0x3FA8] =	sst s7  }
0x10: {  	[smem:$0x3FA9] =	sst s8  }
0x11: {  	[smem:$0x3FAA] =	sst s9;
	s0 =	simm.s32 @!p0 $0x0  }
0x12: {  	s1 =	sld [smem:$0x3F90];
	s0 =	simm.s32 @p0 $0x1  }
0x13: {  	[smem:$0x3FAB] =	sst s0;
	s0 =	simm.s32 @!p1 $0x0  }
0x14: {  	s2 =	sld [smem:$0x3F8F];
	s0 =	simm.s32 @p1 $0x1  }
0x15: {  	[smem:$0x3FAC] =	sst s0;
	s0 =	simm.s32 @!p2 $0x0  }
0x16: {  	s3 =	sld [smem:$0x3FDB];
	s0 =	simm.s32 @p2 $0x1  }
0x17: {  	s4 =	simm.s32 $0x1BF5;
	[smem:$0x3FAE] =	sst s0  }
0x18: {  	s0 =	sld [smem:$0x3F91];
	_ =	swait.ge [sflag:s4], $0x0  }
0x19: {  	s7 =	sld [smem:$0x3F92]  }
0x1a: {  	s8 =	sadd.s32 $0xFFFFE003, lr  }
0x1b: {  	s9 =	sadd.s32 $0xFFFFFEF7, lr;
	s5 =	simm.s32 $0xFFFFFFFF;
	p2 =	slt.u32 s8, $0xFFFFF086  }
0x1c: {  	p1 =	slt.u32 s9, $0xF7A;
	s5 =	simm.s32 @!p2 $0x0  }
0x1d: {  	s5 =	simm.s32 @p1 $0x1;
	p0 =	seq.s32 s7, s2  }
0x1e: {  	s7 =	smul.u32 @!p0 $0xF7A, s2;
	p2 =	seq.s32 @!p0 s5, $0x0  }
0x1f: {  	s9 =	smul.u32 $0xF7A, s1;
	s8 =	simm.s32 @!p0 $0x1BF5;
	p2 =	por !p2, p0  }
0x20: {  	[sflag:s8] =	ssyncset.s32 @!p0 $0xFFFFF086;
	s6 =	sadd.s32 @!p0 s3, s7;
	s7 =	simm.s32 @!p0 $0x108  }
0x21: {  	s3 =	sadd.s32 s3, s9;
	s6 =	sadd.s32 @!p0 $0x88, s6;
	s7 =	simm.s32 @p2 $0x1082  }
0x22: {  	[simem:s7], [sflag:s8] =	dma.local @!p0 [hbm:s6], $0xF7A  }
0x23: {  	s9 =	sor.u32 $0xD0000000, s2;
	s6 =	simm.s32 $0x108;
	_ =	swait.ge @!p0 [sflag:s8], $0x0  }
0x24: {  	s3 =	sadd.s32 $0x88, s3;
	s6 =	simm.s32 @!p1 $0x1082;
	[sflag:s4] =	ssyncset.s32 $0xFFFFF086  }
0x25: {  	[simem:s6], [sflag:s4] =	dma.local [hbm:s3], $0xF7A  }
0x26: {  	[smem:$0x3F92] =	sst s1;
	(tag) =	ssettag s2;
	_ =	strace s9  }
0x27: {  	s1 =	sld [smem:$0x3FA2]  }
0x28: {  	s2 =	sld [smem:$0x3FA3]  }
0x29: {  	s4 =	sld [smem:$0x3FA5]  }
0x2a: {  	p0 =	seq.s32 s5, $0x0;
	s5 =	sld [smem:$0x3FA6]  }
0x2b: {  	s6 =	sld [smem:$0x3FA7]  }
0x2c: {  	s7 =	sld [smem:$0x3FA8]  }
0x2d: {  	s3 =	simm.s32 $0x108;
	s8 =	sld [smem:$0x3FA9]  }
0x2e: {  	s3 =	simm.s32 @!p0 $0x1082;
	s9 =	sld [smem:$0x3FAA]  }
0x2f: {  	lr =	sadd.s32 s0, s3;
	s0 =	sld [smem:$0x3FA1]  }
0x30: {  	s3 =	sld [smem:$0x3FA4]  }
0x31: {  	[smem:$0x3FAD] =	sst s10  }
0x32: {  	s10 =	sld [smem:$0x3FAB];
	_ =	sdelay $0x3  }
0x33: {  	p0 =	seq.s32 s10, $0x1;
	s10 =	sld [smem:$0x3FAD];
	_ =	sdelay $0x3  }
0x34: {  	[smem:$0x3FAD] =	sst s10  }
0x35: {  	s10 =	sld [smem:$0x3FAC];
	_ =	sdelay $0x3  }
0x36: {  	p1 =	seq.s32 s10, $0x1;
	s10 =	sld [smem:$0x3FAD];
	_ =	sdelay $0x3  }
0x37: {  	[smem:$0x3FAD] =	sst s10  }
0x38: {  	s10 =	sld [smem:$0x3FAE]  }
0x39: {  	_ = 	snop;
	(pc) =	sbr.ind lr, $3  }
0x3a: {  	_ = 	snop  }
0x3b: {  	_ = 	snop  }
0x3c: {  	p2 =	seq.s32 s10, $0x1;
	s10 =	sld [smem:$0x3FAD]  }
0x3d: {  	_ =	shalt  }
0x3e: {  	_ =	shalt  }
0x3f: {  	_ =	shalt  }
0x40: {  	_ =	shalt  }
0x41: {  	_ =	shalt  }
0x42: {  	_ =	shalt  }
0x43: {  	_ =	shalt  }
0x44: {  	_ =	shalt  }
0x45: {  	_ =	shalt  }
0x46: {  	_ =	shalt  }
0x47: {  	_ =	shalt  }
0x48: {  	_ =	shalt  }
0x49: {  	_ =	shalt  }
0x4a: {  	_ =	shalt  }
0x4b: {  	_ =	shalt  }
0x4c: {  	_ =	shalt  }
0x4d: {  	_ =	shalt  }
0x4e: {  	_ =	shalt  }
0x4f: {  	_ =	shalt  }
0x50: {  	_ =	shalt  }
0x51: {  	_ =	shalt  }
0x52: {  	_ =	shalt  }
0x53: {  	_ =	shalt  }
0x54: {  	_ =	shalt  }
0x55: {  	_ =	shalt  }
0x56: {  	_ =	shalt  }
0x57: {  	_ =	shalt  }
0x58: {  	_ =	shalt  }
0x59: {  	_ =	shalt  }
0x5a: {  	_ =	shalt  }
0x5b: {  	_ =	shalt  }
0x5c: {  	_ =	shalt  }
0x5d: {  	_ =	shalt  }
0x5e: {  	_ =	shalt  }
0x5f: {  	_ =	shalt  }
0x60: {  	_ =	shalt  }
0x61: {  	_ =	shalt  }
0x62: {  	_ =	shalt  }
0x63: {  	_ =	shalt  }
0x64: {  	_ =	shalt  }
0x65: {  	_ =	shalt  }
0x66: {  	_ =	shalt  }
0x67: {  	_ =	shalt  }
0x68: {  	_ =	shalt  }
0x69: {  	_ =	shalt  }
0x6a: {  	_ =	shalt  }
0x6b: {  	_ =	shalt  }
0x6c: {  	_ =	shalt  }
0x6d: {  	_ =	shalt  }
0x6e: {  	_ =	shalt  }
0x6f: {  	_ =	shalt  }
0x70: {  	_ =	shalt  }
0x71: {  	_ =	shalt  }
0x72: {  	_ =	shalt  }
0x73: {  	_ =	shalt  }
0x74: {  	_ =	shalt  }
0x75: {  	_ =	shalt  }
0x76: {  	_ =	shalt  }
0x77: {  	_ =	shalt  }
0x78: {  	_ =	shalt  }
0x79: {  	_ =	shalt  }
0x7a: {  	_ =	shalt  }
0x7b: {  	_ =	shalt  }
0x7c: {  	_ =	shalt  }
0x7d: {  	_ =	shalt  }
0x7e: {  	_ =	shalt  }
0x7f: {  	_ =	shalt  }
0x80: {  	_ =	shalt  }
0x81: {  	_ =	shalt  }
0x82: {  	_ =	shalt  }
0x83: {  	_ =	shalt  }
0x84: {  	_ =	shalt  }
0x85: {  	_ =	shalt  }
0x86: {  	_ =	shalt  }
0x87: {  	_ =	shalt  }
.Lfunc_end0:
.L_simem_size_0:
called_computation.1_lowered:
.L_overlay_start_0:
0x88: {  	s2 =	sld [smem:$0x3FD9]  }
0x89: {  	s3 =	sld [smem:$0x3FFE];
	_ =	sdelay $0x1  }
0x8a: {  	s1 =	srdreg.scid  }
0x8b: {  	s0 =	sand.u32 $0x1, s1  }
0x8c: {  	s17 =	sshll.u32 s0, $0xA;
	s2 =	sadd.s32 s3, s2  }
0x8d: {  	s2 =	sadd.s32 s2, s17  }
0x8e: {  	[smem:$0x3FB9] =	sst s2  }
0x8f: {  	_ = 	snop  }
0x90: {  	s18 =	sld [smem:$0x3FC9];
	(tm) =	ssettm $0x1  }
0x91: {  	s19 =	sld [smem:$0x3FFB];
	_ =	sdelay $0x3  }
0x92: {  	_ =	strace s19  }
0x93: {  	s2 =	sld [smem:$0x3FFC];
	_ =	sdelay $0x3  }
0x94: {  	_ =	strace s2  }
0x95: {  	s2 =	sld [smem:$0x3FFD];
	_ =	sdelay $0x3  }
0x96: {  	_ =	strace s2  }
0x97: {  	_ =	strace $0x8FFFFFFF  }
0x98: {  	s20 =	sld [smem:$0x3FDB];
	_ =	sdelay $0x1  }
0x99: {  	s4 =	simm.s32 $_scs_section_size  }
0x9a: {  	s5 =	simm.s32 $_size__tile_overlayer_lowered;
	s6 =	simm.s32 $_tile_overlayer_lowered  }
0x9b: {  	s7 =	simm.s32 $0x1BFF;
	s21 =	sshll.u32 s6, $0x1;
	s4 =	sadd.s32 s4, s20  }
0x9c: {  	s22 =	simm.s32 $0x0;
	s5 =	sshll.u32 s5, $0x1;
	s6 =	sadd.s32 s21, s4  }
0x9d: {  	[timem:s22], [sflag:s7] =	dma.local [hbm:s6], s5  }
0x9e: {  	_ =	swait.ge [sflag:s7], s5  }
0x9f: {  	s5 =	ssub.s32 $0x0, s5;
	[sflag:s7] =	ssyncset.done $0x0  }
0xa0: {  	[sflag:s7] =	ssyncadd.s32 s5;
	_ =	sdelay $0x1  }
0xa1: {  	s23 =	simm.s32 $0x1B8B  }
0xa2: {  	_ =	swait.ge [sflag:s23], $0x1  }
0xa3: {  	[sflag:s23] =	ssyncset.done $0x0  }
0xa4: {  	[sflag:s23] =	ssyncadd.s32 $0xFFFFFFFF  }
0xa5: {  	s5 =	sld [smem:$0x0]  }
0xa6: {  	s6 =	sand.u32 $0xFFFFFFFE, s1  }
0xa7: {  	p0 =	sne.s32 s1, s6  }
0xa8: {  	s6 =	sshll.u32 @p0 s6, $0xE  }
0xa9: {  	s6 =	sadd.s32 @p0 $0x11B8D, s6;
	s7 =	sshll.u32 @p0 s5, $0x11  }
0xaa: {  	s6 =	sor.u32 @p0 s7, s6  }
0xab: {  	[sflag:s6] =	ssyncadd.remote.s32 @p0 $0x1;
	_ =	sdelay $0x1  }
0xac: {  	s6 =	simm.s32 @p0 $0x1B8D  }
0xad: {  	_ =	swait.eq @p0 [sflag:s6], $0x1  }
0xae: {  	[sflag:s6] =	ssyncadd.s32 @p0 $0xFFFFFFFF  }
0xaf: {  	s7 =	sshll.u32 @!p0 s1, $0xE  }
0xb0: {  	s7 =	sor.u32 @!p0 $0x4000, s7;
	s6 =	simm.s32 @!p0 $0x1B8D  }
0xb1: {  	s5 =	sshll.u32 @!p0 s5, $0x11;
	s7 =	sadd.s32 @!p0 $0x11B8D, s7;
	_ =	swait.eq @!p0 [sflag:s6], $0x1  }
0xb2: {  	s5 =	sor.u32 @!p0 s5, s7;
	[sflag:s6] =	ssyncadd.s32 @!p0 $0xFFFFFFFF  }
0xb3: {  	s25 =	simm.s32 $0x1B8E;
	s24 =	sld [smem:$0x3FFE];
	[sflag:s5] =	ssyncadd.remote.s32 @!p0 $0x1  }
0xb4: {  	s26 =	simm.s32 $execute0_lowered;
	[smem:$0x3FD2] =	sst s25  }
0xb5: {  	s6 =	sshll.u32 s26, $0x1;
	_ =	strace $0x80000049;
	[dreg:$0x1] =	wrdreg $0xFFFFFFFF  }
0xb6: {  	s28 =	simm.s32 $_size_execute0_lowered;
	s4 =	sadd.s32 s4, s6;
	[dreg:$0x0] =	wrdreg $0x0  }
0xb7: {  	s6 =	sshll.u32 s28, $0x1;
	[dreg:$0x2] =	wrdreg s4  }
0xb8: {  	[dreg:$0x3] =	wrdreg s6  }
0xb9: {  	[dreg:$0x4] =	wrdreg $0xC0  }
0xba: {  	_ =	task [dreg:s22], $0x5FFFF  }
0xbb: {  	[dreg:$0x1] =	wrdreg $0xFFFFFFFF  }
0xbc: {  	[dreg:$0x0] =	wrdreg $0x60  }
0xbd: {  	[dreg:$0x2] =	wrdreg s18  }
0xbe: {  	[dreg:$0x3] =	wrdreg s24  }
0xbf: {  	[dreg:$0x4] =	wrdreg $0x82000  }
0xc0: {  	[dreg:$0x5] =	wrdreg $0x9  }
0xc1: {  	_ =	task.clear_ibuf [dreg:s22], $0x6FFFF;
	_ =	strace $0x90000049  }
0xc2: {  	s29 =	simm.s32 $0x9;
	_ =	strace $0x8000004B  }
0xc3: {  	_ =	swait.ge [sflag:s29], $0x1  }
0xc4: {  	[sflag:s29] =	ssyncadd.s32 $0xFFFFFFFF  }
0xc5: {  	_ =	strace $0x9000004B  }
0xc6: {  	_ =	sfence  }
0xc7: {  	s30 =	sld [smem:$0x0];
	_ =	sdelay $0x2  }
0xc8: {  	s31 =	sshll.u32 s1, $0xD;
	s1 =	sshrl.u32 s1, $0x2  }
0xc9: {  	s4 =	sand.u32 $0x4000, s31;
	s1 =	sadd.s32 s1, s30  }
0xca: {  	s0 =	sor.u32 s4, s0;
	s1 =	sshll.u32 s1, $0x11  }
0xcb: {  	s0 =	sor.u32 s1, s0  }
0xcc: {  	s0 =	sadd.s32 $0x8F2B, s0  }
0xcd: {  	[sflag:s0] =	ssyncadd.remote.s32 $0x1  }
0xce: {  	_ =	sfence.sel $0xFFFF  }
0xcf: {  	[dreg:$0x0] =	wrdreg $0xFFFFFFFF;
	(pc) =	sbr.abs _section_cstart, $3  }
0xd0: {  	[dreg:$0x1] =	wrdreg $0xFFFFFFFF  }
0xd1: {  	_ =	task.clear_ibuf [dreg:s22], $0x2FFFF;
	_ =	strace $0x9FFFFFFF  }
0xd2: {  	(tm) =	ssettm $0x7FFFFFFF  }
0xd3: {  	_ =	shalt  }
tec
execute0_lowered:
.L_overlay_start_1:
0x0: {  	(tag) =	ssettag $0x1  }
0x1: {  	s1 =	rddreg [dreg:$0x0];
	s2 =	srdreg.scid  }
0x2: {  	s6 =	rddreg [dreg:$0x1];
	s0 =	stileid.u32  }
0x3: {  	s3 =	rddreg [dreg:$0x2];
	s4 =	simm.s32 $0x0;
	s12 =	sand.u32 $0x1, s2  }
0x4: {  	s5 =	sshll.u32 s0, $0x5;
	s2 =	rddreg [dreg:$0x3];
	s11 =	smul.u32 $0x4E000, s0  }
0x5: {  	[smem:$0x7FF] =	sst s4;
	s13 =	sadd.s32 $0x2D800, s6;
	s24 =	smul.u32 $0x2700, s0  }
0x6: {  	s14 =	sshll.u32 s0, $0x1;
	s28 =	sshll.u32 s0, $0x6;
	s19 =	sadd.s32 $0x138000, s3  }
0x7: {  	p0 =	sne.s32 s0, $0xF;
	s7 =	sshll.u32 s12, $0x4;
	s26 =	smul.u32 $0x27100, s12  }
0x8: {  	_ =	strace $0x8000004A;
	s23 =	ssub.s32 $0x2, s12;
	s16 =	smul.u32 $0x138800, s12  }
0x9: {  	s12 =	sor.u32 s12, s14;
	s14 =	simm.s32 $0x2;
	s8 =	sor.u32 s7, s5  }
0xa: {  	s9 =	sshrl.u32 s23, $0x1;
	s25 =	sshrl.u32 s11, $0x2;
	s5 =	sand.u32 $0x180, s8  }
0xb: {  	s9 =	ssub.s32 s23, s9;
	s15 =	sadd.s32 s25, s3;
	s7 =	sadd.s32 s24, s26  }
0xc: {  	s29 =	sshrl.u32 s16, $0x3;
	s30 =	sand.u32 $0x70, s8;
	s10 =	sadd.s32 s5, s6  }
0xd: {  	s5 =	sadd.s32 $0x2CA00, s6;
	s6 =	sor.u32 $0x1C02, s28;
	s17 =	sadd.s32 $0x6800, s15  }
0xe: {  	s18 =	sadd.s32 $0xD000, s15;
	s7 =	sadd.s32 s13, s7;
	s11 =	sadd.s32 s13, s29  }
0xf: {  	s9 =	smax.u32 s9, $0x1;
	s13 =	sshrl.u32 s15, $0x3;
	s8 =	sadd.s32 $0x27000, s11  }
0x10: {  	s31 =	sadd.s32 s30, s10;
	s15 =	sshrl.u32 s17, $0x3;
	s16 =	sshrl.u32 s18, $0x3  }
0x11: {  	s17 =	sshrl.u32 @!p0 s19, $0x3;
	s10 =	sadd.s32 $0xEA00, s31;
	s11 =	sadd.s32 $0x4A00, s31  }
.LBB2_1:
0x12: {  	[spmem:s13], [sflag:s6] =	dma.local [hbm:s5], $0xD00  }
0x13: {  	_ =	swait.ge [sflag:s14], $0xD00  }
0x14: {  	[sflag:s14] =	ssyncset.done $0x0  }
0x15: {  	[sflag:s14] =	ssyncadd.s32 $0xFFFFF300  }
0x16: {  	[spmem:s15], [sflag:s6] =	dma.local [hbm:s5], $0xD00  }
0x17: {  	_ =	swait.ge [sflag:s14], $0xD00  }
0x18: {  	[sflag:s14] =	ssyncset.done $0x0  }
0x19: {  	[sflag:s14] =	ssyncadd.s32 $0xFFFFF300  }
0x1a: {  	[spmem:s16], [sflag:s6] =	dma.local [hbm:s5], $0xD00  }
0x1b: {  	_ =	swait.ge [sflag:s14], $0xD00  }
0x1c: {  	[sflag:s14] =	ssyncset.done $0x0  }
0x1d: {  	s18 =	simm.s32 @!p0 $0x2;
	[sflag:s14] =	ssyncadd.s32 $0xFFFFF300  }
0x1e: {  	[spmem:s17], [sflag:s6] =	dma.local @!p0 [hbm:s5], $0x100  }
0x1f: {  	_ =	swait.ge @!p0 [sflag:s18], $0x100  }
0x20: {  	p1 =	sgt.u32 s12, $0x9C3;
	[sflag:s18] =	ssyncset.done @!p0 $0x0  }
0x21: {  	s19 =	simm.s32 @!p1 $0x0;
	[sflag:s18] =	ssyncadd.s32 @!p0 $0xFFFFFF00  }
0x22: {  	s20 =	simm.s32 @!p1 $0x3;
	s18 =	sadd.s32 @!p1 $0x0, s10;
	[bflag:$0x0] =	sbarrier.arrive $0xFFFF  }
0x23: {  	[tilespmem:s19], [sflag:$0x3] =	stream.linear.gather @!p1 [hbm4b:s18+s19], $0x80, $0x38;
	[tilespmem:$0x1BA80] =	vst v63  }
0x24: {  	_ =	swait.ge @!p1 [sflag:s20], $0x80;
	p1 =	por p1, p1  }
0x25: {  	[sflag:s20] =	ssyncset.done @!p1 $0x0  }
0x26: {  	s18 =	sadd.s32 @!p1 $0x0, s11;
	s21 =	simm.s32 @!p1 $0x80;
	[sflag:s20] =	ssyncadd.s32 @!p1 $0xFFFFFF80  }
0x27: {  	[tilespmem:s21], [sflag:$0x3] =	stream.linear.gather @!p1 [hbm4b:s18+s19], $0x80, $0x38;
	[tilespmem:$0x1BA80] =	vst v63  }
0x28: {  	_ =	swait.ge @!p1 [sflag:s20], $0x80  }
0x29: {  	[sflag:s20] =	ssyncset.done @!p1 $0x0  }
0x2a: {  	s18 =	simm.s32 @!p1 $0x200;
	[sflag:s20] =	ssyncadd.s32 @!p1 $0xFFFFFF80;
	s20 =	simm.s32 @!p1 $0x1  }
0x2b: {  	[tilespmem:s18], [sflag:$0x1] =	stream.indirect.gather @!p1 [hbm4b:s1+s21], $0x80, s19, s21, $0xb8;
	[tilespmem:$0x1BA80] =	vst v63  }
0x2c: {  	_ =	swait.ge @!p1 [sflag:s20], $0x4000  }
0x2d: {  	[sflag:s20] =	ssyncset.done @!p1 $0x0  }
0x2e: {  	s19 =	sadd.s32 $0x20, s12;
	[sflag:s20] =	ssyncadd.s32 @!p1 $0xFFFFC000  }
0x2f: {  	[spmem:s3] =	stream.indirect.scatter.add.f32 @!p1 [tilespmem:s18], [sflag:$0x2], $0x80, s21, s21, $0xb8;
	[tilespmem:$0x1BA80] =	vst v63  }
0x30: {  	p3 =	sgt.u32 s19, $0x9C3;
	s21 =	simm.s32 @!p1 $0x2  }
0x31: {  	s20 =	simm.s32 $0x400;
	s18 =	simm.s32 $0x200;
	_ =	swait.ge @!p1 [sflag:s21], $0x4000  }
.LBB2_2:
0x32: {  	s22 =	sadd.s32 @!p3 s18, s10  }
0x33: {  	s23 =	simm.s32 @!p3 $0x0;
	[sflag:s21] =	ssyncset.done @!p1 $0x0;
	s24 =	smov.u32 s20  }
0x34: {  	s20 =	sadd.s32 $0x200, s20;
	s25 =	simm.s32 @!p3 $0x3;
	[sflag:s21] =	ssyncadd.s32 @!p1 $0xFFFFC000  }
0x35: {  	[tilespmem:s23], [sflag:$0x3] =	stream.linear.gather @!p3 [hbm4b:s22+s23], $0x80, $0x38;
	[tilespmem:$0x1BA80] =	vst v63  }
0x36: {  	p2 =	sne.s32 s20, $0xA000;
	p1 =	por p3, p3;
	_ =	swait.ge @!p3 [sflag:s25], $0x80  }
0x37: {  	[sflag:s25] =	ssyncset.done @!p1 $0x0  }
0x38: {  	s18 =	sadd.s32 @!p1 s18, s11;
	s22 =	simm.s32 @!p1 $0x80;
	[sflag:s25] =	ssyncadd.s32 @!p1 $0xFFFFFF80  }
0x39: {  	[tilespmem:s22], [sflag:$0x3] =	stream.linear.gather @!p1 [hbm4b:s18+s23], $0x80, $0x38;
	[tilespmem:$0x1BA80] =	vst v63  }
0x3a: {  	s18 =	smov.u32 s24;
	_ =	swait.ge @!p1 [sflag:s25], $0x80  }
0x3b: {  	[sflag:s25] =	ssyncset.done @!p1 $0x0  }
0x3c: {  	s21 =	simm.s32 @!p1 $0x1;
	s24 =	simm.s32 @!p1 $0x200;
	[sflag:s25] =	ssyncadd.s32 @!p1 $0xFFFFFF80  }
0x3d: {  	[tilespmem:s24], [sflag:$0x1] =	stream.indirect.gather @!p1 [hbm4b:s1+s22], $0x80, s23, s22, $0xb8;
	[tilespmem:$0x1BA80] =	vst v63  }
.Ltmp0:
0x3e: {  	_ =	swait.ge @!p1 [sflag:s21], $0x4000;
	(pc) =	sbr.rel @p2 .LBB2_2-.Ltmp0, $4  }
0x3f: {  	[sflag:s21] =	ssyncset.done @!p1 $0x0  }
0x40: {  	s19 =	sadd.s32 $0x20, s19;
	[sflag:s21] =	ssyncadd.s32 @!p1 $0xFFFFC000;
	s21 =	simm.s32 @!p1 $0x2  }
0x41: {  	[spmem:s3] =	stream.indirect.scatter.add.f32 @!p1 [tilespmem:s24], [sflag:$0x2], $0x80, s22, s22, $0xb8;
	[tilespmem:$0x1BA80] =	vst v63  }
0x42: {  	p3 =	sgt.u32 s19, $0x9C3;
	_ =	swait.ge @!p1 [sflag:s21], $0x4000  }
0x43: {  	s19 =	sadd.s32 @!p3 s18, s10;
	[sflag:s21] =	ssyncset.done @!p1 $0x0  }
0x44: {  	s20 =	simm.s32 @!p3 $0x0;
	s22 =	simm.s32 @!p3 $0x3;
	[sflag:s21] =	ssyncadd.s32 @!p1 $0xFFFFC000  }
0x45: {  	[tilespmem:s20], [sflag:$0x3] =	stream.linear.gather @!p3 [hbm4b:s19+s20], $0x80, $0x38;
	[tilespmem:$0x1BA80] =	vst v63  }
0x46: {  	p1 =	por p3, p3;
	_ =	swait.ge @!p3 [sflag:s22], $0x80  }
0x47: {  	[sflag:s22] =	ssyncset.done @!p1 $0x0  }
0x48: {  	s18 =	sadd.s32 @!p1 s18, s11;
	s19 =	simm.s32 @!p1 $0x80;
	[sflag:s22] =	ssyncadd.s32 @!p1 $0xFFFFFF80  }
0x49: {  	[tilespmem:s19], [sflag:$0x3] =	stream.linear.gather @!p1 [hbm4b:s18+s20], $0x80, $0x38;
	[tilespmem:$0x1BA80] =	vst v63  }
0x4a: {  	_ =	swait.ge @!p1 [sflag:s22], $0x80  }
0x4b: {  	[sflag:s22] =	ssyncset.done @!p1 $0x0  }
0x4c: {  	s21 =	simm.s32 @!p1 $0x1;
	s18 =	simm.s32 @!p1 $0x200;
	[sflag:s22] =	ssyncadd.s32 @!p1 $0xFFFFFF80  }
0x4d: {  	[tilespmem:s18], [sflag:$0x1] =	stream.indirect.gather @!p1 [hbm4b:s1+s19], $0x80, s20, s19, $0xb8;
	[tilespmem:$0x1BA80] =	vst v63  }
0x4e: {  	_ =	swait.ge @!p1 [sflag:s21], $0x4000  }
0x4f: {  	[sflag:s21] =	ssyncset.done @!p1 $0x0  }
0x50: {  	s20 =	simm.s32 @!p1 $0x2;
	[sflag:s21] =	ssyncadd.s32 @!p1 $0xFFFFC000  }
0x51: {  	[spmem:s3] =	stream.indirect.scatter.add.f32 @!p1 [tilespmem:s18], [sflag:$0x2], $0x80, s19, s19, $0xb8;
	[tilespmem:$0x1BA80] =	vst v63  }
0x52: {  	_ =	swait.ge @!p1 [sflag:s20], $0x4000  }
0x53: {  	[sflag:s20] =	ssyncset.done @!p1 $0x0  }
0x54: {  	[sflag:s20] =	ssyncadd.s32 @!p1 $0xFFFFC000  }
0x55: {  	[bflag:$0x0] =	sbarrier.arrive $0xFFFF  }
0x56: {  	[hbm:s7], [sflag:s6] =	dma.local [spmem:s13], $0x2700  }
0x57: {  	s4 =	sadd.s32 $0x1, s4;
	_ =	swait.ge [sflag:s14], $0x2700  }
0x58: {  	p1 =	sne.s32 s4, s9;
	[sflag:s14] =	ssyncset.done $0x0  }
.Ltmp1:
0x59: {  	s18 =	simm.s32 @!p0 $0x2;
	[sflag:s14] =	ssyncadd.s32 $0xFFFFD900;
	(pc) =	sbr.rel @p1 .LBB2_1-.Ltmp1, $4  }
0x5a: {  	[hbm:s8], [sflag:s6] =	dma.local @!p0 [spmem:s17], $0x100  }
0x5b: {  	_ =	swait.ge @!p0 [sflag:s18], $0x100  }
0x5c: {  	[sflag:s18] =	ssyncset.done @!p0 $0x0  }
0x5d: {  	[sflag:s18] =	ssyncadd.s32 @!p0 $0xFFFFFF00  }
0x5e: {  	_ =	sfence.sel $0x180000  }
0x5f: {  	[bflag:$0x0] =	sbarrier.arrive $0xFFFF  }
0x60: {  	p0 =	sne.s32 s0, $0x0;
	_ =	strace $0x9000004A  }
0x61: {  	s0 =	sadd.s32 @!p0 $0x100000, s2;
	[bflag:$0x2] =	sbarrier.arrive $0xFFFF  }
0x62: {  	[sflag:s0] =	ssyncadd.tile.s32 @!p0 $0x1;
	_ =	shalt  }
.Lfunc_end2:
_tile_overlayer_lowered:
.L_overlay_start_2:
0x63: {  	(tag) =	ssettag $0x2  }
0x64: {  	s0 =	rddreg [dreg:$0x0];
	s2 =	stileid.u32  }
0x65: {  	s1 =	rddreg [dreg:$0x1];
	p0 =	sne.s32 s2, $0x0  }
0x66: {  	s3 =	rddreg [dreg:$0x2];
	[bflag:$0x3] =	sbarrier.arrive $0xFFFF;
	s2 =	simm.s32 @!p0 $0x1C02  }
0x67: {  	[timem:s3], [sflag:s2] =	dma.local @!p0 [hbm:s0], s1  }
0x68: {  	s0 =	simm.s32 @!p0 $0x2  }
0x69: {  	_ =	swait.ge @!p0 [sflag:s0], s1  }
0x6a: {  	s1 =	ssub.s32 @!p0 $0x0, s1;
	[sflag:s0] =	ssyncset.done @!p0 $0x0  }
0x6b: {  	[sflag:s0] =	ssyncadd.s32 @!p0 s1  }
0x6c: {  	[bflag:$0x3] =	sbarrier.arrive $0xFFFF  }
0x6d: {  	_ =	shalt  }

</sc_bundles>
